<compile_context>
chip_gen: v7x
topology: tpu7x:2x2x1
jax: 0.10.2.dev20260603
libtpu: 0.0.44.dev20260713+nightly
codegen_flags: <defaults>
</compile_context>

<pallas_src>
import functools

import jax
import jax.numpy as jnp
from jax import lax
from jax.experimental import pallas as pl
from jax.experimental.pallas import tpu as pltpu
from jax.experimental.pallas import tpu_sc as plsc

N_NODES = 10000
H = 128
L = 16
NC = 2
NS = 16
NW = NC * NS
CH = 64


def _bcast_lane(v, lane):
    return lax.gather(
        v, jnp.full((L, 1), lane, jnp.int32),
        dimension_numbers=lax.GatherDimensionNumbers(
            offset_dims=(), collapsed_slice_dims=(0,), start_index_map=(0,)),
        slice_sizes=(1,), mode=lax.GatherScatterMode.PROMISE_IN_BOUNDS)


def _edge_scatter(x, rbf_p, idx, wt8):
    E = x.shape[0]
    assert E % CH == 0
    nchunk = E // CH
    ncmax = (nchunk + NW - 1) // NW

    mesh = plsc.VectorSubcoreMesh(core_axis_name="c", subcore_axis_name="s")

    @functools.partial(
        pl.kernel,
        out_type=jax.ShapeDtypeStruct((NC, N_NODES, H), jnp.float32),
        mesh=mesh,
        scratch_types=[
            pltpu.VMEM((2, CH, H), jnp.float32),
            pltpu.VMEM((2, CH, H), jnp.float32),
            pltpu.VMEM((2, CH // 2, L), jnp.float32),
            pltpu.VMEM((2, CH), jnp.int32),
            pltpu.VMEM((2, CH), jnp.int32),
            pltpu.VMEM((8, H), jnp.float32),
            pltpu.VMEM_SHARED((N_NODES, H), jnp.float32),
            pltpu.SemaphoreType.DMA,
            pltpu.SemaphoreType.DMA,
            pltpu.SemaphoreType.DMA,
            pltpu.SemaphoreType.DMA,
        ],
    )
    def body(x_hbm, rbf_hbm, idx_hbm, wt_hbm, out_hbm,
             xb, hb, rb, ib, ibs, wt, acc, si0, si1, ss0, ss1):
        cid = lax.axis_index("c")
        sid = lax.axis_index("s")
        wid = sid * NC + cid
        sin = (si0, si1)
        ssc = (ss0, ss1)

        pltpu.sync_copy(wt_hbm, wt)

        def zrow(j, _):
            for k in range(H // L):
                hb[0, j, pl.ds(k * L, L)] = jnp.zeros((L,), jnp.float32)
            return 0
        lax.fori_loop(0, CH, zrow, 0)

        @pl.when(sid < NS - 1)
        def _():
            for j in range(13):
                pltpu.sync_copy(hb.at[0, pl.ds(0, 48)],
                                acc.at[pl.ds(sid * 624 + j * 48, 48)])

        @pl.when(sid == NS - 1)
        def _():
            for j in range(10):
                pltpu.sync_copy(hb.at[0, pl.ds(0, 64)],
                                acc.at[pl.ds(9360 + j * 64, 64)])

        plsc.subcore_barrier()

        def chunk_id(c):
            return wid + c * NW

        def valid(c):
            return chunk_id(c) < nchunk

        def in_descs(c, b):
            t = chunk_id(c)
            return (
                pltpu.make_async_copy(x_hbm.at[pl.ds(t * CH, CH)],
                                      xb.at[b], sin[b]),
                pltpu.make_async_copy(
                    rbf_hbm.at[pl.ds(t * (CH // 2), CH // 2)],
                    rb.at[b], sin[b]),
                pltpu.make_async_copy(idx_hbm.at[pl.ds(t * CH, CH)],
                                      ib.at[b], sin[b]),
            )

        def sc_start(b):
            pltpu.async_copy(hb.at[b], acc.at[ibs.at[b]], ssc[b], add=True)

        def sc_wait(b):
            pltpu.make_async_copy(hb.at[b], acc.at[ibs.at[b]], ssc[b]).wait()

        def start_in(c, b):
            @pl.when(valid(c))
            def _():
                for d in in_descs(c, b):
                    d.start()

        def compute(b):
            def grp(g, _):
                rv0 = rb[b, 2 * g]
                rv1 = rb[b, 2 * g + 1]
                br = ([_bcast_lane(rv0, r) for r in range(6)]
                      + [_bcast_lane(rv0, 8 + r) for r in range(6)]
                      + [_bcast_lane(rv1, r) for r in range(6)]
                      + [_bcast_lane(rv1, 8 + r) for r in range(6)])
                e0 = 4 * g
                for k in range(H // L):
                    ds = pl.ds(k * L, L)
                    wcol = [wt[r, ds] for r in range(6)]
                    for e in range(4):
                        w = br[6 * e] * wcol[0]
                        for r in range(1, 6):
                            w = w + br[6 * e + r] * wcol[r]
                        hb[b, e0 + e, ds] = xb[b, e0 + e, ds] * w
                return 0
            lax.fori_loop(0, CH // 4, grp, 0)

        start_in(0, 0)
        start_in(1, 1)

        def pair_body(j, _):
            for b in range(2):
                c = 2 * j + b

                @pl.when(valid(c))
                def _():
                    for d in in_descs(c, b):
                        d.wait()

                    @pl.when(c >= 2)
                    def _():
                        sc_wait(b)

                    compute(b)
                    for k in range(CH // L):
                        ibs[b, pl.ds(k * L, L)] = ib[b, pl.ds(k * L, L)]
                    sc_start(b)
                    start_in(c + 2, b)
            return 0
        lax.fori_loop(0, (ncmax + 1) // 2, pair_body, 0)

        sc_wait(0)
        sc_wait(1)

        plsc.subcore_barrier()

        @pl.when(sid < NS - 1)
        def _():
            pltpu.sync_copy(acc.at[pl.ds(sid * 624, 624)],
                            out_hbm.at[cid, pl.ds(sid * 624, 624)])

        @pl.when(sid == NS - 1)
        def _():
            pltpu.sync_copy(acc.at[pl.ds(9360, 640)],
                            out_hbm.at[cid, pl.ds(9360, 640)])

    return body(x, rbf_p, idx, wt8)


def _mlp(partials, W0, b0, W1, b1, W2, b2, W_out):
    BN = 2000
    grid = (N_NODES // BN,)

    def body(p_ref, w0, b0r, w1, b1r, w2, b2r, wo, o_ref):
        dn = (((1,), (1,)), ((), ()))
        h = p_ref[0] + p_ref[1]
        h = jnp.maximum(
            lax.dot_general(h, w0[...], dn, preferred_element_type=jnp.float32)
            + b0r[...], 0.0)
        h = jnp.maximum(
            lax.dot_general(h, w1[...], dn, preferred_element_type=jnp.float32)
            + b1r[...], 0.0)
        h = jnp.maximum(
            lax.dot_general(h, w2[...], dn, preferred_element_type=jnp.float32)
            + b2r[...], 0.0)
        o_ref[...] = lax.dot_general(h, wo[...], dn,
                                     preferred_element_type=jnp.float32)

    wspec = pl.BlockSpec((H, H), lambda i: (0, 0))
    bspec = pl.BlockSpec((1, H), lambda i: (0, 0))
    return pl.pallas_call(
        body,
        grid=grid,
        in_specs=[
            pl.BlockSpec((NC, BN, H), lambda i: (0, i, 0)),
            wspec, bspec, wspec, bspec, wspec, bspec, wspec,
        ],
        out_specs=pl.BlockSpec((BN, H), lambda i: (i, 0)),
        out_shape=jax.ShapeDtypeStruct((N_NODES, H), jnp.float32),
    )(partials, W0, b0, W1, b1, W2, b2, W_out)


def kernel(x, rbf, i, num_nodes, W_rbf, W0, b0, W1, b1, W2, b2, W_out):
    E = x.shape[0]
    idx = jnp.minimum(i, N_NODES - 1).astype(jnp.int32)
    rbf8 = jnp.concatenate(
        [rbf.astype(jnp.float32), jnp.zeros((E, 2), jnp.float32)], axis=1)
    rbf_p = rbf8.reshape(E // 2, 16)
    wt8 = jnp.zeros((8, H), jnp.float32).at[:6, :].set(W_rbf.T)

    partials = _edge_scatter(x, rbf_p, idx, wt8)
    return _mlp(partials, W0, b0.reshape(1, H), W1, b1.reshape(1, H),
                W2, b2.reshape(1, H), W_out)

# --- scband reference (transcript-rebuilt; emitter-appended) ---
"""Pipeline reference for scband-output-block-18322330485445 (READ-ONLY COPY).

The authoritative reference and input builder live on the scoring server;
editing this copy changes nothing except your own understanding.
"""

import jax, jax.numpy as jnp
import numpy as np

E = 320000
N = 10000
H = 128
R = 6
O = 128


def setup_inputs(seed: int = 0) -> dict:
    key = jax.random.key(seed)
    ks = jax.random.split(key, 12)
    x = jax.random.normal(ks[0], (E, H), dtype=jnp.float32)
    rbf = jax.random.normal(ks[1], (E, R), dtype=jnp.float32)
    i = jax.random.randint(ks[2], (E,), 0, N, dtype=jnp.int64)
    W_rbf = jax.random.normal(ks[3], (H, R), dtype=jnp.float32) / np.sqrt(R)
    W0 = jax.random.normal(ks[4], (H, H), dtype=jnp.float32) / np.sqrt(H)
    b0 = jnp.zeros((H,), dtype=jnp.float32)
    W1 = jax.random.normal(ks[5], (H, H), dtype=jnp.float32) / np.sqrt(H)
    b1 = jnp.zeros((H,), dtype=jnp.float32)
    W2 = jax.random.normal(ks[6], (H, H), dtype=jnp.float32) / np.sqrt(H)
    b2 = jnp.zeros((H,), dtype=jnp.float32)
    W_out = jax.random.normal(ks[7], (O, H), dtype=jnp.float32) / np.sqrt(H)
    return {"x": x, "rbf": rbf, "i": i, "num_nodes": N,
            "W_rbf": W_rbf, "W0": W0, "b0": b0, "W1": W1, "b1": b1,
            "W2": W2, "b2": b2, "W_out": W_out}


def reference(x, rbf, i, num_nodes, W_rbf, W0, b0, W1, b1, W2, b2, W_out):
    # x = self.lin_rbf(rbf) * x  (Linear with no bias)
    h = (rbf @ W_rbf.T) * x
    # x = scatter(x, i, dim=0, dim_size=num_nodes)  -> scatter-add
    seg_ids = jnp.minimum(i, num_nodes - 1)
    h = jax.ops.segment_sum(h, seg_ids, num_segments=N)
    # hidden MLP layers with activation
    h = jax.nn.relu(h @ W0.T + b0)
    h = jax.nn.relu(h @ W1.T + b1)
    h = jax.nn.relu(h @ W2.T + b2)
    # final projection, no bias
    return h @ W_out.T

if __name__ == "__main__":
    import jax
    _d = setup_inputs()
    print(jax.jit(kernel)(*tuple(_d.values())))

</pallas_src>

<mosaic_0001>
#map = affine_map<(d0, d1) -> (0, 0)>
#map1 = affine_map<(d0, d1) -> (0)>
#map2 = affine_map<(d0, d1) -> (0, 0, 0)>
module attributes {stable_mosaic.version = 14 : i64} {
  func.func @body(%arg0: i32, %arg1: i32, %arg2: memref<320000x128xf32, #tpu.memory_space<hbm>>, %arg3: memref<160000x16xf32, #tpu.memory_space<hbm>>, %arg4: memref<320000xi32, #tpu.memory_space<hbm>>, %arg5: memref<8x128xf32, #tpu.memory_space<hbm>>, %arg6: memref<2x10000x128xf32, #tpu.memory_space<hbm>>, %arg7: memref<2x64x128xf32, #tpu.memory_space<vmem>>, %arg8: memref<2x64x128xf32, #tpu.memory_space<vmem>>, %arg9: memref<2x32x16xf32, #tpu.memory_space<vmem>>, %arg10: memref<2x64xi32, #tpu.memory_space<vmem>>, %arg11: memref<2x64xi32, #tpu.memory_space<vmem>>, %arg12: memref<8x128xf32, #tpu.memory_space<vmem>>, %arg13: memref<10000x128xf32, #tpu.memory_space<vmem_shared>>, %arg14: memref<!tpu.dma_semaphore, #tpu.memory_space<semaphore_mem>>, %arg15: memref<!tpu.dma_semaphore, #tpu.memory_space<semaphore_mem>>, %arg16: memref<!tpu.dma_semaphore, #tpu.memory_space<semaphore_mem>>, %arg17: memref<!tpu.dma_semaphore, #tpu.memory_space<semaphore_mem>>) attributes {dimension_semantics = [#tpu.dimension_semantics<core_parallel>, #tpu.dimension_semantics<subcore_parallel>], iteration_bounds = array<i64: 2, 16>, scalar_prefetch = 0 : i64, scratch_operands = 11 : i64, tpu.core_type = #tpu.core_type<sc_vector_subcore>, window_params = [{transform_indices = #map}, {transform_indices = #map}, {transform_indices = #map1}, {transform_indices = #map}, {transform_indices = #map2}]} {
    %mul3A = arith.constant 2 : i32
    %mul3A_0 = arith.muli %arg1, %mul3A : i32
    %add3A = arith.addi %mul3A_0, %arg0 : i32
    "tpu.region"() ({
      %run_scoped3A = tpu.sem_alloc : memref<!tpu.dma_semaphore, #tpu.memory_space<semaphore_mem>>
      tpu.enqueue_dma source(%arg5 : memref<8x128xf32, #tpu.memory_space<hbm>>) target(%arg12 : memref<8x128xf32, #tpu.memory_space<vmem>>) target_semaphore(%run_scoped3A : memref<!tpu.dma_semaphore, #tpu.memory_space<semaphore_mem>>)
      tpu.wait_dma2 semaphore(%run_scoped3A : memref<!tpu.dma_semaphore, #tpu.memory_space<semaphore_mem>>) src(%arg5 : memref<8x128xf32, #tpu.memory_space<hbm>>) dst(%arg12 : memref<8x128xf32, #tpu.memory_space<vmem>>)
      tpu.yield
    }) : () -> ()
    %scan3A = arith.constant 0 : i32
    %scan3A_1 = arith.constant 0 : i32
    %scan3A_2 = arith.constant 64 : i32
    %scan3A_3 = arith.addi %scan3A_1, %scan3A_2 : i32
    %scan3A_4 = arith.constant 1 : i32
    %scan3A_5 = scf.for %scan3A_68 = %scan3A_1 to %scan3A_3 step %scan3A_4 iter_args(%scan3A_69 = %scan3A) -> (i32)  : i32 {
      %broadcast_in_dim3A = arith.constant 0.000000e+00 : f32
      %broadcast_in_dim3A_70 = vector.broadcast %broadcast_in_dim3A : f32 to vector<16xf32>
      %swap3A = arith.constant 0 : i32
      %swap3A_71 = arith.index_cast %swap3A : i32 to index
      %swap3A_72 = arith.index_cast %scan3A_68 : i32 to index
      %swap3A_73 = arith.constant 0 : index
      %swap3A_74 = tpu.vector_load %arg8[%swap3A_71, %swap3A_72, %swap3A_73] {strides = array<i32>} : memref<2x64x128xf32, #tpu.memory_space<vmem>>, vector<1x1x16xf32>,
      %swap3A_75 = vector.shape_cast %swap3A_74 : vector<1x1x16xf32> to vector<16xf32>
      %swap3A_76 = vector.shape_cast %broadcast_in_dim3A_70 : vector<16xf32> to vector<1x1x16xf32>
      tpu.vector_store %arg8[%swap3A_71, %swap3A_72, %swap3A_73], %swap3A_76 {strides = array<i32>} : memref<2x64x128xf32, #tpu.memory_space<vmem>>, vector<1x1x16xf32>,
      %broadcast_in_dim3A_77 = arith.constant 0.000000e+00 : f32
      %broadcast_in_dim3A_78 = vector.broadcast %broadcast_in_dim3A_77 : f32 to vector<16xf32>
      %swap3A_79 = arith.constant 0 : i32
      %swap3A_80 = arith.index_cast %swap3A_79 : i32 to index
      %swap3A_81 = arith.index_cast %scan3A_68 : i32 to index
      %swap3A_82 = arith.constant 16 : index
      %swap3A_83 = tpu.vector_load %arg8[%swap3A_80, %swap3A_81, %swap3A_82] {strides = array<i32>} : memref<2x64x128xf32, #tpu.memory_space<vmem>>, vector<1x1x16xf32>,
      %swap3A_84 = vector.shape_cast %swap3A_83 : vector<1x1x16xf32> to vector<16xf32>
      %swap3A_85 = vector.shape_cast %broadcast_in_dim3A_78 : vector<16xf32> to vector<1x1x16xf32>
      tpu.vector_store %arg8[%swap3A_80, %swap3A_81, %swap3A_82], %swap3A_85 {strides = array<i32>} : memref<2x64x128xf32, #tpu.memory_space<vmem>>, vector<1x1x16xf32>,
      %broadcast_in_dim3A_86 = arith.constant 0.000000e+00 : f32
      %broadcast_in_dim3A_87 = vector.broadcast %broadcast_in_dim3A_86 : f32 to vector<16xf32>
      %swap3A_88 = arith.constant 0 : i32
      %swap3A_89 = arith.index_cast %swap3A_88 : i32 to index
      %swap3A_90 = arith.index_cast %scan3A_68 : i32 to index
      %swap3A_91 = arith.constant 32 : index
      %swap3A_92 = tpu.vector_load %arg8[%swap3A_89, %swap3A_90, %swap3A_91] {strides = array<i32>} : memref<2x64x128xf32, #tpu.memory_space<vmem>>, vector<1x1x16xf32>,
      %swap3A_93 = vector.shape_cast %swap3A_92 : vector<1x1x16xf32> to vector<16xf32>
      %swap3A_94 = vector.shape_cast %broadcast_in_dim3A_87 : vector<16xf32> to vector<1x1x16xf32>
      tpu.vector_store %arg8[%swap3A_89, %swap3A_90, %swap3A_91], %swap3A_94 {strides = array<i32>} : memref<2x64x128xf32, #tpu.memory_space<vmem>>, vector<1x1x16xf32>,
      %broadcast_in_dim3A_95 = arith.constant 0.000000e+00 : f32
      %broadcast_in_dim3A_96 = vector.broadcast %broadcast_in_dim3A_95 : f32 to vector<16xf32>
      %swap3A_97 = arith.constant 0 : i32
      %swap3A_98 = arith.index_cast %swap3A_97 : i32 to index
      %swap3A_99 = arith.index_cast %scan3A_68 : i32 to index
      %swap3A_100 = arith.constant 48 : index
      %swap3A_101 = tpu.vector_load %arg8[%swap3A_98, %swap3A_99, %swap3A_100] {strides = array<i32>} : memref<2x64x128xf32, #tpu.memory_space<vmem>>, vector<1x1x16xf32>,
      %swap3A_102 = vector.shape_cast %swap3A_101 : vector<1x1x16xf32> to vector<16xf32>
      %swap3A_103 = vector.shape_cast %broadcast_in_dim3A_96 : vector<16xf32> to vector<1x1x16xf32>
      tpu.vector_store %arg8[%swap3A_98, %swap3A_99, %swap3A_100], %swap3A_103 {strides = array<i32>} : memref<2x64x128xf32, #tpu.memory_space<vmem>>, vector<1x1x16xf32>,
      %broadcast_in_dim3A_104 = arith.constant 0.000000e+00 : f32
      %broadcast_in_dim3A_105 = vector.broadcast %broadcast_in_dim3A_104 : f32 to vector<16xf32>
      %swap3A_106 = arith.constant 0 : i32
      %swap3A_107 = arith.index_cast %swap3A_106 : i32 to index
      %swap3A_108 = arith.index_cast %scan3A_68 : i32 to index
      %swap3A_109 = arith.constant 64 : index
      %swap3A_110 = tpu.vector_load %arg8[%swap3A_107, %swap3A_108, %swap3A_109] {strides = array<i32>} : memref<2x64x128xf32, #tpu.memory_space<vmem>>, vector<1x1x16xf32>,
      %swap3A_111 = vector.shape_cast %swap3A_110 : vector<1x1x16xf32> to vector<16xf32>
      %swap3A_112 = vector.shape_cast %broadcast_in_dim3A_105 : vector<16xf32> to vector<1x1x16xf32>
      tpu.vector_store %arg8[%swap3A_107, %swap3A_108, %swap3A_109], %swap3A_112 {strides = array<i32>} : memref<2x64x128xf32, #tpu.memory_space<vmem>>, vector<1x1x16xf32>,
      %broadcast_in_dim3A_113 = arith.constant 0.000000e+00 : f32
      %broadcast_in_dim3A_114 = vector.broadcast %broadcast_in_dim3A_113 : f32 to vector<16xf32>
      %swap3A_115 = arith.constant 0 : i32
      %swap3A_116 = arith.index_cast %swap3A_115 : i32 to index
      %swap3A_117 = arith.index_cast %scan3A_68 : i32 to index
      %swap3A_118 = arith.constant 80 : index
      %swap3A_119 = tpu.vector_load %arg8[%swap3A_116, %swap3A_117, %swap3A_118] {strides = array<i32>} : memref<2x64x128xf32, #tpu.memory_space<vmem>>, vector<1x1x16xf32>,
      %swap3A_120 = vector.shape_cast %swap3A_119 : vector<1x1x16xf32> to vector<16xf32>
      %swap3A_121 = vector.shape_cast %broadcast_in_dim3A_114 : vector<16xf32> to vector<1x1x16xf32>
      tpu.vector_store %arg8[%swap3A_116, %swap3A_117, %swap3A_118], %swap3A_121 {strides = array<i32>} : memref<2x64x128xf32, #tpu.memory_space<vmem>>, vector<1x1x16xf32>,
      %broadcast_in_dim3A_122 = arith.constant 0.000000e+00 : f32
      %broadcast_in_dim3A_123 = vector.broadcast %broadcast_in_dim3A_122 : f32 to vector<16xf32>
      %swap3A_124 = arith.constant 0 : i32
      %swap3A_125 = arith.index_cast %swap3A_124 : i32 to index
      %swap3A_126 = arith.index_cast %scan3A_68 : i32 to index
      %swap3A_127 = arith.constant 96 : index
      %swap3A_128 = tpu.vector_load %arg8[%swap3A_125, %swap3A_126, %swap3A_127] {strides = array<i32>} : memref<2x64x128xf32, #tpu.memory_space<vmem>>, vector<1x1x16xf32>,
      %swap3A_129 = vector.shape_cast %swap3A_128 : vector<1x1x16xf32> to vector<16xf32>
      %swap3A_130 = vector.shape_cast %broadcast_in_dim3A_123 : vector<16xf32> to vector<1x1x16xf32>
      tpu.vector_store %arg8[%swap3A_125, %swap3A_126, %swap3A_127], %swap3A_130 {strides = array<i32>} : memref<2x64x128xf32, #tpu.memory_space<vmem>>, vector<1x1x16xf32>,
      %broadcast_in_dim3A_131 = arith.constant 0.000000e+00 : f32
      %broadcast_in_dim3A_132 = vector.broadcast %broadcast_in_dim3A_131 : f32 to vector<16xf32>
      %swap3A_133 = arith.constant 0 : i32
      %swap3A_134 = arith.index_cast %swap3A_133 : i32 to index
      %swap3A_135 = arith.index_cast %scan3A_68 : i32 to index
      %swap3A_136 = arith.constant 112 : index
      %swap3A_137 = tpu.vector_load %arg8[%swap3A_134, %swap3A_135, %swap3A_136] {strides = array<i32>} : memref<2x64x128xf32, #tpu.memory_space<vmem>>, vector<1x1x16xf32>,
      %swap3A_138 = vector.shape_cast %swap3A_137 : vector<1x1x16xf32> to vector<16xf32>
      %swap3A_139 = vector.shape_cast %broadcast_in_dim3A_132 : vector<16xf32> to vector<1x1x16xf32>
      tpu.vector_store %arg8[%swap3A_134, %swap3A_135, %swap3A_136], %swap3A_139 {strides = array<i32>} : memref<2x64x128xf32, #tpu.memory_space<vmem>>, vector<1x1x16xf32>,
      %scan3A_140 = arith.constant 0 : i32
      scf.yield %scan3A_140 : i32
    }
    %scan3A_6 = arith.constant 64 : i32
    %lt3A = arith.constant 15 : i32
    %lt3A_7 = arith.cmpi slt, %arg1, %lt3A : i32
    %convert_element_type3A = arith.extui %lt3A_7 : i1 to i32
    %cond3A = arith.constant 0 : i32
    %cond3A_8 = arith.cmpi ne, %convert_element_type3A, %cond3A : i32
    scf.if %cond3A_8 {
      %mul3A_68 = arith.constant 624 : i32
      %mul3A_69 = arith.muli %arg1, %mul3A_68 : i32
      %add3A_70 = arith.constant 0 : i32
      %add3A_71 = arith.addi %mul3A_69, %add3A_70 : i32
      %run_scoped3A = arith.constant 0 : i32
      "tpu.region"() ({
        %run_scoped3A_132 = tpu.sem_alloc : memref<!tpu.dma_semaphore, #tpu.memory_space<semaphore_mem>>
        %dma_start3A = arith.constant 0 : i32
        %dma_start3A_133 = arith.constant 0 : i32
        %dma_start3A_134 = tpu.memref_slice %arg8[%run_scoped3A, %dma_start3A, %dma_start3A_133] : memref<2x64x128xf32, #tpu.memory_space<vmem>> -> memref<1x48x128xf32, #tpu.memory_space<vmem>>
        %dma_start3A_135 = tpu.memref_squeeze %dma_start3A_134 : memref<1x48x128xf32, #tpu.memory_space<vmem>> -> memref<48x128xf32, #tpu.memory_space<vmem>>
        %dma_start3A_136 = arith.constant 0 : i32
        %dma_start3A_137 = tpu.memref_slice %arg13[%add3A_71, %dma_start3A_136] : memref<10000x128xf32, #tpu.memory_space<vmem_shared>> -> memref<48x128xf32, #tpu.memory_space<vmem_shared>>
        %dma_start3A_138 = arith.constant 0 : i32
        %dma_start3A_139 = tpu.memref_slice %arg13[%add3A_71, %dma_start3A_138] : memref<10000x128xf32, #tpu.memory_space<vmem_shared>> -> memref<48x128xf32, #tpu.memory_space<vmem_shared>>
        %dma_start3A_140 = arith.constant 0 : i32
        %dma_start3A_141 = arith.constant 0 : i32
        %dma_start3A_142 = tpu.memref_slice %arg8[%run_scoped3A, %dma_start3A_140, %dma_start3A_141] : memref<2x64x128xf32, #tpu.memory_space<vmem>> -> memref<1x48x128xf32, #tpu.memory_space<vmem>>
        %dma_start3A_143 = tpu.memref_squeeze %dma_start3A_142 : memref<1x48x128xf32, #tpu.memory_space<vmem>> -> memref<48x128xf32, #tpu.memory_space<vmem>>
        tpu.enqueue_dma source(%dma_start3A_143 : memref<48x128xf32, #tpu.memory_space<vmem>>) target(%dma_start3A_139 : memref<48x128xf32, #tpu.memory_space<vmem_shared>>) target_semaphore(%run_scoped3A_132 : memref<!tpu.dma_semaphore, #tpu.memory_space<semaphore_mem>>)
        %dma_wait3A_144 = arith.constant 0 : i32
        %dma_wait3A_145 = arith.constant 0 : i32
        %dma_wait3A_146 = tpu.memref_slice %arg8[%run_scoped3A, %dma_wait3A_144, %dma_wait3A_145] : memref<2x64x128xf32, #tpu.memory_space<vmem>> -> memref<1x48x128xf32, #tpu.memory_space<vmem>>
        %dma_wait3A_147 = tpu.memref_squeeze %dma_wait3A_146 : memref<1x48x128xf32, #tpu.memory_space<vmem>> -> memref<48x128xf32, #tpu.memory_space<vmem>>
        %dma_wait3A_148 = arith.constant 0 : i32
        %dma_wait3A_149 = tpu.memref_slice %arg13[%add3A_71, %dma_wait3A_148] : memref<10000x128xf32, #tpu.memory_space<vmem_shared>> -> memref<48x128xf32, #tpu.memory_space<vmem_shared>>
        %dma_wait3A_150 = arith.constant 0 : i32
        %dma_wait3A_151 = tpu.memref_slice %arg13[%add3A_71, %dma_wait3A_150] : memref<10000x128xf32, #tpu.memory_space<vmem_shared>> -> memref<48x128xf32, #tpu.memory_space<vmem_shared>>
        %dma_wait3A_152 = arith.constant 0 : i32
        %dma_wait3A_153 = arith.constant 0 : i32
        %dma_wait3A_154 = tpu.memref_slice %arg8[%run_scoped3A, %dma_wait3A_152, %dma_wait3A_153] : memref<2x64x128xf32, #tpu.memory_space<vmem>> -> memref<1x48x128xf32, #tpu.memory_space<vmem>>
        %dma_wait3A_155 = tpu.memref_squeeze %dma_wait3A_154 : memref<1x48x128xf32, #tpu.memory_space<vmem>> -> memref<48x128xf32, #tpu.memory_space<vmem>>
        tpu.wait_dma2 semaphore(%run_scoped3A_132 : memref<!tpu.dma_semaphore, #tpu.memory_space<semaphore_mem>>) src(%dma_wait3A_155 : memref<48x128xf32, #tpu.memory_space<vmem>>) dst(%dma_wait3A_151 : memref<48x128xf32, #tpu.memory_space<vmem_shared>>)
        tpu.yield
      }) : () -> ()
      %mul3A_72 = arith.constant 624 : i32
      %mul3A_73 = arith.muli %arg1, %mul3A_72 : i32
      %add3A_74 = arith.constant 48 : i32
      %add3A_75 = arith.addi %mul3A_73, %add3A_74 : i32
      %run_scoped3A_76 = arith.constant 0 : i32
      "tpu.region"() ({
        %run_scoped3A_132 = tpu.sem_alloc : memref<!tpu.dma_semaphore, #tpu.memory_space<semaphore_mem>>
        %dma_start3A = arith.constant 0 : i32
        %dma_start3A_133 = arith.constant 0 : i32
        %dma_start3A_134 = tpu.memref_slice %arg8[%run_scoped3A_76, %dma_start3A, %dma_start3A_133] : memref<2x64x128xf32, #tpu.memory_space<vmem>> -> memref<1x48x128xf32, #tpu.memory_space<vmem>>
        %dma_start3A_135 = tpu.memref_squeeze %dma_start3A_134 : memref<1x48x128xf32, #tpu.memory_space<vmem>> -> memref<48x128xf32, #tpu.memory_space<vmem>>
        %dma_start3A_136 = arith.constant 0 : i32
        %dma_start3A_137 = tpu.memref_slice %arg13[%add3A_75, %dma_start3A_136] : memref<10000x128xf32, #tpu.memory_space<vmem_shared>> -> memref<48x128xf32, #tpu.memory_space<vmem_shared>>
        %dma_start3A_138 = arith.constant 0 : i32
        %dma_start3A_139 = tpu.memref_slice %arg13[%add3A_75, %dma_start3A_138] : memref<10000x128xf32, #tpu.memory_space<vmem_shared>> -> memref<48x128xf32, #tpu.memory_space<vmem_shared>>
        %dma_start3A_140 = arith.constant 0 : i32
        %dma_start3A_141 = arith.constant 0 : i32
        %dma_start3A_142 = tpu.memref_slice %arg8[%run_scoped3A_76, %dma_start3A_140, %dma_start3A_141] : memref<2x64x128xf32, #tpu.memory_space<vmem>> -> memref<1x48x128xf32, #tpu.memory_space<vmem>>
        %dma_start3A_143 = tpu.memref_squeeze %dma_start3A_142 : memref<1x48x128xf32, #tpu.memory_space<vmem>> -> memref<48x128xf32, #tpu.memory_space<vmem>>
        tpu.enqueue_dma source(%dma_start3A_143 : memref<48x128xf32, #tpu.memory_space<vmem>>) target(%dma_start3A_139 : memref<48x128xf32, #tpu.memory_space<vmem_shared>>) target_semaphore(%run_scoped3A_132 : memref<!tpu.dma_semaphore, #tpu.memory_space<semaphore_mem>>)
        %dma_wait3A_144 = arith.constant 0 : i32
        %dma_wait3A_145 = arith.constant 0 : i32
        %dma_wait3A_146 = tpu.memref_slice %arg8[%run_scoped3A_76, %dma_wait3A_144, %dma_wait3A_145] : memref<2x64x128xf32, #tpu.memory_space<vmem>> -> memref<1x48x128xf32, #tpu.memory_space<vmem>>
        %dma_wait3A_147 = tpu.memref_squeeze %dma_wait3A_146 : memref<1x48x128xf32, #tpu.memory_space<vmem>> -> memref<48x128xf32, #tpu.memory_space<vmem>>
        %dma_wait3A_148 = arith.constant 0 : i32
        %dma_wait3A_149 = tpu.memref_slice %arg13[%add3A_75, %dma_wait3A_148] : memref<10000x128xf32, #tpu.memory_space<vmem_shared>> -> memref<48x128xf32, #tpu.memory_space<vmem_shared>>
        %dma_wait3A_150 = arith.constant 0 : i32
        %dma_wait3A_151 = tpu.memref_slice %arg13[%add3A_75, %dma_wait3A_150] : memref<10000x128xf32, #tpu.memory_space<vmem_shared>> -> memref<48x128xf32, #tpu.memory_space<vmem_shared>>
        %dma_wait3A_152 = arith.constant 0 : i32
        %dma_wait3A_153 = arith.constant 0 : i32
        %dma_wait3A_154 = tpu.memref_slice %arg8[%run_scoped3A_76, %dma_wait3A_152, %dma_wait3A_153] : memref<2x64x128xf32, #tpu.memory_space<vmem>> -> memref<1x48x128xf32, #tpu.memory_space<vmem>>
        %dma_wait3A_155 = tpu.memref_squeeze %dma_wait3A_154 : memref<1x48x128xf32, #tpu.memory_space<vmem>> -> memref<48x128xf32, #tpu.memory_space<vmem>>
        tpu.wait_dma2 semaphore(%run_scoped3A_132 : memref<!tpu.dma_semaphore, #tpu.memory_space<semaphore_mem>>) src(%dma_wait3A_155 : memref<48x128xf32, #tpu.memory_space<vmem>>) dst(%dma_wait3A_151 : memref<48x128xf32, #tpu.memory_space<vmem_shared>>)
        tpu.yield
      }) : () -> ()
      %mul3A_77 = arith.constant 624 : i32
      %mul3A_78 = arith.muli %arg1, %mul3A_77 : i32
      %add3A_79 = arith.constant 96 : i32
      %add3A_80 = arith.addi %mul3A_78, %add3A_79 : i32
      %run_scoped3A_81 = arith.constant 0 : i32
      "tpu.region"() ({
        %run_scoped3A_132 = tpu.sem_alloc : memref<!tpu.dma_semaphore, #tpu.memory_space<semaphore_mem>>
        %dma_start3A = arith.constant 0 : i32
        %dma_start3A_133 = arith.constant 0 : i32
        %dma_start3A_134 = tpu.memref_slice %arg8[%run_scoped3A_81, %dma_start3A, %dma_start3A_133] : memref<2x64x128xf32, #tpu.memory_space<vmem>> -> memref<1x48x128xf32, #tpu.memory_space<vmem>>
        %dma_start3A_135 = tpu.memref_squeeze %dma_start3A_134 : memref<1x48x128xf32, #tpu.memory_space<vmem>> -> memref<48x128xf32, #tpu.memory_space<vmem>>
        %dma_start3A_136 = arith.constant 0 : i32
        %dma_start3A_137 = tpu.memref_slice %arg13[%add3A_80, %dma_start3A_136] : memref<10000x128xf32, #tpu.memory_space<vmem_shared>> -> memref<48x128xf32, #tpu.memory_space<vmem_shared>>
        %dma_start3A_138 = arith.constant 0 : i32
        %dma_start3A_139 = tpu.memref_slice %arg13[%add3A_80, %dma_start3A_138] : memref<10000x128xf32, #tpu.memory_space<vmem_shared>> -> memref<48x128xf32, #tpu.memory_space<vmem_shared>>
        %dma_start3A_140 = arith.constant 0 : i32
        %dma_start3A_141 = arith.constant 0 : i32
        %dma_start3A_142 = tpu.memref_slice %arg8[%run_scoped3A_81, %dma_start3A_140, %dma_start3A_141] : memref<2x64x128xf32, #tpu.memory_space<vmem>> -> memref<1x48x128xf32, #tpu.memory_space<vmem>>
        %dma_start3A_143 = tpu.memref_squeeze %dma_start3A_142 : memref<1x48x128xf32, #tpu.memory_space<vmem>> -> memref<48x128xf32, #tpu.memory_space<vmem>>
        tpu.enqueue_dma source(%dma_start3A_143 : memref<48x128xf32, #tpu.memory_space<vmem>>) target(%dma_start3A_139 : memref<48x128xf32, #tpu.memory_space<vmem_shared>>) target_semaphore(%run_scoped3A_132 : memref<!tpu.dma_semaphore, #tpu.memory_space<semaphore_mem>>)
        %dma_wait3A_144 = arith.constant 0 : i32
        %dma_wait3A_145 = arith.constant 0 : i32
        %dma_wait3A_146 = tpu.memref_slice %arg8[%run_scoped3A_81, %dma_wait3A_144, %dma_wait3A_145] : memref<2x64x128xf32, #tpu.memory_space<vmem>> -> memref<1x48x128xf32, #tpu.memory_space<vmem>>
        %dma_wait3A_147 = tpu.memref_squeeze %dma_wait3A_146 : memref<1x48x128xf32, #tpu.memory_space<vmem>> -> memref<48x128xf32, #tpu.memory_space<vmem>>
        %dma_wait3A_148 = arith.constant 0 : i32
        %dma_wait3A_149 = tpu.memref_slice %arg13[%add3A_80, %dma_wait3A_148] : memref<10000x128xf32, #tpu.memory_space<vmem_shared>> -> memref<48x128xf32, #tpu.memory_space<vmem_shared>>
        %dma_wait3A_150 = arith.constant 0 : i32
        %dma_wait3A_151 = tpu.memref_slice %arg13[%add3A_80, %dma_wait3A_150] : memref<10000x128xf32, #tpu.memory_space<vmem_shared>> -> memref<48x128xf32, #tpu.memory_space<vmem_shared>>
        %dma_wait3A_152 = arith.constant 0 : i32
        %dma_wait3A_153 = arith.constant 0 : i32
        %dma_wait3A_154 = tpu.memref_slice %arg8[%run_scoped3A_81, %dma_wait3A_152, %dma_wait3A_153] : memref<2x64x128xf32, #tpu.memory_space<vmem>> -> memref<1x48x128xf32, #tpu.memory_space<vmem>>
        %dma_wait3A_155 = tpu.memref_squeeze %dma_wait3A_154 : memref<1x48x128xf32, #tpu.memory_space<vmem>> -> memref<48x128xf32, #tpu.memory_space<vmem>>
        tpu.wait_dma2 semaphore(%run_scoped3A_132 : memref<!tpu.dma_semaphore, #tpu.memory_space<semaphore_mem>>) src(%dma_wait3A_155 : memref<48x128xf32, #tpu.memory_space<vmem>>) dst(%dma_wait3A_151 : memref<48x128xf32, #tpu.memory_space<vmem_shared>>)
        tpu.yield
      }) : () -> ()
      %mul3A_82 = arith.constant 624 : i32
      %mul3A_83 = arith.muli %arg1, %mul3A_82 : i32
      %add3A_84 = arith.constant 144 : i32
      %add3A_85 = arith.addi %mul3A_83, %add3A_84 : i32
      %run_scoped3A_86 = arith.constant 0 : i32
      "tpu.region"() ({
        %run_scoped3A_132 = tpu.sem_alloc : memref<!tpu.dma_semaphore, #tpu.memory_space<semaphore_mem>>
        %dma_start3A = arith.constant 0 : i32
        %dma_start3A_133 = arith.constant 0 : i32
        %dma_start3A_134 = tpu.memref_slice %arg8[%run_scoped3A_86, %dma_start3A, %dma_start3A_133] : memref<2x64x128xf32, #tpu.memory_space<vmem>> -> memref<1x48x128xf32, #tpu.memory_space<vmem>>
        %dma_start3A_135 = tpu.memref_squeeze %dma_start3A_134 : memref<1x48x128xf32, #tpu.memory_space<vmem>> -> memref<48x128xf32, #tpu.memory_space<vmem>>
        %dma_start3A_136 = arith.constant 0 : i32
        %dma_start3A_137 = tpu.memref_slice %arg13[%add3A_85, %dma_start3A_136] : memref<10000x128xf32, #tpu.memory_space<vmem_shared>> -> memref<48x128xf32, #tpu.memory_space<vmem_shared>>
        %dma_start3A_138 = arith.constant 0 : i32
        %dma_start3A_139 = tpu.memref_slice %arg13[%add3A_85, %dma_start3A_138] : memref<10000x128xf32, #tpu.memory_space<vmem_shared>> -> memref<48x128xf32, #tpu.memory_space<vmem_shared>>
        %dma_start3A_140 = arith.constant 0 : i32
        %dma_start3A_141 = arith.constant 0 : i32
        %dma_start3A_142 = tpu.memref_slice %arg8[%run_scoped3A_86, %dma_start3A_140, %dma_start3A_141] : memref<2x64x128xf32, #tpu.memory_space<vmem>> -> memref<1x48x128xf32, #tpu.memory_space<vmem>>
        %dma_start3A_143 = tpu.memref_squeeze %dma_start3A_142 : memref<1x48x128xf32, #tpu.memory_space<vmem>> -> memref<48x128xf32, #tpu.memory_space<vmem>>
        tpu.enqueue_dma source(%dma_start3A_143 : memref<48x128xf32, #tpu.memory_space<vmem>>) target(%dma_start3A_139 : memref<48x128xf32, #tpu.memory_space<vmem_shared>>) target_semaphore(%run_scoped3A_132 : memref<!tpu.dma_semaphore, #tpu.memory_space<semaphore_mem>>)
        %dma_wait3A_144 = arith.constant 0 : i32
        %dma_wait3A_145 = arith.constant 0 : i32
        %dma_wait3A_146 = tpu.memref_slice %arg8[%run_scoped3A_86, %dma_wait3A_144, %dma_wait3A_145] : memref<2x64x128xf32, #tpu.memory_space<vmem>> -> memref<1x48x128xf32, #tpu.memory_space<vmem>>
        %dma_wait3A_147 = tpu.memref_squeeze %dma_wait3A_146 : memref<1x48x128xf32, #tpu.memory_space<vmem>> -> memref<48x128xf32, #tpu.memory_space<vmem>>
        %dma_wait3A_148 = arith.constant 0 : i32
        %dma_wait3A_149 = tpu.memref_slice %arg13[%add3A_85, %dma_wait3A_148] : memref<10000x128xf32, #tpu.memory_space<vmem_shared>> -> memref<48x128xf32, #tpu.memory_space<vmem_shared>>
        %dma_wait3A_150 = arith.constant 0 : i32
        %dma_wait3A_151 = tpu.memref_slice %arg13[%add3A_85, %dma_wait3A_150] : memref<10000x128xf32, #tpu.memory_space<vmem_shared>> -> memref<48x128xf32, #tpu.memory_space<vmem_shared>>
        %dma_wait3A_152 = arith.constant 0 : i32
        %dma_wait3A_153 = arith.constant 0 : i32
        %dma_wait3A_154 = tpu.memref_slice %arg8[%run_scoped3A_86, %dma_wait3A_152, %dma_wait3A_153] : memref<2x64x128xf32, #tpu.memory_space<vmem>> -> memref<1x48x128xf32, #tpu.memory_space<vmem>>
        %dma_wait3A_155 = tpu.memref_squeeze %dma_wait3A_154 : memref<1x48x128xf32, #tpu.memory_space<vmem>> -> memref<48x128xf32, #tpu.memory_space<vmem>>
        tpu.wait_dma2 semaphore(%run_scoped3A_132 : memref<!tpu.dma_semaphore, #tpu.memory_space<semaphore_mem>>) src(%dma_wait3A_155 : memref<48x128xf32, #tpu.memory_space<vmem>>) dst(%dma_wait3A_151 : memref<48x128xf32, #tpu.memory_space<vmem_shared>>)
        tpu.yield
      }) : () -> ()
      %mul3A_87 = arith.constant 624 : i32
      %mul3A_88 = arith.muli %arg1, %mul3A_87 : i32
      %add3A_89 = arith.constant 192 : i32
      %add3A_90 = arith.addi %mul3A_88, %add3A_89 : i32
      %run_scoped3A_91 = arith.constant 0 : i32
      "tpu.region"() ({
        %run_scoped3A_132 = tpu.sem_alloc : memref<!tpu.dma_semaphore, #tpu.memory_space<semaphore_mem>>
        %dma_start3A = arith.constant 0 : i32
        %dma_start3A_133 = arith.constant 0 : i32
        %dma_start3A_134 = tpu.memref_slice %arg8[%run_scoped3A_91, %dma_start3A, %dma_start3A_133] : memref<2x64x128xf32, #tpu.memory_space<vmem>> -> memref<1x48x128xf32, #tpu.memory_space<vmem>>
        %dma_start3A_135 = tpu.memref_squeeze %dma_start3A_134 : memref<1x48x128xf32, #tpu.memory_space<vmem>> -> memref<48x128xf32, #tpu.memory_space<vmem>>
        %dma_start3A_136 = arith.constant 0 : i32
        %dma_start3A_137 = tpu.memref_slice %arg13[%add3A_90, %dma_start3A_136] : memref<10000x128xf32, #tpu.memory_space<vmem_shared>> -> memref<48x128xf32, #tpu.memory_space<vmem_shared>>
        %dma_start3A_138 = arith.constant 0 : i32
        %dma_start3A_139 = tpu.memref_slice %arg13[%add3A_90, %dma_start3A_138] : memref<10000x128xf32, #tpu.memory_space<vmem_shared>> -> memref<48x128xf32, #tpu.memory_space<vmem_shared>>
        %dma_start3A_140 = arith.constant 0 : i32
        %dma_start3A_141 = arith.constant 0 : i32
        %dma_start3A_142 = tpu.memref_slice %arg8[%run_scoped3A_91, %dma_start3A_140, %dma_start3A_141] : memref<2x64x128xf32, #tpu.memory_space<vmem>> -> memref<1x48x128xf32, #tpu.memory_space<vmem>>
        %dma_start3A_143 = tpu.memref_squeeze %dma_start3A_142 : memref<1x48x128xf32, #tpu.memory_space<vmem>> -> memref<48x128xf32, #tpu.memory_space<vmem>>
        tpu.enqueue_dma source(%dma_start3A_143 : memref<48x128xf32, #tpu.memory_space<vmem>>) target(%dma_start3A_139 : memref<48x128xf32, #tpu.memory_space<vmem_shared>>) target_semaphore(%run_scoped3A_132 : memref<!tpu.dma_semaphore, #tpu.memory_space<semaphore_mem>>)
        %dma_wait3A_144 = arith.constant 0 : i32
        %dma_wait3A_145 = arith.constant 0 : i32
        %dma_wait3A_146 = tpu.memref_slice %arg8[%run_scoped3A_91, %dma_wait3A_144, %dma_wait3A_145] : memref<2x64x128xf32, #tpu.memory_space<vmem>> -> memref<1x48x128xf32, #tpu.memory_space<vmem>>
        %dma_wait3A_147 = tpu.memref_squeeze %dma_wait3A_146 : memref<1x48x128xf32, #tpu.memory_space<vmem>> -> memref<48x128xf32, #tpu.memory_space<vmem>>
        %dma_wait3A_148 = arith.constant 0 : i32
        %dma_wait3A_149 = tpu.memref_slice %arg13[%add3A_90, %dma_wait3A_148] : memref<10000x128xf32, #tpu.memory_space<vmem_shared>> -> memref<48x128xf32, #tpu.memory_space<vmem_shared>>
        %dma_wait3A_150 = arith.constant 0 : i32
        %dma_wait3A_151 = tpu.memref_slice %arg13[%add3A_90, %dma_wait3A_150] : memref<10000x128xf32, #tpu.memory_space<vmem_shared>> -> memref<48x128xf32, #tpu.memory_space<vmem_shared>>
        %dma_wait3A_152 = arith.constant 0 : i32
        %dma_wait3A_153 = arith.constant 0 : i32
        %dma_wait3A_154 = tpu.memref_slice %arg8[%run_scoped3A_91, %dma_wait3A_152, %dma_wait3A_153] : memref<2x64x128xf32, #tpu.memory_space<vmem>> -> memref<1x48x128xf32, #tpu.memory_space<vmem>>
        %dma_wait3A_155 = tpu.memref_squeeze %dma_wait3A_154 : memref<1x48x128xf32, #tpu.memory_space<vmem>> -> memref<48x128xf32, #tpu.memory_space<vmem>>
        tpu.wait_dma2 semaphore(%run_scoped3A_132 : memref<!tpu.dma_semaphore, #tpu.memory_space<semaphore_mem>>) src(%dma_wait3A_155 : memref<48x128xf32, #tpu.memory_space<vmem>>) dst(%dma_wait3A_151 : memref<48x128xf32, #tpu.memory_space<vmem_shared>>)
        tpu.yield
      }) : () -> ()
      %mul3A_92 = arith.constant 624 : i32
      %mul3A_93 = arith.muli %arg1, %mul3A_92 : i32
      %add3A_94 = arith.constant 240 : i32
      %add3A_95 = arith.addi %mul3A_93, %add3A_94 : i32
      %run_scoped3A_96 = arith.constant 0 : i32
      "tpu.region"() ({
        %run_scoped3A_132 = tpu.sem_alloc : memref<!tpu.dma_semaphore, #tpu.memory_space<semaphore_mem>>
        %dma_start3A = arith.constant 0 : i32
        %dma_start3A_133 = arith.constant 0 : i32
        %dma_start3A_134 = tpu.memref_slice %arg8[%run_scoped3A_96, %dma_start3A, %dma_start3A_133] : memref<2x64x128xf32, #tpu.memory_space<vmem>> -> memref<1x48x128xf32, #tpu.memory_space<vmem>>
        %dma_start3A_135 = tpu.memref_squeeze %dma_start3A_134 : memref<1x48x128xf32, #tpu.memory_space<vmem>> -> memref<48x128xf32, #tpu.memory_space<vmem>>
        %dma_start3A_136 = arith.constant 0 : i32
        %dma_start3A_137 = tpu.memref_slice %arg13[%add3A_95, %dma_start3A_136] : memref<10000x128xf32, #tpu.memory_space<vmem_shared>> -> memref<48x128xf32, #tpu.memory_space<vmem_shared>>
        %dma_start3A_138 = arith.constant 0 : i32
        %dma_start3A_139 = tpu.memref_slice %arg13[%add3A_95, %dma_start3A_138] : memref<10000x128xf32, #tpu.memory_space<vmem_shared>> -> memref<48x128xf32, #tpu.memory_space<vmem_shared>>
        %dma_start3A_140 = arith.constant 0 : i32
        %dma_start3A_141 = arith.constant 0 : i32
        %dma_start3A_142 = tpu.memref_slice %arg8[%run_scoped3A_96, %dma_start3A_140, %dma_start3A_141] : memref<2x64x128xf32, #tpu.memory_space<vmem>> -> memref<1x48x128xf32, #tpu.memory_space<vmem>>
        %dma_start3A_143 = tpu.memref_squeeze %dma_start3A_142 : memref<1x48x128xf32, #tpu.memory_space<vmem>> -> memref<48x128xf32, #tpu.memory_space<vmem>>
        tpu.enqueue_dma source(%dma_start3A_143 : memref<48x128xf32, #tpu.memory_space<vmem>>) target(%dma_start3A_139 : memref<48x128xf32, #tpu.memory_space<vmem_shared>>) target_semaphore(%run_scoped3A_132 : memref<!tpu.dma_semaphore, #tpu.memory_space<semaphore_mem>>)
        %dma_wait3A_144 = arith.constant 0 : i32
        %dma_wait3A_145 = arith.constant 0 : i32
        %dma_wait3A_146 = tpu.memref_slice %arg8[%run_scoped3A_96, %dma_wait3A_144, %dma_wait3A_145] : memref<2x64x128xf32, #tpu.memory_space<vmem>> -> memref<1x48x128xf32, #tpu.memory_space<vmem>>
        %dma_wait3A_147 = tpu.memref_squeeze %dma_wait3A_146 : memref<1x48x128xf32, #tpu.memory_space<vmem>> -> memref<48x128xf32, #tpu.memory_space<vmem>>
        %dma_wait3A_148 = arith.constant 0 : i32
        %dma_wait3A_149 = tpu.memref_slice %arg13[%add3A_95, %dma_wait3A_148] : memref<10000x128xf32, #tpu.memory_space<vmem_shared>> -> memref<48x128xf32, #tpu.memory_space<vmem_shared>>
        %dma_wait3A_150 = arith.constant 0 : i32
        %dma_wait3A_151 = tpu.memref_slice %arg13[%add3A_95, %dma_wait3A_150] : memref<10000x128xf32, #tpu.memory_space<vmem_shared>> -> memref<48x128xf32, #tpu.memory_space<vmem_shared>>
        %dma_wait3A_152 = arith.constant 0 : i32
        %dma_wait3A_153 = arith.constant 0 : i32
        %dma_wait3A_154 = tpu.memref_slice %arg8[%run_scoped3A_96, %dma_wait3A_152, %dma_wait3A_153] : memref<2x64x128xf32, #tpu.memory_space<vmem>> -> memref<1x48x128xf32, #tpu.memory_space<vmem>>
        %dma_wait3A_155 = tpu.memref_squeeze %dma_wait3A_154 : memref<1x48x128xf32, #tpu.memory_space<vmem>> -> memref<48x128xf32, #tpu.memory_space<vmem>>
        tpu.wait_dma2 semaphore(%run_scoped3A_132 : memref<!tpu.dma_semaphore, #tpu.memory_space<semaphore_mem>>) src(%dma_wait3A_155 : memref<48x128xf32, #tpu.memory_space<vmem>>) dst(%dma_wait3A_151 : memref<48x128xf32, #tpu.memory_space<vmem_shared>>)
        tpu.yield
      }) : () -> ()
      %mul3A_97 = arith.constant 624 : i32
      %mul3A_98 = arith.muli %arg1, %mul3A_97 : i32
      %add3A_99 = arith.constant 288 : i32
      %add3A_100 = arith.addi %mul3A_98, %add3A_99 : i32
      %run_scoped3A_101 = arith.constant 0 : i32
      "tpu.region"() ({
        %run_scoped3A_132 = tpu.sem_alloc : memref<!tpu.dma_semaphore, #tpu.memory_space<semaphore_mem>>
        %dma_start3A = arith.constant 0 : i32
        %dma_start3A_133 = arith.constant 0 : i32
        %dma_start3A_134 = tpu.memref_slice %arg8[%run_scoped3A_101, %dma_start3A, %dma_start3A_133] : memref<2x64x128xf32, #tpu.memory_space<vmem>> -> memref<1x48x128xf32, #tpu.memory_space<vmem>>
        %dma_start3A_135 = tpu.memref_squeeze %dma_start3A_134 : memref<1x48x128xf32, #tpu.memory_space<vmem>> -> memref<48x128xf32, #tpu.memory_space<vmem>>
        %dma_start3A_136 = arith.constant 0 : i32
        %dma_start3A_137 = tpu.memref_slice %arg13[%add3A_100, %dma_start3A_136] : memref<10000x128xf32, #tpu.memory_space<vmem_shared>> -> memref<48x128xf32, #tpu.memory_space<vmem_shared>>
        %dma_start3A_138 = arith.constant 0 : i32
        %dma_start3A_139 = tpu.memref_slice %arg13[%add3A_100, %dma_start3A_138] : memref<10000x128xf32, #tpu.memory_space<vmem_shared>> -> memref<48x128xf32, #tpu.memory_space<vmem_shared>>
        %dma_start3A_140 = arith.constant 0 : i32
        %dma_start3A_141 = arith.constant 0 : i32
        %dma_start3A_142 = tpu.memref_slice %arg8[%run_scoped3A_101, %dma_start3A_140, %dma_start3A_141] : memref<2x64x128xf32, #tpu.memory_space<vmem>> -> memref<1x48x128xf32, #tpu.memory_space<vmem>>
        %dma_start3A_143 = tpu.memref_squeeze %dma_start3A_142 : memref<1x48x128xf32, #tpu.memory_space<vmem>> -> memref<48x128xf32, #tpu.memory_space<vmem>>
        tpu.enqueue_dma source(%dma_start3A_143 : memref<48x128xf32, #tpu.memory_space<vmem>>) target(%dma_start3A_139 : memref<48x128xf32, #tpu.memory_space<vmem_shared>>) target_semaphore(%run_scoped3A_132 : memref<!tpu.dma_semaphore, #tpu.memory_space<semaphore_mem>>)
        %dma_wait3A_144 = arith.constant 0 : i32
        %dma_wait3A_145 = arith.constant 0 : i32
        %dma_wait3A_146 = tpu.memref_slice %arg8[%run_scoped3A_101, %dma_wait3A_144, %dma_wait3A_145] : memref<2x64x128xf32, #tpu.memory_space<vmem>> -> memref<1x48x128xf32, #tpu.memory_space<vmem>>
        %dma_wait3A_147 = tpu.memref_squeeze %dma_wait3A_146 : memref<1x48x128xf32, #tpu.memory_space<vmem>> -> memref<48x128xf32, #tpu.memory_space<vmem>>
        %dma_wait3A_148 = arith.constant 0 : i32
        %dma_wait3A_149 = tpu.memref_slice %arg13[%add3A_100, %dma_wait3A_148] : memref<10000x128xf32, #tpu.memory_space<vmem_shared>> -> memref<48x128xf32, #tpu.memory_space<vmem_shared>>
        %dma_wait3A_150 = arith.constant 0 : i32
        %dma_wait3A_151 = tpu.memref_slice %arg13[%add3A_100, %dma_wait3A_150] : memref<10000x128xf32, #tpu.memory_space<vmem_shared>> -> memref<48x128xf32, #tpu.memory_space<vmem_shared>>
        %dma_wait3A_152 = arith.constant 0 : i32
        %dma_wait3A_153 = arith.constant 0 : i32
        %dma_wait3A_154 = tpu.memref_slice %arg8[%run_scoped3A_101, %dma_wait3A_152, %dma_wait3A_153] : memref<2x64x128xf32, #tpu.memory_space<vmem>> -> memref<1x48x128xf32, #tpu.memory_space<vmem>>
        %dma_wait3A_155 = tpu.memref_squeeze %dma_wait3A_154 : memref<1x48x128xf32, #tpu.memory_space<vmem>> -> memref<48x128xf32, #tpu.memory_space<vmem>>
        tpu.wait_dma2 semaphore(%run_scoped3A_132 : memref<!tpu.dma_semaphore, #tpu.memory_space<semaphore_mem>>) src(%dma_wait3A_155 : memref<48x128xf32, #tpu.memory_space<vmem>>) dst(%dma_wait3A_151 : memref<48x128xf32, #tpu.memory_space<vmem_shared>>)
        tpu.yield
      }) : () -> ()
      %mul3A_102 = arith.constant 624 : i32
      %mul3A_103 = arith.muli %arg1, %mul3A_102 : i32
      %add3A_104 = arith.constant 336 : i32
      %add3A_105 = arith.addi %mul3A_103, %add3A_104 : i32
      %run_scoped3A_106 = arith.constant 0 : i32
      "tpu.region"() ({
        %run_scoped3A_132 = tpu.sem_alloc : memref<!tpu.dma_semaphore, #tpu.memory_space<semaphore_mem>>
        %dma_start3A = arith.constant 0 : i32
        %dma_start3A_133 = arith.constant 0 : i32
        %dma_start3A_134 = tpu.memref_slice %arg8[%run_scoped3A_106, %dma_start3A, %dma_start3A_133] : memref<2x64x128xf32, #tpu.memory_space<vmem>> -> memref<1x48x128xf32, #tpu.memory_space<vmem>>
        %dma_start3A_135 = tpu.memref_squeeze %dma_start3A_134 : memref<1x48x128xf32, #tpu.memory_space<vmem>> -> memref<48x128xf32, #tpu.memory_space<vmem>>
        %dma_start3A_136 = arith.constant 0 : i32
        %dma_start3A_137 = tpu.memref_slice %arg13[%add3A_105, %dma_start3A_136] : memref<10000x128xf32, #tpu.memory_space<vmem_shared>> -> memref<48x128xf32, #tpu.memory_space<vmem_shared>>
        %dma_start3A_138 = arith.constant 0 : i32
        %dma_start3A_139 = tpu.memref_slice %arg13[%add3A_105, %dma_start3A_138] : memref<10000x128xf32, #tpu.memory_space<vmem_shared>> -> memref<48x128xf32, #tpu.memory_space<vmem_shared>>
        %dma_start3A_140 = arith.constant 0 : i32
        %dma_start3A_141 = arith.constant 0 : i32
        %dma_start3A_142 = tpu.memref_slice %arg8[%run_scoped3A_106, %dma_start3A_140, %dma_start3A_141] : memref<2x64x128xf32, #tpu.memory_space<vmem>> -> memref<1x48x128xf32, #tpu.memory_space<vmem>>
        %dma_start3A_143 = tpu.memref_squeeze %dma_start3A_142 : memref<1x48x128xf32, #tpu.memory_space<vmem>> -> memref<48x128xf32, #tpu.memory_space<vmem>>
        tpu.enqueue_dma source(%dma_start3A_143 : memref<48x128xf32, #tpu.memory_space<vmem>>) target(%dma_start3A_139 : memref<48x128xf32, #tpu.memory_space<vmem_shared>>) target_semaphore(%run_scoped3A_132 : memref<!tpu.dma_semaphore, #tpu.memory_space<semaphore_mem>>)
        %dma_wait3A_144 = arith.constant 0 : i32
        %dma_wait3A_145 = arith.constant 0 : i32
        %dma_wait3A_146 = tpu.memref_slice %arg8[%run_scoped3A_106, %dma_wait3A_144, %dma_wait3A_145] : memref<2x64x128xf32, #tpu.memory_space<vmem>> -> memref<1x48x128xf32, #tpu.memory_space<vmem>>
        %dma_wait3A_147 = tpu.memref_squeeze %dma_wait3A_146 : memref<1x48x128xf32, #tpu.memory_space<vmem>> -> memref<48x128xf32, #tpu.memory_space<vmem>>
        %dma_wait3A_148 = arith.constant 0 : i32
        %dma_wait3A_149 = tpu.memref_slice %arg13[%add3A_105, %dma_wait3A_148] : memref<10000x128xf32, #tpu.memory_space<vmem_shared>> -> memref<48x128xf32, #tpu.memory_space<vmem_shared>>
        %dma_wait3A_150 = arith.constant 0 : i32
        %dma_wait3A_151 = tpu.memref_slice %arg13[%add3A_105, %dma_wait3A_150] : memref<10000x128xf32, #tpu.memory_space<vmem_shared>> -> memref<48x128xf32, #tpu.memory_space<vmem_shared>>
        %dma_wait3A_152 = arith.constant 0 : i32
        %dma_wait3A_153 = arith.constant 0 : i32
        %dma_wait3A_154 = tpu.memref_slice %arg8[%run_scoped3A_106, %dma_wait3A_152, %dma_wait3A_153] : memref<2x64x128xf32, #tpu.memory_space<vmem>> -> memref<1x48x128xf32, #tpu.memory_space<vmem>>
        %dma_wait3A_155 = tpu.memref_squeeze %dma_wait3A_154 : memref<1x48x128xf32, #tpu.memory_space<vmem>> -> memref<48x128xf32, #tpu.memory_space<vmem>>
        tpu.wait_dma2 semaphore(%run_scoped3A_132 : memref<!tpu.dma_semaphore, #tpu.memory_space<semaphore_mem>>) src(%dma_wait3A_155 : memref<48x128xf32, #tpu.memory_space<vmem>>) dst(%dma_wait3A_151 : memref<48x128xf32, #tpu.memory_space<vmem_shared>>)
        tpu.yield
      }) : () -> ()
      %mul3A_107 = arith.constant 624 : i32
      %mul3A_108 = arith.muli %arg1, %mul3A_107 : i32
      %add3A_109 = arith.constant 384 : i32
      %add3A_110 = arith.addi %mul3A_108, %add3A_109 : i32
      %run_scoped3A_111 = arith.constant 0 : i32
      "tpu.region"() ({
        %run_scoped3A_132 = tpu.sem_alloc : memref<!tpu.dma_semaphore, #tpu.memory_space<semaphore_mem>>
        %dma_start3A = arith.constant 0 : i32
        %dma_start3A_133 = arith.constant 0 : i32
        %dma_start3A_134 = tpu.memref_slice %arg8[%run_scoped3A_111, %dma_start3A, %dma_start3A_133] : memref<2x64x128xf32, #tpu.memory_space<vmem>> -> memref<1x48x128xf32, #tpu.memory_space<vmem>>
        %dma_start3A_135 = tpu.memref_squeeze %dma_start3A_134 : memref<1x48x128xf32, #tpu.memory_space<vmem>> -> memref<48x128xf32, #tpu.memory_space<vmem>>
        %dma_start3A_136 = arith.constant 0 : i32
        %dma_start3A_137 = tpu.memref_slice %arg13[%add3A_110, %dma_start3A_136] : memref<10000x128xf32, #tpu.memory_space<vmem_shared>> -> memref<48x128xf32, #tpu.memory_space<vmem_shared>>
        %dma_start3A_138 = arith.constant 0 : i32
        %dma_start3A_139 = tpu.memref_slice %arg13[%add3A_110, %dma_start3A_138] : memref<10000x128xf32, #tpu.memory_space<vmem_shared>> -> memref<48x128xf32, #tpu.memory_space<vmem_shared>>
        %dma_start3A_140 = arith.constant 0 : i32
        %dma_start3A_141 = arith.constant 0 : i32
        %dma_start3A_142 = tpu.memref_slice %arg8[%run_scoped3A_111, %dma_start3A_140, %dma_start3A_141] : memref<2x64x128xf32, #tpu.memory_space<vmem>> -> memref<1x48x128xf32, #tpu.memory_space<vmem>>
        %dma_start3A_143 = tpu.memref_squeeze %dma_start3A_142 : memref<1x48x128xf32, #tpu.memory_space<vmem>> -> memref<48x128xf32, #tpu.memory_space<vmem>>
        tpu.enqueue_dma source(%dma_start3A_143 : memref<48x128xf32, #tpu.memory_space<vmem>>) target(%dma_start3A_139 : memref<48x128xf32, #tpu.memory_space<vmem_shared>>) target_semaphore(%run_scoped3A_132 : memref<!tpu.dma_semaphore, #tpu.memory_space<semaphore_mem>>)
        %dma_wait3A_144 = arith.constant 0 : i32
        %dma_wait3A_145 = arith.constant 0 : i32
        %dma_wait3A_146 = tpu.memref_slice %arg8[%run_scoped3A_111, %dma_wait3A_144, %dma_wait3A_145] : memref<2x64x128xf32, #tpu.memory_space<vmem>> -> memref<1x48x128xf32, #tpu.memory_space<vmem>>
        %dma_wait3A_147 = tpu.memref_squeeze %dma_wait3A_146 : memref<1x48x128xf32, #tpu.memory_space<vmem>> -> memref<48x128xf32, #tpu.memory_space<vmem>>
        %dma_wait3A_148 = arith.constant 0 : i32
        %dma_wait3A_149 = tpu.memref_slice %arg13[%add3A_110, %dma_wait3A_148] : memref<10000x128xf32, #tpu.memory_space<vmem_shared>> -> memref<48x128xf32, #tpu.memory_space<vmem_shared>>
        %dma_wait3A_150 = arith.constant 0 : i32
        %dma_wait3A_151 = tpu.memref_slice %arg13[%add3A_110, %dma_wait3A_150] : memref<10000x128xf32, #tpu.memory_space<vmem_shared>> -> memref<48x128xf32, #tpu.memory_space<vmem_shared>>
        %dma_wait3A_152 = arith.constant 0 : i32
        %dma_wait3A_153 = arith.constant 0 : i32
        %dma_wait3A_154 = tpu.memref_slice %arg8[%run_scoped3A_111, %dma_wait3A_152, %dma_wait3A_153] : memref<2x64x128xf32, #tpu.memory_space<vmem>> -> memref<1x48x128xf32, #tpu.memory_space<vmem>>
        %dma_wait3A_155 = tpu.memref_squeeze %dma_wait3A_154 : memref<1x48x128xf32, #tpu.memory_space<vmem>> -> memref<48x128xf32, #tpu.memory_space<vmem>>
        tpu.wait_dma2 semaphore(%run_scoped3A_132 : memref<!tpu.dma_semaphore, #tpu.memory_space<semaphore_mem>>) src(%dma_wait3A_155 : memref<48x128xf32, #tpu.memory_space<vmem>>) dst(%dma_wait3A_151 : memref<48x128xf32, #tpu.memory_space<vmem_shared>>)
        tpu.yield
      }) : () -> ()
      %mul3A_112 = arith.constant 624 : i32
      %mul3A_113 = arith.muli %arg1, %mul3A_112 : i32
      %add3A_114 = arith.constant 432 : i32
      %add3A_115 = arith.addi %mul3A_113, %add3A_114 : i32
      %run_scoped3A_116 = arith.constant 0 : i32
      "tpu.region"() ({
        %run_scoped3A_132 = tpu.sem_alloc : memref<!tpu.dma_semaphore, #tpu.memory_space<semaphore_mem>>
        %dma_start3A = arith.constant 0 : i32
        %dma_start3A_133 = arith.constant 0 : i32
        %dma_start3A_134 = tpu.memref_slice %arg8[%run_scoped3A_116, %dma_start3A, %dma_start3A_133] : memref<2x64x128xf32, #tpu.memory_space<vmem>> -> memref<1x48x128xf32, #tpu.memory_space<vmem>>
        %dma_start3A_135 = tpu.memref_squeeze %dma_start3A_134 : memref<1x48x128xf32, #tpu.memory_space<vmem>> -> memref<48x128xf32, #tpu.memory_space<vmem>>
        %dma_start3A_136 = arith.constant 0 : i32
        %dma_start3A_137 = tpu.memref_slice %arg13[%add3A_115, %dma_start3A_136] : memref<10000x128xf32, #tpu.memory_space<vmem_shared>> -> memref<48x128xf32, #tpu.memory_space<vmem_shared>>
        %dma_start3A_138 = arith.constant 0 : i32
        %dma_start3A_139 = tpu.memref_slice %arg13[%add3A_115, %dma_start3A_138] : memref<10000x128xf32, #tpu.memory_space<vmem_shared>> -> memref<48x128xf32, #tpu.memory_space<vmem_shared>>
        %dma_start3A_140 = arith.constant 0 : i32
        %dma_start3A_141 = arith.constant 0 : i32
        %dma_start3A_142 = tpu.memref_slice %arg8[%run_scoped3A_116, %dma_start3A_140, %dma_start3A_141] : memref<2x64x128xf32, #tpu.memory_space<vmem>> -> memref<1x48x128xf32, #tpu.memory_space<vmem>>
        %dma_start3A_143 = tpu.memref_squeeze %dma_start3A_142 : memref<1x48x128xf32, #tpu.memory_space<vmem>> -> memref<48x128xf32, #tpu.memory_space<vmem>>
        tpu.enqueue_dma source(%dma_start3A_143 : memref<48x128xf32, #tpu.memory_space<vmem>>) target(%dma_start3A_139 : memref<48x128xf32, #tpu.memory_space<vmem_shared>>) target_semaphore(%run_scoped3A_132 : memref<!tpu.dma_semaphore, #tpu.memory_space<semaphore_mem>>)
        %dma_wait3A_144 = arith.constant 0 : i32
        %dma_wait3A_145 = arith.constant 0 : i32
        %dma_wait3A_146 = tpu.memref_slice %arg8[%run_scoped3A_116, %dma_wait3A_144, %dma_wait3A_145] : memref<2x64x128xf32, #tpu.memory_space<vmem>> -> memref<1x48x128xf32, #tpu.memory_space<vmem>>
        %dma_wait3A_147 = tpu.memref_squeeze %dma_wait3A_146 : memref<1x48x128xf32, #tpu.memory_space<vmem>> -> memref<48x128xf32, #tpu.memory_space<vmem>>
        %dma_wait3A_148 = arith.constant 0 : i32
        %dma_wait3A_149 = tpu.memref_slice %arg13[%add3A_115, %dma_wait3A_148] : memref<10000x128xf32, #tpu.memory_space<vmem_shared>> -> memref<48x128xf32, #tpu.memory_space<vmem_shared>>
        %dma_wait3A_150 = arith.constant 0 : i32
        %dma_wait3A_151 = tpu.memref_slice %arg13[%add3A_115, %dma_wait3A_150] : memref<10000x128xf32, #tpu.memory_space<vmem_shared>> -> memref<48x128xf32, #tpu.memory_space<vmem_shared>>
        %dma_wait3A_152 = arith.constant 0 : i32
        %dma_wait3A_153 = arith.constant 0 : i32
        %dma_wait3A_154 = tpu.memref_slice %arg8[%run_scoped3A_116, %dma_wait3A_152, %dma_wait3A_153] : memref<2x64x128xf32, #tpu.memory_space<vmem>> -> memref<1x48x128xf32, #tpu.memory_space<vmem>>
        %dma_wait3A_155 = tpu.memref_squeeze %dma_wait3A_154 : memref<1x48x128xf32, #tpu.memory_space<vmem>> -> memref<48x128xf32, #tpu.memory_space<vmem>>
        tpu.wait_dma2 semaphore(%run_scoped3A_132 : memref<!tpu.dma_semaphore, #tpu.memory_space<semaphore_mem>>) src(%dma_wait3A_155 : memref<48x128xf32, #tpu.memory_space<vmem>>) dst(%dma_wait3A_151 : memref<48x128xf32, #tpu.memory_space<vmem_shared>>)
        tpu.yield
      }) : () -> ()
      %mul3A_117 = arith.constant 624 : i32
      %mul3A_118 = arith.muli %arg1, %mul3A_117 : i32
      %add3A_119 = arith.constant 480 : i32
      %add3A_120 = arith.addi %mul3A_118, %add3A_119 : i32
      %run_scoped3A_121 = arith.constant 0 : i32
      "tpu.region"() ({
        %run_scoped3A_132 = tpu.sem_alloc : memref<!tpu.dma_semaphore, #tpu.memory_space<semaphore_mem>>
        %dma_start3A = arith.constant 0 : i32
        %dma_start3A_133 = arith.constant 0 : i32
        %dma_start3A_134 = tpu.memref_slice %arg8[%run_scoped3A_121, %dma_start3A, %dma_start3A_133] : memref<2x64x128xf32, #tpu.memory_space<vmem>> -> memref<1x48x128xf32, #tpu.memory_space<vmem>>
        %dma_start3A_135 = tpu.memref_squeeze %dma_start3A_134 : memref<1x48x128xf32, #tpu.memory_space<vmem>> -> memref<48x128xf32, #tpu.memory_space<vmem>>
        %dma_start3A_136 = arith.constant 0 : i32
        %dma_start3A_137 = tpu.memref_slice %arg13[%add3A_120, %dma_start3A_136] : memref<10000x128xf32, #tpu.memory_space<vmem_shared>> -> memref<48x128xf32, #tpu.memory_space<vmem_shared>>
        %dma_start3A_138 = arith.constant 0 : i32
        %dma_start3A_139 = tpu.memref_slice %arg13[%add3A_120, %dma_start3A_138] : memref<10000x128xf32, #tpu.memory_space<vmem_shared>> -> memref<48x128xf32, #tpu.memory_space<vmem_shared>>
        %dma_start3A_140 = arith.constant 0 : i32
        %dma_start3A_141 = arith.constant 0 : i32
        %dma_start3A_142 = tpu.memref_slice %arg8[%run_scoped3A_121, %dma_start3A_140, %dma_start3A_141] : memref<2x64x128xf32, #tpu.memory_space<vmem>> -> memref<1x48x128xf32, #tpu.memory_space<vmem>>
        %dma_start3A_143 = tpu.memref_squeeze %dma_start3A_142 : memref<1x48x128xf32, #tpu.memory_space<vmem>> -> memref<48x128xf32, #tpu.memory_space<vmem>>
        tpu.enqueue_dma source(%dma_start3A_143 : memref<48x128xf32, #tpu.memory_space<vmem>>) target(%dma_start3A_139 : memref<48x128xf32, #tpu.memory_space<vmem_shared>>) target_semaphore(%run_scoped3A_132 : memref<!tpu.dma_semaphore, #tpu.memory_space<semaphore_mem>>)
        %dma_wait3A_144 = arith.constant 0 : i32
        %dma_wait3A_145 = arith.constant 0 : i32
        %dma_wait3A_146 = tpu.memref_slice %arg8[%run_scoped3A_121, %dma_wait3A_144, %dma_wait3A_145] : memref<2x64x128xf32, #tpu.memory_space<vmem>> -> memref<1x48x128xf32, #tpu.memory_space<vmem>>
        %dma_wait3A_147 = tpu.memref_squeeze %dma_wait3A_146 : memref<1x48x128xf32, #tpu.memory_space<vmem>> -> memref<48x128xf32, #tpu.memory_space<vmem>>
        %dma_wait3A_148 = arith.constant 0 : i32
        %dma_wait3A_149 = tpu.memref_slice %arg13[%add3A_120, %dma_wait3A_148] : memref<10000x128xf32, #tpu.memory_space<vmem_shared>> -> memref<48x128xf32, #tpu.memory_space<vmem_shared>>
        %dma_wait3A_150 = arith.constant 0 : i32
        %dma_wait3A_151 = tpu.memref_slice %arg13[%add3A_120, %dma_wait3A_150] : memref<10000x128xf32, #tpu.memory_space<vmem_shared>> -> memref<48x128xf32, #tpu.memory_space<vmem_shared>>
        %dma_wait3A_152 = arith.constant 0 : i32
        %dma_wait3A_153 = arith.constant 0 : i32
        %dma_wait3A_154 = tpu.memref_slice %arg8[%run_scoped3A_121, %dma_wait3A_152, %dma_wait3A_153] : memref<2x64x128xf32, #tpu.memory_space<vmem>> -> memref<1x48x128xf32, #tpu.memory_space<vmem>>
        %dma_wait3A_155 = tpu.memref_squeeze %dma_wait3A_154 : memref<1x48x128xf32, #tpu.memory_space<vmem>> -> memref<48x128xf32, #tpu.memory_space<vmem>>
        tpu.wait_dma2 semaphore(%run_scoped3A_132 : memref<!tpu.dma_semaphore, #tpu.memory_space<semaphore_mem>>) src(%dma_wait3A_155 : memref<48x128xf32, #tpu.memory_space<vmem>>) dst(%dma_wait3A_151 : memref<48x128xf32, #tpu.memory_space<vmem_shared>>)
        tpu.yield
      }) : () -> ()
      %mul3A_122 = arith.constant 624 : i32
      %mul3A_123 = arith.muli %arg1, %mul3A_122 : i32
      %add3A_124 = arith.constant 528 : i32
      %add3A_125 = arith.addi %mul3A_123, %add3A_124 : i32
      %run_scoped3A_126 = arith.constant 0 : i32
      "tpu.region"() ({
        %run_scoped3A_132 = tpu.sem_alloc : memref<!tpu.dma_semaphore, #tpu.memory_space<semaphore_mem>>
        %dma_start3A = arith.constant 0 : i32
        %dma_start3A_133 = arith.constant 0 : i32
        %dma_start3A_134 = tpu.memref_slice %arg8[%run_scoped3A_126, %dma_start3A, %dma_start3A_133] : memref<2x64x128xf32, #tpu.memory_space<vmem>> -> memref<1x48x128xf32, #tpu.memory_space<vmem>>
        %dma_start3A_135 = tpu.memref_squeeze %dma_start3A_134 : memref<1x48x128xf32, #tpu.memory_space<vmem>> -> memref<48x128xf32, #tpu.memory_space<vmem>>
        %dma_start3A_136 = arith.constant 0 : i32
        %dma_start3A_137 = tpu.memref_slice %arg13[%add3A_125, %dma_start3A_136] : memref<10000x128xf32, #tpu.memory_space<vmem_shared>> -> memref<48x128xf32, #tpu.memory_space<vmem_shared>>
        %dma_start3A_138 = arith.constant 0 : i32
        %dma_start3A_139 = tpu.memref_slice %arg13[%add3A_125, %dma_start3A_138] : memref<10000x128xf32, #tpu.memory_space<vmem_shared>> -> memref<48x128xf32, #tpu.memory_space<vmem_shared>>
        %dma_start3A_140 = arith.constant 0 : i32
        %dma_start3A_141 = arith.constant 0 : i32
        %dma_start3A_142 = tpu.memref_slice %arg8[%run_scoped3A_126, %dma_start3A_140, %dma_start3A_141] : memref<2x64x128xf32, #tpu.memory_space<vmem>> -> memref<1x48x128xf32, #tpu.memory_space<vmem>>
        %dma_start3A_143 = tpu.memref_squeeze %dma_start3A_142 : memref<1x48x128xf32, #tpu.memory_space<vmem>> -> memref<48x128xf32, #tpu.memory_space<vmem>>
        tpu.enqueue_dma source(%dma_start3A_143 : memref<48x128xf32, #tpu.memory_space<vmem>>) target(%dma_start3A_139 : memref<48x128xf32, #tpu.memory_space<vmem_shared>>) target_semaphore(%run_scoped3A_132 : memref<!tpu.dma_semaphore, #tpu.memory_space<semaphore_mem>>)
        %dma_wait3A_144 = arith.constant 0 : i32
        %dma_wait3A_145 = arith.constant 0 : i32
        %dma_wait3A_146 = tpu.memref_slice %arg8[%run_scoped3A_126, %dma_wait3A_144, %dma_wait3A_145] : memref<2x64x128xf32, #tpu.memory_space<vmem>> -> memref<1x48x128xf32, #tpu.memory_space<vmem>>
        %dma_wait3A_147 = tpu.memref_squeeze %dma_wait3A_146 : memref<1x48x128xf32, #tpu.memory_space<vmem>> -> memref<48x128xf32, #tpu.memory_space<vmem>>
        %dma_wait3A_148 = arith.constant 0 : i32
        %dma_wait3A_149 = tpu.memref_slice %arg13[%add3A_125, %dma_wait3A_148] : memref<10000x128xf32, #tpu.memory_space<vmem_shared>> -> memref<48x128xf32, #tpu.memory_space<vmem_shared>>
        %dma_wait3A_150 = arith.constant 0 : i32
        %dma_wait3A_151 = tpu.memref_slice %arg13[%add3A_125, %dma_wait3A_150] : memref<10000x128xf32, #tpu.memory_space<vmem_shared>> -> memref<48x128xf32, #tpu.memory_space<vmem_shared>>
        %dma_wait3A_152 = arith.constant 0 : i32
        %dma_wait3A_153 = arith.constant 0 : i32
        %dma_wait3A_154 = tpu.memref_slice %arg8[%run_scoped3A_126, %dma_wait3A_152, %dma_wait3A_153] : memref<2x64x128xf32, #tpu.memory_space<vmem>> -> memref<1x48x128xf32, #tpu.memory_space<vmem>>
        %dma_wait3A_155 = tpu.memref_squeeze %dma_wait3A_154 : memref<1x48x128xf32, #tpu.memory_space<vmem>> -> memref<48x128xf32, #tpu.memory_space<vmem>>
        tpu.wait_dma2 semaphore(%run_scoped3A_132 : memref<!tpu.dma_semaphore, #tpu.memory_space<semaphore_mem>>) src(%dma_wait3A_155 : memref<48x128xf32, #tpu.memory_space<vmem>>) dst(%dma_wait3A_151 : memref<48x128xf32, #tpu.memory_space<vmem_shared>>)
        tpu.yield
      }) : () -> ()
      %mul3A_127 = arith.constant 624 : i32
      %mul3A_128 = arith.muli %arg1, %mul3A_127 : i32
      %add3A_129 = arith.constant 576 : i32
      %add3A_130 = arith.addi %mul3A_128, %add3A_129 : i32
      %run_scoped3A_131 = arith.constant 0 : i32
      "tpu.region"() ({
        %run_scoped3A_132 = tpu.sem_alloc : memref<!tpu.dma_semaphore, #tpu.memory_space<semaphore_mem>>
        %dma_start3A = arith.constant 0 : i32
        %dma_start3A_133 = arith.constant 0 : i32
        %dma_start3A_134 = tpu.memref_slice %arg8[%run_scoped3A_131, %dma_start3A, %dma_start3A_133] : memref<2x64x128xf32, #tpu.memory_space<vmem>> -> memref<1x48x128xf32, #tpu.memory_space<vmem>>
        %dma_start3A_135 = tpu.memref_squeeze %dma_start3A_134 : memref<1x48x128xf32, #tpu.memory_space<vmem>> -> memref<48x128xf32, #tpu.memory_space<vmem>>
        %dma_start3A_136 = arith.constant 0 : i32
        %dma_start3A_137 = tpu.memref_slice %arg13[%add3A_130, %dma_start3A_136] : memref<10000x128xf32, #tpu.memory_space<vmem_shared>> -> memref<48x128xf32, #tpu.memory_space<vmem_shared>>
        %dma_start3A_138 = arith.constant 0 : i32
        %dma_start3A_139 = tpu.memref_slice %arg13[%add3A_130, %dma_start3A_138] : memref<10000x128xf32, #tpu.memory_space<vmem_shared>> -> memref<48x128xf32, #tpu.memory_space<vmem_shared>>
        %dma_start3A_140 = arith.constant 0 : i32
        %dma_start3A_141 = arith.constant 0 : i32
        %dma_start3A_142 = tpu.memref_slice %arg8[%run_scoped3A_131, %dma_start3A_140, %dma_start3A_141] : memref<2x64x128xf32, #tpu.memory_space<vmem>> -> memref<1x48x128xf32, #tpu.memory_space<vmem>>
        %dma_start3A_143 = tpu.memref_squeeze %dma_start3A_142 : memref<1x48x128xf32, #tpu.memory_space<vmem>> -> memref<48x128xf32, #tpu.memory_space<vmem>>
        tpu.enqueue_dma source(%dma_start3A_143 : memref<48x128xf32, #tpu.memory_space<vmem>>) target(%dma_start3A_139 : memref<48x128xf32, #tpu.memory_space<vmem_shared>>) target_semaphore(%run_scoped3A_132 : memref<!tpu.dma_semaphore, #tpu.memory_space<semaphore_mem>>)
        %dma_wait3A_144 = arith.constant 0 : i32
        %dma_wait3A_145 = arith.constant 0 : i32
        %dma_wait3A_146 = tpu.memref_slice %arg8[%run_scoped3A_131, %dma_wait3A_144, %dma_wait3A_145] : memref<2x64x128xf32, #tpu.memory_space<vmem>> -> memref<1x48x128xf32, #tpu.memory_space<vmem>>
        %dma_wait3A_147 = tpu.memref_squeeze %dma_wait3A_146 : memref<1x48x128xf32, #tpu.memory_space<vmem>> -> memref<48x128xf32, #tpu.memory_space<vmem>>
        %dma_wait3A_148 = arith.constant 0 : i32
        %dma_wait3A_149 = tpu.memref_slice %arg13[%add3A_130, %dma_wait3A_148] : memref<10000x128xf32, #tpu.memory_space<vmem_shared>> -> memref<48x128xf32, #tpu.memory_space<vmem_shared>>
        %dma_wait3A_150 = arith.constant 0 : i32
        %dma_wait3A_151 = tpu.memref_slice %arg13[%add3A_130, %dma_wait3A_150] : memref<10000x128xf32, #tpu.memory_space<vmem_shared>> -> memref<48x128xf32, #tpu.memory_space<vmem_shared>>
        %dma_wait3A_152 = arith.constant 0 : i32
        %dma_wait3A_153 = arith.constant 0 : i32
        %dma_wait3A_154 = tpu.memref_slice %arg8[%run_scoped3A_131, %dma_wait3A_152, %dma_wait3A_153] : memref<2x64x128xf32, #tpu.memory_space<vmem>> -> memref<1x48x128xf32, #tpu.memory_space<vmem>>
        %dma_wait3A_155 = tpu.memref_squeeze %dma_wait3A_154 : memref<1x48x128xf32, #tpu.memory_space<vmem>> -> memref<48x128xf32, #tpu.memory_space<vmem>>
        tpu.wait_dma2 semaphore(%run_scoped3A_132 : memref<!tpu.dma_semaphore, #tpu.memory_space<semaphore_mem>>) src(%dma_wait3A_155 : memref<48x128xf32, #tpu.memory_space<vmem>>) dst(%dma_wait3A_151 : memref<48x128xf32, #tpu.memory_space<vmem_shared>>)
        tpu.yield
      }) : () -> ()
    } else {
    }
    %eq3A = arith.constant 15 : i32
    %eq3A_9 = arith.cmpi eq, %arg1, %eq3A : i32
    %convert_element_type3A_10 = arith.extui %eq3A_9 : i1 to i32
    %cond3A_11 = arith.constant 0 : i32
    %cond3A_12 = arith.cmpi ne, %convert_element_type3A_10, %cond3A_11 : i32
    scf.if %cond3A_12 {
      %run_scoped3A = arith.constant 0 : i32
      "tpu.region"() ({
        %run_scoped3A_77 = tpu.sem_alloc : memref<!tpu.dma_semaphore, #tpu.memory_space<semaphore_mem>>
        %dma_start3A = arith.constant 0 : i32
        %dma_start3A_78 = arith.constant 0 : i32
        %dma_start3A_79 = tpu.memref_slice %arg8[%run_scoped3A, %dma_start3A, %dma_start3A_78] : memref<2x64x128xf32, #tpu.memory_space<vmem>> -> memref<1x64x128xf32, #tpu.memory_space<vmem>>
        %dma_start3A_80 = tpu.memref_squeeze %dma_start3A_79 : memref<1x64x128xf32, #tpu.memory_space<vmem>> -> memref<64x128xf32, #tpu.memory_space<vmem>>
        %dma_start3A_81 = arith.constant 9360 : i32
        %dma_start3A_82 = arith.constant 0 : i32
        %dma_start3A_83 = tpu.memref_slice %arg13[%dma_start3A_81, %dma_start3A_82] : memref<10000x128xf32, #tpu.memory_space<vmem_shared>> -> memref<64x128xf32, #tpu.memory_space<vmem_shared>>
        %dma_start3A_84 = arith.constant 9360 : i32
        %dma_start3A_85 = arith.constant 0 : i32
        %dma_start3A_86 = tpu.memref_slice %arg13[%dma_start3A_84, %dma_start3A_85] : memref<10000x128xf32, #tpu.memory_space<vmem_shared>> -> memref<64x128xf32, #tpu.memory_space<vmem_shared>>
        %dma_start3A_87 = arith.constant 0 : i32
        %dma_start3A_88 = arith.constant 0 : i32
        %dma_start3A_89 = tpu.memref_slice %arg8[%run_scoped3A, %dma_start3A_87, %dma_start3A_88] : memref<2x64x128xf32, #tpu.memory_space<vmem>> -> memref<1x64x128xf32, #tpu.memory_space<vmem>>
        %dma_start3A_90 = tpu.memref_squeeze %dma_start3A_89 : memref<1x64x128xf32, #tpu.memory_space<vmem>> -> memref<64x128xf32, #tpu.memory_space<vmem>>
        tpu.enqueue_dma source(%dma_start3A_90 : memref<64x128xf32, #tpu.memory_space<vmem>>) target(%dma_start3A_86 : memref<64x128xf32, #tpu.memory_space<vmem_shared>>) target_semaphore(%run_scoped3A_77 : memref<!tpu.dma_semaphore, #tpu.memory_space<semaphore_mem>>)
        %dma_wait3A_91 = arith.constant 0 : i32
        %dma_wait3A_92 = arith.constant 0 : i32
        %dma_wait3A_93 = tpu.memref_slice %arg8[%run_scoped3A, %dma_wait3A_91, %dma_wait3A_92] : memref<2x64x128xf32, #tpu.memory_space<vmem>> -> memref<1x64x128xf32, #tpu.memory_space<vmem>>
        %dma_wait3A_94 = tpu.memref_squeeze %dma_wait3A_93 : memref<1x64x128xf32, #tpu.memory_space<vmem>> -> memref<64x128xf32, #tpu.memory_space<vmem>>
        %dma_wait3A_95 = arith.constant 9360 : i32
        %dma_wait3A_96 = arith.constant 0 : i32
        %dma_wait3A_97 = tpu.memref_slice %arg13[%dma_wait3A_95, %dma_wait3A_96] : memref<10000x128xf32, #tpu.memory_space<vmem_shared>> -> memref<64x128xf32, #tpu.memory_space<vmem_shared>>
        %dma_wait3A_98 = arith.constant 9360 : i32
        %dma_wait3A_99 = arith.constant 0 : i32
        %dma_wait3A_100 = tpu.memref_slice %arg13[%dma_wait3A_98, %dma_wait3A_99] : memref<10000x128xf32, #tpu.memory_space<vmem_shared>> -> memref<64x128xf32, #tpu.memory_space<vmem_shared>>
        %dma_wait3A_101 = arith.constant 0 : i32
        %dma_wait3A_102 = arith.constant 0 : i32
        %dma_wait3A_103 = tpu.memref_slice %arg8[%run_scoped3A, %dma_wait3A_101, %dma_wait3A_102] : memref<2x64x128xf32, #tpu.memory_space<vmem>> -> memref<1x64x128xf32, #tpu.memory_space<vmem>>
        %dma_wait3A_104 = tpu.memref_squeeze %dma_wait3A_103 : memref<1x64x128xf32, #tpu.memory_space<vmem>> -> memref<64x128xf32, #tpu.memory_space<vmem>>
        tpu.wait_dma2 semaphore(%run_scoped3A_77 : memref<!tpu.dma_semaphore, #tpu.memory_space<semaphore_mem>>) src(%dma_wait3A_104 : memref<64x128xf32, #tpu.memory_space<vmem>>) dst(%dma_wait3A_100 : memref<64x128xf32, #tpu.memory_space<vmem_shared>>)
        tpu.yield
      }) : () -> ()
      %run_scoped3A_68 = arith.constant 0 : i32
      "tpu.region"() ({
        %run_scoped3A_77 = tpu.sem_alloc : memref<!tpu.dma_semaphore, #tpu.memory_space<semaphore_mem>>
        %dma_start3A = arith.constant 0 : i32
        %dma_start3A_78 = arith.constant 0 : i32
        %dma_start3A_79 = tpu.memref_slice %arg8[%run_scoped3A_68, %dma_start3A, %dma_start3A_78] : memref<2x64x128xf32, #tpu.memory_space<vmem>> -> memref<1x64x128xf32, #tpu.memory_space<vmem>>
        %dma_start3A_80 = tpu.memref_squeeze %dma_start3A_79 : memref<1x64x128xf32, #tpu.memory_space<vmem>> -> memref<64x128xf32, #tpu.memory_space<vmem>>
        %dma_start3A_81 = arith.constant 9424 : i32
        %dma_start3A_82 = arith.constant 0 : i32
        %dma_start3A_83 = tpu.memref_slice %arg13[%dma_start3A_81, %dma_start3A_82] : memref<10000x128xf32, #tpu.memory_space<vmem_shared>> -> memref<64x128xf32, #tpu.memory_space<vmem_shared>>
        %dma_start3A_84 = arith.constant 9424 : i32
        %dma_start3A_85 = arith.constant 0 : i32
        %dma_start3A_86 = tpu.memref_slice %arg13[%dma_start3A_84, %dma_start3A_85] : memref<10000x128xf32, #tpu.memory_space<vmem_shared>> -> memref<64x128xf32, #tpu.memory_space<vmem_shared>>
        %dma_start3A_87 = arith.constant 0 : i32
        %dma_start3A_88 = arith.constant 0 : i32
        %dma_start3A_89 = tpu.memref_slice %arg8[%run_scoped3A_68, %dma_start3A_87, %dma_start3A_88] : memref<2x64x128xf32, #tpu.memory_space<vmem>> -> memref<1x64x128xf32, #tpu.memory_space<vmem>>
        %dma_start3A_90 = tpu.memref_squeeze %dma_start3A_89 : memref<1x64x128xf32, #tpu.memory_space<vmem>> -> memref<64x128xf32, #tpu.memory_space<vmem>>
        tpu.enqueue_dma source(%dma_start3A_90 : memref<64x128xf32, #tpu.memory_space<vmem>>) target(%dma_start3A_86 : memref<64x128xf32, #tpu.memory_space<vmem_shared>>) target_semaphore(%run_scoped3A_77 : memref<!tpu.dma_semaphore, #tpu.memory_space<semaphore_mem>>)
        %dma_wait3A_91 = arith.constant 0 : i32
        %dma_wait3A_92 = arith.constant 0 : i32
        %dma_wait3A_93 = tpu.memref_slice %arg8[%run_scoped3A_68, %dma_wait3A_91, %dma_wait3A_92] : memref<2x64x128xf32, #tpu.memory_space<vmem>> -> memref<1x64x128xf32, #tpu.memory_space<vmem>>
        %dma_wait3A_94 = tpu.memref_squeeze %dma_wait3A_93 : memref<1x64x128xf32, #tpu.memory_space<vmem>> -> memref<64x128xf32, #tpu.memory_space<vmem>>
        %dma_wait3A_95 = arith.constant 9424 : i32
        %dma_wait3A_96 = arith.constant 0 : i32
        %dma_wait3A_97 = tpu.memref_slice %arg13[%dma_wait3A_95, %dma_wait3A_96] : memref<10000x128xf32, #tpu.memory_space<vmem_shared>> -> memref<64x128xf32, #tpu.memory_space<vmem_shared>>
        %dma_wait3A_98 = arith.constant 9424 : i32
        %dma_wait3A_99 = arith.constant 0 : i32
        %dma_wait3A_100 = tpu.memref_slice %arg13[%dma_wait3A_98, %dma_wait3A_99] : memref<10000x128xf32, #tpu.memory_space<vmem_shared>> -> memref<64x128xf32, #tpu.memory_space<vmem_shared>>
        %dma_wait3A_101 = arith.constant 0 : i32
        %dma_wait3A_102 = arith.constant 0 : i32
        %dma_wait3A_103 = tpu.memref_slice %arg8[%run_scoped3A_68, %dma_wait3A_101, %dma_wait3A_102] : memref<2x64x128xf32, #tpu.memory_space<vmem>> -> memref<1x64x128xf32, #tpu.memory_space<vmem>>
        %dma_wait3A_104 = tpu.memref_squeeze %dma_wait3A_103 : memref<1x64x128xf32, #tpu.memory_space<vmem>> -> memref<64x128xf32, #tpu.memory_space<vmem>>
        tpu.wait_dma2 semaphore(%run_scoped3A_77 : memref<!tpu.dma_semaphore, #tpu.memory_space<semaphore_mem>>) src(%dma_wait3A_104 : memref<64x128xf32, #tpu.memory_space<vmem>>) dst(%dma_wait3A_100 : memref<64x128xf32, #tpu.memory_space<vmem_shared>>)
        tpu.yield
      }) : () -> ()
      %run_scoped3A_69 = arith.constant 0 : i32
      "tpu.region"() ({
        %run_scoped3A_77 = tpu.sem_alloc : memref<!tpu.dma_semaphore, #tpu.memory_space<semaphore_mem>>
        %dma_start3A = arith.constant 0 : i32
        %dma_start3A_78 = arith.constant 0 : i32
        %dma_start3A_79 = tpu.memref_slice %arg8[%run_scoped3A_69, %dma_start3A, %dma_start3A_78] : memref<2x64x128xf32, #tpu.memory_space<vmem>> -> memref<1x64x128xf32, #tpu.memory_space<vmem>>
        %dma_start3A_80 = tpu.memref_squeeze %dma_start3A_79 : memref<1x64x128xf32, #tpu.memory_space<vmem>> -> memref<64x128xf32, #tpu.memory_space<vmem>>
        %dma_start3A_81 = arith.constant 9488 : i32
        %dma_start3A_82 = arith.constant 0 : i32
        %dma_start3A_83 = tpu.memref_slice %arg13[%dma_start3A_81, %dma_start3A_82] : memref<10000x128xf32, #tpu.memory_space<vmem_shared>> -> memref<64x128xf32, #tpu.memory_space<vmem_shared>>
        %dma_start3A_84 = arith.constant 9488 : i32
        %dma_start3A_85 = arith.constant 0 : i32
        %dma_start3A_86 = tpu.memref_slice %arg13[%dma_start3A_84, %dma_start3A_85] : memref<10000x128xf32, #tpu.memory_space<vmem_shared>> -> memref<64x128xf32, #tpu.memory_space<vmem_shared>>
        %dma_start3A_87 = arith.constant 0 : i32
        %dma_start3A_88 = arith.constant 0 : i32
        %dma_start3A_89 = tpu.memref_slice %arg8[%run_scoped3A_69, %dma_start3A_87, %dma_start3A_88] : memref<2x64x128xf32, #tpu.memory_space<vmem>> -> memref<1x64x128xf32, #tpu.memory_space<vmem>>
        %dma_start3A_90 = tpu.memref_squeeze %dma_start3A_89 : memref<1x64x128xf32, #tpu.memory_space<vmem>> -> memref<64x128xf32, #tpu.memory_space<vmem>>
        tpu.enqueue_dma source(%dma_start3A_90 : memref<64x128xf32, #tpu.memory_space<vmem>>) target(%dma_start3A_86 : memref<64x128xf32, #tpu.memory_space<vmem_shared>>) target_semaphore(%run_scoped3A_77 : memref<!tpu.dma_semaphore, #tpu.memory_space<semaphore_mem>>)
        %dma_wait3A_91 = arith.constant 0 : i32
        %dma_wait3A_92 = arith.constant 0 : i32
        %dma_wait3A_93 = tpu.memref_slice %arg8[%run_scoped3A_69, %dma_wait3A_91, %dma_wait3A_92] : memref<2x64x128xf32, #tpu.memory_space<vmem>> -> memref<1x64x128xf32, #tpu.memory_space<vmem>>
        %dma_wait3A_94 = tpu.memref_squeeze %dma_wait3A_93 : memref<1x64x128xf32, #tpu.memory_space<vmem>> -> memref<64x128xf32, #tpu.memory_space<vmem>>
        %dma_wait3A_95 = arith.constant 9488 : i32
        %dma_wait3A_96 = arith.constant 0 : i32
        %dma_wait3A_97 = tpu.memref_slice %arg13[%dma_wait3A_95, %dma_wait3A_96] : memref<10000x128xf32, #tpu.memory_space<vmem_shared>> -> memref<64x128xf32, #tpu.memory_space<vmem_shared>>
        %dma_wait3A_98 = arith.constant 9488 : i32
        %dma_wait3A_99 = arith.constant 0 : i32
        %dma_wait3A_100 = tpu.memref_slice %arg13[%dma_wait3A_98, %dma_wait3A_99] : memref<10000x128xf32, #tpu.memory_space<vmem_shared>> -> memref<64x128xf32, #tpu.memory_space<vmem_shared>>
        %dma_wait3A_101 = arith.constant 0 : i32
        %dma_wait3A_102 = arith.constant 0 : i32
        %dma_wait3A_103 = tpu.memref_slice %arg8[%run_scoped3A_69, %dma_wait3A_101, %dma_wait3A_102] : memref<2x64x128xf32, #tpu.memory_space<vmem>> -> memref<1x64x128xf32, #tpu.memory_space<vmem>>
        %dma_wait3A_104 = tpu.memref_squeeze %dma_wait3A_103 : memref<1x64x128xf32, #tpu.memory_space<vmem>> -> memref<64x128xf32, #tpu.memory_space<vmem>>
        tpu.wait_dma2 semaphore(%run_scoped3A_77 : memref<!tpu.dma_semaphore, #tpu.memory_space<semaphore_mem>>) src(%dma_wait3A_104 : memref<64x128xf32, #tpu.memory_space<vmem>>) dst(%dma_wait3A_100 : memref<64x128xf32, #tpu.memory_space<vmem_shared>>)
        tpu.yield
      }) : () -> ()
      %run_scoped3A_70 = arith.constant 0 : i32
      "tpu.region"() ({
        %run_scoped3A_77 = tpu.sem_alloc : memref<!tpu.dma_semaphore, #tpu.memory_space<semaphore_mem>>
        %dma_start3A = arith.constant 0 : i32
        %dma_start3A_78 = arith.constant 0 : i32
        %dma_start3A_79 = tpu.memref_slice %arg8[%run_scoped3A_70, %dma_start3A, %dma_start3A_78] : memref<2x64x128xf32, #tpu.memory_space<vmem>> -> memref<1x64x128xf32, #tpu.memory_space<vmem>>
        %dma_start3A_80 = tpu.memref_squeeze %dma_start3A_79 : memref<1x64x128xf32, #tpu.memory_space<vmem>> -> memref<64x128xf32, #tpu.memory_space<vmem>>
        %dma_start3A_81 = arith.constant 9552 : i32
        %dma_start3A_82 = arith.constant 0 : i32
        %dma_start3A_83 = tpu.memref_slice %arg13[%dma_start3A_81, %dma_start3A_82] : memref<10000x128xf32, #tpu.memory_space<vmem_shared>> -> memref<64x128xf32, #tpu.memory_space<vmem_shared>>
        %dma_start3A_84 = arith.constant 9552 : i32
        %dma_start3A_85 = arith.constant 0 : i32
        %dma_start3A_86 = tpu.memref_slice %arg13[%dma_start3A_84, %dma_start3A_85] : memref<10000x128xf32, #tpu.memory_space<vmem_shared>> -> memref<64x128xf32, #tpu.memory_space<vmem_shared>>
        %dma_start3A_87 = arith.constant 0 : i32
        %dma_start3A_88 = arith.constant 0 : i32
        %dma_start3A_89 = tpu.memref_slice %arg8[%run_scoped3A_70, %dma_start3A_87, %dma_start3A_88] : memref<2x64x128xf32, #tpu.memory_space<vmem>> -> memref<1x64x128xf32, #tpu.memory_space<vmem>>
        %dma_start3A_90 = tpu.memref_squeeze %dma_start3A_89 : memref<1x64x128xf32, #tpu.memory_space<vmem>> -> memref<64x128xf32, #tpu.memory_space<vmem>>
        tpu.enqueue_dma source(%dma_start3A_90 : memref<64x128xf32, #tpu.memory_space<vmem>>) target(%dma_start3A_86 : memref<64x128xf32, #tpu.memory_space<vmem_shared>>) target_semaphore(%run_scoped3A_77 : memref<!tpu.dma_semaphore, #tpu.memory_space<semaphore_mem>>)
        %dma_wait3A_91 = arith.constant 0 : i32
        %dma_wait3A_92 = arith.constant 0 : i32
        %dma_wait3A_93 = tpu.memref_slice %arg8[%run_scoped3A_70, %dma_wait3A_91, %dma_wait3A_92] : memref<2x64x128xf32, #tpu.memory_space<vmem>> -> memref<1x64x128xf32, #tpu.memory_space<vmem>>
        %dma_wait3A_94 = tpu.memref_squeeze %dma_wait3A_93 : memref<1x64x128xf32, #tpu.memory_space<vmem>> -> memref<64x128xf32, #tpu.memory_space<vmem>>
        %dma_wait3A_95 = arith.constant 9552 : i32
        %dma_wait3A_96 = arith.constant 0 : i32
        %dma_wait3A_97 = tpu.memref_slice %arg13[%dma_wait3A_95, %dma_wait3A_96] : memref<10000x128xf32, #tpu.memory_space<vmem_shared>> -> memref<64x128xf32, #tpu.memory_space<vmem_shared>>
        %dma_wait3A_98 = arith.constant 9552 : i32
        %dma_wait3A_99 = arith.constant 0 : i32
        %dma_wait3A_100 = tpu.memref_slice %arg13[%dma_wait3A_98, %dma_wait3A_99] : memref<10000x128xf32, #tpu.memory_space<vmem_shared>> -> memref<64x128xf32, #tpu.memory_space<vmem_shared>>
        %dma_wait3A_101 = arith.constant 0 : i32
        %dma_wait3A_102 = arith.constant 0 : i32
        %dma_wait3A_103 = tpu.memref_slice %arg8[%run_scoped3A_70, %dma_wait3A_101, %dma_wait3A_102] : memref<2x64x128xf32, #tpu.memory_space<vmem>> -> memref<1x64x128xf32, #tpu.memory_space<vmem>>
        %dma_wait3A_104 = tpu.memref_squeeze %dma_wait3A_103 : memref<1x64x128xf32, #tpu.memory_space<vmem>> -> memref<64x128xf32, #tpu.memory_space<vmem>>
        tpu.wait_dma2 semaphore(%run_scoped3A_77 : memref<!tpu.dma_semaphore, #tpu.memory_space<semaphore_mem>>) src(%dma_wait3A_104 : memref<64x128xf32, #tpu.memory_space<vmem>>) dst(%dma_wait3A_100 : memref<64x128xf32, #tpu.memory_space<vmem_shared>>)
        tpu.yield
      }) : () -> ()
      %run_scoped3A_71 = arith.constant 0 : i32
      "tpu.region"() ({
        %run_scoped3A_77 = tpu.sem_alloc : memref<!tpu.dma_semaphore, #tpu.memory_space<semaphore_mem>>
        %dma_start3A = arith.constant 0 : i32
        %dma_start3A_78 = arith.constant 0 : i32
        %dma_start3A_79 = tpu.memref_slice %arg8[%run_scoped3A_71, %dma_start3A, %dma_start3A_78] : memref<2x64x128xf32, #tpu.memory_space<vmem>> -> memref<1x64x128xf32, #tpu.memory_space<vmem>>
        %dma_start3A_80 = tpu.memref_squeeze %dma_start3A_79 : memref<1x64x128xf32, #tpu.memory_space<vmem>> -> memref<64x128xf32, #tpu.memory_space<vmem>>
        %dma_start3A_81 = arith.constant 9616 : i32
        %dma_start3A_82 = arith.constant 0 : i32
        %dma_start3A_83 = tpu.memref_slice %arg13[%dma_start3A_81, %dma_start3A_82] : memref<10000x128xf32, #tpu.memory_space<vmem_shared>> -> memref<64x128xf32, #tpu.memory_space<vmem_shared>>
        %dma_start3A_84 = arith.constant 9616 : i32
        %dma_start3A_85 = arith.constant 0 : i32
        %dma_start3A_86 = tpu.memref_slice %arg13[%dma_start3A_84, %dma_start3A_85] : memref<10000x128xf32, #tpu.memory_space<vmem_shared>> -> memref<64x128xf32, #tpu.memory_space<vmem_shared>>
        %dma_start3A_87 = arith.constant 0 : i32
        %dma_start3A_88 = arith.constant 0 : i32
        %dma_start3A_89 = tpu.memref_slice %arg8[%run_scoped3A_71, %dma_start3A_87, %dma_start3A_88] : memref<2x64x128xf32, #tpu.memory_space<vmem>> -> memref<1x64x128xf32, #tpu.memory_space<vmem>>
        %dma_start3A_90 = tpu.memref_squeeze %dma_start3A_89 : memref<1x64x128xf32, #tpu.memory_space<vmem>> -> memref<64x128xf32, #tpu.memory_space<vmem>>
        tpu.enqueue_dma source(%dma_start3A_90 : memref<64x128xf32, #tpu.memory_space<vmem>>) target(%dma_start3A_86 : memref<64x128xf32, #tpu.memory_space<vmem_shared>>) target_semaphore(%run_scoped3A_77 : memref<!tpu.dma_semaphore, #tpu.memory_space<semaphore_mem>>)
        %dma_wait3A_91 = arith.constant 0 : i32
        %dma_wait3A_92 = arith.constant 0 : i32
        %dma_wait3A_93 = tpu.memref_slice %arg8[%run_scoped3A_71, %dma_wait3A_91, %dma_wait3A_92] : memref<2x64x128xf32, #tpu.memory_space<vmem>> -> memref<1x64x128xf32, #tpu.memory_space<vmem>>
        %dma_wait3A_94 = tpu.memref_squeeze %dma_wait3A_93 : memref<1x64x128xf32, #tpu.memory_space<vmem>> -> memref<64x128xf32, #tpu.memory_space<vmem>>
        %dma_wait3A_95 = arith.constant 9616 : i32
        %dma_wait3A_96 = arith.constant 0 : i32
        %dma_wait3A_97 = tpu.memref_slice %arg13[%dma_wait3A_95, %dma_wait3A_96] : memref<10000x128xf32, #tpu.memory_space<vmem_shared>> -> memref<64x128xf32, #tpu.memory_space<vmem_shared>>
        %dma_wait3A_98 = arith.constant 9616 : i32
        %dma_wait3A_99 = arith.constant 0 : i32
        %dma_wait3A_100 = tpu.memref_slice %arg13[%dma_wait3A_98, %dma_wait3A_99] : memref<10000x128xf32, #tpu.memory_space<vmem_shared>> -> memref<64x128xf32, #tpu.memory_space<vmem_shared>>
        %dma_wait3A_101 = arith.constant 0 : i32
        %dma_wait3A_102 = arith.constant 0 : i32
        %dma_wait3A_103 = tpu.memref_slice %arg8[%run_scoped3A_71, %dma_wait3A_101, %dma_wait3A_102] : memref<2x64x128xf32, #tpu.memory_space<vmem>> -> memref<1x64x128xf32, #tpu.memory_space<vmem>>
        %dma_wait3A_104 = tpu.memref_squeeze %dma_wait3A_103 : memref<1x64x128xf32, #tpu.memory_space<vmem>> -> memref<64x128xf32, #tpu.memory_space<vmem>>
        tpu.wait_dma2 semaphore(%run_scoped3A_77 : memref<!tpu.dma_semaphore, #tpu.memory_space<semaphore_mem>>) src(%dma_wait3A_104 : memref<64x128xf32, #tpu.memory_space<vmem>>) dst(%dma_wait3A_100 : memref<64x128xf32, #tpu.memory_space<vmem_shared>>)
        tpu.yield
      }) : () -> ()
      %run_scoped3A_72 = arith.constant 0 : i32
      "tpu.region"() ({
        %run_scoped3A_77 = tpu.sem_alloc : memref<!tpu.dma_semaphore, #tpu.memory_space<semaphore_mem>>
        %dma_start3A = arith.constant 0 : i32
        %dma_start3A_78 = arith.constant 0 : i32
        %dma_start3A_79 = tpu.memref_slice %arg8[%run_scoped3A_72, %dma_start3A, %dma_start3A_78] : memref<2x64x128xf32, #tpu.memory_space<vmem>> -> memref<1x64x128xf32, #tpu.memory_space<vmem>>
        %dma_start3A_80 = tpu.memref_squeeze %dma_start3A_79 : memref<1x64x128xf32, #tpu.memory_space<vmem>> -> memref<64x128xf32, #tpu.memory_space<vmem>>
        %dma_start3A_81 = arith.constant 9680 : i32
        %dma_start3A_82 = arith.constant 0 : i32
        %dma_start3A_83 = tpu.memref_slice %arg13[%dma_start3A_81, %dma_start3A_82] : memref<10000x128xf32, #tpu.memory_space<vmem_shared>> -> memref<64x128xf32, #tpu.memory_space<vmem_shared>>
        %dma_start3A_84 = arith.constant 9680 : i32
        %dma_start3A_85 = arith.constant 0 : i32
        %dma_start3A_86 = tpu.memref_slice %arg13[%dma_start3A_84, %dma_start3A_85] : memref<10000x128xf32, #tpu.memory_space<vmem_shared>> -> memref<64x128xf32, #tpu.memory_space<vmem_shared>>
        %dma_start3A_87 = arith.constant 0 : i32
        %dma_start3A_88 = arith.constant 0 : i32
        %dma_start3A_89 = tpu.memref_slice %arg8[%run_scoped3A_72, %dma_start3A_87, %dma_start3A_88] : memref<2x64x128xf32, #tpu.memory_space<vmem>> -> memref<1x64x128xf32, #tpu.memory_space<vmem>>
        %dma_start3A_90 = tpu.memref_squeeze %dma_start3A_89 : memref<1x64x128xf32, #tpu.memory_space<vmem>> -> memref<64x128xf32, #tpu.memory_space<vmem>>
        tpu.enqueue_dma source(%dma_start3A_90 : memref<64x128xf32, #tpu.memory_space<vmem>>) target(%dma_start3A_86 : memref<64x128xf32, #tpu.memory_space<vmem_shared>>) target_semaphore(%run_scoped3A_77 : memref<!tpu.dma_semaphore, #tpu.memory_space<semaphore_mem>>)
        %dma_wait3A_91 = arith.constant 0 : i32
        %dma_wait3A_92 = arith.constant 0 : i32
        %dma_wait3A_93 = tpu.memref_slice %arg8[%run_scoped3A_72, %dma_wait3A_91, %dma_wait3A_92] : memref<2x64x128xf32, #tpu.memory_space<vmem>> -> memref<1x64x128xf32, #tpu.memory_space<vmem>>
        %dma_wait3A_94 = tpu.memref_squeeze %dma_wait3A_93 : memref<1x64x128xf32, #tpu.memory_space<vmem>> -> memref<64x128xf32, #tpu.memory_space<vmem>>
        %dma_wait3A_95 = arith.constant 9680 : i32
        %dma_wait3A_96 = arith.constant 0 : i32
        %dma_wait3A_97 = tpu.memref_slice %arg13[%dma_wait3A_95, %dma_wait3A_96] : memref<10000x128xf32, #tpu.memory_space<vmem_shared>> -> memref<64x128xf32, #tpu.memory_space<vmem_shared>>
        %dma_wait3A_98 = arith.constant 9680 : i32
        %dma_wait3A_99 = arith.constant 0 : i32
        %dma_wait3A_100 = tpu.memref_slice %arg13[%dma_wait3A_98, %dma_wait3A_99] : memref<10000x128xf32, #tpu.memory_space<vmem_shared>> -> memref<64x128xf32, #tpu.memory_space<vmem_shared>>
        %dma_wait3A_101 = arith.constant 0 : i32
        %dma_wait3A_102 = arith.constant 0 : i32
        %dma_wait3A_103 = tpu.memref_slice %arg8[%run_scoped3A_72, %dma_wait3A_101, %dma_wait3A_102] : memref<2x64x128xf32, #tpu.memory_space<vmem>> -> memref<1x64x128xf32, #tpu.memory_space<vmem>>
        %dma_wait3A_104 = tpu.memref_squeeze %dma_wait3A_103 : memref<1x64x128xf32, #tpu.memory_space<vmem>> -> memref<64x128xf32, #tpu.memory_space<vmem>>
        tpu.wait_dma2 semaphore(%run_scoped3A_77 : memref<!tpu.dma_semaphore, #tpu.memory_space<semaphore_mem>>) src(%dma_wait3A_104 : memref<64x128xf32, #tpu.memory_space<vmem>>) dst(%dma_wait3A_100 : memref<64x128xf32, #tpu.memory_space<vmem_shared>>)
        tpu.yield
      }) : () -> ()
      %run_scoped3A_73 = arith.constant 0 : i32
      "tpu.region"() ({
        %run_scoped3A_77 = tpu.sem_alloc : memref<!tpu.dma_semaphore, #tpu.memory_space<semaphore_mem>>
        %dma_start3A = arith.constant 0 : i32
        %dma_start3A_78 = arith.constant 0 : i32
        %dma_start3A_79 = tpu.memref_slice %arg8[%run_scoped3A_73, %dma_start3A, %dma_start3A_78] : memref<2x64x128xf32, #tpu.memory_space<vmem>> -> memref<1x64x128xf32, #tpu.memory_space<vmem>>
        %dma_start3A_80 = tpu.memref_squeeze %dma_start3A_79 : memref<1x64x128xf32, #tpu.memory_space<vmem>> -> memref<64x128xf32, #tpu.memory_space<vmem>>
        %dma_start3A_81 = arith.constant 9744 : i32
        %dma_start3A_82 = arith.constant 0 : i32
        %dma_start3A_83 = tpu.memref_slice %arg13[%dma_start3A_81, %dma_start3A_82] : memref<10000x128xf32, #tpu.memory_space<vmem_shared>> -> memref<64x128xf32, #tpu.memory_space<vmem_shared>>
        %dma_start3A_84 = arith.constant 9744 : i32
        %dma_start3A_85 = arith.constant 0 : i32
        %dma_start3A_86 = tpu.memref_slice %arg13[%dma_start3A_84, %dma_start3A_85] : memref<10000x128xf32, #tpu.memory_space<vmem_shared>> -> memref<64x128xf32, #tpu.memory_space<vmem_shared>>
        %dma_start3A_87 = arith.constant 0 : i32
        %dma_start3A_88 = arith.constant 0 : i32
        %dma_start3A_89 = tpu.memref_slice %arg8[%run_scoped3A_73, %dma_start3A_87, %dma_start3A_88] : memref<2x64x128xf32, #tpu.memory_space<vmem>> -> memref<1x64x128xf32, #tpu.memory_space<vmem>>
        %dma_start3A_90 = tpu.memref_squeeze %dma_start3A_89 : memref<1x64x128xf32, #tpu.memory_space<vmem>> -> memref<64x128xf32, #tpu.memory_space<vmem>>
        tpu.enqueue_dma source(%dma_start3A_90 : memref<64x128xf32, #tpu.memory_space<vmem>>) target(%dma_start3A_86 : memref<64x128xf32, #tpu.memory_space<vmem_shared>>) target_semaphore(%run_scoped3A_77 : memref<!tpu.dma_semaphore, #tpu.memory_space<semaphore_mem>>)
        %dma_wait3A_91 = arith.constant 0 : i32
        %dma_wait3A_92 = arith.constant 0 : i32
        %dma_wait3A_93 = tpu.memref_slice %arg8[%run_scoped3A_73, %dma_wait3A_91, %dma_wait3A_92] : memref<2x64x128xf32, #tpu.memory_space<vmem>> -> memref<1x64x128xf32, #tpu.memory_space<vmem>>
        %dma_wait3A_94 = tpu.memref_squeeze %dma_wait3A_93 : memref<1x64x128xf32, #tpu.memory_space<vmem>> -> memref<64x128xf32, #tpu.memory_space<vmem>>
        %dma_wait3A_95 = arith.constant 9744 : i32
        %dma_wait3A_96 = arith.constant 0 : i32
        %dma_wait3A_97 = tpu.memref_slice %arg13[%dma_wait3A_95, %dma_wait3A_96] : memref<10000x128xf32, #tpu.memory_space<vmem_shared>> -> memref<64x128xf32, #tpu.memory_space<vmem_shared>>
        %dma_wait3A_98 = arith.constant 9744 : i32
        %dma_wait3A_99 = arith.constant 0 : i32
        %dma_wait3A_100 = tpu.memref_slice %arg13[%dma_wait3A_98, %dma_wait3A_99] : memref<10000x128xf32, #tpu.memory_space<vmem_shared>> -> memref<64x128xf32, #tpu.memory_space<vmem_shared>>
        %dma_wait3A_101 = arith.constant 0 : i32
        %dma_wait3A_102 = arith.constant 0 : i32
        %dma_wait3A_103 = tpu.memref_slice %arg8[%run_scoped3A_73, %dma_wait3A_101, %dma_wait3A_102] : memref<2x64x128xf32, #tpu.memory_space<vmem>> -> memref<1x64x128xf32, #tpu.memory_space<vmem>>
        %dma_wait3A_104 = tpu.memref_squeeze %dma_wait3A_103 : memref<1x64x128xf32, #tpu.memory_space<vmem>> -> memref<64x128xf32, #tpu.memory_space<vmem>>
        tpu.wait_dma2 semaphore(%run_scoped3A_77 : memref<!tpu.dma_semaphore, #tpu.memory_space<semaphore_mem>>) src(%dma_wait3A_104 : memref<64x128xf32, #tpu.memory_space<vmem>>) dst(%dma_wait3A_100 : memref<64x128xf32, #tpu.memory_space<vmem_shared>>)
        tpu.yield
      }) : () -> ()
      %run_scoped3A_74 = arith.constant 0 : i32
      "tpu.region"() ({
        %run_scoped3A_77 = tpu.sem_alloc : memref<!tpu.dma_semaphore, #tpu.memory_space<semaphore_mem>>
        %dma_start3A = arith.constant 0 : i32
        %dma_start3A_78 = arith.constant 0 : i32
        %dma_start3A_79 = tpu.memref_slice %arg8[%run_scoped3A_74, %dma_start3A, %dma_start3A_78] : memref<2x64x128xf32, #tpu.memory_space<vmem>> -> memref<1x64x128xf32, #tpu.memory_space<vmem>>
        %dma_start3A_80 = tpu.memref_squeeze %dma_start3A_79 : memref<1x64x128xf32, #tpu.memory_space<vmem>> -> memref<64x128xf32, #tpu.memory_space<vmem>>
        %dma_start3A_81 = arith.constant 9808 : i32
        %dma_start3A_82 = arith.constant 0 : i32
        %dma_start3A_83 = tpu.memref_slice %arg13[%dma_start3A_81, %dma_start3A_82] : memref<10000x128xf32, #tpu.memory_space<vmem_shared>> -> memref<64x128xf32, #tpu.memory_space<vmem_shared>>
        %dma_start3A_84 = arith.constant 9808 : i32
        %dma_start3A_85 = arith.constant 0 : i32
        %dma_start3A_86 = tpu.memref_slice %arg13[%dma_start3A_84, %dma_start3A_85] : memref<10000x128xf32, #tpu.memory_space<vmem_shared>> -> memref<64x128xf32, #tpu.memory_space<vmem_shared>>
        %dma_start3A_87 = arith.constant 0 : i32
        %dma_start3A_88 = arith.constant 0 : i32
        %dma_start3A_89 = tpu.memref_slice %arg8[%run_scoped3A_74, %dma_start3A_87, %dma_start3A_88] : memref<2x64x128xf32, #tpu.memory_space<vmem>> -> memref<1x64x128xf32, #tpu.memory_space<vmem>>
        %dma_start3A_90 = tpu.memref_squeeze %dma_start3A_89 : memref<1x64x128xf32, #tpu.memory_space<vmem>> -> memref<64x128xf32, #tpu.memory_space<vmem>>
        tpu.enqueue_dma source(%dma_start3A_90 : memref<64x128xf32, #tpu.memory_space<vmem>>) target(%dma_start3A_86 : memref<64x128xf32, #tpu.memory_space<vmem_shared>>) target_semaphore(%run_scoped3A_77 : memref<!tpu.dma_semaphore, #tpu.memory_space<semaphore_mem>>)
        %dma_wait3A_91 = arith.constant 0 : i32
        %dma_wait3A_92 = arith.constant 0 : i32
        %dma_wait3A_93 = tpu.memref_slice %arg8[%run_scoped3A_74, %dma_wait3A_91, %dma_wait3A_92] : memref<2x64x128xf32, #tpu.memory_space<vmem>> -> memref<1x64x128xf32, #tpu.memory_space<vmem>>
        %dma_wait3A_94 = tpu.memref_squeeze %dma_wait3A_93 : memref<1x64x128xf32, #tpu.memory_space<vmem>> -> memref<64x128xf32, #tpu.memory_space<vmem>>
        %dma_wait3A_95 = arith.constant 9808 : i32
        %dma_wait3A_96 = arith.constant 0 : i32
        %dma_wait3A_97 = tpu.memref_slice %arg13[%dma_wait3A_95, %dma_wait3A_96] : memref<10000x128xf32, #tpu.memory_space<vmem_shared>> -> memref<64x128xf32, #tpu.memory_space<vmem_shared>>
        %dma_wait3A_98 = arith.constant 9808 : i32
        %dma_wait3A_99 = arith.constant 0 : i32
        %dma_wait3A_100 = tpu.memref_slice %arg13[%dma_wait3A_98, %dma_wait3A_99] : memref<10000x128xf32, #tpu.memory_space<vmem_shared>> -> memref<64x128xf32, #tpu.memory_space<vmem_shared>>
        %dma_wait3A_101 = arith.constant 0 : i32
        %dma_wait3A_102 = arith.constant 0 : i32
        %dma_wait3A_103 = tpu.memref_slice %arg8[%run_scoped3A_74, %dma_wait3A_101, %dma_wait3A_102] : memref<2x64x128xf32, #tpu.memory_space<vmem>> -> memref<1x64x128xf32, #tpu.memory_space<vmem>>
        %dma_wait3A_104 = tpu.memref_squeeze %dma_wait3A_103 : memref<1x64x128xf32, #tpu.memory_space<vmem>> -> memref<64x128xf32, #tpu.memory_space<vmem>>
        tpu.wait_dma2 semaphore(%run_scoped3A_77 : memref<!tpu.dma_semaphore, #tpu.memory_space<semaphore_mem>>) src(%dma_wait3A_104 : memref<64x128xf32, #tpu.memory_space<vmem>>) dst(%dma_wait3A_100 : memref<64x128xf32, #tpu.memory_space<vmem_shared>>)
        tpu.yield
      }) : () -> ()
      %run_scoped3A_75 = arith.constant 0 : i32
      "tpu.region"() ({
        %run_scoped3A_77 = tpu.sem_alloc : memref<!tpu.dma_semaphore, #tpu.memory_space<semaphore_mem>>
        %dma_start3A = arith.constant 0 : i32
        %dma_start3A_78 = arith.constant 0 : i32
        %dma_start3A_79 = tpu.memref_slice %arg8[%run_scoped3A_75, %dma_start3A, %dma_start3A_78] : memref<2x64x128xf32, #tpu.memory_space<vmem>> -> memref<1x64x128xf32, #tpu.memory_space<vmem>>
        %dma_start3A_80 = tpu.memref_squeeze %dma_start3A_79 : memref<1x64x128xf32, #tpu.memory_space<vmem>> -> memref<64x128xf32, #tpu.memory_space<vmem>>
        %dma_start3A_81 = arith.constant 9872 : i32
        %dma_start3A_82 = arith.constant 0 : i32
        %dma_start3A_83 = tpu.memref_slice %arg13[%dma_start3A_81, %dma_start3A_82] : memref<10000x128xf32, #tpu.memory_space<vmem_shared>> -> memref<64x128xf32, #tpu.memory_space<vmem_shared>>
        %dma_start3A_84 = arith.constant 9872 : i32
        %dma_start3A_85 = arith.constant 0 : i32
        %dma_start3A_86 = tpu.memref_slice %arg13[%dma_start3A_84, %dma_start3A_85] : memref<10000x128xf32, #tpu.memory_space<vmem_shared>> -> memref<64x128xf32, #tpu.memory_space<vmem_shared>>
        %dma_start3A_87 = arith.constant 0 : i32
        %dma_start3A_88 = arith.constant 0 : i32
        %dma_start3A_89 = tpu.memref_slice %arg8[%run_scoped3A_75, %dma_start3A_87, %dma_start3A_88] : memref<2x64x128xf32, #tpu.memory_space<vmem>> -> memref<1x64x128xf32, #tpu.memory_space<vmem>>
        %dma_start3A_90 = tpu.memref_squeeze %dma_start3A_89 : memref<1x64x128xf32, #tpu.memory_space<vmem>> -> memref<64x128xf32, #tpu.memory_space<vmem>>
        tpu.enqueue_dma source(%dma_start3A_90 : memref<64x128xf32, #tpu.memory_space<vmem>>) target(%dma_start3A_86 : memref<64x128xf32, #tpu.memory_space<vmem_shared>>) target_semaphore(%run_scoped3A_77 : memref<!tpu.dma_semaphore, #tpu.memory_space<semaphore_mem>>)
        %dma_wait3A_91 = arith.constant 0 : i32
        %dma_wait3A_92 = arith.constant 0 : i32
        %dma_wait3A_93 = tpu.memref_slice %arg8[%run_scoped3A_75, %dma_wait3A_91, %dma_wait3A_92] : memref<2x64x128xf32, #tpu.memory_space<vmem>> -> memref<1x64x128xf32, #tpu.memory_space<vmem>>
        %dma_wait3A_94 = tpu.memref_squeeze %dma_wait3A_93 : memref<1x64x128xf32, #tpu.memory_space<vmem>> -> memref<64x128xf32, #tpu.memory_space<vmem>>
        %dma_wait3A_95 = arith.constant 9872 : i32
        %dma_wait3A_96 = arith.constant 0 : i32
        %dma_wait3A_97 = tpu.memref_slice %arg13[%dma_wait3A_95, %dma_wait3A_96] : memref<10000x128xf32, #tpu.memory_space<vmem_shared>> -> memref<64x128xf32, #tpu.memory_space<vmem_shared>>
        %dma_wait3A_98 = arith.constant 9872 : i32
        %dma_wait3A_99 = arith.constant 0 : i32
        %dma_wait3A_100 = tpu.memref_slice %arg13[%dma_wait3A_98, %dma_wait3A_99] : memref<10000x128xf32, #tpu.memory_space<vmem_shared>> -> memref<64x128xf32, #tpu.memory_space<vmem_shared>>
        %dma_wait3A_101 = arith.constant 0 : i32
        %dma_wait3A_102 = arith.constant 0 : i32
        %dma_wait3A_103 = tpu.memref_slice %arg8[%run_scoped3A_75, %dma_wait3A_101, %dma_wait3A_102] : memref<2x64x128xf32, #tpu.memory_space<vmem>> -> memref<1x64x128xf32, #tpu.memory_space<vmem>>
        %dma_wait3A_104 = tpu.memref_squeeze %dma_wait3A_103 : memref<1x64x128xf32, #tpu.memory_space<vmem>> -> memref<64x128xf32, #tpu.memory_space<vmem>>
        tpu.wait_dma2 semaphore(%run_scoped3A_77 : memref<!tpu.dma_semaphore, #tpu.memory_space<semaphore_mem>>) src(%dma_wait3A_104 : memref<64x128xf32, #tpu.memory_space<vmem>>) dst(%dma_wait3A_100 : memref<64x128xf32, #tpu.memory_space<vmem_shared>>)
        tpu.yield
      }) : () -> ()
      %run_scoped3A_76 = arith.constant 0 : i32
      "tpu.region"() ({
        %run_scoped3A_77 = tpu.sem_alloc : memref<!tpu.dma_semaphore, #tpu.memory_space<semaphore_mem>>
        %dma_start3A = arith.constant 0 : i32
        %dma_start3A_78 = arith.constant 0 : i32
        %dma_start3A_79 = tpu.memref_slice %arg8[%run_scoped3A_76, %dma_start3A, %dma_start3A_78] : memref<2x64x128xf32, #tpu.memory_space<vmem>> -> memref<1x64x128xf32, #tpu.memory_space<vmem>>
        %dma_start3A_80 = tpu.memref_squeeze %dma_start3A_79 : memref<1x64x128xf32, #tpu.memory_space<vmem>> -> memref<64x128xf32, #tpu.memory_space<vmem>>
        %dma_start3A_81 = arith.constant 9936 : i32
        %dma_start3A_82 = arith.constant 0 : i32
        %dma_start3A_83 = tpu.memref_slice %arg13[%dma_start3A_81, %dma_start3A_82] : memref<10000x128xf32, #tpu.memory_space<vmem_shared>> -> memref<64x128xf32, #tpu.memory_space<vmem_shared>>
        %dma_start3A_84 = arith.constant 9936 : i32
        %dma_start3A_85 = arith.constant 0 : i32
        %dma_start3A_86 = tpu.memref_slice %arg13[%dma_start3A_84, %dma_start3A_85] : memref<10000x128xf32, #tpu.memory_space<vmem_shared>> -> memref<64x128xf32, #tpu.memory_space<vmem_shared>>
        %dma_start3A_87 = arith.constant 0 : i32
        %dma_start3A_88 = arith.constant 0 : i32
        %dma_start3A_89 = tpu.memref_slice %arg8[%run_scoped3A_76, %dma_start3A_87, %dma_start3A_88] : memref<2x64x128xf32, #tpu.memory_space<vmem>> -> memref<1x64x128xf32, #tpu.memory_space<vmem>>
        %dma_start3A_90 = tpu.memref_squeeze %dma_start3A_89 : memref<1x64x128xf32, #tpu.memory_space<vmem>> -> memref<64x128xf32, #tpu.memory_space<vmem>>
        tpu.enqueue_dma source(%dma_start3A_90 : memref<64x128xf32, #tpu.memory_space<vmem>>) target(%dma_start3A_86 : memref<64x128xf32, #tpu.memory_space<vmem_shared>>) target_semaphore(%run_scoped3A_77 : memref<!tpu.dma_semaphore, #tpu.memory_space<semaphore_mem>>)
        %dma_wait3A_91 = arith.constant 0 : i32
        %dma_wait3A_92 = arith.constant 0 : i32
        %dma_wait3A_93 = tpu.memref_slice %arg8[%run_scoped3A_76, %dma_wait3A_91, %dma_wait3A_92] : memref<2x64x128xf32, #tpu.memory_space<vmem>> -> memref<1x64x128xf32, #tpu.memory_space<vmem>>
        %dma_wait3A_94 = tpu.memref_squeeze %dma_wait3A_93 : memref<1x64x128xf32, #tpu.memory_space<vmem>> -> memref<64x128xf32, #tpu.memory_space<vmem>>
        %dma_wait3A_95 = arith.constant 9936 : i32
        %dma_wait3A_96 = arith.constant 0 : i32
        %dma_wait3A_97 = tpu.memref_slice %arg13[%dma_wait3A_95, %dma_wait3A_96] : memref<10000x128xf32, #tpu.memory_space<vmem_shared>> -> memref<64x128xf32, #tpu.memory_space<vmem_shared>>
        %dma_wait3A_98 = arith.constant 9936 : i32
        %dma_wait3A_99 = arith.constant 0 : i32
        %dma_wait3A_100 = tpu.memref_slice %arg13[%dma_wait3A_98, %dma_wait3A_99] : memref<10000x128xf32, #tpu.memory_space<vmem_shared>> -> memref<64x128xf32, #tpu.memory_space<vmem_shared>>
        %dma_wait3A_101 = arith.constant 0 : i32
        %dma_wait3A_102 = arith.constant 0 : i32
        %dma_wait3A_103 = tpu.memref_slice %arg8[%run_scoped3A_76, %dma_wait3A_101, %dma_wait3A_102] : memref<2x64x128xf32, #tpu.memory_space<vmem>> -> memref<1x64x128xf32, #tpu.memory_space<vmem>>
        %dma_wait3A_104 = tpu.memref_squeeze %dma_wait3A_103 : memref<1x64x128xf32, #tpu.memory_space<vmem>> -> memref<64x128xf32, #tpu.memory_space<vmem>>
        tpu.wait_dma2 semaphore(%run_scoped3A_77 : memref<!tpu.dma_semaphore, #tpu.memory_space<semaphore_mem>>) src(%dma_wait3A_104 : memref<64x128xf32, #tpu.memory_space<vmem>>) dst(%dma_wait3A_100 : memref<64x128xf32, #tpu.memory_space<vmem_shared>>)
        tpu.yield
      }) : () -> ()
    } else {
    }
    %barrier3A = arith.constant 0 : index
    tpu.barrier barrier_id(%barrier3A)
    %add3A_13 = arith.constant 0 : i32
    %add3A_14 = arith.addi %add3A, %add3A_13 : i32
    %lt3A_15 = arith.constant 5000 : i32
    %lt3A_16 = arith.cmpi slt, %add3A_14, %lt3A_15 : i32
    %convert_element_type3A_17 = arith.extui %lt3A_16 : i1 to i32
    %cond3A_18 = arith.constant 0 : i32
    %cond3A_19 = arith.cmpi ne, %convert_element_type3A_17, %cond3A_18 : i32
    scf.if %cond3A_19 {
      %add3A_68 = arith.constant 0 : i32
      %add3A_69 = arith.addi %add3A, %add3A_68 : i32
      %mul3A_70 = arith.constant 64 : i32
      %mul3A_71 = arith.muli %add3A_69, %mul3A_70 : i32
      %mul3A_72 = arith.constant 32 : i32
      %mul3A_73 = arith.muli %add3A_69, %mul3A_72 : i32
      %mul3A_74 = arith.constant 64 : i32
      %mul3A_75 = arith.muli %add3A_69, %mul3A_74 : i32
      %dma_start3A = arith.constant 0 : i32
      %dma_start3A_76 = arith.constant 0 : i32
      %dma_start3A_77 = arith.constant 0 : i32
      %dma_start3A_78 = tpu.memref_slice %arg7[%dma_start3A, %dma_start3A_76, %dma_start3A_77] : memref<2x64x128xf32, #tpu.memory_space<vmem>> -> memref<1x64x128xf32, #tpu.memory_space<vmem>>
      %dma_start3A_79 = tpu.memref_squeeze %dma_start3A_78 : memref<1x64x128xf32, #tpu.memory_space<vmem>> -> memref<64x128xf32, #tpu.memory_space<vmem>>
      %dma_start3A_80 = arith.constant 0 : i32
      %dma_start3A_81 = tpu.memref_slice %arg2[%mul3A_71, %dma_start3A_80] : memref<320000x128xf32, #tpu.memory_space<hbm>> -> memref<64x128xf32, #tpu.memory_space<hbm>>
      %dma_start3A_82 = arith.constant 0 : i32
      %dma_start3A_83 = arith.constant 0 : i32
      %dma_start3A_84 = tpu.memref_slice %arg7[%dma_start3A, %dma_start3A_82, %dma_start3A_83] : memref<2x64x128xf32, #tpu.memory_space<vmem>> -> memref<1x64x128xf32, #tpu.memory_space<vmem>>
      %dma_start3A_85 = tpu.memref_squeeze %dma_start3A_84 : memref<1x64x128xf32, #tpu.memory_space<vmem>> -> memref<64x128xf32, #tpu.memory_space<vmem>>
      %dma_start3A_86 = arith.constant 0 : i32
      %dma_start3A_87 = tpu.memref_slice %arg2[%mul3A_71, %dma_start3A_86] : memref<320000x128xf32, #tpu.memory_space<hbm>> -> memref<64x128xf32, #tpu.memory_space<hbm>>
      tpu.enqueue_dma source(%dma_start3A_87 : memref<64x128xf32, #tpu.memory_space<hbm>>) target(%dma_start3A_85 : memref<64x128xf32, #tpu.memory_space<vmem>>) target_semaphore(%arg14 : memref<!tpu.dma_semaphore, #tpu.memory_space<semaphore_mem>>)
      %dma_start3A_88 = arith.constant 0 : i32
      %dma_start3A_89 = arith.constant 0 : i32
      %dma_start3A_90 = arith.constant 0 : i32
      %dma_start3A_91 = tpu.memref_slice %arg9[%dma_start3A_88, %dma_start3A_89, %dma_start3A_90] : memref<2x32x16xf32, #tpu.memory_space<vmem>> -> memref<1x32x16xf32, #tpu.memory_space<vmem>>
      %dma_start3A_92 = tpu.memref_squeeze %dma_start3A_91 : memref<1x32x16xf32, #tpu.memory_space<vmem>> -> memref<32x16xf32, #tpu.memory_space<vmem>>
      %dma_start3A_93 = arith.constant 0 : i32
      %dma_start3A_94 = tpu.memref_slice %arg3[%mul3A_73, %dma_start3A_93] : memref<160000x16xf32, #tpu.memory_space<hbm>> -> memref<32x16xf32, #tpu.memory_space<hbm>>
      %dma_start3A_95 = arith.constant 0 : i32
      %dma_start3A_96 = arith.constant 0 : i32
      %dma_start3A_97 = tpu.memref_slice %arg9[%dma_start3A_88, %dma_start3A_95, %dma_start3A_96] : memref<2x32x16xf32, #tpu.memory_space<vmem>> -> memref<1x32x16xf32, #tpu.memory_space<vmem>>
      %dma_start3A_98 = tpu.memref_squeeze %dma_start3A_97 : memref<1x32x16xf32, #tpu.memory_space<vmem>> -> memref<32x16xf32, #tpu.memory_space<vmem>>
      %dma_start3A_99 = arith.constant 0 : i32
      %dma_start3A_100 = tpu.memref_slice %arg3[%mul3A_73, %dma_start3A_99] : memref<160000x16xf32, #tpu.memory_space<hbm>> -> memref<32x16xf32, #tpu.memory_space<hbm>>
      tpu.enqueue_dma source(%dma_start3A_100 : memref<32x16xf32, #tpu.memory_space<hbm>>) target(%dma_start3A_98 : memref<32x16xf32, #tpu.memory_space<vmem>>) target_semaphore(%arg14 : memref<!tpu.dma_semaphore, #tpu.memory_space<semaphore_mem>>)
      %dma_start3A_101 = arith.constant 0 : i32
      %dma_start3A_102 = arith.constant 0 : i32
      %dma_start3A_103 = tpu.memref_slice %arg10[%dma_start3A_101, %dma_start3A_102] : memref<2x64xi32, #tpu.memory_space<vmem>> -> memref<1x64xi32, #tpu.memory_space<vmem>>
      %dma_start3A_104 = tpu.memref_squeeze %dma_start3A_103 : memref<1x64xi32, #tpu.memory_space<vmem>> -> memref<64xi32, #tpu.memory_space<vmem>>
      %dma_start3A_105 = tpu.memref_slice %arg4[%mul3A_75] : memref<320000xi32, #tpu.memory_space<hbm>> -> memref<64xi32, #tpu.memory_space<hbm>>
      %dma_start3A_106 = arith.constant 0 : i32
      %dma_start3A_107 = tpu.memref_slice %arg10[%dma_start3A_101, %dma_start3A_106] : memref<2x64xi32, #tpu.memory_space<vmem>> -> memref<1x64xi32, #tpu.memory_space<vmem>>
      %dma_start3A_108 = tpu.memref_squeeze %dma_start3A_107 : memref<1x64xi32, #tpu.memory_space<vmem>> -> memref<64xi32, #tpu.memory_space<vmem>>
      %dma_start3A_109 = tpu.memref_slice %arg4[%mul3A_75] : memref<320000xi32, #tpu.memory_space<hbm>> -> memref<64xi32, #tpu.memory_space<hbm>>
      tpu.enqueue_dma source(%dma_start3A_109 : memref<64xi32, #tpu.memory_space<hbm>>) target(%dma_start3A_108 : memref<64xi32, #tpu.memory_space<vmem>>) target_semaphore(%arg14 : memref<!tpu.dma_semaphore, #tpu.memory_space<semaphore_mem>>)
    } else {
    }
    %add3A_20 = arith.constant 32 : i32
    %add3A_21 = arith.addi %add3A, %add3A_20 : i32
    %lt3A_22 = arith.constant 5000 : i32
    %lt3A_23 = arith.cmpi slt, %add3A_21, %lt3A_22 : i32
    %convert_element_type3A_24 = arith.extui %lt3A_23 : i1 to i32
    %cond3A_25 = arith.constant 0 : i32
    %cond3A_26 = arith.cmpi ne, %convert_element_type3A_24, %cond3A_25 : i32
    scf.if %cond3A_26 {
      %add3A_68 = arith.constant 32 : i32
      %add3A_69 = arith.addi %add3A, %add3A_68 : i32
      %mul3A_70 = arith.constant 64 : i32
      %mul3A_71 = arith.muli %add3A_69, %mul3A_70 : i32
      %mul3A_72 = arith.constant 32 : i32
      %mul3A_73 = arith.muli %add3A_69, %mul3A_72 : i32
      %mul3A_74 = arith.constant 64 : i32
      %mul3A_75 = arith.muli %add3A_69, %mul3A_74 : i32
      %dma_start3A = arith.constant 1 : i32
      %dma_start3A_76 = arith.constant 0 : i32
      %dma_start3A_77 = arith.constant 0 : i32
      %dma_start3A_78 = tpu.memref_slice %arg7[%dma_start3A, %dma_start3A_76, %dma_start3A_77] : memref<2x64x128xf32, #tpu.memory_space<vmem>> -> memref<1x64x128xf32, #tpu.memory_space<vmem>>
      %dma_start3A_79 = tpu.memref_squeeze %dma_start3A_78 : memref<1x64x128xf32, #tpu.memory_space<vmem>> -> memref<64x128xf32, #tpu.memory_space<vmem>>
      %dma_start3A_80 = arith.constant 0 : i32
      %dma_start3A_81 = tpu.memref_slice %arg2[%mul3A_71, %dma_start3A_80] : memref<320000x128xf32, #tpu.memory_space<hbm>> -> memref<64x128xf32, #tpu.memory_space<hbm>>
      %dma_start3A_82 = arith.constant 0 : i32
      %dma_start3A_83 = arith.constant 0 : i32
      %dma_start3A_84 = tpu.memref_slice %arg7[%dma_start3A, %dma_start3A_82, %dma_start3A_83] : memref<2x64x128xf32, #tpu.memory_space<vmem>> -> memref<1x64x128xf32, #tpu.memory_space<vmem>>
      %dma_start3A_85 = tpu.memref_squeeze %dma_start3A_84 : memref<1x64x128xf32, #tpu.memory_space<vmem>> -> memref<64x128xf32, #tpu.memory_space<vmem>>
      %dma_start3A_86 = arith.constant 0 : i32
      %dma_start3A_87 = tpu.memref_slice %arg2[%mul3A_71, %dma_start3A_86] : memref<320000x128xf32, #tpu.memory_space<hbm>> -> memref<64x128xf32, #tpu.memory_space<hbm>>
      tpu.enqueue_dma source(%dma_start3A_87 : memref<64x128xf32, #tpu.memory_space<hbm>>) target(%dma_start3A_85 : memref<64x128xf32, #tpu.memory_space<vmem>>) target_semaphore(%arg15 : memref<!tpu.dma_semaphore, #tpu.memory_space<semaphore_mem>>)
      %dma_start3A_88 = arith.constant 1 : i32
      %dma_start3A_89 = arith.constant 0 : i32
      %dma_start3A_90 = arith.constant 0 : i32
      %dma_start3A_91 = tpu.memref_slice %arg9[%dma_start3A_88, %dma_start3A_89, %dma_start3A_90] : memref<2x32x16xf32, #tpu.memory_space<vmem>> -> memref<1x32x16xf32, #tpu.memory_space<vmem>>
      %dma_start3A_92 = tpu.memref_squeeze %dma_start3A_91 : memref<1x32x16xf32, #tpu.memory_space<vmem>> -> memref<32x16xf32, #tpu.memory_space<vmem>>
      %dma_start3A_93 = arith.constant 0 : i32
      %dma_start3A_94 = tpu.memref_slice %arg3[%mul3A_73, %dma_start3A_93] : memref<160000x16xf32, #tpu.memory_space<hbm>> -> memref<32x16xf32, #tpu.memory_space<hbm>>
      %dma_start3A_95 = arith.constant 0 : i32
      %dma_start3A_96 = arith.constant 0 : i32
      %dma_start3A_97 = tpu.memref_slice %arg9[%dma_start3A_88, %dma_start3A_95, %dma_start3A_96] : memref<2x32x16xf32, #tpu.memory_space<vmem>> -> memref<1x32x16xf32, #tpu.memory_space<vmem>>
      %dma_start3A_98 = tpu.memref_squeeze %dma_start3A_97 : memref<1x32x16xf32, #tpu.memory_space<vmem>> -> memref<32x16xf32, #tpu.memory_space<vmem>>
      %dma_start3A_99 = arith.constant 0 : i32
      %dma_start3A_100 = tpu.memref_slice %arg3[%mul3A_73, %dma_start3A_99] : memref<160000x16xf32, #tpu.memory_space<hbm>> -> memref<32x16xf32, #tpu.memory_space<hbm>>
      tpu.enqueue_dma source(%dma_start3A_100 : memref<32x16xf32, #tpu.memory_space<hbm>>) target(%dma_start3A_98 : memref<32x16xf32, #tpu.memory_space<vmem>>) target_semaphore(%arg15 : memref<!tpu.dma_semaphore, #tpu.memory_space<semaphore_mem>>)
      %dma_start3A_101 = arith.constant 1 : i32
      %dma_start3A_102 = arith.constant 0 : i32
      %dma_start3A_103 = tpu.memref_slice %arg10[%dma_start3A_101, %dma_start3A_102] : memref<2x64xi32, #tpu.memory_space<vmem>> -> memref<1x64xi32, #tpu.memory_space<vmem>>
      %dma_start3A_104 = tpu.memref_squeeze %dma_start3A_103 : memref<1x64xi32, #tpu.memory_space<vmem>> -> memref<64xi32, #tpu.memory_space<vmem>>
      %dma_start3A_105 = tpu.memref_slice %arg4[%mul3A_75] : memref<320000xi32, #tpu.memory_space<hbm>> -> memref<64xi32, #tpu.memory_space<hbm>>
      %dma_start3A_106 = arith.constant 0 : i32
      %dma_start3A_107 = tpu.memref_slice %arg10[%dma_start3A_101, %dma_start3A_106] : memref<2x64xi32, #tpu.memory_space<vmem>> -> memref<1x64xi32, #tpu.memory_space<vmem>>
      %dma_start3A_108 = tpu.memref_squeeze %dma_start3A_107 : memref<1x64xi32, #tpu.memory_space<vmem>> -> memref<64xi32, #tpu.memory_space<vmem>>
      %dma_start3A_109 = tpu.memref_slice %arg4[%mul3A_75] : memref<320000xi32, #tpu.memory_space<hbm>> -> memref<64xi32, #tpu.memory_space<hbm>>
      tpu.enqueue_dma source(%dma_start3A_109 : memref<64xi32, #tpu.memory_space<hbm>>) target(%dma_start3A_108 : memref<64xi32, #tpu.memory_space<vmem>>) target_semaphore(%arg15 : memref<!tpu.dma_semaphore, #tpu.memory_space<semaphore_mem>>)
    } else {
    }
    %scan3A_27 = arith.constant 0 : i32
    %scan3A_28 = arith.constant 0 : i32
    %scan3A_29 = arith.constant 79 : i32
    %scan3A_30 = arith.addi %scan3A_28, %scan3A_29 : i32
    %scan3A_31 = arith.constant 1 : i32
    %scan3A_32 = scf.for %scan3A_68 = %scan3A_28 to %scan3A_30 step %scan3A_31 iter_args(%scan3A_69 = %scan3A_27) -> (i32)  : i32 {
      %mul3A_70 = arith.constant 2 : i32
      %mul3A_71 = arith.muli %mul3A_70, %scan3A_68 : i32
      %add3A_72 = arith.constant 0 : i32
      %add3A_73 = arith.addi %mul3A_71, %add3A_72 : i32
      %mul3A_74 = arith.constant 32 : i32
      %mul3A_75 = arith.muli %add3A_73, %mul3A_74 : i32
      %add3A_76 = arith.addi %add3A, %mul3A_75 : i32
      %lt3A_77 = arith.constant 5000 : i32
      %lt3A_78 = arith.cmpi slt, %add3A_76, %lt3A_77 : i32
      %convert_element_type3A_79 = arith.extui %lt3A_78 : i1 to i32
      %cond3A_80 = arith.constant 0 : i32
      %cond3A_81 = arith.cmpi ne, %convert_element_type3A_79, %cond3A_80 : i32
      scf.if %cond3A_81 {
        %mul3A_95 = arith.constant 32 : i32
        %mul3A_96 = arith.muli %add3A_73, %mul3A_95 : i32
        %add3A_97 = arith.addi %add3A, %mul3A_96 : i32
        %mul3A_98 = arith.constant 64 : i32
        %mul3A_99 = arith.muli %add3A_97, %mul3A_98 : i32
        %mul3A_100 = arith.constant 32 : i32
        %mul3A_101 = arith.muli %add3A_97, %mul3A_100 : i32
        %mul3A_102 = arith.constant 64 : i32
        %mul3A_103 = arith.muli %add3A_97, %mul3A_102 : i32
        %dma_wait3A_104 = arith.constant 0 : i32
        %dma_wait3A_105 = arith.constant 0 : i32
        %dma_wait3A_106 = arith.constant 0 : i32
        %dma_wait3A_107 = tpu.memref_slice %arg7[%dma_wait3A_104, %dma_wait3A_105, %dma_wait3A_106] : memref<2x64x128xf32, #tpu.memory_space<vmem>> -> memref<1x64x128xf32, #tpu.memory_space<vmem>>
        %dma_wait3A_108 = tpu.memref_squeeze %dma_wait3A_107 : memref<1x64x128xf32, #tpu.memory_space<vmem>> -> memref<64x128xf32, #tpu.memory_space<vmem>>
        %dma_wait3A_109 = arith.constant 0 : i32
        %dma_wait3A_110 = tpu.memref_slice %arg2[%mul3A_99, %dma_wait3A_109] : memref<320000x128xf32, #tpu.memory_space<hbm>> -> memref<64x128xf32, #tpu.memory_space<hbm>>
        %dma_wait3A_111 = arith.constant 0 : i32
        %dma_wait3A_112 = arith.constant 0 : i32
        %dma_wait3A_113 = tpu.memref_slice %arg7[%dma_wait3A_104, %dma_wait3A_111, %dma_wait3A_112] : memref<2x64x128xf32, #tpu.memory_space<vmem>> -> memref<1x64x128xf32, #tpu.memory_space<vmem>>
        %dma_wait3A_114 = tpu.memref_squeeze %dma_wait3A_113 : memref<1x64x128xf32, #tpu.memory_space<vmem>> -> memref<64x128xf32, #tpu.memory_space<vmem>>
        %dma_wait3A_115 = arith.constant 0 : i32
        %dma_wait3A_116 = tpu.memref_slice %arg2[%mul3A_99, %dma_wait3A_115] : memref<320000x128xf32, #tpu.memory_space<hbm>> -> memref<64x128xf32, #tpu.memory_space<hbm>>
        tpu.wait_dma2 semaphore(%arg14 : memref<!tpu.dma_semaphore, #tpu.memory_space<semaphore_mem>>) src(%dma_wait3A_116 : memref<64x128xf32, #tpu.memory_space<hbm>>) dst(%dma_wait3A_114 : memref<64x128xf32, #tpu.memory_space<vmem>>)
        %dma_wait3A_117 = arith.constant 0 : i32
        %dma_wait3A_118 = arith.constant 0 : i32
        %dma_wait3A_119 = arith.constant 0 : i32
        %dma_wait3A_120 = tpu.memref_slice %arg9[%dma_wait3A_117, %dma_wait3A_118, %dma_wait3A_119] : memref<2x32x16xf32, #tpu.memory_space<vmem>> -> memref<1x32x16xf32, #tpu.memory_space<vmem>>
        %dma_wait3A_121 = tpu.memref_squeeze %dma_wait3A_120 : memref<1x32x16xf32, #tpu.memory_space<vmem>> -> memref<32x16xf32, #tpu.memory_space<vmem>>
        %dma_wait3A_122 = arith.constant 0 : i32
        %dma_wait3A_123 = tpu.memref_slice %arg3[%mul3A_101, %dma_wait3A_122] : memref<160000x16xf32, #tpu.memory_space<hbm>> -> memref<32x16xf32, #tpu.memory_space<hbm>>
        %dma_wait3A_124 = arith.constant 0 : i32
        %dma_wait3A_125 = arith.constant 0 : i32
        %dma_wait3A_126 = tpu.memref_slice %arg9[%dma_wait3A_117, %dma_wait3A_124, %dma_wait3A_125] : memref<2x32x16xf32, #tpu.memory_space<vmem>> -> memref<1x32x16xf32, #tpu.memory_space<vmem>>
        %dma_wait3A_127 = tpu.memref_squeeze %dma_wait3A_126 : memref<1x32x16xf32, #tpu.memory_space<vmem>> -> memref<32x16xf32, #tpu.memory_space<vmem>>
        %dma_wait3A_128 = arith.constant 0 : i32
        %dma_wait3A_129 = tpu.memref_slice %arg3[%mul3A_101, %dma_wait3A_128] : memref<160000x16xf32, #tpu.memory_space<hbm>> -> memref<32x16xf32, #tpu.memory_space<hbm>>
        tpu.wait_dma2 semaphore(%arg14 : memref<!tpu.dma_semaphore, #tpu.memory_space<semaphore_mem>>) src(%dma_wait3A_129 : memref<32x16xf32, #tpu.memory_space<hbm>>) dst(%dma_wait3A_127 : memref<32x16xf32, #tpu.memory_space<vmem>>)
        %dma_wait3A_130 = arith.constant 0 : i32
        %dma_wait3A_131 = arith.constant 0 : i32
        %dma_wait3A_132 = tpu.memref_slice %arg10[%dma_wait3A_130, %dma_wait3A_131] : memref<2x64xi32, #tpu.memory_space<vmem>> -> memref<1x64xi32, #tpu.memory_space<vmem>>
        %dma_wait3A_133 = tpu.memref_squeeze %dma_wait3A_132 : memref<1x64xi32, #tpu.memory_space<vmem>> -> memref<64xi32, #tpu.memory_space<vmem>>
        %dma_wait3A_134 = tpu.memref_slice %arg4[%mul3A_103] : memref<320000xi32, #tpu.memory_space<hbm>> -> memref<64xi32, #tpu.memory_space<hbm>>
        %dma_wait3A_135 = arith.constant 0 : i32
        %dma_wait3A_136 = tpu.memref_slice %arg10[%dma_wait3A_130, %dma_wait3A_135] : memref<2x64xi32, #tpu.memory_space<vmem>> -> memref<1x64xi32, #tpu.memory_space<vmem>>
        %dma_wait3A_137 = tpu.memref_squeeze %dma_wait3A_136 : memref<1x64xi32, #tpu.memory_space<vmem>> -> memref<64xi32, #tpu.memory_space<vmem>>
        %dma_wait3A_138 = tpu.memref_slice %arg4[%mul3A_103] : memref<320000xi32, #tpu.memory_space<hbm>> -> memref<64xi32, #tpu.memory_space<hbm>>
        tpu.wait_dma2 semaphore(%arg14 : memref<!tpu.dma_semaphore, #tpu.memory_space<semaphore_mem>>) src(%dma_wait3A_138 : memref<64xi32, #tpu.memory_space<hbm>>) dst(%dma_wait3A_137 : memref<64xi32, #tpu.memory_space<vmem>>)
        %ge3A = arith.constant 2 : i32
        %ge3A_139 = arith.cmpi sge, %add3A_73, %ge3A : i32
        %convert_element_type3A_140 = arith.extui %ge3A_139 : i1 to i32
        %cond3A_141 = arith.constant 0 : i32
        %cond3A_142 = arith.cmpi ne, %convert_element_type3A_140, %cond3A_141 : i32
        scf.if %cond3A_142 {
          %dma_wait3A_213 = arith.constant 0 : i32
          %dma_wait3A_214 = arith.constant 0 : i32
          %dma_wait3A_215 = arith.constant 0 : i32
          %dma_wait3A_216 = arith.constant 0 : i32
          %dma_wait3A_217 = tpu.memref_slice %arg8[%dma_wait3A_213, %dma_wait3A_215, %dma_wait3A_216] : memref<2x64x128xf32, #tpu.memory_space<vmem>> -> memref<1x64x128xf32, #tpu.memory_space<vmem>>
          %dma_wait3A_218 = tpu.memref_squeeze %dma_wait3A_217 : memref<1x64x128xf32, #tpu.memory_space<vmem>> -> memref<64x128xf32, #tpu.memory_space<vmem>>
          %dma_wait3A_219 = arith.constant 0 : i32
          %dma_wait3A_220 = tpu.memref_slice %arg11[%dma_wait3A_214, %dma_wait3A_219] : memref<2x64xi32, #tpu.memory_space<vmem>> -> memref<1x64xi32, #tpu.memory_space<vmem>>
          %dma_wait3A_221 = tpu.memref_squeeze %dma_wait3A_220 : memref<1x64xi32, #tpu.memory_space<vmem>> -> memref<64xi32, #tpu.memory_space<vmem>>
          %dma_wait3A_222 = arith.constant 0 : i32
          %dma_wait3A_223 = arith.constant 0 : i32
          %dma_wait3A_224 = tpu.memref_slice %arg13[%dma_wait3A_222, %dma_wait3A_223] : memref<10000x128xf32, #tpu.memory_space<vmem_shared>> -> memref<10000x128xf32, #tpu.memory_space<vmem_shared>>
          tpu.wait_indirect_dma semaphore(%arg16 : memref<!tpu.dma_semaphore, #tpu.memory_space<semaphore_mem>>) src(%dma_wait3A_218 : memref<64x128xf32, #tpu.memory_space<vmem>>) dst(%dma_wait3A_224 : memref<10000x128xf32, #tpu.memory_space<vmem_shared>>)
        } else {
        }
        %scan3A_143 = arith.constant 0 : i32
        %scan3A_144 = arith.constant 0 : i32
        %scan3A_145 = arith.constant 16 : i32
        %scan3A_146 = arith.addi %scan3A_144, %scan3A_145 : i32
        %scan3A_147 = arith.constant 1 : i32
        %scan3A_148 = scf.for %scan3A_213 = %scan3A_144 to %scan3A_146 step %scan3A_147 iter_args(%scan3A_214 = %scan3A_143) -> (i32)  : i32 {
          %mul3A_215 = arith.constant 2 : i32
          %mul3A_216 = arith.muli %mul3A_215, %scan3A_213 : i32
          %get3A_217 = arith.constant 0 : i32
          %get3A_218 = arith.index_cast %get3A_217 : i32 to index
          %get3A_219 = arith.index_cast %mul3A_216 : i32 to index
          %get3A_220 = arith.constant 0 : index
          %get3A_221 = tpu.vector_load %arg9[%get3A_218, %get3A_219, %get3A_220] {strides = array<i32>} : memref<2x32x16xf32, #tpu.memory_space<vmem>>, vector<1x1x16xf32>,
          %get3A_222 = vector.shape_cast %get3A_221 : vector<1x1x16xf32> to vector<16xf32>
          %mul3A_223 = arith.constant 2 : i32
          %mul3A_224 = arith.muli %mul3A_223, %scan3A_213 : i32
          %add3A_225 = arith.constant 1 : i32
          %add3A_226 = arith.addi %mul3A_224, %add3A_225 : i32
          %get3A_227 = arith.constant 0 : i32
          %get3A_228 = arith.index_cast %get3A_227 : i32 to index
          %get3A_229 = arith.index_cast %add3A_226 : i32 to index
          %get3A_230 = arith.constant 0 : index
          %get3A_231 = tpu.vector_load %arg9[%get3A_228, %get3A_229, %get3A_230] {strides = array<i32>} : memref<2x32x16xf32, #tpu.memory_space<vmem>>, vector<1x1x16xf32>,
          %get3A_232 = vector.shape_cast %get3A_231 : vector<1x1x16xf32> to vector<16xf32>
          %broadcast_in_dim3A = arith.constant 0 : i32
          %broadcast_in_dim3A_233 = vector.broadcast %broadcast_in_dim3A : i32 to vector<16x1xi32>
          %gather3A = vector.shape_cast %broadcast_in_dim3A_233 : vector<16x1xi32> to vector<16xi32>
          %gather3A_234 = tpu.dynamic_gather %get3A_222[%gather3A] in [0] : vector<16xf32>, vector<16xi32> -> vector<16xf32>
          %broadcast_in_dim3A_235 = arith.constant 1 : i32
          %broadcast_in_dim3A_236 = vector.broadcast %broadcast_in_dim3A_235 : i32 to vector<16x1xi32>
          %gather3A_237 = vector.shape_cast %broadcast_in_dim3A_236 : vector<16x1xi32> to vector<16xi32>
          %gather3A_238 = tpu.dynamic_gather %get3A_222[%gather3A_237] in [0] : vector<16xf32>, vector<16xi32> -> vector<16xf32>
          %broadcast_in_dim3A_239 = arith.constant 2 : i32
          %broadcast_in_dim3A_240 = vector.broadcast %broadcast_in_dim3A_239 : i32 to vector<16x1xi32>
          %gather3A_241 = vector.shape_cast %broadcast_in_dim3A_240 : vector<16x1xi32> to vector<16xi32>
          %gather3A_242 = tpu.dynamic_gather %get3A_222[%gather3A_241] in [0] : vector<16xf32>, vector<16xi32> -> vector<16xf32>
          %broadcast_in_dim3A_243 = arith.constant 3 : i32
          %broadcast_in_dim3A_244 = vector.broadcast %broadcast_in_dim3A_243 : i32 to vector<16x1xi32>
          %gather3A_245 = vector.shape_cast %broadcast_in_dim3A_244 : vector<16x1xi32> to vector<16xi32>
          %gather3A_246 = tpu.dynamic_gather %get3A_222[%gather3A_245] in [0] : vector<16xf32>, vector<16xi32> -> vector<16xf32>
          %broadcast_in_dim3A_247 = arith.constant 4 : i32
          %broadcast_in_dim3A_248 = vector.broadcast %broadcast_in_dim3A_247 : i32 to vector<16x1xi32>
          %gather3A_249 = vector.shape_cast %broadcast_in_dim3A_248 : vector<16x1xi32> to vector<16xi32>
          %gather3A_250 = tpu.dynamic_gather %get3A_222[%gather3A_249] in [0] : vector<16xf32>, vector<16xi32> -> vector<16xf32>
          %broadcast_in_dim3A_251 = arith.constant 5 : i32
          %broadcast_in_dim3A_252 = vector.broadcast %broadcast_in_dim3A_251 : i32 to vector<16x1xi32>
          %gather3A_253 = vector.shape_cast %broadcast_in_dim3A_252 : vector<16x1xi32> to vector<16xi32>
          %gather3A_254 = tpu.dynamic_gather %get3A_222[%gather3A_253] in [0] : vector<16xf32>, vector<16xi32> -> vector<16xf32>
          %broadcast_in_dim3A_255 = arith.constant 8 : i32
          %broadcast_in_dim3A_256 = vector.broadcast %broadcast_in_dim3A_255 : i32 to vector<16x1xi32>
          %gather3A_257 = vector.shape_cast %broadcast_in_dim3A_256 : vector<16x1xi32> to vector<16xi32>
          %gather3A_258 = tpu.dynamic_gather %get3A_222[%gather3A_257] in [0] : vector<16xf32>, vector<16xi32> -> vector<16xf32>
          %broadcast_in_dim3A_259 = arith.constant 9 : i32
          %broadcast_in_dim3A_260 = vector.broadcast %broadcast_in_dim3A_259 : i32 to vector<16x1xi32>
          %gather3A_261 = vector.shape_cast %broadcast_in_dim3A_260 : vector<16x1xi32> to vector<16xi32>
          %gather3A_262 = tpu.dynamic_gather %get3A_222[%gather3A_261] in [0] : vector<16xf32>, vector<16xi32> -> vector<16xf32>
          %broadcast_in_dim3A_263 = arith.constant 10 : i32
          %broadcast_in_dim3A_264 = vector.broadcast %broadcast_in_dim3A_263 : i32 to vector<16x1xi32>
          %gather3A_265 = vector.shape_cast %broadcast_in_dim3A_264 : vector<16x1xi32> to vector<16xi32>
          %gather3A_266 = tpu.dynamic_gather %get3A_222[%gather3A_265] in [0] : vector<16xf32>, vector<16xi32> -> vector<16xf32>
          %broadcast_in_dim3A_267 = arith.constant 11 : i32
          %broadcast_in_dim3A_268 = vector.broadcast %broadcast_in_dim3A_267 : i32 to vector<16x1xi32>
          %gather3A_269 = vector.shape_cast %broadcast_in_dim3A_268 : vector<16x1xi32> to vector<16xi32>
          %gather3A_270 = tpu.dynamic_gather %get3A_222[%gather3A_269] in [0] : vector<16xf32>, vector<16xi32> -> vector<16xf32>
          %broadcast_in_dim3A_271 = arith.constant 12 : i32
          %broadcast_in_dim3A_272 = vector.broadcast %broadcast_in_dim3A_271 : i32 to vector<16x1xi32>
          %gather3A_273 = vector.shape_cast %broadcast_in_dim3A_272 : vector<16x1xi32> to vector<16xi32>
          %gather3A_274 = tpu.dynamic_gather %get3A_222[%gather3A_273] in [0] : vector<16xf32>, vector<16xi32> -> vector<16xf32>
          %broadcast_in_dim3A_275 = arith.constant 13 : i32
          %broadcast_in_dim3A_276 = vector.broadcast %broadcast_in_dim3A_275 : i32 to vector<16x1xi32>
          %gather3A_277 = vector.shape_cast %broadcast_in_dim3A_276 : vector<16x1xi32> to vector<16xi32>
          %gather3A_278 = tpu.dynamic_gather %get3A_222[%gather3A_277] in [0] : vector<16xf32>, vector<16xi32> -> vector<16xf32>
          %broadcast_in_dim3A_279 = arith.constant 0 : i32
          %broadcast_in_dim3A_280 = vector.broadcast %broadcast_in_dim3A_279 : i32 to vector<16x1xi32>
          %gather3A_281 = vector.shape_cast %broadcast_in_dim3A_280 : vector<16x1xi32> to vector<16xi32>
          %gather3A_282 = tpu.dynamic_gather %get3A_232[%gather3A_281] in [0] : vector<16xf32>, vector<16xi32> -> vector<16xf32>
          %broadcast_in_dim3A_283 = arith.constant 1 : i32
          %broadcast_in_dim3A_284 = vector.broadcast %broadcast_in_dim3A_283 : i32 to vector<16x1xi32>
          %gather3A_285 = vector.shape_cast %broadcast_in_dim3A_284 : vector<16x1xi32> to vector<16xi32>
          %gather3A_286 = tpu.dynamic_gather %get3A_232[%gather3A_285] in [0] : vector<16xf32>, vector<16xi32> -> vector<16xf32>
          %broadcast_in_dim3A_287 = arith.constant 2 : i32
          %broadcast_in_dim3A_288 = vector.broadcast %broadcast_in_dim3A_287 : i32 to vector<16x1xi32>
          %gather3A_289 = vector.shape_cast %broadcast_in_dim3A_288 : vector<16x1xi32> to vector<16xi32>
          %gather3A_290 = tpu.dynamic_gather %get3A_232[%gather3A_289] in [0] : vector<16xf32>, vector<16xi32> -> vector<16xf32>
          %broadcast_in_dim3A_291 = arith.constant 3 : i32
          %broadcast_in_dim3A_292 = vector.broadcast %broadcast_in_dim3A_291 : i32 to vector<16x1xi32>
          %gather3A_293 = vector.shape_cast %broadcast_in_dim3A_292 : vector<16x1xi32> to vector<16xi32>
          %gather3A_294 = tpu.dynamic_gather %get3A_232[%gather3A_293] in [0] : vector<16xf32>, vector<16xi32> -> vector<16xf32>
          %broadcast_in_dim3A_295 = arith.constant 4 : i32
          %broadcast_in_dim3A_296 = vector.broadcast %broadcast_in_dim3A_295 : i32 to vector<16x1xi32>
          %gather3A_297 = vector.shape_cast %broadcast_in_dim3A_296 : vector<16x1xi32> to vector<16xi32>
          %gather3A_298 = tpu.dynamic_gather %get3A_232[%gather3A_297] in [0] : vector<16xf32>, vector<16xi32> -> vector<16xf32>
          %broadcast_in_dim3A_299 = arith.constant 5 : i32
          %broadcast_in_dim3A_300 = vector.broadcast %broadcast_in_dim3A_299 : i32 to vector<16x1xi32>
          %gather3A_301 = vector.shape_cast %broadcast_in_dim3A_300 : vector<16x1xi32> to vector<16xi32>
          %gather3A_302 = tpu.dynamic_gather %get3A_232[%gather3A_301] in [0] : vector<16xf32>, vector<16xi32> -> vector<16xf32>
          %broadcast_in_dim3A_303 = arith.constant 8 : i32
          %broadcast_in_dim3A_304 = vector.broadcast %broadcast_in_dim3A_303 : i32 to vector<16x1xi32>
          %gather3A_305 = vector.shape_cast %broadcast_in_dim3A_304 : vector<16x1xi32> to vector<16xi32>
          %gather3A_306 = tpu.dynamic_gather %get3A_232[%gather3A_305] in [0] : vector<16xf32>, vector<16xi32> -> vector<16xf32>
          %broadcast_in_dim3A_307 = arith.constant 9 : i32
          %broadcast_in_dim3A_308 = vector.broadcast %broadcast_in_dim3A_307 : i32 to vector<16x1xi32>
          %gather3A_309 = vector.shape_cast %broadcast_in_dim3A_308 : vector<16x1xi32> to vector<16xi32>
          %gather3A_310 = tpu.dynamic_gather %get3A_232[%gather3A_309] in [0] : vector<16xf32>, vector<16xi32> -> vector<16xf32>
          %broadcast_in_dim3A_311 = arith.constant 10 : i32
          %broadcast_in_dim3A_312 = vector.broadcast %broadcast_in_dim3A_311 : i32 to vector<16x1xi32>
          %gather3A_313 = vector.shape_cast %broadcast_in_dim3A_312 : vector<16x1xi32> to vector<16xi32>
          %gather3A_314 = tpu.dynamic_gather %get3A_232[%gather3A_313] in [0] : vector<16xf32>, vector<16xi32> -> vector<16xf32>
          %broadcast_in_dim3A_315 = arith.constant 11 : i32
          %broadcast_in_dim3A_316 = vector.broadcast %broadcast_in_dim3A_315 : i32 to vector<16x1xi32>
          %gather3A_317 = vector.shape_cast %broadcast_in_dim3A_316 : vector<16x1xi32> to vector<16xi32>
          %gather3A_318 = tpu.dynamic_gather %get3A_232[%gather3A_317] in [0] : vector<16xf32>, vector<16xi32> -> vector<16xf32>
          %broadcast_in_dim3A_319 = arith.constant 12 : i32
          %broadcast_in_dim3A_320 = vector.broadcast %broadcast_in_dim3A_319 : i32 to vector<16x1xi32>
          %gather3A_321 = vector.shape_cast %broadcast_in_dim3A_320 : vector<16x1xi32> to vector<16xi32>
          %gather3A_322 = tpu.dynamic_gather %get3A_232[%gather3A_321] in [0] : vector<16xf32>, vector<16xi32> -> vector<16xf32>
          %broadcast_in_dim3A_323 = arith.constant 13 : i32
          %broadcast_in_dim3A_324 = vector.broadcast %broadcast_in_dim3A_323 : i32 to vector<16x1xi32>
          %gather3A_325 = vector.shape_cast %broadcast_in_dim3A_324 : vector<16x1xi32> to vector<16xi32>
          %gather3A_326 = tpu.dynamic_gather %get3A_232[%gather3A_325] in [0] : vector<16xf32>, vector<16xi32> -> vector<16xf32>
          %mul3A_327 = arith.constant 4 : i32
          %mul3A_328 = arith.muli %mul3A_327, %scan3A_213 : i32
          %get3A_329 = arith.constant 0 : i32
          %get3A_330 = arith.index_cast %get3A_329 : i32 to index
          %get3A_331 = arith.constant 0 : index
          %get3A_332 = tpu.vector_load %arg12[%get3A_330, %get3A_331] {strides = array<i32>} : memref<8x128xf32, #tpu.memory_space<vmem>>, vector<1x16xf32>,
          %get3A_333 = vector.shape_cast %get3A_332 : vector<1x16xf32> to vector<16xf32>
          %get3A_334 = arith.constant 1 : i32
          %get3A_335 = arith.index_cast %get3A_334 : i32 to index
          %get3A_336 = arith.constant 0 : index
          %get3A_337 = tpu.vector_load %arg12[%get3A_335, %get3A_336] {strides = array<i32>} : memref<8x128xf32, #tpu.memory_space<vmem>>, vector<1x16xf32>,
          %get3A_338 = vector.shape_cast %get3A_337 : vector<1x16xf32> to vector<16xf32>
          %get3A_339 = arith.constant 2 : i32
          %get3A_340 = arith.index_cast %get3A_339 : i32 to index
          %get3A_341 = arith.constant 0 : index
          %get3A_342 = tpu.vector_load %arg12[%get3A_340, %get3A_341] {strides = array<i32>} : memref<8x128xf32, #tpu.memory_space<vmem>>, vector<1x16xf32>,
          %get3A_343 = vector.shape_cast %get3A_342 : vector<1x16xf32> to vector<16xf32>
          %get3A_344 = arith.constant 3 : i32
          %get3A_345 = arith.index_cast %get3A_344 : i32 to index
          %get3A_346 = arith.constant 0 : index
          %get3A_347 = tpu.vector_load %arg12[%get3A_345, %get3A_346] {strides = array<i32>} : memref<8x128xf32, #tpu.memory_space<vmem>>, vector<1x16xf32>,
          %get3A_348 = vector.shape_cast %get3A_347 : vector<1x16xf32> to vector<16xf32>
          %get3A_349 = arith.constant 4 : i32
          %get3A_350 = arith.index_cast %get3A_349 : i32 to index
          %get3A_351 = arith.constant 0 : index
          %get3A_352 = tpu.vector_load %arg12[%get3A_350, %get3A_351] {strides = array<i32>} : memref<8x128xf32, #tpu.memory_space<vmem>>, vector<1x16xf32>,
          %get3A_353 = vector.shape_cast %get3A_352 : vector<1x16xf32> to vector<16xf32>
          %get3A_354 = arith.constant 5 : i32
          %get3A_355 = arith.index_cast %get3A_354 : i32 to index
          %get3A_356 = arith.constant 0 : index
          %get3A_357 = tpu.vector_load %arg12[%get3A_355, %get3A_356] {strides = array<i32>} : memref<8x128xf32, #tpu.memory_space<vmem>>, vector<1x16xf32>,
          %get3A_358 = vector.shape_cast %get3A_357 : vector<1x16xf32> to vector<16xf32>
          %mul3A_359 = arith.mulf %gather3A_234, %get3A_333 : vector<16xf32>
          %mul3A_360 = arith.mulf %gather3A_238, %get3A_338 : vector<16xf32>
          %add3A_361 = arith.addf %mul3A_359, %mul3A_360 : vector<16xf32>
          %mul3A_362 = arith.mulf %gather3A_242, %get3A_343 : vector<16xf32>
          %add3A_363 = arith.addf %add3A_361, %mul3A_362 : vector<16xf32>
          %mul3A_364 = arith.mulf %gather3A_246, %get3A_348 : vector<16xf32>
          %add3A_365 = arith.addf %add3A_363, %mul3A_364 : vector<16xf32>
          %mul3A_366 = arith.mulf %gather3A_250, %get3A_353 : vector<16xf32>
          %add3A_367 = arith.addf %add3A_365, %mul3A_366 : vector<16xf32>
          %mul3A_368 = arith.mulf %gather3A_254, %get3A_358 : vector<16xf32>
          %add3A_369 = arith.addf %add3A_367, %mul3A_368 : vector<16xf32>
          %add3A_370 = arith.constant 0 : i32
          %add3A_371 = arith.addi %mul3A_328, %add3A_370 : i32
          %get3A_372 = arith.constant 0 : i32
          %get3A_373 = arith.index_cast %get3A_372 : i32 to index
          %get3A_374 = arith.index_cast %add3A_371 : i32 to index
          %get3A_375 = arith.constant 0 : index
          %get3A_376 = tpu.vector_load %arg7[%get3A_373, %get3A_374, %get3A_375] {strides = array<i32>} : memref<2x64x128xf32, #tpu.memory_space<vmem>>, vector<1x1x16xf32>,
          %get3A_377 = vector.shape_cast %get3A_376 : vector<1x1x16xf32> to vector<16xf32>
          %mul3A_378 = arith.mulf %get3A_377, %add3A_369 : vector<16xf32>
          %add3A_379 = arith.constant 0 : i32
          %add3A_380 = arith.addi %mul3A_328, %add3A_379 : i32
          %swap3A_381 = arith.constant 0 : i32
          %swap3A_382 = arith.index_cast %swap3A_381 : i32 to index
          %swap3A_383 = arith.index_cast %add3A_380 : i32 to index
          %swap3A_384 = arith.constant 0 : index
          %swap3A_385 = tpu.vector_load %arg8[%swap3A_382, %swap3A_383, %swap3A_384] {strides = array<i32>} : memref<2x64x128xf32, #tpu.memory_space<vmem>>, vector<1x1x16xf32>,
          %swap3A_386 = vector.shape_cast %swap3A_385 : vector<1x1x16xf32> to vector<16xf32>
          %swap3A_387 = vector.shape_cast %mul3A_378 : vector<16xf32> to vector<1x1x16xf32>
          tpu.vector_store %arg8[%swap3A_382, %swap3A_383, %swap3A_384], %swap3A_387 {strides = array<i32>} : memref<2x64x128xf32, #tpu.memory_space<vmem>>, vector<1x1x16xf32>,
          %mul3A_388 = arith.mulf %gather3A_258, %get3A_333 : vector<16xf32>
          %mul3A_389 = arith.mulf %gather3A_262, %get3A_338 : vector<16xf32>
          %add3A_390 = arith.addf %mul3A_388, %mul3A_389 : vector<16xf32>
          %mul3A_391 = arith.mulf %gather3A_266, %get3A_343 : vector<16xf32>
          %add3A_392 = arith.addf %add3A_390, %mul3A_391 : vector<16xf32>
          %mul3A_393 = arith.mulf %gather3A_270, %get3A_348 : vector<16xf32>
          %add3A_394 = arith.addf %add3A_392, %mul3A_393 : vector<16xf32>
          %mul3A_395 = arith.mulf %gather3A_274, %get3A_353 : vector<16xf32>
          %add3A_396 = arith.addf %add3A_394, %mul3A_395 : vector<16xf32>
          %mul3A_397 = arith.mulf %gather3A_278, %get3A_358 : vector<16xf32>
          %add3A_398 = arith.addf %add3A_396, %mul3A_397 : vector<16xf32>
          %add3A_399 = arith.constant 1 : i32
          %add3A_400 = arith.addi %mul3A_328, %add3A_399 : i32
          %get3A_401 = arith.constant 0 : i32
          %get3A_402 = arith.index_cast %get3A_401 : i32 to index
          %get3A_403 = arith.index_cast %add3A_400 : i32 to index
          %get3A_404 = arith.constant 0 : index
          %get3A_405 = tpu.vector_load %arg7[%get3A_402, %get3A_403, %get3A_404] {strides = array<i32>} : memref<2x64x128xf32, #tpu.memory_space<vmem>>, vector<1x1x16xf32>,
          %get3A_406 = vector.shape_cast %get3A_405 : vector<1x1x16xf32> to vector<16xf32>
          %mul3A_407 = arith.mulf %get3A_406, %add3A_398 : vector<16xf32>
          %add3A_408 = arith.constant 1 : i32
          %add3A_409 = arith.addi %mul3A_328, %add3A_408 : i32
          %swap3A_410 = arith.constant 0 : i32
          %swap3A_411 = arith.index_cast %swap3A_410 : i32 to index
          %swap3A_412 = arith.index_cast %add3A_409 : i32 to index
          %swap3A_413 = arith.constant 0 : index
          %swap3A_414 = tpu.vector_load %arg8[%swap3A_411, %swap3A_412, %swap3A_413] {strides = array<i32>} : memref<2x64x128xf32, #tpu.memory_space<vmem>>, vector<1x1x16xf32>,
          %swap3A_415 = vector.shape_cast %swap3A_414 : vector<1x1x16xf32> to vector<16xf32>
          %swap3A_416 = vector.shape_cast %mul3A_407 : vector<16xf32> to vector<1x1x16xf32>
          tpu.vector_store %arg8[%swap3A_411, %swap3A_412, %swap3A_413], %swap3A_416 {strides = array<i32>} : memref<2x64x128xf32, #tpu.memory_space<vmem>>, vector<1x1x16xf32>,
          %mul3A_417 = arith.mulf %gather3A_282, %get3A_333 : vector<16xf32>
          %mul3A_418 = arith.mulf %gather3A_286, %get3A_338 : vector<16xf32>
          %add3A_419 = arith.addf %mul3A_417, %mul3A_418 : vector<16xf32>
          %mul3A_420 = arith.mulf %gather3A_290, %get3A_343 : vector<16xf32>
          %add3A_421 = arith.addf %add3A_419, %mul3A_420 : vector<16xf32>
          %mul3A_422 = arith.mulf %gather3A_294, %get3A_348 : vector<16xf32>
          %add3A_423 = arith.addf %add3A_421, %mul3A_422 : vector<16xf32>
          %mul3A_424 = arith.mulf %gather3A_298, %get3A_353 : vector<16xf32>
          %add3A_425 = arith.addf %add3A_423, %mul3A_424 : vector<16xf32>
          %mul3A_426 = arith.mulf %gather3A_302, %get3A_358 : vector<16xf32>
          %add3A_427 = arith.addf %add3A_425, %mul3A_426 : vector<16xf32>
          %add3A_428 = arith.constant 2 : i32
          %add3A_429 = arith.addi %mul3A_328, %add3A_428 : i32
          %get3A_430 = arith.constant 0 : i32
          %get3A_431 = arith.index_cast %get3A_430 : i32 to index
          %get3A_432 = arith.index_cast %add3A_429 : i32 to index
          %get3A_433 = arith.constant 0 : index
          %get3A_434 = tpu.vector_load %arg7[%get3A_431, %get3A_432, %get3A_433] {strides = array<i32>} : memref<2x64x128xf32, #tpu.memory_space<vmem>>, vector<1x1x16xf32>,
          %get3A_435 = vector.shape_cast %get3A_434 : vector<1x1x16xf32> to vector<16xf32>
          %mul3A_436 = arith.mulf %get3A_435, %add3A_427 : vector<16xf32>
          %add3A_437 = arith.constant 2 : i32
          %add3A_438 = arith.addi %mul3A_328, %add3A_437 : i32
          %swap3A_439 = arith.constant 0 : i32
          %swap3A_440 = arith.index_cast %swap3A_439 : i32 to index
          %swap3A_441 = arith.index_cast %add3A_438 : i32 to index
          %swap3A_442 = arith.constant 0 : index
          %swap3A_443 = tpu.vector_load %arg8[%swap3A_440, %swap3A_441, %swap3A_442] {strides = array<i32>} : memref<2x64x128xf32, #tpu.memory_space<vmem>>, vector<1x1x16xf32>,
          %swap3A_444 = vector.shape_cast %swap3A_443 : vector<1x1x16xf32> to vector<16xf32>
          %swap3A_445 = vector.shape_cast %mul3A_436 : vector<16xf32> to vector<1x1x16xf32>
          tpu.vector_store %arg8[%swap3A_440, %swap3A_441, %swap3A_442], %swap3A_445 {strides = array<i32>} : memref<2x64x128xf32, #tpu.memory_space<vmem>>, vector<1x1x16xf32>,
          %mul3A_446 = arith.mulf %gather3A_306, %get3A_333 : vector<16xf32>
          %mul3A_447 = arith.mulf %gather3A_310, %get3A_338 : vector<16xf32>
          %add3A_448 = arith.addf %mul3A_446, %mul3A_447 : vector<16xf32>
          %mul3A_449 = arith.mulf %gather3A_314, %get3A_343 : vector<16xf32>
          %add3A_450 = arith.addf %add3A_448, %mul3A_449 : vector<16xf32>
          %mul3A_451 = arith.mulf %gather3A_318, %get3A_348 : vector<16xf32>
          %add3A_452 = arith.addf %add3A_450, %mul3A_451 : vector<16xf32>
          %mul3A_453 = arith.mulf %gather3A_322, %get3A_353 : vector<16xf32>
          %add3A_454 = arith.addf %add3A_452, %mul3A_453 : vector<16xf32>
          %mul3A_455 = arith.mulf %gather3A_326, %get3A_358 : vector<16xf32>
          %add3A_456 = arith.addf %add3A_454, %mul3A_455 : vector<16xf32>
          %add3A_457 = arith.constant 3 : i32
          %add3A_458 = arith.addi %mul3A_328, %add3A_457 : i32
          %get3A_459 = arith.constant 0 : i32
          %get3A_460 = arith.index_cast %get3A_459 : i32 to index
          %get3A_461 = arith.index_cast %add3A_458 : i32 to index
          %get3A_462 = arith.constant 0 : index
          %get3A_463 = tpu.vector_load %arg7[%get3A_460, %get3A_461, %get3A_462] {strides = array<i32>} : memref<2x64x128xf32, #tpu.memory_space<vmem>>, vector<1x1x16xf32>,
          %get3A_464 = vector.shape_cast %get3A_463 : vector<1x1x16xf32> to vector<16xf32>
          %mul3A_465 = arith.mulf %get3A_464, %add3A_456 : vector<16xf32>
          %add3A_466 = arith.constant 3 : i32
          %add3A_467 = arith.addi %mul3A_328, %add3A_466 : i32
          %swap3A_468 = arith.constant 0 : i32
          %swap3A_469 = arith.index_cast %swap3A_468 : i32 to index
          %swap3A_470 = arith.index_cast %add3A_467 : i32 to index
          %swap3A_471 = arith.constant 0 : index
          %swap3A_472 = tpu.vector_load %arg8[%swap3A_469, %swap3A_470, %swap3A_471] {strides = array<i32>} : memref<2x64x128xf32, #tpu.memory_space<vmem>>, vector<1x1x16xf32>,
          %swap3A_473 = vector.shape_cast %swap3A_472 : vector<1x1x16xf32> to vector<16xf32>
          %swap3A_474 = vector.shape_cast %mul3A_465 : vector<16xf32> to vector<1x1x16xf32>
          tpu.vector_store %arg8[%swap3A_469, %swap3A_470, %swap3A_471], %swap3A_474 {strides = array<i32>} : memref<2x64x128xf32, #tpu.memory_space<vmem>>, vector<1x1x16xf32>,
          %get3A_475 = arith.constant 0 : i32
          %get3A_476 = arith.index_cast %get3A_475 : i32 to index
          %get3A_477 = arith.constant 16 : index
          %get3A_478 = tpu.vector_load %arg12[%get3A_476, %get3A_477] {strides = array<i32>} : memref<8x128xf32, #tpu.memory_space<vmem>>, vector<1x16xf32>,
          %get3A_479 = vector.shape_cast %get3A_478 : vector<1x16xf32> to vector<16xf32>
          %get3A_480 = arith.constant 1 : i32
          %get3A_481 = arith.index_cast %get3A_480 : i32 to index
          %get3A_482 = arith.constant 16 : index
          %get3A_483 = tpu.vector_load %arg12[%get3A_481, %get3A_482] {strides = array<i32>} : memref<8x128xf32, #tpu.memory_space<vmem>>, vector<1x16xf32>,
          %get3A_484 = vector.shape_cast %get3A_483 : vector<1x16xf32> to vector<16xf32>
          %get3A_485 = arith.constant 2 : i32
          %get3A_486 = arith.index_cast %get3A_485 : i32 to index
          %get3A_487 = arith.constant 16 : index
          %get3A_488 = tpu.vector_load %arg12[%get3A_486, %get3A_487] {strides = array<i32>} : memref<8x128xf32, #tpu.memory_space<vmem>>, vector<1x16xf32>,
          %get3A_489 = vector.shape_cast %get3A_488 : vector<1x16xf32> to vector<16xf32>
          %get3A_490 = arith.constant 3 : i32
          %get3A_491 = arith.index_cast %get3A_490 : i32 to index
          %get3A_492 = arith.constant 16 : index
          %get3A_493 = tpu.vector_load %arg12[%get3A_491, %get3A_492] {strides = array<i32>} : memref<8x128xf32, #tpu.memory_space<vmem>>, vector<1x16xf32>,
          %get3A_494 = vector.shape_cast %get3A_493 : vector<1x16xf32> to vector<16xf32>
          %get3A_495 = arith.constant 4 : i32
          %get3A_496 = arith.index_cast %get3A_495 : i32 to index
          %get3A_497 = arith.constant 16 : index
          %get3A_498 = tpu.vector_load %arg12[%get3A_496, %get3A_497] {strides = array<i32>} : memref<8x128xf32, #tpu.memory_space<vmem>>, vector<1x16xf32>,
          %get3A_499 = vector.shape_cast %get3A_498 : vector<1x16xf32> to vector<16xf32>
          %get3A_500 = arith.constant 5 : i32
          %get3A_501 = arith.index_cast %get3A_500 : i32 to index
          %get3A_502 = arith.constant 16 : index
          %get3A_503 = tpu.vector_load %arg12[%get3A_501, %get3A_502] {strides = array<i32>} : memref<8x128xf32, #tpu.memory_space<vmem>>, vector<1x16xf32>,
          %get3A_504 = vector.shape_cast %get3A_503 : vector<1x16xf32> to vector<16xf32>
          %mul3A_505 = arith.mulf %gather3A_234, %get3A_479 : vector<16xf32>
          %mul3A_506 = arith.mulf %gather3A_238, %get3A_484 : vector<16xf32>
          %add3A_507 = arith.addf %mul3A_505, %mul3A_506 : vector<16xf32>
          %mul3A_508 = arith.mulf %gather3A_242, %get3A_489 : vector<16xf32>
          %add3A_509 = arith.addf %add3A_507, %mul3A_508 : vector<16xf32>
          %mul3A_510 = arith.mulf %gather3A_246, %get3A_494 : vector<16xf32>
          %add3A_511 = arith.addf %add3A_509, %mul3A_510 : vector<16xf32>
          %mul3A_512 = arith.mulf %gather3A_250, %get3A_499 : vector<16xf32>
          %add3A_513 = arith.addf %add3A_511, %mul3A_512 : vector<16xf32>
          %mul3A_514 = arith.mulf %gather3A_254, %get3A_504 : vector<16xf32>
          %add3A_515 = arith.addf %add3A_513, %mul3A_514 : vector<16xf32>
          %add3A_516 = arith.constant 0 : i32
          %add3A_517 = arith.addi %mul3A_328, %add3A_516 : i32
          %get3A_518 = arith.constant 0 : i32
          %get3A_519 = arith.index_cast %get3A_518 : i32 to index
          %get3A_520 = arith.index_cast %add3A_517 : i32 to index
          %get3A_521 = arith.constant 16 : index
          %get3A_522 = tpu.vector_load %arg7[%get3A_519, %get3A_520, %get3A_521] {strides = array<i32>} : memref<2x64x128xf32, #tpu.memory_space<vmem>>, vector<1x1x16xf32>,
          %get3A_523 = vector.shape_cast %get3A_522 : vector<1x1x16xf32> to vector<16xf32>
          %mul3A_524 = arith.mulf %get3A_523, %add3A_515 : vector<16xf32>
          %add3A_525 = arith.constant 0 : i32
          %add3A_526 = arith.addi %mul3A_328, %add3A_525 : i32
          %swap3A_527 = arith.constant 0 : i32
          %swap3A_528 = arith.index_cast %swap3A_527 : i32 to index
          %swap3A_529 = arith.index_cast %add3A_526 : i32 to index
          %swap3A_530 = arith.constant 16 : index
          %swap3A_531 = tpu.vector_load %arg8[%swap3A_528, %swap3A_529, %swap3A_530] {strides = array<i32>} : memref<2x64x128xf32, #tpu.memory_space<vmem>>, vector<1x1x16xf32>,
          %swap3A_532 = vector.shape_cast %swap3A_531 : vector<1x1x16xf32> to vector<16xf32>
          %swap3A_533 = vector.shape_cast %mul3A_524 : vector<16xf32> to vector<1x1x16xf32>
          tpu.vector_store %arg8[%swap3A_528, %swap3A_529, %swap3A_530], %swap3A_533 {strides = array<i32>} : memref<2x64x128xf32, #tpu.memory_space<vmem>>, vector<1x1x16xf32>,
          %mul3A_534 = arith.mulf %gather3A_258, %get3A_479 : vector<16xf32>
          %mul3A_535 = arith.mulf %gather3A_262, %get3A_484 : vector<16xf32>
          %add3A_536 = arith.addf %mul3A_534, %mul3A_535 : vector<16xf32>
          %mul3A_537 = arith.mulf %gather3A_266, %get3A_489 : vector<16xf32>
          %add3A_538 = arith.addf %add3A_536, %mul3A_537 : vector<16xf32>
          %mul3A_539 = arith.mulf %gather3A_270, %get3A_494 : vector<16xf32>
          %add3A_540 = arith.addf %add3A_538, %mul3A_539 : vector<16xf32>
          %mul3A_541 = arith.mulf %gather3A_274, %get3A_499 : vector<16xf32>
          %add3A_542 = arith.addf %add3A_540, %mul3A_541 : vector<16xf32>
          %mul3A_543 = arith.mulf %gather3A_278, %get3A_504 : vector<16xf32>
          %add3A_544 = arith.addf %add3A_542, %mul3A_543 : vector<16xf32>
          %add3A_545 = arith.constant 1 : i32
          %add3A_546 = arith.addi %mul3A_328, %add3A_545 : i32
          %get3A_547 = arith.constant 0 : i32
          %get3A_548 = arith.index_cast %get3A_547 : i32 to index
          %get3A_549 = arith.index_cast %add3A_546 : i32 to index
          %get3A_550 = arith.constant 16 : index
          %get3A_551 = tpu.vector_load %arg7[%get3A_548, %get3A_549, %get3A_550] {strides = array<i32>} : memref<2x64x128xf32, #tpu.memory_space<vmem>>, vector<1x1x16xf32>,
          %get3A_552 = vector.shape_cast %get3A_551 : vector<1x1x16xf32> to vector<16xf32>
          %mul3A_553 = arith.mulf %get3A_552, %add3A_544 : vector<16xf32>
          %add3A_554 = arith.constant 1 : i32
          %add3A_555 = arith.addi %mul3A_328, %add3A_554 : i32
          %swap3A_556 = arith.constant 0 : i32
          %swap3A_557 = arith.index_cast %swap3A_556 : i32 to index
          %swap3A_558 = arith.index_cast %add3A_555 : i32 to index
          %swap3A_559 = arith.constant 16 : index
          %swap3A_560 = tpu.vector_load %arg8[%swap3A_557, %swap3A_558, %swap3A_559] {strides = array<i32>} : memref<2x64x128xf32, #tpu.memory_space<vmem>>, vector<1x1x16xf32>,
          %swap3A_561 = vector.shape_cast %swap3A_560 : vector<1x1x16xf32> to vector<16xf32>
          %swap3A_562 = vector.shape_cast %mul3A_553 : vector<16xf32> to vector<1x1x16xf32>
          tpu.vector_store %arg8[%swap3A_557, %swap3A_558, %swap3A_559], %swap3A_562 {strides = array<i32>} : memref<2x64x128xf32, #tpu.memory_space<vmem>>, vector<1x1x16xf32>,
          %mul3A_563 = arith.mulf %gather3A_282, %get3A_479 : vector<16xf32>
          %mul3A_564 = arith.mulf %gather3A_286, %get3A_484 : vector<16xf32>
          %add3A_565 = arith.addf %mul3A_563, %mul3A_564 : vector<16xf32>
          %mul3A_566 = arith.mulf %gather3A_290, %get3A_489 : vector<16xf32>
          %add3A_567 = arith.addf %add3A_565, %mul3A_566 : vector<16xf32>
          %mul3A_568 = arith.mulf %gather3A_294, %get3A_494 : vector<16xf32>
          %add3A_569 = arith.addf %add3A_567, %mul3A_568 : vector<16xf32>
          %mul3A_570 = arith.mulf %gather3A_298, %get3A_499 : vector<16xf32>
          %add3A_571 = arith.addf %add3A_569, %mul3A_570 : vector<16xf32>
          %mul3A_572 = arith.mulf %gather3A_302, %get3A_504 : vector<16xf32>
          %add3A_573 = arith.addf %add3A_571, %mul3A_572 : vector<16xf32>
          %add3A_574 = arith.constant 2 : i32
          %add3A_575 = arith.addi %mul3A_328, %add3A_574 : i32
          %get3A_576 = arith.constant 0 : i32
          %get3A_577 = arith.index_cast %get3A_576 : i32 to index
          %get3A_578 = arith.index_cast %add3A_575 : i32 to index
          %get3A_579 = arith.constant 16 : index
          %get3A_580 = tpu.vector_load %arg7[%get3A_577, %get3A_578, %get3A_579] {strides = array<i32>} : memref<2x64x128xf32, #tpu.memory_space<vmem>>, vector<1x1x16xf32>,
          %get3A_581 = vector.shape_cast %get3A_580 : vector<1x1x16xf32> to vector<16xf32>
          %mul3A_582 = arith.mulf %get3A_581, %add3A_573 : vector<16xf32>
          %add3A_583 = arith.constant 2 : i32
          %add3A_584 = arith.addi %mul3A_328, %add3A_583 : i32
          %swap3A_585 = arith.constant 0 : i32
          %swap3A_586 = arith.index_cast %swap3A_585 : i32 to index
          %swap3A_587 = arith.index_cast %add3A_584 : i32 to index
          %swap3A_588 = arith.constant 16 : index
          %swap3A_589 = tpu.vector_load %arg8[%swap3A_586, %swap3A_587, %swap3A_588] {strides = array<i32>} : memref<2x64x128xf32, #tpu.memory_space<vmem>>, vector<1x1x16xf32>,
          %swap3A_590 = vector.shape_cast %swap3A_589 : vector<1x1x16xf32> to vector<16xf32>
          %swap3A_591 = vector.shape_cast %mul3A_582 : vector<16xf32> to vector<1x1x16xf32>
          tpu.vector_store %arg8[%swap3A_586, %swap3A_587, %swap3A_588], %swap3A_591 {strides = array<i32>} : memref<2x64x128xf32, #tpu.memory_space<vmem>>, vector<1x1x16xf32>,
          %mul3A_592 = arith.mulf %gather3A_306, %get3A_479 : vector<16xf32>
          %mul3A_593 = arith.mulf %gather3A_310, %get3A_484 : vector<16xf32>
          %add3A_594 = arith.addf %mul3A_592, %mul3A_593 : vector<16xf32>
          %mul3A_595 = arith.mulf %gather3A_314, %get3A_489 : vector<16xf32>
          %add3A_596 = arith.addf %add3A_594, %mul3A_595 : vector<16xf32>
          %mul3A_597 = arith.mulf %gather3A_318, %get3A_494 : vector<16xf32>
          %add3A_598 = arith.addf %add3A_596, %mul3A_597 : vector<16xf32>
          %mul3A_599 = arith.mulf %gather3A_322, %get3A_499 : vector<16xf32>
          %add3A_600 = arith.addf %add3A_598, %mul3A_599 : vector<16xf32>
          %mul3A_601 = arith.mulf %gather3A_326, %get3A_504 : vector<16xf32>
          %add3A_602 = arith.addf %add3A_600, %mul3A_601 : vector<16xf32>
          %add3A_603 = arith.constant 3 : i32
          %add3A_604 = arith.addi %mul3A_328, %add3A_603 : i32
          %get3A_605 = arith.constant 0 : i32
          %get3A_606 = arith.index_cast %get3A_605 : i32 to index
          %get3A_607 = arith.index_cast %add3A_604 : i32 to index
          %get3A_608 = arith.constant 16 : index
          %get3A_609 = tpu.vector_load %arg7[%get3A_606, %get3A_607, %get3A_608] {strides = array<i32>} : memref<2x64x128xf32, #tpu.memory_space<vmem>>, vector<1x1x16xf32>,
          %get3A_610 = vector.shape_cast %get3A_609 : vector<1x1x16xf32> to vector<16xf32>
          %mul3A_611 = arith.mulf %get3A_610, %add3A_602 : vector<16xf32>
          %add3A_612 = arith.constant 3 : i32
          %add3A_613 = arith.addi %mul3A_328, %add3A_612 : i32
          %swap3A_614 = arith.constant 0 : i32
          %swap3A_615 = arith.index_cast %swap3A_614 : i32 to index
          %swap3A_616 = arith.index_cast %add3A_613 : i32 to index
          %swap3A_617 = arith.constant 16 : index
          %swap3A_618 = tpu.vector_load %arg8[%swap3A_615, %swap3A_616, %swap3A_617] {strides = array<i32>} : memref<2x64x128xf32, #tpu.memory_space<vmem>>, vector<1x1x16xf32>,
          %swap3A_619 = vector.shape_cast %swap3A_618 : vector<1x1x16xf32> to vector<16xf32>
          %swap3A_620 = vector.shape_cast %mul3A_611 : vector<16xf32> to vector<1x1x16xf32>
          tpu.vector_store %arg8[%swap3A_615, %swap3A_616, %swap3A_617], %swap3A_620 {strides = array<i32>} : memref<2x64x128xf32, #tpu.memory_space<vmem>>, vector<1x1x16xf32>,
          %get3A_621 = arith.constant 0 : i32
          %get3A_622 = arith.index_cast %get3A_621 : i32 to index
          %get3A_623 = arith.constant 32 : index
          %get3A_624 = tpu.vector_load %arg12[%get3A_622, %get3A_623] {strides = array<i32>} : memref<8x128xf32, #tpu.memory_space<vmem>>, vector<1x16xf32>,
          %get3A_625 = vector.shape_cast %get3A_624 : vector<1x16xf32> to vector<16xf32>
          %get3A_626 = arith.constant 1 : i32
          %get3A_627 = arith.index_cast %get3A_626 : i32 to index
          %get3A_628 = arith.constant 32 : index
          %get3A_629 = tpu.vector_load %arg12[%get3A_627, %get3A_628] {strides = array<i32>} : memref<8x128xf32, #tpu.memory_space<vmem>>, vector<1x16xf32>,
          %get3A_630 = vector.shape_cast %get3A_629 : vector<1x16xf32> to vector<16xf32>
          %get3A_631 = arith.constant 2 : i32
          %get3A_632 = arith.index_cast %get3A_631 : i32 to index
          %get3A_633 = arith.constant 32 : index
          %get3A_634 = tpu.vector_load %arg12[%get3A_632, %get3A_633] {strides = array<i32>} : memref<8x128xf32, #tpu.memory_space<vmem>>, vector<1x16xf32>,
          %get3A_635 = vector.shape_cast %get3A_634 : vector<1x16xf32> to vector<16xf32>
          %get3A_636 = arith.constant 3 : i32
          %get3A_637 = arith.index_cast %get3A_636 : i32 to index
          %get3A_638 = arith.constant 32 : index
          %get3A_639 = tpu.vector_load %arg12[%get3A_637, %get3A_638] {strides = array<i32>} : memref<8x128xf32, #tpu.memory_space<vmem>>, vector<1x16xf32>,
          %get3A_640 = vector.shape_cast %get3A_639 : vector<1x16xf32> to vector<16xf32>
          %get3A_641 = arith.constant 4 : i32
          %get3A_642 = arith.index_cast %get3A_641 : i32 to index
          %get3A_643 = arith.constant 32 : index
          %get3A_644 = tpu.vector_load %arg12[%get3A_642, %get3A_643] {strides = array<i32>} : memref<8x128xf32, #tpu.memory_space<vmem>>, vector<1x16xf32>,
          %get3A_645 = vector.shape_cast %get3A_644 : vector<1x16xf32> to vector<16xf32>
          %get3A_646 = arith.constant 5 : i32
          %get3A_647 = arith.index_cast %get3A_646 : i32 to index
          %get3A_648 = arith.constant 32 : index
          %get3A_649 = tpu.vector_load %arg12[%get3A_647, %get3A_648] {strides = array<i32>} : memref<8x128xf32, #tpu.memory_space<vmem>>, vector<1x16xf32>,
          %get3A_650 = vector.shape_cast %get3A_649 : vector<1x16xf32> to vector<16xf32>
          %mul3A_651 = arith.mulf %gather3A_234, %get3A_625 : vector<16xf32>
          %mul3A_652 = arith.mulf %gather3A_238, %get3A_630 : vector<16xf32>
          %add3A_653 = arith.addf %mul3A_651, %mul3A_652 : vector<16xf32>
          %mul3A_654 = arith.mulf %gather3A_242, %get3A_635 : vector<16xf32>
          %add3A_655 = arith.addf %add3A_653, %mul3A_654 : vector<16xf32>
          %mul3A_656 = arith.mulf %gather3A_246, %get3A_640 : vector<16xf32>
          %add3A_657 = arith.addf %add3A_655, %mul3A_656 : vector<16xf32>
          %mul3A_658 = arith.mulf %gather3A_250, %get3A_645 : vector<16xf32>
          %add3A_659 = arith.addf %add3A_657, %mul3A_658 : vector<16xf32>
          %mul3A_660 = arith.mulf %gather3A_254, %get3A_650 : vector<16xf32>
          %add3A_661 = arith.addf %add3A_659, %mul3A_660 : vector<16xf32>
          %add3A_662 = arith.constant 0 : i32
          %add3A_663 = arith.addi %mul3A_328, %add3A_662 : i32
          %get3A_664 = arith.constant 0 : i32
          %get3A_665 = arith.index_cast %get3A_664 : i32 to index
          %get3A_666 = arith.index_cast %add3A_663 : i32 to index
          %get3A_667 = arith.constant 32 : index
          %get3A_668 = tpu.vector_load %arg7[%get3A_665, %get3A_666, %get3A_667] {strides = array<i32>} : memref<2x64x128xf32, #tpu.memory_space<vmem>>, vector<1x1x16xf32>,
          %get3A_669 = vector.shape_cast %get3A_668 : vector<1x1x16xf32> to vector<16xf32>
          %mul3A_670 = arith.mulf %get3A_669, %add3A_661 : vector<16xf32>
          %add3A_671 = arith.constant 0 : i32
          %add3A_672 = arith.addi %mul3A_328, %add3A_671 : i32
          %swap3A_673 = arith.constant 0 : i32
          %swap3A_674 = arith.index_cast %swap3A_673 : i32 to index
          %swap3A_675 = arith.index_cast %add3A_672 : i32 to index
          %swap3A_676 = arith.constant 32 : index
          %swap3A_677 = tpu.vector_load %arg8[%swap3A_674, %swap3A_675, %swap3A_676] {strides = array<i32>} : memref<2x64x128xf32, #tpu.memory_space<vmem>>, vector<1x1x16xf32>,
          %swap3A_678 = vector.shape_cast %swap3A_677 : vector<1x1x16xf32> to vector<16xf32>
          %swap3A_679 = vector.shape_cast %mul3A_670 : vector<16xf32> to vector<1x1x16xf32>
          tpu.vector_store %arg8[%swap3A_674, %swap3A_675, %swap3A_676], %swap3A_679 {strides = array<i32>} : memref<2x64x128xf32, #tpu.memory_space<vmem>>, vector<1x1x16xf32>,
          %mul3A_680 = arith.mulf %gather3A_258, %get3A_625 : vector<16xf32>
          %mul3A_681 = arith.mulf %gather3A_262, %get3A_630 : vector<16xf32>
          %add3A_682 = arith.addf %mul3A_680, %mul3A_681 : vector<16xf32>
          %mul3A_683 = arith.mulf %gather3A_266, %get3A_635 : vector<16xf32>
          %add3A_684 = arith.addf %add3A_682, %mul3A_683 : vector<16xf32>
          %mul3A_685 = arith.mulf %gather3A_270, %get3A_640 : vector<16xf32>
          %add3A_686 = arith.addf %add3A_684, %mul3A_685 : vector<16xf32>
          %mul3A_687 = arith.mulf %gather3A_274, %get3A_645 : vector<16xf32>
          %add3A_688 = arith.addf %add3A_686, %mul3A_687 : vector<16xf32>
          %mul3A_689 = arith.mulf %gather3A_278, %get3A_650 : vector<16xf32>
          %add3A_690 = arith.addf %add3A_688, %mul3A_689 : vector<16xf32>
          %add3A_691 = arith.constant 1 : i32
          %add3A_692 = arith.addi %mul3A_328, %add3A_691 : i32
          %get3A_693 = arith.constant 0 : i32
          %get3A_694 = arith.index_cast %get3A_693 : i32 to index
          %get3A_695 = arith.index_cast %add3A_692 : i32 to index
          %get3A_696 = arith.constant 32 : index
          %get3A_697 = tpu.vector_load %arg7[%get3A_694, %get3A_695, %get3A_696] {strides = array<i32>} : memref<2x64x128xf32, #tpu.memory_space<vmem>>, vector<1x1x16xf32>,
          %get3A_698 = vector.shape_cast %get3A_697 : vector<1x1x16xf32> to vector<16xf32>
          %mul3A_699 = arith.mulf %get3A_698, %add3A_690 : vector<16xf32>
          %add3A_700 = arith.constant 1 : i32
          %add3A_701 = arith.addi %mul3A_328, %add3A_700 : i32
          %swap3A_702 = arith.constant 0 : i32
          %swap3A_703 = arith.index_cast %swap3A_702 : i32 to index
          %swap3A_704 = arith.index_cast %add3A_701 : i32 to index
          %swap3A_705 = arith.constant 32 : index
          %swap3A_706 = tpu.vector_load %arg8[%swap3A_703, %swap3A_704, %swap3A_705] {strides = array<i32>} : memref<2x64x128xf32, #tpu.memory_space<vmem>>, vector<1x1x16xf32>,
          %swap3A_707 = vector.shape_cast %swap3A_706 : vector<1x1x16xf32> to vector<16xf32>
          %swap3A_708 = vector.shape_cast %mul3A_699 : vector<16xf32> to vector<1x1x16xf32>
          tpu.vector_store %arg8[%swap3A_703, %swap3A_704, %swap3A_705], %swap3A_708 {strides = array<i32>} : memref<2x64x128xf32, #tpu.memory_space<vmem>>, vector<1x1x16xf32>,
          %mul3A_709 = arith.mulf %gather3A_282, %get3A_625 : vector<16xf32>
          %mul3A_710 = arith.mulf %gather3A_286, %get3A_630 : vector<16xf32>
          %add3A_711 = arith.addf %mul3A_709, %mul3A_710 : vector<16xf32>
          %mul3A_712 = arith.mulf %gather3A_290, %get3A_635 : vector<16xf32>
          %add3A_713 = arith.addf %add3A_711, %mul3A_712 : vector<16xf32>
          %mul3A_714 = arith.mulf %gather3A_294, %get3A_640 : vector<16xf32>
          %add3A_715 = arith.addf %add3A_713, %mul3A_714 : vector<16xf32>
          %mul3A_716 = arith.mulf %gather3A_298, %get3A_645 : vector<16xf32>
          %add3A_717 = arith.addf %add3A_715, %mul3A_716 : vector<16xf32>
          %mul3A_718 = arith.mulf %gather3A_302, %get3A_650 : vector<16xf32>
          %add3A_719 = arith.addf %add3A_717, %mul3A_718 : vector<16xf32>
          %add3A_720 = arith.constant 2 : i32
          %add3A_721 = arith.addi %mul3A_328, %add3A_720 : i32
          %get3A_722 = arith.constant 0 : i32
          %get3A_723 = arith.index_cast %get3A_722 : i32 to index
          %get3A_724 = arith.index_cast %add3A_721 : i32 to index
          %get3A_725 = arith.constant 32 : index
          %get3A_726 = tpu.vector_load %arg7[%get3A_723, %get3A_724, %get3A_725] {strides = array<i32>} : memref<2x64x128xf32, #tpu.memory_space<vmem>>, vector<1x1x16xf32>,
          %get3A_727 = vector.shape_cast %get3A_726 : vector<1x1x16xf32> to vector<16xf32>
          %mul3A_728 = arith.mulf %get3A_727, %add3A_719 : vector<16xf32>
          %add3A_729 = arith.constant 2 : i32
          %add3A_730 = arith.addi %mul3A_328, %add3A_729 : i32
          %swap3A_731 = arith.constant 0 : i32
          %swap3A_732 = arith.index_cast %swap3A_731 : i32 to index
          %swap3A_733 = arith.index_cast %add3A_730 : i32 to index
          %swap3A_734 = arith.constant 32 : index
          %swap3A_735 = tpu.vector_load %arg8[%swap3A_732, %swap3A_733, %swap3A_734] {strides = array<i32>} : memref<2x64x128xf32, #tpu.memory_space<vmem>>, vector<1x1x16xf32>,
          %swap3A_736 = vector.shape_cast %swap3A_735 : vector<1x1x16xf32> to vector<16xf32>
          %swap3A_737 = vector.shape_cast %mul3A_728 : vector<16xf32> to vector<1x1x16xf32>
          tpu.vector_store %arg8[%swap3A_732, %swap3A_733, %swap3A_734], %swap3A_737 {strides = array<i32>} : memref<2x64x128xf32, #tpu.memory_space<vmem>>, vector<1x1x16xf32>,
          %mul3A_738 = arith.mulf %gather3A_306, %get3A_625 : vector<16xf32>
          %mul3A_739 = arith.mulf %gather3A_310, %get3A_630 : vector<16xf32>
          %add3A_740 = arith.addf %mul3A_738, %mul3A_739 : vector<16xf32>
          %mul3A_741 = arith.mulf %gather3A_314, %get3A_635 : vector<16xf32>
          %add3A_742 = arith.addf %add3A_740, %mul3A_741 : vector<16xf32>
          %mul3A_743 = arith.mulf %gather3A_318, %get3A_640 : vector<16xf32>
          %add3A_744 = arith.addf %add3A_742, %mul3A_743 : vector<16xf32>
          %mul3A_745 = arith.mulf %gather3A_322, %get3A_645 : vector<16xf32>
          %add3A_746 = arith.addf %add3A_744, %mul3A_745 : vector<16xf32>
          %mul3A_747 = arith.mulf %gather3A_326, %get3A_650 : vector<16xf32>
          %add3A_748 = arith.addf %add3A_746, %mul3A_747 : vector<16xf32>
          %add3A_749 = arith.constant 3 : i32
          %add3A_750 = arith.addi %mul3A_328, %add3A_749 : i32
          %get3A_751 = arith.constant 0 : i32
          %get3A_752 = arith.index_cast %get3A_751 : i32 to index
          %get3A_753 = arith.index_cast %add3A_750 : i32 to index
          %get3A_754 = arith.constant 32 : index
          %get3A_755 = tpu.vector_load %arg7[%get3A_752, %get3A_753, %get3A_754] {strides = array<i32>} : memref<2x64x128xf32, #tpu.memory_space<vmem>>, vector<1x1x16xf32>,
          %get3A_756 = vector.shape_cast %get3A_755 : vector<1x1x16xf32> to vector<16xf32>
          %mul3A_757 = arith.mulf %get3A_756, %add3A_748 : vector<16xf32>
          %add3A_758 = arith.constant 3 : i32
          %add3A_759 = arith.addi %mul3A_328, %add3A_758 : i32
          %swap3A_760 = arith.constant 0 : i32
          %swap3A_761 = arith.index_cast %swap3A_760 : i32 to index
          %swap3A_762 = arith.index_cast %add3A_759 : i32 to index
          %swap3A_763 = arith.constant 32 : index
          %swap3A_764 = tpu.vector_load %arg8[%swap3A_761, %swap3A_762, %swap3A_763] {strides = array<i32>} : memref<2x64x128xf32, #tpu.memory_space<vmem>>, vector<1x1x16xf32>,
          %swap3A_765 = vector.shape_cast %swap3A_764 : vector<1x1x16xf32> to vector<16xf32>
          %swap3A_766 = vector.shape_cast %mul3A_757 : vector<16xf32> to vector<1x1x16xf32>
          tpu.vector_store %arg8[%swap3A_761, %swap3A_762, %swap3A_763], %swap3A_766 {strides = array<i32>} : memref<2x64x128xf32, #tpu.memory_space<vmem>>, vector<1x1x16xf32>,
          %get3A_767 = arith.constant 0 : i32
          %get3A_768 = arith.index_cast %get3A_767 : i32 to index
          %get3A_769 = arith.constant 48 : index
          %get3A_770 = tpu.vector_load %arg12[%get3A_768, %get3A_769] {strides = array<i32>} : memref<8x128xf32, #tpu.memory_space<vmem>>, vector<1x16xf32>,
          %get3A_771 = vector.shape_cast %get3A_770 : vector<1x16xf32> to vector<16xf32>
          %get3A_772 = arith.constant 1 : i32
          %get3A_773 = arith.index_cast %get3A_772 : i32 to index
          %get3A_774 = arith.constant 48 : index
          %get3A_775 = tpu.vector_load %arg12[%get3A_773, %get3A_774] {strides = array<i32>} : memref<8x128xf32, #tpu.memory_space<vmem>>, vector<1x16xf32>,
          %get3A_776 = vector.shape_cast %get3A_775 : vector<1x16xf32> to vector<16xf32>
          %get3A_777 = arith.constant 2 : i32
          %get3A_778 = arith.index_cast %get3A_777 : i32 to index
          %get3A_779 = arith.constant 48 : index
          %get3A_780 = tpu.vector_load %arg12[%get3A_778, %get3A_779] {strides = array<i32>} : memref<8x128xf32, #tpu.memory_space<vmem>>, vector<1x16xf32>,
          %get3A_781 = vector.shape_cast %get3A_780 : vector<1x16xf32> to vector<16xf32>
          %get3A_782 = arith.constant 3 : i32
          %get3A_783 = arith.index_cast %get3A_782 : i32 to index
          %get3A_784 = arith.constant 48 : index
          %get3A_785 = tpu.vector_load %arg12[%get3A_783, %get3A_784] {strides = array<i32>} : memref<8x128xf32, #tpu.memory_space<vmem>>, vector<1x16xf32>,
          %get3A_786 = vector.shape_cast %get3A_785 : vector<1x16xf32> to vector<16xf32>
          %get3A_787 = arith.constant 4 : i32
          %get3A_788 = arith.index_cast %get3A_787 : i32 to index
          %get3A_789 = arith.constant 48 : index
          %get3A_790 = tpu.vector_load %arg12[%get3A_788, %get3A_789] {strides = array<i32>} : memref<8x128xf32, #tpu.memory_space<vmem>>, vector<1x16xf32>,
          %get3A_791 = vector.shape_cast %get3A_790 : vector<1x16xf32> to vector<16xf32>
          %get3A_792 = arith.constant 5 : i32
          %get3A_793 = arith.index_cast %get3A_792 : i32 to index
          %get3A_794 = arith.constant 48 : index
          %get3A_795 = tpu.vector_load %arg12[%get3A_793, %get3A_794] {strides = array<i32>} : memref<8x128xf32, #tpu.memory_space<vmem>>, vector<1x16xf32>,
          %get3A_796 = vector.shape_cast %get3A_795 : vector<1x16xf32> to vector<16xf32>
          %mul3A_797 = arith.mulf %gather3A_234, %get3A_771 : vector<16xf32>
          %mul3A_798 = arith.mulf %gather3A_238, %get3A_776 : vector<16xf32>
          %add3A_799 = arith.addf %mul3A_797, %mul3A_798 : vector<16xf32>
          %mul3A_800 = arith.mulf %gather3A_242, %get3A_781 : vector<16xf32>
          %add3A_801 = arith.addf %add3A_799, %mul3A_800 : vector<16xf32>
          %mul3A_802 = arith.mulf %gather3A_246, %get3A_786 : vector<16xf32>
          %add3A_803 = arith.addf %add3A_801, %mul3A_802 : vector<16xf32>
          %mul3A_804 = arith.mulf %gather3A_250, %get3A_791 : vector<16xf32>
          %add3A_805 = arith.addf %add3A_803, %mul3A_804 : vector<16xf32>
          %mul3A_806 = arith.mulf %gather3A_254, %get3A_796 : vector<16xf32>
          %add3A_807 = arith.addf %add3A_805, %mul3A_806 : vector<16xf32>
          %add3A_808 = arith.constant 0 : i32
          %add3A_809 = arith.addi %mul3A_328, %add3A_808 : i32
          %get3A_810 = arith.constant 0 : i32
          %get3A_811 = arith.index_cast %get3A_810 : i32 to index
          %get3A_812 = arith.index_cast %add3A_809 : i32 to index
          %get3A_813 = arith.constant 48 : index
          %get3A_814 = tpu.vector_load %arg7[%get3A_811, %get3A_812, %get3A_813] {strides = array<i32>} : memref<2x64x128xf32, #tpu.memory_space<vmem>>, vector<1x1x16xf32>,
          %get3A_815 = vector.shape_cast %get3A_814 : vector<1x1x16xf32> to vector<16xf32>
          %mul3A_816 = arith.mulf %get3A_815, %add3A_807 : vector<16xf32>
          %add3A_817 = arith.constant 0 : i32
          %add3A_818 = arith.addi %mul3A_328, %add3A_817 : i32
          %swap3A_819 = arith.constant 0 : i32
          %swap3A_820 = arith.index_cast %swap3A_819 : i32 to index
          %swap3A_821 = arith.index_cast %add3A_818 : i32 to index
          %swap3A_822 = arith.constant 48 : index
          %swap3A_823 = tpu.vector_load %arg8[%swap3A_820, %swap3A_821, %swap3A_822] {strides = array<i32>} : memref<2x64x128xf32, #tpu.memory_space<vmem>>, vector<1x1x16xf32>,
          %swap3A_824 = vector.shape_cast %swap3A_823 : vector<1x1x16xf32> to vector<16xf32>
          %swap3A_825 = vector.shape_cast %mul3A_816 : vector<16xf32> to vector<1x1x16xf32>
          tpu.vector_store %arg8[%swap3A_820, %swap3A_821, %swap3A_822], %swap3A_825 {strides = array<i32>} : memref<2x64x128xf32, #tpu.memory_space<vmem>>, vector<1x1x16xf32>,
          %mul3A_826 = arith.mulf %gather3A_258, %get3A_771 : vector<16xf32>
          %mul3A_827 = arith.mulf %gather3A_262, %get3A_776 : vector<16xf32>
          %add3A_828 = arith.addf %mul3A_826, %mul3A_827 : vector<16xf32>
          %mul3A_829 = arith.mulf %gather3A_266, %get3A_781 : vector<16xf32>
          %add3A_830 = arith.addf %add3A_828, %mul3A_829 : vector<16xf32>
          %mul3A_831 = arith.mulf %gather3A_270, %get3A_786 : vector<16xf32>
          %add3A_832 = arith.addf %add3A_830, %mul3A_831 : vector<16xf32>
          %mul3A_833 = arith.mulf %gather3A_274, %get3A_791 : vector<16xf32>
          %add3A_834 = arith.addf %add3A_832, %mul3A_833 : vector<16xf32>
          %mul3A_835 = arith.mulf %gather3A_278, %get3A_796 : vector<16xf32>
          %add3A_836 = arith.addf %add3A_834, %mul3A_835 : vector<16xf32>
          %add3A_837 = arith.constant 1 : i32
          %add3A_838 = arith.addi %mul3A_328, %add3A_837 : i32
          %get3A_839 = arith.constant 0 : i32
          %get3A_840 = arith.index_cast %get3A_839 : i32 to index
          %get3A_841 = arith.index_cast %add3A_838 : i32 to index
          %get3A_842 = arith.constant 48 : index
          %get3A_843 = tpu.vector_load %arg7[%get3A_840, %get3A_841, %get3A_842] {strides = array<i32>} : memref<2x64x128xf32, #tpu.memory_space<vmem>>, vector<1x1x16xf32>,
          %get3A_844 = vector.shape_cast %get3A_843 : vector<1x1x16xf32> to vector<16xf32>
          %mul3A_845 = arith.mulf %get3A_844, %add3A_836 : vector<16xf32>
          %add3A_846 = arith.constant 1 : i32
          %add3A_847 = arith.addi %mul3A_328, %add3A_846 : i32
          %swap3A_848 = arith.constant 0 : i32
          %swap3A_849 = arith.index_cast %swap3A_848 : i32 to index
          %swap3A_850 = arith.index_cast %add3A_847 : i32 to index
          %swap3A_851 = arith.constant 48 : index
          %swap3A_852 = tpu.vector_load %arg8[%swap3A_849, %swap3A_850, %swap3A_851] {strides = array<i32>} : memref<2x64x128xf32, #tpu.memory_space<vmem>>, vector<1x1x16xf32>,
          %swap3A_853 = vector.shape_cast %swap3A_852 : vector<1x1x16xf32> to vector<16xf32>
          %swap3A_854 = vector.shape_cast %mul3A_845 : vector<16xf32> to vector<1x1x16xf32>
          tpu.vector_store %arg8[%swap3A_849, %swap3A_850, %swap3A_851], %swap3A_854 {strides = array<i32>} : memref<2x64x128xf32, #tpu.memory_space<vmem>>, vector<1x1x16xf32>,
          %mul3A_855 = arith.mulf %gather3A_282, %get3A_771 : vector<16xf32>
          %mul3A_856 = arith.mulf %gather3A_286, %get3A_776 : vector<16xf32>
          %add3A_857 = arith.addf %mul3A_855, %mul3A_856 : vector<16xf32>
          %mul3A_858 = arith.mulf %gather3A_290, %get3A_781 : vector<16xf32>
          %add3A_859 = arith.addf %add3A_857, %mul3A_858 : vector<16xf32>
          %mul3A_860 = arith.mulf %gather3A_294, %get3A_786 : vector<16xf32>
          %add3A_861 = arith.addf %add3A_859, %mul3A_860 : vector<16xf32>
          %mul3A_862 = arith.mulf %gather3A_298, %get3A_791 : vector<16xf32>
          %add3A_863 = arith.addf %add3A_861, %mul3A_862 : vector<16xf32>
          %mul3A_864 = arith.mulf %gather3A_302, %get3A_796 : vector<16xf32>
          %add3A_865 = arith.addf %add3A_863, %mul3A_864 : vector<16xf32>
          %add3A_866 = arith.constant 2 : i32
          %add3A_867 = arith.addi %mul3A_328, %add3A_866 : i32
          %get3A_868 = arith.constant 0 : i32
          %get3A_869 = arith.index_cast %get3A_868 : i32 to index
          %get3A_870 = arith.index_cast %add3A_867 : i32 to index
          %get3A_871 = arith.constant 48 : index
          %get3A_872 = tpu.vector_load %arg7[%get3A_869, %get3A_870, %get3A_871] {strides = array<i32>} : memref<2x64x128xf32, #tpu.memory_space<vmem>>, vector<1x1x16xf32>,
          %get3A_873 = vector.shape_cast %get3A_872 : vector<1x1x16xf32> to vector<16xf32>
          %mul3A_874 = arith.mulf %get3A_873, %add3A_865 : vector<16xf32>
          %add3A_875 = arith.constant 2 : i32
          %add3A_876 = arith.addi %mul3A_328, %add3A_875 : i32
          %swap3A_877 = arith.constant 0 : i32
          %swap3A_878 = arith.index_cast %swap3A_877 : i32 to index
          %swap3A_879 = arith.index_cast %add3A_876 : i32 to index
          %swap3A_880 = arith.constant 48 : index
          %swap3A_881 = tpu.vector_load %arg8[%swap3A_878, %swap3A_879, %swap3A_880] {strides = array<i32>} : memref<2x64x128xf32, #tpu.memory_space<vmem>>, vector<1x1x16xf32>,
          %swap3A_882 = vector.shape_cast %swap3A_881 : vector<1x1x16xf32> to vector<16xf32>
          %swap3A_883 = vector.shape_cast %mul3A_874 : vector<16xf32> to vector<1x1x16xf32>
          tpu.vector_store %arg8[%swap3A_878, %swap3A_879, %swap3A_880], %swap3A_883 {strides = array<i32>} : memref<2x64x128xf32, #tpu.memory_space<vmem>>, vector<1x1x16xf32>,
          %mul3A_884 = arith.mulf %gather3A_306, %get3A_771 : vector<16xf32>
          %mul3A_885 = arith.mulf %gather3A_310, %get3A_776 : vector<16xf32>
          %add3A_886 = arith.addf %mul3A_884, %mul3A_885 : vector<16xf32>
          %mul3A_887 = arith.mulf %gather3A_314, %get3A_781 : vector<16xf32>
          %add3A_888 = arith.addf %add3A_886, %mul3A_887 : vector<16xf32>
          %mul3A_889 = arith.mulf %gather3A_318, %get3A_786 : vector<16xf32>
          %add3A_890 = arith.addf %add3A_888, %mul3A_889 : vector<16xf32>
          %mul3A_891 = arith.mulf %gather3A_322, %get3A_791 : vector<16xf32>
          %add3A_892 = arith.addf %add3A_890, %mul3A_891 : vector<16xf32>
          %mul3A_893 = arith.mulf %gather3A_326, %get3A_796 : vector<16xf32>
          %add3A_894 = arith.addf %add3A_892, %mul3A_893 : vector<16xf32>
          %add3A_895 = arith.constant 3 : i32
          %add3A_896 = arith.addi %mul3A_328, %add3A_895 : i32
          %get3A_897 = arith.constant 0 : i32
          %get3A_898 = arith.index_cast %get3A_897 : i32 to index
          %get3A_899 = arith.index_cast %add3A_896 : i32 to index
          %get3A_900 = arith.constant 48 : index
          %get3A_901 = tpu.vector_load %arg7[%get3A_898, %get3A_899, %get3A_900] {strides = array<i32>} : memref<2x64x128xf32, #tpu.memory_space<vmem>>, vector<1x1x16xf32>,
          %get3A_902 = vector.shape_cast %get3A_901 : vector<1x1x16xf32> to vector<16xf32>
          %mul3A_903 = arith.mulf %get3A_902, %add3A_894 : vector<16xf32>
          %add3A_904 = arith.constant 3 : i32
          %add3A_905 = arith.addi %mul3A_328, %add3A_904 : i32
          %swap3A_906 = arith.constant 0 : i32
          %swap3A_907 = arith.index_cast %swap3A_906 : i32 to index
          %swap3A_908 = arith.index_cast %add3A_905 : i32 to index
          %swap3A_909 = arith.constant 48 : index
          %swap3A_910 = tpu.vector_load %arg8[%swap3A_907, %swap3A_908, %swap3A_909] {strides = array<i32>} : memref<2x64x128xf32, #tpu.memory_space<vmem>>, vector<1x1x16xf32>,
          %swap3A_911 = vector.shape_cast %swap3A_910 : vector<1x1x16xf32> to vector<16xf32>
          %swap3A_912 = vector.shape_cast %mul3A_903 : vector<16xf32> to vector<1x1x16xf32>
          tpu.vector_store %arg8[%swap3A_907, %swap3A_908, %swap3A_909], %swap3A_912 {strides = array<i32>} : memref<2x64x128xf32, #tpu.memory_space<vmem>>, vector<1x1x16xf32>,
          %get3A_913 = arith.constant 0 : i32
          %get3A_914 = arith.index_cast %get3A_913 : i32 to index
          %get3A_915 = arith.constant 64 : index
          %get3A_916 = tpu.vector_load %arg12[%get3A_914, %get3A_915] {strides = array<i32>} : memref<8x128xf32, #tpu.memory_space<vmem>>, vector<1x16xf32>,
          %get3A_917 = vector.shape_cast %get3A_916 : vector<1x16xf32> to vector<16xf32>
          %get3A_918 = arith.constant 1 : i32
          %get3A_919 = arith.index_cast %get3A_918 : i32 to index
          %get3A_920 = arith.constant 64 : index
          %get3A_921 = tpu.vector_load %arg12[%get3A_919, %get3A_920] {strides = array<i32>} : memref<8x128xf32, #tpu.memory_space<vmem>>, vector<1x16xf32>,
          %get3A_922 = vector.shape_cast %get3A_921 : vector<1x16xf32> to vector<16xf32>
          %get3A_923 = arith.constant 2 : i32
          %get3A_924 = arith.index_cast %get3A_923 : i32 to index
          %get3A_925 = arith.constant 64 : index
          %get3A_926 = tpu.vector_load %arg12[%get3A_924, %get3A_925] {strides = array<i32>} : memref<8x128xf32, #tpu.memory_space<vmem>>, vector<1x16xf32>,
          %get3A_927 = vector.shape_cast %get3A_926 : vector<1x16xf32> to vector<16xf32>
          %get3A_928 = arith.constant 3 : i32
          %get3A_929 = arith.index_cast %get3A_928 : i32 to index
          %get3A_930 = arith.constant 64 : index
          %get3A_931 = tpu.vector_load %arg12[%get3A_929, %get3A_930] {strides = array<i32>} : memref<8x128xf32, #tpu.memory_space<vmem>>, vector<1x16xf32>,
          %get3A_932 = vector.shape_cast %get3A_931 : vector<1x16xf32> to vector<16xf32>
          %get3A_933 = arith.constant 4 : i32
          %get3A_934 = arith.index_cast %get3A_933 : i32 to index
          %get3A_935 = arith.constant 64 : index
          %get3A_936 = tpu.vector_load %arg12[%get3A_934, %get3A_935] {strides = array<i32>} : memref<8x128xf32, #tpu.memory_space<vmem>>, vector<1x16xf32>,
          %get3A_937 = vector.shape_cast %get3A_936 : vector<1x16xf32> to vector<16xf32>
          %get3A_938 = arith.constant 5 : i32
          %get3A_939 = arith.index_cast %get3A_938 : i32 to index
          %get3A_940 = arith.constant 64 : index
          %get3A_941 = tpu.vector_load %arg12[%get3A_939, %get3A_940] {strides = array<i32>} : memref<8x128xf32, #tpu.memory_space<vmem>>, vector<1x16xf32>,
          %get3A_942 = vector.shape_cast %get3A_941 : vector<1x16xf32> to vector<16xf32>
          %mul3A_943 = arith.mulf %gather3A_234, %get3A_917 : vector<16xf32>
          %mul3A_944 = arith.mulf %gather3A_238, %get3A_922 : vector<16xf32>
          %add3A_945 = arith.addf %mul3A_943, %mul3A_944 : vector<16xf32>
          %mul3A_946 = arith.mulf %gather3A_242, %get3A_927 : vector<16xf32>
          %add3A_947 = arith.addf %add3A_945, %mul3A_946 : vector<16xf32>
          %mul3A_948 = arith.mulf %gather3A_246, %get3A_932 : vector<16xf32>
          %add3A_949 = arith.addf %add3A_947, %mul3A_948 : vector<16xf32>
          %mul3A_950 = arith.mulf %gather3A_250, %get3A_937 : vector<16xf32>
          %add3A_951 = arith.addf %add3A_949, %mul3A_950 : vector<16xf32>
          %mul3A_952 = arith.mulf %gather3A_254, %get3A_942 : vector<16xf32>
          %add3A_953 = arith.addf %add3A_951, %mul3A_952 : vector<16xf32>
          %add3A_954 = arith.constant 0 : i32
          %add3A_955 = arith.addi %mul3A_328, %add3A_954 : i32
          %get3A_956 = arith.constant 0 : i32
          %get3A_957 = arith.index_cast %get3A_956 : i32 to index
          %get3A_958 = arith.index_cast %add3A_955 : i32 to index
          %get3A_959 = arith.constant 64 : index
          %get3A_960 = tpu.vector_load %arg7[%get3A_957, %get3A_958, %get3A_959] {strides = array<i32>} : memref<2x64x128xf32, #tpu.memory_space<vmem>>, vector<1x1x16xf32>,
          %get3A_961 = vector.shape_cast %get3A_960 : vector<1x1x16xf32> to vector<16xf32>
          %mul3A_962 = arith.mulf %get3A_961, %add3A_953 : vector<16xf32>
          %add3A_963 = arith.constant 0 : i32
          %add3A_964 = arith.addi %mul3A_328, %add3A_963 : i32
          %swap3A_965 = arith.constant 0 : i32
          %swap3A_966 = arith.index_cast %swap3A_965 : i32 to index
          %swap3A_967 = arith.index_cast %add3A_964 : i32 to index
          %swap3A_968 = arith.constant 64 : index
          %swap3A_969 = tpu.vector_load %arg8[%swap3A_966, %swap3A_967, %swap3A_968] {strides = array<i32>} : memref<2x64x128xf32, #tpu.memory_space<vmem>>, vector<1x1x16xf32>,
          %swap3A_970 = vector.shape_cast %swap3A_969 : vector<1x1x16xf32> to vector<16xf32>
          %swap3A_971 = vector.shape_cast %mul3A_962 : vector<16xf32> to vector<1x1x16xf32>
          tpu.vector_store %arg8[%swap3A_966, %swap3A_967, %swap3A_968], %swap3A_971 {strides = array<i32>} : memref<2x64x128xf32, #tpu.memory_space<vmem>>, vector<1x1x16xf32>,
          %mul3A_972 = arith.mulf %gather3A_258, %get3A_917 : vector<16xf32>
          %mul3A_973 = arith.mulf %gather3A_262, %get3A_922 : vector<16xf32>
          %add3A_974 = arith.addf %mul3A_972, %mul3A_973 : vector<16xf32>
          %mul3A_975 = arith.mulf %gather3A_266, %get3A_927 : vector<16xf32>
          %add3A_976 = arith.addf %add3A_974, %mul3A_975 : vector<16xf32>
          %mul3A_977 = arith.mulf %gather3A_270, %get3A_932 : vector<16xf32>
          %add3A_978 = arith.addf %add3A_976, %mul3A_977 : vector<16xf32>
          %mul3A_979 = arith.mulf %gather3A_274, %get3A_937 : vector<16xf32>
          %add3A_980 = arith.addf %add3A_978, %mul3A_979 : vector<16xf32>
          %mul3A_981 = arith.mulf %gather3A_278, %get3A_942 : vector<16xf32>
          %add3A_982 = arith.addf %add3A_980, %mul3A_981 : vector<16xf32>
          %add3A_983 = arith.constant 1 : i32
          %add3A_984 = arith.addi %mul3A_328, %add3A_983 : i32
          %get3A_985 = arith.constant 0 : i32
          %get3A_986 = arith.index_cast %get3A_985 : i32 to index
          %get3A_987 = arith.index_cast %add3A_984 : i32 to index
          %get3A_988 = arith.constant 64 : index
          %get3A_989 = tpu.vector_load %arg7[%get3A_986, %get3A_987, %get3A_988] {strides = array<i32>} : memref<2x64x128xf32, #tpu.memory_space<vmem>>, vector<1x1x16xf32>,
          %get3A_990 = vector.shape_cast %get3A_989 : vector<1x1x16xf32> to vector<16xf32>
          %mul3A_991 = arith.mulf %get3A_990, %add3A_982 : vector<16xf32>
          %add3A_992 = arith.constant 1 : i32
          %add3A_993 = arith.addi %mul3A_328, %add3A_992 : i32
          %swap3A_994 = arith.constant 0 : i32
          %swap3A_995 = arith.index_cast %swap3A_994 : i32 to index
          %swap3A_996 = arith.index_cast %add3A_993 : i32 to index
          %swap3A_997 = arith.constant 64 : index
          %swap3A_998 = tpu.vector_load %arg8[%swap3A_995, %swap3A_996, %swap3A_997] {strides = array<i32>} : memref<2x64x128xf32, #tpu.memory_space<vmem>>, vector<1x1x16xf32>,
          %swap3A_999 = vector.shape_cast %swap3A_998 : vector<1x1x16xf32> to vector<16xf32>
          %swap3A_1000 = vector.shape_cast %mul3A_991 : vector<16xf32> to vector<1x1x16xf32>
          tpu.vector_store %arg8[%swap3A_995, %swap3A_996, %swap3A_997], %swap3A_1000 {strides = array<i32>} : memref<2x64x128xf32, #tpu.memory_space<vmem>>, vector<1x1x16xf32>,
          %mul3A_1001 = arith.mulf %gather3A_282, %get3A_917 : vector<16xf32>
          %mul3A_1002 = arith.mulf %gather3A_286, %get3A_922 : vector<16xf32>
          %add3A_1003 = arith.addf %mul3A_1001, %mul3A_1002 : vector<16xf32>
          %mul3A_1004 = arith.mulf %gather3A_290, %get3A_927 : vector<16xf32>
          %add3A_1005 = arith.addf %add3A_1003, %mul3A_1004 : vector<16xf32>
          %mul3A_1006 = arith.mulf %gather3A_294, %get3A_932 : vector<16xf32>
          %add3A_1007 = arith.addf %add3A_1005, %mul3A_1006 : vector<16xf32>
          %mul3A_1008 = arith.mulf %gather3A_298, %get3A_937 : vector<16xf32>
          %add3A_1009 = arith.addf %add3A_1007, %mul3A_1008 : vector<16xf32>
          %mul3A_1010 = arith.mulf %gather3A_302, %get3A_942 : vector<16xf32>
          %add3A_1011 = arith.addf %add3A_1009, %mul3A_1010 : vector<16xf32>
          %add3A_1012 = arith.constant 2 : i32
          %add3A_1013 = arith.addi %mul3A_328, %add3A_1012 : i32
          %get3A_1014 = arith.constant 0 : i32
          %get3A_1015 = arith.index_cast %get3A_1014 : i32 to index
          %get3A_1016 = arith.index_cast %add3A_1013 : i32 to index
          %get3A_1017 = arith.constant 64 : index
          %get3A_1018 = tpu.vector_load %arg7[%get3A_1015, %get3A_1016, %get3A_1017] {strides = array<i32>} : memref<2x64x128xf32, #tpu.memory_space<vmem>>, vector<1x1x16xf32>,
          %get3A_1019 = vector.shape_cast %get3A_1018 : vector<1x1x16xf32> to vector<16xf32>
          %mul3A_1020 = arith.mulf %get3A_1019, %add3A_1011 : vector<16xf32>
          %add3A_1021 = arith.constant 2 : i32
          %add3A_1022 = arith.addi %mul3A_328, %add3A_1021 : i32
          %swap3A_1023 = arith.constant 0 : i32
          %swap3A_1024 = arith.index_cast %swap3A_1023 : i32 to index
          %swap3A_1025 = arith.index_cast %add3A_1022 : i32 to index
          %swap3A_1026 = arith.constant 64 : index
          %swap3A_1027 = tpu.vector_load %arg8[%swap3A_1024, %swap3A_1025, %swap3A_1026] {strides = array<i32>} : memref<2x64x128xf32, #tpu.memory_space<vmem>>, vector<1x1x16xf32>,
          %swap3A_1028 = vector.shape_cast %swap3A_1027 : vector<1x1x16xf32> to vector<16xf32>
          %swap3A_1029 = vector.shape_cast %mul3A_1020 : vector<16xf32> to vector<1x1x16xf32>
          tpu.vector_store %arg8[%swap3A_1024, %swap3A_1025, %swap3A_1026], %swap3A_1029 {strides = array<i32>} : memref<2x64x128xf32, #tpu.memory_space<vmem>>, vector<1x1x16xf32>,
          %mul3A_1030 = arith.mulf %gather3A_306, %get3A_917 : vector<16xf32>
          %mul3A_1031 = arith.mulf %gather3A_310, %get3A_922 : vector<16xf32>
          %add3A_1032 = arith.addf %mul3A_1030, %mul3A_1031 : vector<16xf32>
          %mul3A_1033 = arith.mulf %gather3A_314, %get3A_927 : vector<16xf32>
          %add3A_1034 = arith.addf %add3A_1032, %mul3A_1033 : vector<16xf32>
          %mul3A_1035 = arith.mulf %gather3A_318, %get3A_932 : vector<16xf32>
          %add3A_1036 = arith.addf %add3A_1034, %mul3A_1035 : vector<16xf32>
          %mul3A_1037 = arith.mulf %gather3A_322, %get3A_937 : vector<16xf32>
          %add3A_1038 = arith.addf %add3A_1036, %mul3A_1037 : vector<16xf32>
          %mul3A_1039 = arith.mulf %gather3A_326, %get3A_942 : vector<16xf32>
          %add3A_1040 = arith.addf %add3A_1038, %mul3A_1039 : vector<16xf32>
          %add3A_1041 = arith.constant 3 : i32
          %add3A_1042 = arith.addi %mul3A_328, %add3A_1041 : i32
          %get3A_1043 = arith.constant 0 : i32
          %get3A_1044 = arith.index_cast %get3A_1043 : i32 to index
          %get3A_1045 = arith.index_cast %add3A_1042 : i32 to index
          %get3A_1046 = arith.constant 64 : index
          %get3A_1047 = tpu.vector_load %arg7[%get3A_1044, %get3A_1045, %get3A_1046] {strides = array<i32>} : memref<2x64x128xf32, #tpu.memory_space<vmem>>, vector<1x1x16xf32>,
          %get3A_1048 = vector.shape_cast %get3A_1047 : vector<1x1x16xf32> to vector<16xf32>
          %mul3A_1049 = arith.mulf %get3A_1048, %add3A_1040 : vector<16xf32>
          %add3A_1050 = arith.constant 3 : i32
          %add3A_1051 = arith.addi %mul3A_328, %add3A_1050 : i32
          %swap3A_1052 = arith.constant 0 : i32
          %swap3A_1053 = arith.index_cast %swap3A_1052 : i32 to index
          %swap3A_1054 = arith.index_cast %add3A_1051 : i32 to index
          %swap3A_1055 = arith.constant 64 : index
          %swap3A_1056 = tpu.vector_load %arg8[%swap3A_1053, %swap3A_1054, %swap3A_1055] {strides = array<i32>} : memref<2x64x128xf32, #tpu.memory_space<vmem>>, vector<1x1x16xf32>,
          %swap3A_1057 = vector.shape_cast %swap3A_1056 : vector<1x1x16xf32> to vector<16xf32>
          %swap3A_1058 = vector.shape_cast %mul3A_1049 : vector<16xf32> to vector<1x1x16xf32>
          tpu.vector_store %arg8[%swap3A_1053, %swap3A_1054, %swap3A_1055], %swap3A_1058 {strides = array<i32>} : memref<2x64x128xf32, #tpu.memory_space<vmem>>, vector<1x1x16xf32>,
          %get3A_1059 = arith.constant 0 : i32
          %get3A_1060 = arith.index_cast %get3A_1059 : i32 to index
          %get3A_1061 = arith.constant 80 : index
          %get3A_1062 = tpu.vector_load %arg12[%get3A_1060, %get3A_1061] {strides = array<i32>} : memref<8x128xf32, #tpu.memory_space<vmem>>, vector<1x16xf32>,
          %get3A_1063 = vector.shape_cast %get3A_1062 : vector<1x16xf32> to vector<16xf32>
          %get3A_1064 = arith.constant 1 : i32
          %get3A_1065 = arith.index_cast %get3A_1064 : i32 to index
          %get3A_1066 = arith.constant 80 : index
          %get3A_1067 = tpu.vector_load %arg12[%get3A_1065, %get3A_1066] {strides = array<i32>} : memref<8x128xf32, #tpu.memory_space<vmem>>, vector<1x16xf32>,
          %get3A_1068 = vector.shape_cast %get3A_1067 : vector<1x16xf32> to vector<16xf32>
          %get3A_1069 = arith.constant 2 : i32
          %get3A_1070 = arith.index_cast %get3A_1069 : i32 to index
          %get3A_1071 = arith.constant 80 : index
          %get3A_1072 = tpu.vector_load %arg12[%get3A_1070, %get3A_1071] {strides = array<i32>} : memref<8x128xf32, #tpu.memory_space<vmem>>, vector<1x16xf32>,
          %get3A_1073 = vector.shape_cast %get3A_1072 : vector<1x16xf32> to vector<16xf32>
          %get3A_1074 = arith.constant 3 : i32
          %get3A_1075 = arith.index_cast %get3A_1074 : i32 to index
          %get3A_1076 = arith.constant 80 : index
          %get3A_1077 = tpu.vector_load %arg12[%get3A_1075, %get3A_1076] {strides = array<i32>} : memref<8x128xf32, #tpu.memory_space<vmem>>, vector<1x16xf32>,
          %get3A_1078 = vector.shape_cast %get3A_1077 : vector<1x16xf32> to vector<16xf32>
          %get3A_1079 = arith.constant 4 : i32
          %get3A_1080 = arith.index_cast %get3A_1079 : i32 to index
          %get3A_1081 = arith.constant 80 : index
          %get3A_1082 = tpu.vector_load %arg12[%get3A_1080, %get3A_1081] {strides = array<i32>} : memref<8x128xf32, #tpu.memory_space<vmem>>, vector<1x16xf32>,
          %get3A_1083 = vector.shape_cast %get3A_1082 : vector<1x16xf32> to vector<16xf32>
          %get3A_1084 = arith.constant 5 : i32
          %get3A_1085 = arith.index_cast %get3A_1084 : i32 to index
          %get3A_1086 = arith.constant 80 : index
          %get3A_1087 = tpu.vector_load %arg12[%get3A_1085, %get3A_1086] {strides = array<i32>} : memref<8x128xf32, #tpu.memory_space<vmem>>, vector<1x16xf32>,
          %get3A_1088 = vector.shape_cast %get3A_1087 : vector<1x16xf32> to vector<16xf32>
          %mul3A_1089 = arith.mulf %gather3A_234, %get3A_1063 : vector<16xf32>
          %mul3A_1090 = arith.mulf %gather3A_238, %get3A_1068 : vector<16xf32>
          %add3A_1091 = arith.addf %mul3A_1089, %mul3A_1090 : vector<16xf32>
          %mul3A_1092 = arith.mulf %gather3A_242, %get3A_1073 : vector<16xf32>
          %add3A_1093 = arith.addf %add3A_1091, %mul3A_1092 : vector<16xf32>
          %mul3A_1094 = arith.mulf %gather3A_246, %get3A_1078 : vector<16xf32>
          %add3A_1095 = arith.addf %add3A_1093, %mul3A_1094 : vector<16xf32>
          %mul3A_1096 = arith.mulf %gather3A_250, %get3A_1083 : vector<16xf32>
          %add3A_1097 = arith.addf %add3A_1095, %mul3A_1096 : vector<16xf32>
          %mul3A_1098 = arith.mulf %gather3A_254, %get3A_1088 : vector<16xf32>
          %add3A_1099 = arith.addf %add3A_1097, %mul3A_1098 : vector<16xf32>
          %add3A_1100 = arith.constant 0 : i32
          %add3A_1101 = arith.addi %mul3A_328, %add3A_1100 : i32
          %get3A_1102 = arith.constant 0 : i32
          %get3A_1103 = arith.index_cast %get3A_1102 : i32 to index
          %get3A_1104 = arith.index_cast %add3A_1101 : i32 to index
          %get3A_1105 = arith.constant 80 : index
          %get3A_1106 = tpu.vector_load %arg7[%get3A_1103, %get3A_1104, %get3A_1105] {strides = array<i32>} : memref<2x64x128xf32, #tpu.memory_space<vmem>>, vector<1x1x16xf32>,
          %get3A_1107 = vector.shape_cast %get3A_1106 : vector<1x1x16xf32> to vector<16xf32>
          %mul3A_1108 = arith.mulf %get3A_1107, %add3A_1099 : vector<16xf32>
          %add3A_1109 = arith.constant 0 : i32
          %add3A_1110 = arith.addi %mul3A_328, %add3A_1109 : i32
          %swap3A_1111 = arith.constant 0 : i32
          %swap3A_1112 = arith.index_cast %swap3A_1111 : i32 to index
          %swap3A_1113 = arith.index_cast %add3A_1110 : i32 to index
          %swap3A_1114 = arith.constant 80 : index
          %swap3A_1115 = tpu.vector_load %arg8[%swap3A_1112, %swap3A_1113, %swap3A_1114] {strides = array<i32>} : memref<2x64x128xf32, #tpu.memory_space<vmem>>, vector<1x1x16xf32>,
          %swap3A_1116 = vector.shape_cast %swap3A_1115 : vector<1x1x16xf32> to vector<16xf32>
          %swap3A_1117 = vector.shape_cast %mul3A_1108 : vector<16xf32> to vector<1x1x16xf32>
          tpu.vector_store %arg8[%swap3A_1112, %swap3A_1113, %swap3A_1114], %swap3A_1117 {strides = array<i32>} : memref<2x64x128xf32, #tpu.memory_space<vmem>>, vector<1x1x16xf32>,
          %mul3A_1118 = arith.mulf %gather3A_258, %get3A_1063 : vector<16xf32>
          %mul3A_1119 = arith.mulf %gather3A_262, %get3A_1068 : vector<16xf32>
          %add3A_1120 = arith.addf %mul3A_1118, %mul3A_1119 : vector<16xf32>
          %mul3A_1121 = arith.mulf %gather3A_266, %get3A_1073 : vector<16xf32>
          %add3A_1122 = arith.addf %add3A_1120, %mul3A_1121 : vector<16xf32>
          %mul3A_1123 = arith.mulf %gather3A_270, %get3A_1078 : vector<16xf32>
          %add3A_1124 = arith.addf %add3A_1122, %mul3A_1123 : vector<16xf32>
          %mul3A_1125 = arith.mulf %gather3A_274, %get3A_1083 : vector<16xf32>
          %add3A_1126 = arith.addf %add3A_1124, %mul3A_1125 : vector<16xf32>
          %mul3A_1127 = arith.mulf %gather3A_278, %get3A_1088 : vector<16xf32>
          %add3A_1128 = arith.addf %add3A_1126, %mul3A_1127 : vector<16xf32>
          %add3A_1129 = arith.constant 1 : i32
          %add3A_1130 = arith.addi %mul3A_328, %add3A_1129 : i32
          %get3A_1131 = arith.constant 0 : i32
          %get3A_1132 = arith.index_cast %get3A_1131 : i32 to index
          %get3A_1133 = arith.index_cast %add3A_1130 : i32 to index
          %get3A_1134 = arith.constant 80 : index
          %get3A_1135 = tpu.vector_load %arg7[%get3A_1132, %get3A_1133, %get3A_1134] {strides = array<i32>} : memref<2x64x128xf32, #tpu.memory_space<vmem>>, vector<1x1x16xf32>,
          %get3A_1136 = vector.shape_cast %get3A_1135 : vector<1x1x16xf32> to vector<16xf32>
          %mul3A_1137 = arith.mulf %get3A_1136, %add3A_1128 : vector<16xf32>
          %add3A_1138 = arith.constant 1 : i32
          %add3A_1139 = arith.addi %mul3A_328, %add3A_1138 : i32
          %swap3A_1140 = arith.constant 0 : i32
          %swap3A_1141 = arith.index_cast %swap3A_1140 : i32 to index
          %swap3A_1142 = arith.index_cast %add3A_1139 : i32 to index
          %swap3A_1143 = arith.constant 80 : index
          %swap3A_1144 = tpu.vector_load %arg8[%swap3A_1141, %swap3A_1142, %swap3A_1143] {strides = array<i32>} : memref<2x64x128xf32, #tpu.memory_space<vmem>>, vector<1x1x16xf32>,
          %swap3A_1145 = vector.shape_cast %swap3A_1144 : vector<1x1x16xf32> to vector<16xf32>
          %swap3A_1146 = vector.shape_cast %mul3A_1137 : vector<16xf32> to vector<1x1x16xf32>
          tpu.vector_store %arg8[%swap3A_1141, %swap3A_1142, %swap3A_1143], %swap3A_1146 {strides = array<i32>} : memref<2x64x128xf32, #tpu.memory_space<vmem>>, vector<1x1x16xf32>,
          %mul3A_1147 = arith.mulf %gather3A_282, %get3A_1063 : vector<16xf32>
          %mul3A_1148 = arith.mulf %gather3A_286, %get3A_1068 : vector<16xf32>
          %add3A_1149 = arith.addf %mul3A_1147, %mul3A_1148 : vector<16xf32>
          %mul3A_1150 = arith.mulf %gather3A_290, %get3A_1073 : vector<16xf32>
          %add3A_1151 = arith.addf %add3A_1149, %mul3A_1150 : vector<16xf32>
          %mul3A_1152 = arith.mulf %gather3A_294, %get3A_1078 : vector<16xf32>
          %add3A_1153 = arith.addf %add3A_1151, %mul3A_1152 : vector<16xf32>
          %mul3A_1154 = arith.mulf %gather3A_298, %get3A_1083 : vector<16xf32>
          %add3A_1155 = arith.addf %add3A_1153, %mul3A_1154 : vector<16xf32>
          %mul3A_1156 = arith.mulf %gather3A_302, %get3A_1088 : vector<16xf32>
          %add3A_1157 = arith.addf %add3A_1155, %mul3A_1156 : vector<16xf32>
          %add3A_1158 = arith.constant 2 : i32
          %add3A_1159 = arith.addi %mul3A_328, %add3A_1158 : i32
          %get3A_1160 = arith.constant 0 : i32
          %get3A_1161 = arith.index_cast %get3A_1160 : i32 to index
          %get3A_1162 = arith.index_cast %add3A_1159 : i32 to index
          %get3A_1163 = arith.constant 80 : index
          %get3A_1164 = tpu.vector_load %arg7[%get3A_1161, %get3A_1162, %get3A_1163] {strides = array<i32>} : memref<2x64x128xf32, #tpu.memory_space<vmem>>, vector<1x1x16xf32>,
          %get3A_1165 = vector.shape_cast %get3A_1164 : vector<1x1x16xf32> to vector<16xf32>
          %mul3A_1166 = arith.mulf %get3A_1165, %add3A_1157 : vector<16xf32>
          %add3A_1167 = arith.constant 2 : i32
          %add3A_1168 = arith.addi %mul3A_328, %add3A_1167 : i32
          %swap3A_1169 = arith.constant 0 : i32
          %swap3A_1170 = arith.index_cast %swap3A_1169 : i32 to index
          %swap3A_1171 = arith.index_cast %add3A_1168 : i32 to index
          %swap3A_1172 = arith.constant 80 : index
          %swap3A_1173 = tpu.vector_load %arg8[%swap3A_1170, %swap3A_1171, %swap3A_1172] {strides = array<i32>} : memref<2x64x128xf32, #tpu.memory_space<vmem>>, vector<1x1x16xf32>,
          %swap3A_1174 = vector.shape_cast %swap3A_1173 : vector<1x1x16xf32> to vector<16xf32>
          %swap3A_1175 = vector.shape_cast %mul3A_1166 : vector<16xf32> to vector<1x1x16xf32>
          tpu.vector_store %arg8[%swap3A_1170, %swap3A_1171, %swap3A_1172], %swap3A_1175 {strides = array<i32>} : memref<2x64x128xf32, #tpu.memory_space<vmem>>, vector<1x1x16xf32>,
          %mul3A_1176 = arith.mulf %gather3A_306, %get3A_1063 : vector<16xf32>
          %mul3A_1177 = arith.mulf %gather3A_310, %get3A_1068 : vector<16xf32>
          %add3A_1178 = arith.addf %mul3A_1176, %mul3A_1177 : vector<16xf32>
          %mul3A_1179 = arith.mulf %gather3A_314, %get3A_1073 : vector<16xf32>
          %add3A_1180 = arith.addf %add3A_1178, %mul3A_1179 : vector<16xf32>
          %mul3A_1181 = arith.mulf %gather3A_318, %get3A_1078 : vector<16xf32>
          %add3A_1182 = arith.addf %add3A_1180, %mul3A_1181 : vector<16xf32>
          %mul3A_1183 = arith.mulf %gather3A_322, %get3A_1083 : vector<16xf32>
          %add3A_1184 = arith.addf %add3A_1182, %mul3A_1183 : vector<16xf32>
          %mul3A_1185 = arith.mulf %gather3A_326, %get3A_1088 : vector<16xf32>
          %add3A_1186 = arith.addf %add3A_1184, %mul3A_1185 : vector<16xf32>
          %add3A_1187 = arith.constant 3 : i32
          %add3A_1188 = arith.addi %mul3A_328, %add3A_1187 : i32
          %get3A_1189 = arith.constant 0 : i32
          %get3A_1190 = arith.index_cast %get3A_1189 : i32 to index
          %get3A_1191 = arith.index_cast %add3A_1188 : i32 to index
          %get3A_1192 = arith.constant 80 : index
          %get3A_1193 = tpu.vector_load %arg7[%get3A_1190, %get3A_1191, %get3A_1192] {strides = array<i32>} : memref<2x64x128xf32, #tpu.memory_space<vmem>>, vector<1x1x16xf32>,
          %get3A_1194 = vector.shape_cast %get3A_1193 : vector<1x1x16xf32> to vector<16xf32>
          %mul3A_1195 = arith.mulf %get3A_1194, %add3A_1186 : vector<16xf32>
          %add3A_1196 = arith.constant 3 : i32
          %add3A_1197 = arith.addi %mul3A_328, %add3A_1196 : i32
          %swap3A_1198 = arith.constant 0 : i32
          %swap3A_1199 = arith.index_cast %swap3A_1198 : i32 to index
          %swap3A_1200 = arith.index_cast %add3A_1197 : i32 to index
          %swap3A_1201 = arith.constant 80 : index
          %swap3A_1202 = tpu.vector_load %arg8[%swap3A_1199, %swap3A_1200, %swap3A_1201] {strides = array<i32>} : memref<2x64x128xf32, #tpu.memory_space<vmem>>, vector<1x1x16xf32>,
          %swap3A_1203 = vector.shape_cast %swap3A_1202 : vector<1x1x16xf32> to vector<16xf32>
          %swap3A_1204 = vector.shape_cast %mul3A_1195 : vector<16xf32> to vector<1x1x16xf32>
          tpu.vector_store %arg8[%swap3A_1199, %swap3A_1200, %swap3A_1201], %swap3A_1204 {strides = array<i32>} : memref<2x64x128xf32, #tpu.memory_space<vmem>>, vector<1x1x16xf32>,
          %get3A_1205 = arith.constant 0 : i32
          %get3A_1206 = arith.index_cast %get3A_1205 : i32 to index
          %get3A_1207 = arith.constant 96 : index
          %get3A_1208 = tpu.vector_load %arg12[%get3A_1206, %get3A_1207] {strides = array<i32>} : memref<8x128xf32, #tpu.memory_space<vmem>>, vector<1x16xf32>,
          %get3A_1209 = vector.shape_cast %get3A_1208 : vector<1x16xf32> to vector<16xf32>
          %get3A_1210 = arith.constant 1 : i32
          %get3A_1211 = arith.index_cast %get3A_1210 : i32 to index
          %get3A_1212 = arith.constant 96 : index
          %get3A_1213 = tpu.vector_load %arg12[%get3A_1211, %get3A_1212] {strides = array<i32>} : memref<8x128xf32, #tpu.memory_space<vmem>>, vector<1x16xf32>,
          %get3A_1214 = vector.shape_cast %get3A_1213 : vector<1x16xf32> to vector<16xf32>
          %get3A_1215 = arith.constant 2 : i32
          %get3A_1216 = arith.index_cast %get3A_1215 : i32 to index
          %get3A_1217 = arith.constant 96 : index
          %get3A_1218 = tpu.vector_load %arg12[%get3A_1216, %get3A_1217] {strides = array<i32>} : memref<8x128xf32, #tpu.memory_space<vmem>>, vector<1x16xf32>,
          %get3A_1219 = vector.shape_cast %get3A_1218 : vector<1x16xf32> to vector<16xf32>
          %get3A_1220 = arith.constant 3 : i32
          %get3A_1221 = arith.index_cast %get3A_1220 : i32 to index
          %get3A_1222 = arith.constant 96 : index
          %get3A_1223 = tpu.vector_load %arg12[%get3A_1221, %get3A_1222] {strides = array<i32>} : memref<8x128xf32, #tpu.memory_space<vmem>>, vector<1x16xf32>,
          %get3A_1224 = vector.shape_cast %get3A_1223 : vector<1x16xf32> to vector<16xf32>
          %get3A_1225 = arith.constant 4 : i32
          %get3A_1226 = arith.index_cast %get3A_1225 : i32 to index
          %get3A_1227 = arith.constant 96 : index
          %get3A_1228 = tpu.vector_load %arg12[%get3A_1226, %get3A_1227] {strides = array<i32>} : memref<8x128xf32, #tpu.memory_space<vmem>>, vector<1x16xf32>,
          %get3A_1229 = vector.shape_cast %get3A_1228 : vector<1x16xf32> to vector<16xf32>
          %get3A_1230 = arith.constant 5 : i32
          %get3A_1231 = arith.index_cast %get3A_1230 : i32 to index
          %get3A_1232 = arith.constant 96 : index
          %get3A_1233 = tpu.vector_load %arg12[%get3A_1231, %get3A_1232] {strides = array<i32>} : memref<8x128xf32, #tpu.memory_space<vmem>>, vector<1x16xf32>,
          %get3A_1234 = vector.shape_cast %get3A_1233 : vector<1x16xf32> to vector<16xf32>
          %mul3A_1235 = arith.mulf %gather3A_234, %get3A_1209 : vector<16xf32>
          %mul3A_1236 = arith.mulf %gather3A_238, %get3A_1214 : vector<16xf32>
          %add3A_1237 = arith.addf %mul3A_1235, %mul3A_1236 : vector<16xf32>
          %mul3A_1238 = arith.mulf %gather3A_242, %get3A_1219 : vector<16xf32>
          %add3A_1239 = arith.addf %add3A_1237, %mul3A_1238 : vector<16xf32>
          %mul3A_1240 = arith.mulf %gather3A_246, %get3A_1224 : vector<16xf32>
          %add3A_1241 = arith.addf %add3A_1239, %mul3A_1240 : vector<16xf32>
          %mul3A_1242 = arith.mulf %gather3A_250, %get3A_1229 : vector<16xf32>
          %add3A_1243 = arith.addf %add3A_1241, %mul3A_1242 : vector<16xf32>
          %mul3A_1244 = arith.mulf %gather3A_254, %get3A_1234 : vector<16xf32>
          %add3A_1245 = arith.addf %add3A_1243, %mul3A_1244 : vector<16xf32>
          %add3A_1246 = arith.constant 0 : i32
          %add3A_1247 = arith.addi %mul3A_328, %add3A_1246 : i32
          %get3A_1248 = arith.constant 0 : i32
          %get3A_1249 = arith.index_cast %get3A_1248 : i32 to index
          %get3A_1250 = arith.index_cast %add3A_1247 : i32 to index
          %get3A_1251 = arith.constant 96 : index
          %get3A_1252 = tpu.vector_load %arg7[%get3A_1249, %get3A_1250, %get3A_1251] {strides = array<i32>} : memref<2x64x128xf32, #tpu.memory_space<vmem>>, vector<1x1x16xf32>,
          %get3A_1253 = vector.shape_cast %get3A_1252 : vector<1x1x16xf32> to vector<16xf32>
          %mul3A_1254 = arith.mulf %get3A_1253, %add3A_1245 : vector<16xf32>
          %add3A_1255 = arith.constant 0 : i32
          %add3A_1256 = arith.addi %mul3A_328, %add3A_1255 : i32
          %swap3A_1257 = arith.constant 0 : i32
          %swap3A_1258 = arith.index_cast %swap3A_1257 : i32 to index
          %swap3A_1259 = arith.index_cast %add3A_1256 : i32 to index
          %swap3A_1260 = arith.constant 96 : index
          %swap3A_1261 = tpu.vector_load %arg8[%swap3A_1258, %swap3A_1259, %swap3A_1260] {strides = array<i32>} : memref<2x64x128xf32, #tpu.memory_space<vmem>>, vector<1x1x16xf32>,
          %swap3A_1262 = vector.shape_cast %swap3A_1261 : vector<1x1x16xf32> to vector<16xf32>
          %swap3A_1263 = vector.shape_cast %mul3A_1254 : vector<16xf32> to vector<1x1x16xf32>
          tpu.vector_store %arg8[%swap3A_1258, %swap3A_1259, %swap3A_1260], %swap3A_1263 {strides = array<i32>} : memref<2x64x128xf32, #tpu.memory_space<vmem>>, vector<1x1x16xf32>,
          %mul3A_1264 = arith.mulf %gather3A_258, %get3A_1209 : vector<16xf32>
          %mul3A_1265 = arith.mulf %gather3A_262, %get3A_1214 : vector<16xf32>
          %add3A_1266 = arith.addf %mul3A_1264, %mul3A_1265 : vector<16xf32>
          %mul3A_1267 = arith.mulf %gather3A_266, %get3A_1219 : vector<16xf32>
          %add3A_1268 = arith.addf %add3A_1266, %mul3A_1267 : vector<16xf32>
          %mul3A_1269 = arith.mulf %gather3A_270, %get3A_1224 : vector<16xf32>
          %add3A_1270 = arith.addf %add3A_1268, %mul3A_1269 : vector<16xf32>
          %mul3A_1271 = arith.mulf %gather3A_274, %get3A_1229 : vector<16xf32>
          %add3A_1272 = arith.addf %add3A_1270, %mul3A_1271 : vector<16xf32>
          %mul3A_1273 = arith.mulf %gather3A_278, %get3A_1234 : vector<16xf32>
          %add3A_1274 = arith.addf %add3A_1272, %mul3A_1273 : vector<16xf32>
          %add3A_1275 = arith.constant 1 : i32
          %add3A_1276 = arith.addi %mul3A_328, %add3A_1275 : i32
          %get3A_1277 = arith.constant 0 : i32
          %get3A_1278 = arith.index_cast %get3A_1277 : i32 to index
          %get3A_1279 = arith.index_cast %add3A_1276 : i32 to index
          %get3A_1280 = arith.constant 96 : index
          %get3A_1281 = tpu.vector_load %arg7[%get3A_1278, %get3A_1279, %get3A_1280] {strides = array<i32>} : memref<2x64x128xf32, #tpu.memory_space<vmem>>, vector<1x1x16xf32>,
          %get3A_1282 = vector.shape_cast %get3A_1281 : vector<1x1x16xf32> to vector<16xf32>
          %mul3A_1283 = arith.mulf %get3A_1282, %add3A_1274 : vector<16xf32>
          %add3A_1284 = arith.constant 1 : i32
          %add3A_1285 = arith.addi %mul3A_328, %add3A_1284 : i32
          %swap3A_1286 = arith.constant 0 : i32
          %swap3A_1287 = arith.index_cast %swap3A_1286 : i32 to index
          %swap3A_1288 = arith.index_cast %add3A_1285 : i32 to index
          %swap3A_1289 = arith.constant 96 : index
          %swap3A_1290 = tpu.vector_load %arg8[%swap3A_1287, %swap3A_1288, %swap3A_1289] {strides = array<i32>} : memref<2x64x128xf32, #tpu.memory_space<vmem>>, vector<1x1x16xf32>,
          %swap3A_1291 = vector.shape_cast %swap3A_1290 : vector<1x1x16xf32> to vector<16xf32>
          %swap3A_1292 = vector.shape_cast %mul3A_1283 : vector<16xf32> to vector<1x1x16xf32>
          tpu.vector_store %arg8[%swap3A_1287, %swap3A_1288, %swap3A_1289], %swap3A_1292 {strides = array<i32>} : memref<2x64x128xf32, #tpu.memory_space<vmem>>, vector<1x1x16xf32>,
          %mul3A_1293 = arith.mulf %gather3A_282, %get3A_1209 : vector<16xf32>
          %mul3A_1294 = arith.mulf %gather3A_286, %get3A_1214 : vector<16xf32>
          %add3A_1295 = arith.addf %mul3A_1293, %mul3A_1294 : vector<16xf32>
          %mul3A_1296 = arith.mulf %gather3A_290, %get3A_1219 : vector<16xf32>
          %add3A_1297 = arith.addf %add3A_1295, %mul3A_1296 : vector<16xf32>
          %mul3A_1298 = arith.mulf %gather3A_294, %get3A_1224 : vector<16xf32>
          %add3A_1299 = arith.addf %add3A_1297, %mul3A_1298 : vector<16xf32>
          %mul3A_1300 = arith.mulf %gather3A_298, %get3A_1229 : vector<16xf32>
          %add3A_1301 = arith.addf %add3A_1299, %mul3A_1300 : vector<16xf32>
          %mul3A_1302 = arith.mulf %gather3A_302, %get3A_1234 : vector<16xf32>
          %add3A_1303 = arith.addf %add3A_1301, %mul3A_1302 : vector<16xf32>
          %add3A_1304 = arith.constant 2 : i32
          %add3A_1305 = arith.addi %mul3A_328, %add3A_1304 : i32
          %get3A_1306 = arith.constant 0 : i32
          %get3A_1307 = arith.index_cast %get3A_1306 : i32 to index
          %get3A_1308 = arith.index_cast %add3A_1305 : i32 to index
          %get3A_1309 = arith.constant 96 : index
          %get3A_1310 = tpu.vector_load %arg7[%get3A_1307, %get3A_1308, %get3A_1309] {strides = array<i32>} : memref<2x64x128xf32, #tpu.memory_space<vmem>>, vector<1x1x16xf32>,
          %get3A_1311 = vector.shape_cast %get3A_1310 : vector<1x1x16xf32> to vector<16xf32>
          %mul3A_1312 = arith.mulf %get3A_1311, %add3A_1303 : vector<16xf32>
          %add3A_1313 = arith.constant 2 : i32
          %add3A_1314 = arith.addi %mul3A_328, %add3A_1313 : i32
          %swap3A_1315 = arith.constant 0 : i32
          %swap3A_1316 = arith.index_cast %swap3A_1315 : i32 to index
          %swap3A_1317 = arith.index_cast %add3A_1314 : i32 to index
          %swap3A_1318 = arith.constant 96 : index
          %swap3A_1319 = tpu.vector_load %arg8[%swap3A_1316, %swap3A_1317, %swap3A_1318] {strides = array<i32>} : memref<2x64x128xf32, #tpu.memory_space<vmem>>, vector<1x1x16xf32>,
          %swap3A_1320 = vector.shape_cast %swap3A_1319 : vector<1x1x16xf32> to vector<16xf32>
          %swap3A_1321 = vector.shape_cast %mul3A_1312 : vector<16xf32> to vector<1x1x16xf32>
          tpu.vector_store %arg8[%swap3A_1316, %swap3A_1317, %swap3A_1318], %swap3A_1321 {strides = array<i32>} : memref<2x64x128xf32, #tpu.memory_space<vmem>>, vector<1x1x16xf32>,
          %mul3A_1322 = arith.mulf %gather3A_306, %get3A_1209 : vector<16xf32>
          %mul3A_1323 = arith.mulf %gather3A_310, %get3A_1214 : vector<16xf32>
          %add3A_1324 = arith.addf %mul3A_1322, %mul3A_1323 : vector<16xf32>
          %mul3A_1325 = arith.mulf %gather3A_314, %get3A_1219 : vector<16xf32>
          %add3A_1326 = arith.addf %add3A_1324, %mul3A_1325 : vector<16xf32>
          %mul3A_1327 = arith.mulf %gather3A_318, %get3A_1224 : vector<16xf32>
          %add3A_1328 = arith.addf %add3A_1326, %mul3A_1327 : vector<16xf32>
          %mul3A_1329 = arith.mulf %gather3A_322, %get3A_1229 : vector<16xf32>
          %add3A_1330 = arith.addf %add3A_1328, %mul3A_1329 : vector<16xf32>
          %mul3A_1331 = arith.mulf %gather3A_326, %get3A_1234 : vector<16xf32>
          %add3A_1332 = arith.addf %add3A_1330, %mul3A_1331 : vector<16xf32>
          %add3A_1333 = arith.constant 3 : i32
          %add3A_1334 = arith.addi %mul3A_328, %add3A_1333 : i32
          %get3A_1335 = arith.constant 0 : i32
          %get3A_1336 = arith.index_cast %get3A_1335 : i32 to index
          %get3A_1337 = arith.index_cast %add3A_1334 : i32 to index
          %get3A_1338 = arith.constant 96 : index
          %get3A_1339 = tpu.vector_load %arg7[%get3A_1336, %get3A_1337, %get3A_1338] {strides = array<i32>} : memref<2x64x128xf32, #tpu.memory_space<vmem>>, vector<1x1x16xf32>,
          %get3A_1340 = vector.shape_cast %get3A_1339 : vector<1x1x16xf32> to vector<16xf32>
          %mul3A_1341 = arith.mulf %get3A_1340, %add3A_1332 : vector<16xf32>
          %add3A_1342 = arith.constant 3 : i32
          %add3A_1343 = arith.addi %mul3A_328, %add3A_1342 : i32
          %swap3A_1344 = arith.constant 0 : i32
          %swap3A_1345 = arith.index_cast %swap3A_1344 : i32 to index
          %swap3A_1346 = arith.index_cast %add3A_1343 : i32 to index
          %swap3A_1347 = arith.constant 96 : index
          %swap3A_1348 = tpu.vector_load %arg8[%swap3A_1345, %swap3A_1346, %swap3A_1347] {strides = array<i32>} : memref<2x64x128xf32, #tpu.memory_space<vmem>>, vector<1x1x16xf32>,
          %swap3A_1349 = vector.shape_cast %swap3A_1348 : vector<1x1x16xf32> to vector<16xf32>
          %swap3A_1350 = vector.shape_cast %mul3A_1341 : vector<16xf32> to vector<1x1x16xf32>
          tpu.vector_store %arg8[%swap3A_1345, %swap3A_1346, %swap3A_1347], %swap3A_1350 {strides = array<i32>} : memref<2x64x128xf32, #tpu.memory_space<vmem>>, vector<1x1x16xf32>,
          %get3A_1351 = arith.constant 0 : i32
          %get3A_1352 = arith.index_cast %get3A_1351 : i32 to index
          %get3A_1353 = arith.constant 112 : index
          %get3A_1354 = tpu.vector_load %arg12[%get3A_1352, %get3A_1353] {strides = array<i32>} : memref<8x128xf32, #tpu.memory_space<vmem>>, vector<1x16xf32>,
          %get3A_1355 = vector.shape_cast %get3A_1354 : vector<1x16xf32> to vector<16xf32>
          %get3A_1356 = arith.constant 1 : i32
          %get3A_1357 = arith.index_cast %get3A_1356 : i32 to index
          %get3A_1358 = arith.constant 112 : index
          %get3A_1359 = tpu.vector_load %arg12[%get3A_1357, %get3A_1358] {strides = array<i32>} : memref<8x128xf32, #tpu.memory_space<vmem>>, vector<1x16xf32>,
          %get3A_1360 = vector.shape_cast %get3A_1359 : vector<1x16xf32> to vector<16xf32>
          %get3A_1361 = arith.constant 2 : i32
          %get3A_1362 = arith.index_cast %get3A_1361 : i32 to index
          %get3A_1363 = arith.constant 112 : index
          %get3A_1364 = tpu.vector_load %arg12[%get3A_1362, %get3A_1363] {strides = array<i32>} : memref<8x128xf32, #tpu.memory_space<vmem>>, vector<1x16xf32>,
          %get3A_1365 = vector.shape_cast %get3A_1364 : vector<1x16xf32> to vector<16xf32>
          %get3A_1366 = arith.constant 3 : i32
          %get3A_1367 = arith.index_cast %get3A_1366 : i32 to index
          %get3A_1368 = arith.constant 112 : index
          %get3A_1369 = tpu.vector_load %arg12[%get3A_1367, %get3A_1368] {strides = array<i32>} : memref<8x128xf32, #tpu.memory_space<vmem>>, vector<1x16xf32>,
          %get3A_1370 = vector.shape_cast %get3A_1369 : vector<1x16xf32> to vector<16xf32>
          %get3A_1371 = arith.constant 4 : i32
          %get3A_1372 = arith.index_cast %get3A_1371 : i32 to index
          %get3A_1373 = arith.constant 112 : index
          %get3A_1374 = tpu.vector_load %arg12[%get3A_1372, %get3A_1373] {strides = array<i32>} : memref<8x128xf32, #tpu.memory_space<vmem>>, vector<1x16xf32>,
          %get3A_1375 = vector.shape_cast %get3A_1374 : vector<1x16xf32> to vector<16xf32>
          %get3A_1376 = arith.constant 5 : i32
          %get3A_1377 = arith.index_cast %get3A_1376 : i32 to index
          %get3A_1378 = arith.constant 112 : index
          %get3A_1379 = tpu.vector_load %arg12[%get3A_1377, %get3A_1378] {strides = array<i32>} : memref<8x128xf32, #tpu.memory_space<vmem>>, vector<1x16xf32>,
          %get3A_1380 = vector.shape_cast %get3A_1379 : vector<1x16xf32> to vector<16xf32>
          %mul3A_1381 = arith.mulf %gather3A_234, %get3A_1355 : vector<16xf32>
          %mul3A_1382 = arith.mulf %gather3A_238, %get3A_1360 : vector<16xf32>
          %add3A_1383 = arith.addf %mul3A_1381, %mul3A_1382 : vector<16xf32>
          %mul3A_1384 = arith.mulf %gather3A_242, %get3A_1365 : vector<16xf32>
          %add3A_1385 = arith.addf %add3A_1383, %mul3A_1384 : vector<16xf32>
          %mul3A_1386 = arith.mulf %gather3A_246, %get3A_1370 : vector<16xf32>
          %add3A_1387 = arith.addf %add3A_1385, %mul3A_1386 : vector<16xf32>
          %mul3A_1388 = arith.mulf %gather3A_250, %get3A_1375 : vector<16xf32>
          %add3A_1389 = arith.addf %add3A_1387, %mul3A_1388 : vector<16xf32>
          %mul3A_1390 = arith.mulf %gather3A_254, %get3A_1380 : vector<16xf32>
          %add3A_1391 = arith.addf %add3A_1389, %mul3A_1390 : vector<16xf32>
          %add3A_1392 = arith.constant 0 : i32
          %add3A_1393 = arith.addi %mul3A_328, %add3A_1392 : i32
          %get3A_1394 = arith.constant 0 : i32
          %get3A_1395 = arith.index_cast %get3A_1394 : i32 to index
          %get3A_1396 = arith.index_cast %add3A_1393 : i32 to index
          %get3A_1397 = arith.constant 112 : index
          %get3A_1398 = tpu.vector_load %arg7[%get3A_1395, %get3A_1396, %get3A_1397] {strides = array<i32>} : memref<2x64x128xf32, #tpu.memory_space<vmem>>, vector<1x1x16xf32>,
          %get3A_1399 = vector.shape_cast %get3A_1398 : vector<1x1x16xf32> to vector<16xf32>
          %mul3A_1400 = arith.mulf %get3A_1399, %add3A_1391 : vector<16xf32>
          %add3A_1401 = arith.constant 0 : i32
          %add3A_1402 = arith.addi %mul3A_328, %add3A_1401 : i32
          %swap3A_1403 = arith.constant 0 : i32
          %swap3A_1404 = arith.index_cast %swap3A_1403 : i32 to index
          %swap3A_1405 = arith.index_cast %add3A_1402 : i32 to index
          %swap3A_1406 = arith.constant 112 : index
          %swap3A_1407 = tpu.vector_load %arg8[%swap3A_1404, %swap3A_1405, %swap3A_1406] {strides = array<i32>} : memref<2x64x128xf32, #tpu.memory_space<vmem>>, vector<1x1x16xf32>,
          %swap3A_1408 = vector.shape_cast %swap3A_1407 : vector<1x1x16xf32> to vector<16xf32>
          %swap3A_1409 = vector.shape_cast %mul3A_1400 : vector<16xf32> to vector<1x1x16xf32>
          tpu.vector_store %arg8[%swap3A_1404, %swap3A_1405, %swap3A_1406], %swap3A_1409 {strides = array<i32>} : memref<2x64x128xf32, #tpu.memory_space<vmem>>, vector<1x1x16xf32>,
          %mul3A_1410 = arith.mulf %gather3A_258, %get3A_1355 : vector<16xf32>
          %mul3A_1411 = arith.mulf %gather3A_262, %get3A_1360 : vector<16xf32>
          %add3A_1412 = arith.addf %mul3A_1410, %mul3A_1411 : vector<16xf32>
          %mul3A_1413 = arith.mulf %gather3A_266, %get3A_1365 : vector<16xf32>
          %add3A_1414 = arith.addf %add3A_1412, %mul3A_1413 : vector<16xf32>
          %mul3A_1415 = arith.mulf %gather3A_270, %get3A_1370 : vector<16xf32>
          %add3A_1416 = arith.addf %add3A_1414, %mul3A_1415 : vector<16xf32>
          %mul3A_1417 = arith.mulf %gather3A_274, %get3A_1375 : vector<16xf32>
          %add3A_1418 = arith.addf %add3A_1416, %mul3A_1417 : vector<16xf32>
          %mul3A_1419 = arith.mulf %gather3A_278, %get3A_1380 : vector<16xf32>
          %add3A_1420 = arith.addf %add3A_1418, %mul3A_1419 : vector<16xf32>
          %add3A_1421 = arith.constant 1 : i32
          %add3A_1422 = arith.addi %mul3A_328, %add3A_1421 : i32
          %get3A_1423 = arith.constant 0 : i32
          %get3A_1424 = arith.index_cast %get3A_1423 : i32 to index
          %get3A_1425 = arith.index_cast %add3A_1422 : i32 to index
          %get3A_1426 = arith.constant 112 : index
          %get3A_1427 = tpu.vector_load %arg7[%get3A_1424, %get3A_1425, %get3A_1426] {strides = array<i32>} : memref<2x64x128xf32, #tpu.memory_space<vmem>>, vector<1x1x16xf32>,
          %get3A_1428 = vector.shape_cast %get3A_1427 : vector<1x1x16xf32> to vector<16xf32>
          %mul3A_1429 = arith.mulf %get3A_1428, %add3A_1420 : vector<16xf32>
          %add3A_1430 = arith.constant 1 : i32
          %add3A_1431 = arith.addi %mul3A_328, %add3A_1430 : i32
          %swap3A_1432 = arith.constant 0 : i32
          %swap3A_1433 = arith.index_cast %swap3A_1432 : i32 to index
          %swap3A_1434 = arith.index_cast %add3A_1431 : i32 to index
          %swap3A_1435 = arith.constant 112 : index
          %swap3A_1436 = tpu.vector_load %arg8[%swap3A_1433, %swap3A_1434, %swap3A_1435] {strides = array<i32>} : memref<2x64x128xf32, #tpu.memory_space<vmem>>, vector<1x1x16xf32>,
          %swap3A_1437 = vector.shape_cast %swap3A_1436 : vector<1x1x16xf32> to vector<16xf32>
          %swap3A_1438 = vector.shape_cast %mul3A_1429 : vector<16xf32> to vector<1x1x16xf32>
          tpu.vector_store %arg8[%swap3A_1433, %swap3A_1434, %swap3A_1435], %swap3A_1438 {strides = array<i32>} : memref<2x64x128xf32, #tpu.memory_space<vmem>>, vector<1x1x16xf32>,
          %mul3A_1439 = arith.mulf %gather3A_282, %get3A_1355 : vector<16xf32>
          %mul3A_1440 = arith.mulf %gather3A_286, %get3A_1360 : vector<16xf32>
          %add3A_1441 = arith.addf %mul3A_1439, %mul3A_1440 : vector<16xf32>
          %mul3A_1442 = arith.mulf %gather3A_290, %get3A_1365 : vector<16xf32>
          %add3A_1443 = arith.addf %add3A_1441, %mul3A_1442 : vector<16xf32>
          %mul3A_1444 = arith.mulf %gather3A_294, %get3A_1370 : vector<16xf32>
          %add3A_1445 = arith.addf %add3A_1443, %mul3A_1444 : vector<16xf32>
          %mul3A_1446 = arith.mulf %gather3A_298, %get3A_1375 : vector<16xf32>
          %add3A_1447 = arith.addf %add3A_1445, %mul3A_1446 : vector<16xf32>
          %mul3A_1448 = arith.mulf %gather3A_302, %get3A_1380 : vector<16xf32>
          %add3A_1449 = arith.addf %add3A_1447, %mul3A_1448 : vector<16xf32>
          %add3A_1450 = arith.constant 2 : i32
          %add3A_1451 = arith.addi %mul3A_328, %add3A_1450 : i32
          %get3A_1452 = arith.constant 0 : i32
          %get3A_1453 = arith.index_cast %get3A_1452 : i32 to index
          %get3A_1454 = arith.index_cast %add3A_1451 : i32 to index
          %get3A_1455 = arith.constant 112 : index
          %get3A_1456 = tpu.vector_load %arg7[%get3A_1453, %get3A_1454, %get3A_1455] {strides = array<i32>} : memref<2x64x128xf32, #tpu.memory_space<vmem>>, vector<1x1x16xf32>,
          %get3A_1457 = vector.shape_cast %get3A_1456 : vector<1x1x16xf32> to vector<16xf32>
          %mul3A_1458 = arith.mulf %get3A_1457, %add3A_1449 : vector<16xf32>
          %add3A_1459 = arith.constant 2 : i32
          %add3A_1460 = arith.addi %mul3A_328, %add3A_1459 : i32
          %swap3A_1461 = arith.constant 0 : i32
          %swap3A_1462 = arith.index_cast %swap3A_1461 : i32 to index
          %swap3A_1463 = arith.index_cast %add3A_1460 : i32 to index
          %swap3A_1464 = arith.constant 112 : index
          %swap3A_1465 = tpu.vector_load %arg8[%swap3A_1462, %swap3A_1463, %swap3A_1464] {strides = array<i32>} : memref<2x64x128xf32, #tpu.memory_space<vmem>>, vector<1x1x16xf32>,
          %swap3A_1466 = vector.shape_cast %swap3A_1465 : vector<1x1x16xf32> to vector<16xf32>
          %swap3A_1467 = vector.shape_cast %mul3A_1458 : vector<16xf32> to vector<1x1x16xf32>
          tpu.vector_store %arg8[%swap3A_1462, %swap3A_1463, %swap3A_1464], %swap3A_1467 {strides = array<i32>} : memref<2x64x128xf32, #tpu.memory_space<vmem>>, vector<1x1x16xf32>,
          %mul3A_1468 = arith.mulf %gather3A_306, %get3A_1355 : vector<16xf32>
          %mul3A_1469 = arith.mulf %gather3A_310, %get3A_1360 : vector<16xf32>
          %add3A_1470 = arith.addf %mul3A_1468, %mul3A_1469 : vector<16xf32>
          %mul3A_1471 = arith.mulf %gather3A_314, %get3A_1365 : vector<16xf32>
          %add3A_1472 = arith.addf %add3A_1470, %mul3A_1471 : vector<16xf32>
          %mul3A_1473 = arith.mulf %gather3A_318, %get3A_1370 : vector<16xf32>
          %add3A_1474 = arith.addf %add3A_1472, %mul3A_1473 : vector<16xf32>
          %mul3A_1475 = arith.mulf %gather3A_322, %get3A_1375 : vector<16xf32>
          %add3A_1476 = arith.addf %add3A_1474, %mul3A_1475 : vector<16xf32>
          %mul3A_1477 = arith.mulf %gather3A_326, %get3A_1380 : vector<16xf32>
          %add3A_1478 = arith.addf %add3A_1476, %mul3A_1477 : vector<16xf32>
          %add3A_1479 = arith.constant 3 : i32
          %add3A_1480 = arith.addi %mul3A_328, %add3A_1479 : i32
          %get3A_1481 = arith.constant 0 : i32
          %get3A_1482 = arith.index_cast %get3A_1481 : i32 to index
          %get3A_1483 = arith.index_cast %add3A_1480 : i32 to index
          %get3A_1484 = arith.constant 112 : index
          %get3A_1485 = tpu.vector_load %arg7[%get3A_1482, %get3A_1483, %get3A_1484] {strides = array<i32>} : memref<2x64x128xf32, #tpu.memory_space<vmem>>, vector<1x1x16xf32>,
          %get3A_1486 = vector.shape_cast %get3A_1485 : vector<1x1x16xf32> to vector<16xf32>
          %mul3A_1487 = arith.mulf %get3A_1486, %add3A_1478 : vector<16xf32>
          %add3A_1488 = arith.constant 3 : i32
          %add3A_1489 = arith.addi %mul3A_328, %add3A_1488 : i32
          %swap3A_1490 = arith.constant 0 : i32
          %swap3A_1491 = arith.index_cast %swap3A_1490 : i32 to index
          %swap3A_1492 = arith.index_cast %add3A_1489 : i32 to index
          %swap3A_1493 = arith.constant 112 : index
          %swap3A_1494 = tpu.vector_load %arg8[%swap3A_1491, %swap3A_1492, %swap3A_1493] {strides = array<i32>} : memref<2x64x128xf32, #tpu.memory_space<vmem>>, vector<1x1x16xf32>,
          %swap3A_1495 = vector.shape_cast %swap3A_1494 : vector<1x1x16xf32> to vector<16xf32>
          %swap3A_1496 = vector.shape_cast %mul3A_1487 : vector<16xf32> to vector<1x1x16xf32>
          tpu.vector_store %arg8[%swap3A_1491, %swap3A_1492, %swap3A_1493], %swap3A_1496 {strides = array<i32>} : memref<2x64x128xf32, #tpu.memory_space<vmem>>, vector<1x1x16xf32>,
          %scan3A_1497 = arith.constant 0 : i32
          scf.yield %scan3A_1497 : i32
        }
        %scan3A_149 = arith.constant 16 : i32
        %get3A = arith.constant 0 : i32
        %get3A_150 = arith.index_cast %get3A : i32 to index
        %get3A_151 = arith.constant 0 : index
        %get3A_152 = tpu.vector_load %arg10[%get3A_150, %get3A_151] {strides = array<i32>} : memref<2x64xi32, #tpu.memory_space<vmem>>, vector<1x16xi32>,
        %get3A_153 = vector.shape_cast %get3A_152 : vector<1x16xi32> to vector<16xi32>
        %swap3A = arith.constant 0 : i32
        %swap3A_154 = arith.index_cast %swap3A : i32 to index
        %swap3A_155 = arith.constant 0 : index
        %swap3A_156 = tpu.vector_load %arg11[%swap3A_154, %swap3A_155] {strides = array<i32>} : memref<2x64xi32, #tpu.memory_space<vmem>>, vector<1x16xi32>,
        %swap3A_157 = vector.shape_cast %swap3A_156 : vector<1x16xi32> to vector<16xi32>
        %swap3A_158 = vector.shape_cast %get3A_153 : vector<16xi32> to vector<1x16xi32>
        tpu.vector_store %arg11[%swap3A_154, %swap3A_155], %swap3A_158 {strides = array<i32>} : memref<2x64xi32, #tpu.memory_space<vmem>>, vector<1x16xi32>,
        %get3A_159 = arith.constant 0 : i32
        %get3A_160 = arith.index_cast %get3A_159 : i32 to index
        %get3A_161 = arith.constant 16 : index
        %get3A_162 = tpu.vector_load %arg10[%get3A_160, %get3A_161] {strides = array<i32>} : memref<2x64xi32, #tpu.memory_space<vmem>>, vector<1x16xi32>,
        %get3A_163 = vector.shape_cast %get3A_162 : vector<1x16xi32> to vector<16xi32>
        %swap3A_164 = arith.constant 0 : i32
        %swap3A_165 = arith.index_cast %swap3A_164 : i32 to index
        %swap3A_166 = arith.constant 16 : index
        %swap3A_167 = tpu.vector_load %arg11[%swap3A_165, %swap3A_166] {strides = array<i32>} : memref<2x64xi32, #tpu.memory_space<vmem>>, vector<1x16xi32>,
        %swap3A_168 = vector.shape_cast %swap3A_167 : vector<1x16xi32> to vector<16xi32>
        %swap3A_169 = vector.shape_cast %get3A_163 : vector<16xi32> to vector<1x16xi32>
        tpu.vector_store %arg11[%swap3A_165, %swap3A_166], %swap3A_169 {strides = array<i32>} : memref<2x64xi32, #tpu.memory_space<vmem>>, vector<1x16xi32>,
        %get3A_170 = arith.constant 0 : i32
        %get3A_171 = arith.index_cast %get3A_170 : i32 to index
        %get3A_172 = arith.constant 32 : index
        %get3A_173 = tpu.vector_load %arg10[%get3A_171, %get3A_172] {strides = array<i32>} : memref<2x64xi32, #tpu.memory_space<vmem>>, vector<1x16xi32>,
        %get3A_174 = vector.shape_cast %get3A_173 : vector<1x16xi32> to vector<16xi32>
        %swap3A_175 = arith.constant 0 : i32
        %swap3A_176 = arith.index_cast %swap3A_175 : i32 to index
        %swap3A_177 = arith.constant 32 : index
        %swap3A_178 = tpu.vector_load %arg11[%swap3A_176, %swap3A_177] {strides = array<i32>} : memref<2x64xi32, #tpu.memory_space<vmem>>, vector<1x16xi32>,
        %swap3A_179 = vector.shape_cast %swap3A_178 : vector<1x16xi32> to vector<16xi32>
        %swap3A_180 = vector.shape_cast %get3A_174 : vector<16xi32> to vector<1x16xi32>
        tpu.vector_store %arg11[%swap3A_176, %swap3A_177], %swap3A_180 {strides = array<i32>} : memref<2x64xi32, #tpu.memory_space<vmem>>, vector<1x16xi32>,
        %get3A_181 = arith.constant 0 : i32
        %get3A_182 = arith.index_cast %get3A_181 : i32 to index
        %get3A_183 = arith.constant 48 : index
        %get3A_184 = tpu.vector_load %arg10[%get3A_182, %get3A_183] {strides = array<i32>} : memref<2x64xi32, #tpu.memory_space<vmem>>, vector<1x16xi32>,
        %get3A_185 = vector.shape_cast %get3A_184 : vector<1x16xi32> to vector<16xi32>
        %swap3A_186 = arith.constant 0 : i32
        %swap3A_187 = arith.index_cast %swap3A_186 : i32 to index
        %swap3A_188 = arith.constant 48 : index
        %swap3A_189 = tpu.vector_load %arg11[%swap3A_187, %swap3A_188] {strides = array<i32>} : memref<2x64xi32, #tpu.memory_space<vmem>>, vector<1x16xi32>,
        %swap3A_190 = vector.shape_cast %swap3A_189 : vector<1x16xi32> to vector<16xi32>
        %swap3A_191 = vector.shape_cast %get3A_185 : vector<16xi32> to vector<1x16xi32>
        tpu.vector_store %arg11[%swap3A_187, %swap3A_188], %swap3A_191 {strides = array<i32>} : memref<2x64xi32, #tpu.memory_space<vmem>>, vector<1x16xi32>,
        %dma_start3A = arith.constant 0 : i32
        %dma_start3A_192 = arith.constant 0 : i32
        %dma_start3A_193 = arith.constant 0 : i32
        %dma_start3A_194 = arith.constant 0 : i32
        %dma_start3A_195 = tpu.memref_slice %arg8[%dma_start3A, %dma_start3A_193, %dma_start3A_194] : memref<2x64x128xf32, #tpu.memory_space<vmem>> -> memref<1x64x128xf32, #tpu.memory_space<vmem>>
        %dma_start3A_196 = tpu.memref_squeeze %dma_start3A_195 : memref<1x64x128xf32, #tpu.memory_space<vmem>> -> memref<64x128xf32, #tpu.memory_space<vmem>>
        %dma_start3A_197 = arith.constant 0 : i32
        %dma_start3A_198 = tpu.memref_slice %arg11[%dma_start3A_192, %dma_start3A_197] : memref<2x64xi32, #tpu.memory_space<vmem>> -> memref<1x64xi32, #tpu.memory_space<vmem>>
        %dma_start3A_199 = tpu.memref_squeeze %dma_start3A_198 : memref<1x64xi32, #tpu.memory_space<vmem>> -> memref<64xi32, #tpu.memory_space<vmem>>
        %dma_start3A_200 = arith.constant 0 : i32
        %dma_start3A_201 = arith.constant 0 : i32
        %dma_start3A_202 = tpu.memref_slice %arg13[%dma_start3A_200, %dma_start3A_201] : memref<10000x128xf32, #tpu.memory_space<vmem_shared>> -> memref<10000x128xf32, #tpu.memory_space<vmem_shared>>
        tpu.enqueue_indirect_dma source(%dma_start3A_196 : memref<64x128xf32, #tpu.memory_space<vmem>>) target(%dma_start3A_202 : memref<10000x128xf32, #tpu.memory_space<vmem_shared>>) offsets(%dma_start3A_199 : memref<64xi32, #tpu.memory_space<vmem>>) semaphore(%arg16 : memref<!tpu.dma_semaphore, #tpu.memory_space<semaphore_mem>>) {add = true}
        %add3A_203 = arith.constant 2 : i32
        %add3A_204 = arith.addi %add3A_73, %add3A_203 : i32
        %mul3A_205 = arith.constant 32 : i32
        %mul3A_206 = arith.muli %add3A_204, %mul3A_205 : i32
        %add3A_207 = arith.addi %add3A, %mul3A_206 : i32
        %lt3A_208 = arith.constant 5000 : i32
        %lt3A_209 = arith.cmpi slt, %add3A_207, %lt3A_208 : i32
        %convert_element_type3A_210 = arith.extui %lt3A_209 : i1 to i32
        %cond3A_211 = arith.constant 0 : i32
        %cond3A_212 = arith.cmpi ne, %convert_element_type3A_210, %cond3A_211 : i32
        scf.if %cond3A_212 {
          %mul3A_213 = arith.constant 32 : i32
          %mul3A_214 = arith.muli %add3A_204, %mul3A_213 : i32
          %add3A_215 = arith.addi %add3A, %mul3A_214 : i32
          %mul3A_216 = arith.constant 64 : i32
          %mul3A_217 = arith.muli %add3A_215, %mul3A_216 : i32
          %mul3A_218 = arith.constant 32 : i32
          %mul3A_219 = arith.muli %add3A_215, %mul3A_218 : i32
          %mul3A_220 = arith.constant 64 : i32
          %mul3A_221 = arith.muli %add3A_215, %mul3A_220 : i32
          %dma_start3A_222 = arith.constant 0 : i32
          %dma_start3A_223 = arith.constant 0 : i32
          %dma_start3A_224 = arith.constant 0 : i32
          %dma_start3A_225 = tpu.memref_slice %arg7[%dma_start3A_222, %dma_start3A_223, %dma_start3A_224] : memref<2x64x128xf32, #tpu.memory_space<vmem>> -> memref<1x64x128xf32, #tpu.memory_space<vmem>>
          %dma_start3A_226 = tpu.memref_squeeze %dma_start3A_225 : memref<1x64x128xf32, #tpu.memory_space<vmem>> -> memref<64x128xf32, #tpu.memory_space<vmem>>
          %dma_start3A_227 = arith.constant 0 : i32
          %dma_start3A_228 = tpu.memref_slice %arg2[%mul3A_217, %dma_start3A_227] : memref<320000x128xf32, #tpu.memory_space<hbm>> -> memref<64x128xf32, #tpu.memory_space<hbm>>
          %dma_start3A_229 = arith.constant 0 : i32
          %dma_start3A_230 = arith.constant 0 : i32
          %dma_start3A_231 = tpu.memref_slice %arg7[%dma_start3A_222, %dma_start3A_229, %dma_start3A_230] : memref<2x64x128xf32, #tpu.memory_space<vmem>> -> memref<1x64x128xf32, #tpu.memory_space<vmem>>
          %dma_start3A_232 = tpu.memref_squeeze %dma_start3A_231 : memref<1x64x128xf32, #tpu.memory_space<vmem>> -> memref<64x128xf32, #tpu.memory_space<vmem>>
          %dma_start3A_233 = arith.constant 0 : i32
          %dma_start3A_234 = tpu.memref_slice %arg2[%mul3A_217, %dma_start3A_233] : memref<320000x128xf32, #tpu.memory_space<hbm>> -> memref<64x128xf32, #tpu.memory_space<hbm>>
          tpu.enqueue_dma source(%dma_start3A_234 : memref<64x128xf32, #tpu.memory_space<hbm>>) target(%dma_start3A_232 : memref<64x128xf32, #tpu.memory_space<vmem>>) target_semaphore(%arg14 : memref<!tpu.dma_semaphore, #tpu.memory_space<semaphore_mem>>)
          %dma_start3A_235 = arith.constant 0 : i32
          %dma_start3A_236 = arith.constant 0 : i32
          %dma_start3A_237 = arith.constant 0 : i32
          %dma_start3A_238 = tpu.memref_slice %arg9[%dma_start3A_235, %dma_start3A_236, %dma_start3A_237] : memref<2x32x16xf32, #tpu.memory_space<vmem>> -> memref<1x32x16xf32, #tpu.memory_space<vmem>>
          %dma_start3A_239 = tpu.memref_squeeze %dma_start3A_238 : memref<1x32x16xf32, #tpu.memory_space<vmem>> -> memref<32x16xf32, #tpu.memory_space<vmem>>
          %dma_start3A_240 = arith.constant 0 : i32
          %dma_start3A_241 = tpu.memref_slice %arg3[%mul3A_219, %dma_start3A_240] : memref<160000x16xf32, #tpu.memory_space<hbm>> -> memref<32x16xf32, #tpu.memory_space<hbm>>
          %dma_start3A_242 = arith.constant 0 : i32
          %dma_start3A_243 = arith.constant 0 : i32
          %dma_start3A_244 = tpu.memref_slice %arg9[%dma_start3A_235, %dma_start3A_242, %dma_start3A_243] : memref<2x32x16xf32, #tpu.memory_space<vmem>> -> memref<1x32x16xf32, #tpu.memory_space<vmem>>
          %dma_start3A_245 = tpu.memref_squeeze %dma_start3A_244 : memref<1x32x16xf32, #tpu.memory_space<vmem>> -> memref<32x16xf32, #tpu.memory_space<vmem>>
          %dma_start3A_246 = arith.constant 0 : i32
          %dma_start3A_247 = tpu.memref_slice %arg3[%mul3A_219, %dma_start3A_246] : memref<160000x16xf32, #tpu.memory_space<hbm>> -> memref<32x16xf32, #tpu.memory_space<hbm>>
          tpu.enqueue_dma source(%dma_start3A_247 : memref<32x16xf32, #tpu.memory_space<hbm>>) target(%dma_start3A_245 : memref<32x16xf32, #tpu.memory_space<vmem>>) target_semaphore(%arg14 : memref<!tpu.dma_semaphore, #tpu.memory_space<semaphore_mem>>)
          %dma_start3A_248 = arith.constant 0 : i32
          %dma_start3A_249 = arith.constant 0 : i32
          %dma_start3A_250 = tpu.memref_slice %arg10[%dma_start3A_248, %dma_start3A_249] : memref<2x64xi32, #tpu.memory_space<vmem>> -> memref<1x64xi32, #tpu.memory_space<vmem>>
          %dma_start3A_251 = tpu.memref_squeeze %dma_start3A_250 : memref<1x64xi32, #tpu.memory_space<vmem>> -> memref<64xi32, #tpu.memory_space<vmem>>
          %dma_start3A_252 = tpu.memref_slice %arg4[%mul3A_221] : memref<320000xi32, #tpu.memory_space<hbm>> -> memref<64xi32, #tpu.memory_space<hbm>>
          %dma_start3A_253 = arith.constant 0 : i32
          %dma_start3A_254 = tpu.memref_slice %arg10[%dma_start3A_248, %dma_start3A_253] : memref<2x64xi32, #tpu.memory_space<vmem>> -> memref<1x64xi32, #tpu.memory_space<vmem>>
          %dma_start3A_255 = tpu.memref_squeeze %dma_start3A_254 : memref<1x64xi32, #tpu.memory_space<vmem>> -> memref<64xi32, #tpu.memory_space<vmem>>
          %dma_start3A_256 = tpu.memref_slice %arg4[%mul3A_221] : memref<320000xi32, #tpu.memory_space<hbm>> -> memref<64xi32, #tpu.memory_space<hbm>>
          tpu.enqueue_dma source(%dma_start3A_256 : memref<64xi32, #tpu.memory_space<hbm>>) target(%dma_start3A_255 : memref<64xi32, #tpu.memory_space<vmem>>) target_semaphore(%arg14 : memref<!tpu.dma_semaphore, #tpu.memory_space<semaphore_mem>>)
        } else {
        }
      } else {
      }
      %mul3A_82 = arith.constant 2 : i32
      %mul3A_83 = arith.muli %mul3A_82, %scan3A_68 : i32
      %add3A_84 = arith.constant 1 : i32
      %add3A_85 = arith.addi %mul3A_83, %add3A_84 : i32
      %mul3A_86 = arith.constant 32 : i32
      %mul3A_87 = arith.muli %add3A_85, %mul3A_86 : i32
      %add3A_88 = arith.addi %add3A, %mul3A_87 : i32
      %lt3A_89 = arith.constant 5000 : i32
      %lt3A_90 = arith.cmpi slt, %add3A_88, %lt3A_89 : i32
      %convert_element_type3A_91 = arith.extui %lt3A_90 : i1 to i32
      %cond3A_92 = arith.constant 0 : i32
      %cond3A_93 = arith.cmpi ne, %convert_element_type3A_91, %cond3A_92 : i32
      scf.if %cond3A_93 {
        %mul3A_95 = arith.constant 32 : i32
        %mul3A_96 = arith.muli %add3A_85, %mul3A_95 : i32
        %add3A_97 = arith.addi %add3A, %mul3A_96 : i32
        %mul3A_98 = arith.constant 64 : i32
        %mul3A_99 = arith.muli %add3A_97, %mul3A_98 : i32
        %mul3A_100 = arith.constant 32 : i32
        %mul3A_101 = arith.muli %add3A_97, %mul3A_100 : i32
        %mul3A_102 = arith.constant 64 : i32
        %mul3A_103 = arith.muli %add3A_97, %mul3A_102 : i32
        %dma_wait3A_104 = arith.constant 1 : i32
        %dma_wait3A_105 = arith.constant 0 : i32
        %dma_wait3A_106 = arith.constant 0 : i32
        %dma_wait3A_107 = tpu.memref_slice %arg7[%dma_wait3A_104, %dma_wait3A_105, %dma_wait3A_106] : memref<2x64x128xf32, #tpu.memory_space<vmem>> -> memref<1x64x128xf32, #tpu.memory_space<vmem>>
        %dma_wait3A_108 = tpu.memref_squeeze %dma_wait3A_107 : memref<1x64x128xf32, #tpu.memory_space<vmem>> -> memref<64x128xf32, #tpu.memory_space<vmem>>
        %dma_wait3A_109 = arith.constant 0 : i32
        %dma_wait3A_110 = tpu.memref_slice %arg2[%mul3A_99, %dma_wait3A_109] : memref<320000x128xf32, #tpu.memory_space<hbm>> -> memref<64x128xf32, #tpu.memory_space<hbm>>
        %dma_wait3A_111 = arith.constant 0 : i32
        %dma_wait3A_112 = arith.constant 0 : i32
        %dma_wait3A_113 = tpu.memref_slice %arg7[%dma_wait3A_104, %dma_wait3A_111, %dma_wait3A_112] : memref<2x64x128xf32, #tpu.memory_space<vmem>> -> memref<1x64x128xf32, #tpu.memory_space<vmem>>
        %dma_wait3A_114 = tpu.memref_squeeze %dma_wait3A_113 : memref<1x64x128xf32, #tpu.memory_space<vmem>> -> memref<64x128xf32, #tpu.memory_space<vmem>>
        %dma_wait3A_115 = arith.constant 0 : i32
        %dma_wait3A_116 = tpu.memref_slice %arg2[%mul3A_99, %dma_wait3A_115] : memref<320000x128xf32, #tpu.memory_space<hbm>> -> memref<64x128xf32, #tpu.memory_space<hbm>>
        tpu.wait_dma2 semaphore(%arg15 : memref<!tpu.dma_semaphore, #tpu.memory_space<semaphore_mem>>) src(%dma_wait3A_116 : memref<64x128xf32, #tpu.memory_space<hbm>>) dst(%dma_wait3A_114 : memref<64x128xf32, #tpu.memory_space<vmem>>)
        %dma_wait3A_117 = arith.constant 1 : i32
        %dma_wait3A_118 = arith.constant 0 : i32
        %dma_wait3A_119 = arith.constant 0 : i32
        %dma_wait3A_120 = tpu.memref_slice %arg9[%dma_wait3A_117, %dma_wait3A_118, %dma_wait3A_119] : memref<2x32x16xf32, #tpu.memory_space<vmem>> -> memref<1x32x16xf32, #tpu.memory_space<vmem>>
        %dma_wait3A_121 = tpu.memref_squeeze %dma_wait3A_120 : memref<1x32x16xf32, #tpu.memory_space<vmem>> -> memref<32x16xf32, #tpu.memory_space<vmem>>
        %dma_wait3A_122 = arith.constant 0 : i32
        %dma_wait3A_123 = tpu.memref_slice %arg3[%mul3A_101, %dma_wait3A_122] : memref<160000x16xf32, #tpu.memory_space<hbm>> -> memref<32x16xf32, #tpu.memory_space<hbm>>
        %dma_wait3A_124 = arith.constant 0 : i32
        %dma_wait3A_125 = arith.constant 0 : i32
        %dma_wait3A_126 = tpu.memref_slice %arg9[%dma_wait3A_117, %dma_wait3A_124, %dma_wait3A_125] : memref<2x32x16xf32, #tpu.memory_space<vmem>> -> memref<1x32x16xf32, #tpu.memory_space<vmem>>
        %dma_wait3A_127 = tpu.memref_squeeze %dma_wait3A_126 : memref<1x32x16xf32, #tpu.memory_space<vmem>> -> memref<32x16xf32, #tpu.memory_space<vmem>>
        %dma_wait3A_128 = arith.constant 0 : i32
        %dma_wait3A_129 = tpu.memref_slice %arg3[%mul3A_101, %dma_wait3A_128] : memref<160000x16xf32, #tpu.memory_space<hbm>> -> memref<32x16xf32, #tpu.memory_space<hbm>>
        tpu.wait_dma2 semaphore(%arg15 : memref<!tpu.dma_semaphore, #tpu.memory_space<semaphore_mem>>) src(%dma_wait3A_129 : memref<32x16xf32, #tpu.memory_space<hbm>>) dst(%dma_wait3A_127 : memref<32x16xf32, #tpu.memory_space<vmem>>)
        %dma_wait3A_130 = arith.constant 1 : i32
        %dma_wait3A_131 = arith.constant 0 : i32
        %dma_wait3A_132 = tpu.memref_slice %arg10[%dma_wait3A_130, %dma_wait3A_131] : memref<2x64xi32, #tpu.memory_space<vmem>> -> memref<1x64xi32, #tpu.memory_space<vmem>>
        %dma_wait3A_133 = tpu.memref_squeeze %dma_wait3A_132 : memref<1x64xi32, #tpu.memory_space<vmem>> -> memref<64xi32, #tpu.memory_space<vmem>>
        %dma_wait3A_134 = tpu.memref_slice %arg4[%mul3A_103] : memref<320000xi32, #tpu.memory_space<hbm>> -> memref<64xi32, #tpu.memory_space<hbm>>
        %dma_wait3A_135 = arith.constant 0 : i32
        %dma_wait3A_136 = tpu.memref_slice %arg10[%dma_wait3A_130, %dma_wait3A_135] : memref<2x64xi32, #tpu.memory_space<vmem>> -> memref<1x64xi32, #tpu.memory_space<vmem>>
        %dma_wait3A_137 = tpu.memref_squeeze %dma_wait3A_136 : memref<1x64xi32, #tpu.memory_space<vmem>> -> memref<64xi32, #tpu.memory_space<vmem>>
        %dma_wait3A_138 = tpu.memref_slice %arg4[%mul3A_103] : memref<320000xi32, #tpu.memory_space<hbm>> -> memref<64xi32, #tpu.memory_space<hbm>>
        tpu.wait_dma2 semaphore(%arg15 : memref<!tpu.dma_semaphore, #tpu.memory_space<semaphore_mem>>) src(%dma_wait3A_138 : memref<64xi32, #tpu.memory_space<hbm>>) dst(%dma_wait3A_137 : memref<64xi32, #tpu.memory_space<vmem>>)
        %ge3A = arith.constant 2 : i32
        %ge3A_139 = arith.cmpi sge, %add3A_85, %ge3A : i32
        %convert_element_type3A_140 = arith.extui %ge3A_139 : i1 to i32
        %cond3A_141 = arith.constant 0 : i32
        %cond3A_142 = arith.cmpi ne, %convert_element_type3A_140, %cond3A_141 : i32
        scf.if %cond3A_142 {
          %dma_wait3A_213 = arith.constant 1 : i32
          %dma_wait3A_214 = arith.constant 1 : i32
          %dma_wait3A_215 = arith.constant 0 : i32
          %dma_wait3A_216 = arith.constant 0 : i32
          %dma_wait3A_217 = tpu.memref_slice %arg8[%dma_wait3A_213, %dma_wait3A_215, %dma_wait3A_216] : memref<2x64x128xf32, #tpu.memory_space<vmem>> -> memref<1x64x128xf32, #tpu.memory_space<vmem>>
          %dma_wait3A_218 = tpu.memref_squeeze %dma_wait3A_217 : memref<1x64x128xf32, #tpu.memory_space<vmem>> -> memref<64x128xf32, #tpu.memory_space<vmem>>
          %dma_wait3A_219 = arith.constant 0 : i32
          %dma_wait3A_220 = tpu.memref_slice %arg11[%dma_wait3A_214, %dma_wait3A_219] : memref<2x64xi32, #tpu.memory_space<vmem>> -> memref<1x64xi32, #tpu.memory_space<vmem>>
          %dma_wait3A_221 = tpu.memref_squeeze %dma_wait3A_220 : memref<1x64xi32, #tpu.memory_space<vmem>> -> memref<64xi32, #tpu.memory_space<vmem>>
          %dma_wait3A_222 = arith.constant 0 : i32
          %dma_wait3A_223 = arith.constant 0 : i32
          %dma_wait3A_224 = tpu.memref_slice %arg13[%dma_wait3A_222, %dma_wait3A_223] : memref<10000x128xf32, #tpu.memory_space<vmem_shared>> -> memref<10000x128xf32, #tpu.memory_space<vmem_shared>>
          tpu.wait_indirect_dma semaphore(%arg17 : memref<!tpu.dma_semaphore, #tpu.memory_space<semaphore_mem>>) src(%dma_wait3A_218 : memref<64x128xf32, #tpu.memory_space<vmem>>) dst(%dma_wait3A_224 : memref<10000x128xf32, #tpu.memory_space<vmem_shared>>)
        } else {
        }
        %scan3A_143 = arith.constant 0 : i32
        %scan3A_144 = arith.constant 0 : i32
        %scan3A_145 = arith.constant 16 : i32
        %scan3A_146 = arith.addi %scan3A_144, %scan3A_145 : i32
        %scan3A_147 = arith.constant 1 : i32
        %scan3A_148 = scf.for %scan3A_213 = %scan3A_144 to %scan3A_146 step %scan3A_147 iter_args(%scan3A_214 = %scan3A_143) -> (i32)  : i32 {
          %mul3A_215 = arith.constant 2 : i32
          %mul3A_216 = arith.muli %mul3A_215, %scan3A_213 : i32
          %get3A_217 = arith.constant 1 : i32
          %get3A_218 = arith.index_cast %get3A_217 : i32 to index
          %get3A_219 = arith.index_cast %mul3A_216 : i32 to index
          %get3A_220 = arith.constant 0 : index
          %get3A_221 = tpu.vector_load %arg9[%get3A_218, %get3A_219, %get3A_220] {strides = array<i32>} : memref<2x32x16xf32, #tpu.memory_space<vmem>>, vector<1x1x16xf32>,
          %get3A_222 = vector.shape_cast %get3A_221 : vector<1x1x16xf32> to vector<16xf32>
          %mul3A_223 = arith.constant 2 : i32
          %mul3A_224 = arith.muli %mul3A_223, %scan3A_213 : i32
          %add3A_225 = arith.constant 1 : i32
          %add3A_226 = arith.addi %mul3A_224, %add3A_225 : i32
          %get3A_227 = arith.constant 1 : i32
          %get3A_228 = arith.index_cast %get3A_227 : i32 to index
          %get3A_229 = arith.index_cast %add3A_226 : i32 to index
          %get3A_230 = arith.constant 0 : index
          %get3A_231 = tpu.vector_load %arg9[%get3A_228, %get3A_229, %get3A_230] {strides = array<i32>} : memref<2x32x16xf32, #tpu.memory_space<vmem>>, vector<1x1x16xf32>,
          %get3A_232 = vector.shape_cast %get3A_231 : vector<1x1x16xf32> to vector<16xf32>
          %broadcast_in_dim3A = arith.constant 0 : i32
          %broadcast_in_dim3A_233 = vector.broadcast %broadcast_in_dim3A : i32 to vector<16x1xi32>
          %gather3A = vector.shape_cast %broadcast_in_dim3A_233 : vector<16x1xi32> to vector<16xi32>
          %gather3A_234 = tpu.dynamic_gather %get3A_222[%gather3A] in [0] : vector<16xf32>, vector<16xi32> -> vector<16xf32>
          %broadcast_in_dim3A_235 = arith.constant 1 : i32
          %broadcast_in_dim3A_236 = vector.broadcast %broadcast_in_dim3A_235 : i32 to vector<16x1xi32>
          %gather3A_237 = vector.shape_cast %broadcast_in_dim3A_236 : vector<16x1xi32> to vector<16xi32>
          %gather3A_238 = tpu.dynamic_gather %get3A_222[%gather3A_237] in [0] : vector<16xf32>, vector<16xi32> -> vector<16xf32>
          %broadcast_in_dim3A_239 = arith.constant 2 : i32
          %broadcast_in_dim3A_240 = vector.broadcast %broadcast_in_dim3A_239 : i32 to vector<16x1xi32>
          %gather3A_241 = vector.shape_cast %broadcast_in_dim3A_240 : vector<16x1xi32> to vector<16xi32>
          %gather3A_242 = tpu.dynamic_gather %get3A_222[%gather3A_241] in [0] : vector<16xf32>, vector<16xi32> -> vector<16xf32>
          %broadcast_in_dim3A_243 = arith.constant 3 : i32
          %broadcast_in_dim3A_244 = vector.broadcast %broadcast_in_dim3A_243 : i32 to vector<16x1xi32>
          %gather3A_245 = vector.shape_cast %broadcast_in_dim3A_244 : vector<16x1xi32> to vector<16xi32>
          %gather3A_246 = tpu.dynamic_gather %get3A_222[%gather3A_245] in [0] : vector<16xf32>, vector<16xi32> -> vector<16xf32>
          %broadcast_in_dim3A_247 = arith.constant 4 : i32
          %broadcast_in_dim3A_248 = vector.broadcast %broadcast_in_dim3A_247 : i32 to vector<16x1xi32>
          %gather3A_249 = vector.shape_cast %broadcast_in_dim3A_248 : vector<16x1xi32> to vector<16xi32>
          %gather3A_250 = tpu.dynamic_gather %get3A_222[%gather3A_249] in [0] : vector<16xf32>, vector<16xi32> -> vector<16xf32>
          %broadcast_in_dim3A_251 = arith.constant 5 : i32
          %broadcast_in_dim3A_252 = vector.broadcast %broadcast_in_dim3A_251 : i32 to vector<16x1xi32>
          %gather3A_253 = vector.shape_cast %broadcast_in_dim3A_252 : vector<16x1xi32> to vector<16xi32>
          %gather3A_254 = tpu.dynamic_gather %get3A_222[%gather3A_253] in [0] : vector<16xf32>, vector<16xi32> -> vector<16xf32>
          %broadcast_in_dim3A_255 = arith.constant 8 : i32
          %broadcast_in_dim3A_256 = vector.broadcast %broadcast_in_dim3A_255 : i32 to vector<16x1xi32>
          %gather3A_257 = vector.shape_cast %broadcast_in_dim3A_256 : vector<16x1xi32> to vector<16xi32>
          %gather3A_258 = tpu.dynamic_gather %get3A_222[%gather3A_257] in [0] : vector<16xf32>, vector<16xi32> -> vector<16xf32>
          %broadcast_in_dim3A_259 = arith.constant 9 : i32
          %broadcast_in_dim3A_260 = vector.broadcast %broadcast_in_dim3A_259 : i32 to vector<16x1xi32>
          %gather3A_261 = vector.shape_cast %broadcast_in_dim3A_260 : vector<16x1xi32> to vector<16xi32>
          %gather3A_262 = tpu.dynamic_gather %get3A_222[%gather3A_261] in [0] : vector<16xf32>, vector<16xi32> -> vector<16xf32>
          %broadcast_in_dim3A_263 = arith.constant 10 : i32
          %broadcast_in_dim3A_264 = vector.broadcast %broadcast_in_dim3A_263 : i32 to vector<16x1xi32>
          %gather3A_265 = vector.shape_cast %broadcast_in_dim3A_264 : vector<16x1xi32> to vector<16xi32>
          %gather3A_266 = tpu.dynamic_gather %get3A_222[%gather3A_265] in [0] : vector<16xf32>, vector<16xi32> -> vector<16xf32>
          %broadcast_in_dim3A_267 = arith.constant 11 : i32
          %broadcast_in_dim3A_268 = vector.broadcast %broadcast_in_dim3A_267 : i32 to vector<16x1xi32>
          %gather3A_269 = vector.shape_cast %broadcast_in_dim3A_268 : vector<16x1xi32> to vector<16xi32>
          %gather3A_270 = tpu.dynamic_gather %get3A_222[%gather3A_269] in [0] : vector<16xf32>, vector<16xi32> -> vector<16xf32>
          %broadcast_in_dim3A_271 = arith.constant 12 : i32
          %broadcast_in_dim3A_272 = vector.broadcast %broadcast_in_dim3A_271 : i32 to vector<16x1xi32>
          %gather3A_273 = vector.shape_cast %broadcast_in_dim3A_272 : vector<16x1xi32> to vector<16xi32>
          %gather3A_274 = tpu.dynamic_gather %get3A_222[%gather3A_273] in [0] : vector<16xf32>, vector<16xi32> -> vector<16xf32>
          %broadcast_in_dim3A_275 = arith.constant 13 : i32
          %broadcast_in_dim3A_276 = vector.broadcast %broadcast_in_dim3A_275 : i32 to vector<16x1xi32>
          %gather3A_277 = vector.shape_cast %broadcast_in_dim3A_276 : vector<16x1xi32> to vector<16xi32>
          %gather3A_278 = tpu.dynamic_gather %get3A_222[%gather3A_277] in [0] : vector<16xf32>, vector<16xi32> -> vector<16xf32>
          %broadcast_in_dim3A_279 = arith.constant 0 : i32
          %broadcast_in_dim3A_280 = vector.broadcast %broadcast_in_dim3A_279 : i32 to vector<16x1xi32>
          %gather3A_281 = vector.shape_cast %broadcast_in_dim3A_280 : vector<16x1xi32> to vector<16xi32>
          %gather3A_282 = tpu.dynamic_gather %get3A_232[%gather3A_281] in [0] : vector<16xf32>, vector<16xi32> -> vector<16xf32>
          %broadcast_in_dim3A_283 = arith.constant 1 : i32
          %broadcast_in_dim3A_284 = vector.broadcast %broadcast_in_dim3A_283 : i32 to vector<16x1xi32>
          %gather3A_285 = vector.shape_cast %broadcast_in_dim3A_284 : vector<16x1xi32> to vector<16xi32>
          %gather3A_286 = tpu.dynamic_gather %get3A_232[%gather3A_285] in [0] : vector<16xf32>, vector<16xi32> -> vector<16xf32>
          %broadcast_in_dim3A_287 = arith.constant 2 : i32
          %broadcast_in_dim3A_288 = vector.broadcast %broadcast_in_dim3A_287 : i32 to vector<16x1xi32>
          %gather3A_289 = vector.shape_cast %broadcast_in_dim3A_288 : vector<16x1xi32> to vector<16xi32>
          %gather3A_290 = tpu.dynamic_gather %get3A_232[%gather3A_289] in [0] : vector<16xf32>, vector<16xi32> -> vector<16xf32>
          %broadcast_in_dim3A_291 = arith.constant 3 : i32
          %broadcast_in_dim3A_292 = vector.broadcast %broadcast_in_dim3A_291 : i32 to vector<16x1xi32>
          %gather3A_293 = vector.shape_cast %broadcast_in_dim3A_292 : vector<16x1xi32> to vector<16xi32>
          %gather3A_294 = tpu.dynamic_gather %get3A_232[%gather3A_293] in [0] : vector<16xf32>, vector<16xi32> -> vector<16xf32>
          %broadcast_in_dim3A_295 = arith.constant 4 : i32
          %broadcast_in_dim3A_296 = vector.broadcast %broadcast_in_dim3A_295 : i32 to vector<16x1xi32>
          %gather3A_297 = vector.shape_cast %broadcast_in_dim3A_296 : vector<16x1xi32> to vector<16xi32>
          %gather3A_298 = tpu.dynamic_gather %get3A_232[%gather3A_297] in [0] : vector<16xf32>, vector<16xi32> -> vector<16xf32>
          %broadcast_in_dim3A_299 = arith.constant 5 : i32
          %broadcast_in_dim3A_300 = vector.broadcast %broadcast_in_dim3A_299 : i32 to vector<16x1xi32>
          %gather3A_301 = vector.shape_cast %broadcast_in_dim3A_300 : vector<16x1xi32> to vector<16xi32>
          %gather3A_302 = tpu.dynamic_gather %get3A_232[%gather3A_301] in [0] : vector<16xf32>, vector<16xi32> -> vector<16xf32>
          %broadcast_in_dim3A_303 = arith.constant 8 : i32
          %broadcast_in_dim3A_304 = vector.broadcast %broadcast_in_dim3A_303 : i32 to vector<16x1xi32>
          %gather3A_305 = vector.shape_cast %broadcast_in_dim3A_304 : vector<16x1xi32> to vector<16xi32>
          %gather3A_306 = tpu.dynamic_gather %get3A_232[%gather3A_305] in [0] : vector<16xf32>, vector<16xi32> -> vector<16xf32>
          %broadcast_in_dim3A_307 = arith.constant 9 : i32
          %broadcast_in_dim3A_308 = vector.broadcast %broadcast_in_dim3A_307 : i32 to vector<16x1xi32>
          %gather3A_309 = vector.shape_cast %broadcast_in_dim3A_308 : vector<16x1xi32> to vector<16xi32>
          %gather3A_310 = tpu.dynamic_gather %get3A_232[%gather3A_309] in [0] : vector<16xf32>, vector<16xi32> -> vector<16xf32>
          %broadcast_in_dim3A_311 = arith.constant 10 : i32
          %broadcast_in_dim3A_312 = vector.broadcast %broadcast_in_dim3A_311 : i32 to vector<16x1xi32>
          %gather3A_313 = vector.shape_cast %broadcast_in_dim3A_312 : vector<16x1xi32> to vector<16xi32>
          %gather3A_314 = tpu.dynamic_gather %get3A_232[%gather3A_313] in [0] : vector<16xf32>, vector<16xi32> -> vector<16xf32>
          %broadcast_in_dim3A_315 = arith.constant 11 : i32
          %broadcast_in_dim3A_316 = vector.broadcast %broadcast_in_dim3A_315 : i32 to vector<16x1xi32>
          %gather3A_317 = vector.shape_cast %broadcast_in_dim3A_316 : vector<16x1xi32> to vector<16xi32>
          %gather3A_318 = tpu.dynamic_gather %get3A_232[%gather3A_317] in [0] : vector<16xf32>, vector<16xi32> -> vector<16xf32>
          %broadcast_in_dim3A_319 = arith.constant 12 : i32
          %broadcast_in_dim3A_320 = vector.broadcast %broadcast_in_dim3A_319 : i32 to vector<16x1xi32>
          %gather3A_321 = vector.shape_cast %broadcast_in_dim3A_320 : vector<16x1xi32> to vector<16xi32>
          %gather3A_322 = tpu.dynamic_gather %get3A_232[%gather3A_321] in [0] : vector<16xf32>, vector<16xi32> -> vector<16xf32>
          %broadcast_in_dim3A_323 = arith.constant 13 : i32
          %broadcast_in_dim3A_324 = vector.broadcast %broadcast_in_dim3A_323 : i32 to vector<16x1xi32>
          %gather3A_325 = vector.shape_cast %broadcast_in_dim3A_324 : vector<16x1xi32> to vector<16xi32>
          %gather3A_326 = tpu.dynamic_gather %get3A_232[%gather3A_325] in [0] : vector<16xf32>, vector<16xi32> -> vector<16xf32>
          %mul3A_327 = arith.constant 4 : i32
          %mul3A_328 = arith.muli %mul3A_327, %scan3A_213 : i32
          %get3A_329 = arith.constant 0 : i32
          %get3A_330 = arith.index_cast %get3A_329 : i32 to index
          %get3A_331 = arith.constant 0 : index
          %get3A_332 = tpu.vector_load %arg12[%get3A_330, %get3A_331] {strides = array<i32>} : memref<8x128xf32, #tpu.memory_space<vmem>>, vector<1x16xf32>,
          %get3A_333 = vector.shape_cast %get3A_332 : vector<1x16xf32> to vector<16xf32>
          %get3A_334 = arith.constant 1 : i32
          %get3A_335 = arith.index_cast %get3A_334 : i32 to index
          %get3A_336 = arith.constant 0 : index
          %get3A_337 = tpu.vector_load %arg12[%get3A_335, %get3A_336] {strides = array<i32>} : memref<8x128xf32, #tpu.memory_space<vmem>>, vector<1x16xf32>,
          %get3A_338 = vector.shape_cast %get3A_337 : vector<1x16xf32> to vector<16xf32>
          %get3A_339 = arith.constant 2 : i32
          %get3A_340 = arith.index_cast %get3A_339 : i32 to index
          %get3A_341 = arith.constant 0 : index
          %get3A_342 = tpu.vector_load %arg12[%get3A_340, %get3A_341] {strides = array<i32>} : memref<8x128xf32, #tpu.memory_space<vmem>>, vector<1x16xf32>,
          %get3A_343 = vector.shape_cast %get3A_342 : vector<1x16xf32> to vector<16xf32>
          %get3A_344 = arith.constant 3 : i32
          %get3A_345 = arith.index_cast %get3A_344 : i32 to index
          %get3A_346 = arith.constant 0 : index
          %get3A_347 = tpu.vector_load %arg12[%get3A_345, %get3A_346] {strides = array<i32>} : memref<8x128xf32, #tpu.memory_space<vmem>>, vector<1x16xf32>,
          %get3A_348 = vector.shape_cast %get3A_347 : vector<1x16xf32> to vector<16xf32>
          %get3A_349 = arith.constant 4 : i32
          %get3A_350 = arith.index_cast %get3A_349 : i32 to index
          %get3A_351 = arith.constant 0 : index
          %get3A_352 = tpu.vector_load %arg12[%get3A_350, %get3A_351] {strides = array<i32>} : memref<8x128xf32, #tpu.memory_space<vmem>>, vector<1x16xf32>,
          %get3A_353 = vector.shape_cast %get3A_352 : vector<1x16xf32> to vector<16xf32>
          %get3A_354 = arith.constant 5 : i32
          %get3A_355 = arith.index_cast %get3A_354 : i32 to index
          %get3A_356 = arith.constant 0 : index
          %get3A_357 = tpu.vector_load %arg12[%get3A_355, %get3A_356] {strides = array<i32>} : memref<8x128xf32, #tpu.memory_space<vmem>>, vector<1x16xf32>,
          %get3A_358 = vector.shape_cast %get3A_357 : vector<1x16xf32> to vector<16xf32>
          %mul3A_359 = arith.mulf %gather3A_234, %get3A_333 : vector<16xf32>
          %mul3A_360 = arith.mulf %gather3A_238, %get3A_338 : vector<16xf32>
          %add3A_361 = arith.addf %mul3A_359, %mul3A_360 : vector<16xf32>
          %mul3A_362 = arith.mulf %gather3A_242, %get3A_343 : vector<16xf32>
          %add3A_363 = arith.addf %add3A_361, %mul3A_362 : vector<16xf32>
          %mul3A_364 = arith.mulf %gather3A_246, %get3A_348 : vector<16xf32>
          %add3A_365 = arith.addf %add3A_363, %mul3A_364 : vector<16xf32>
          %mul3A_366 = arith.mulf %gather3A_250, %get3A_353 : vector<16xf32>
          %add3A_367 = arith.addf %add3A_365, %mul3A_366 : vector<16xf32>
          %mul3A_368 = arith.mulf %gather3A_254, %get3A_358 : vector<16xf32>
          %add3A_369 = arith.addf %add3A_367, %mul3A_368 : vector<16xf32>
          %add3A_370 = arith.constant 0 : i32
          %add3A_371 = arith.addi %mul3A_328, %add3A_370 : i32
          %get3A_372 = arith.constant 1 : i32
          %get3A_373 = arith.index_cast %get3A_372 : i32 to index
          %get3A_374 = arith.index_cast %add3A_371 : i32 to index
          %get3A_375 = arith.constant 0 : index
          %get3A_376 = tpu.vector_load %arg7[%get3A_373, %get3A_374, %get3A_375] {strides = array<i32>} : memref<2x64x128xf32, #tpu.memory_space<vmem>>, vector<1x1x16xf32>,
          %get3A_377 = vector.shape_cast %get3A_376 : vector<1x1x16xf32> to vector<16xf32>
          %mul3A_378 = arith.mulf %get3A_377, %add3A_369 : vector<16xf32>
          %add3A_379 = arith.constant 0 : i32
          %add3A_380 = arith.addi %mul3A_328, %add3A_379 : i32
          %swap3A_381 = arith.constant 1 : i32
          %swap3A_382 = arith.index_cast %swap3A_381 : i32 to index
          %swap3A_383 = arith.index_cast %add3A_380 : i32 to index
          %swap3A_384 = arith.constant 0 : index
          %swap3A_385 = tpu.vector_load %arg8[%swap3A_382, %swap3A_383, %swap3A_384] {strides = array<i32>} : memref<2x64x128xf32, #tpu.memory_space<vmem>>, vector<1x1x16xf32>,
          %swap3A_386 = vector.shape_cast %swap3A_385 : vector<1x1x16xf32> to vector<16xf32>
          %swap3A_387 = vector.shape_cast %mul3A_378 : vector<16xf32> to vector<1x1x16xf32>
          tpu.vector_store %arg8[%swap3A_382, %swap3A_383, %swap3A_384], %swap3A_387 {strides = array<i32>} : memref<2x64x128xf32, #tpu.memory_space<vmem>>, vector<1x1x16xf32>,
          %mul3A_388 = arith.mulf %gather3A_258, %get3A_333 : vector<16xf32>
          %mul3A_389 = arith.mulf %gather3A_262, %get3A_338 : vector<16xf32>
          %add3A_390 = arith.addf %mul3A_388, %mul3A_389 : vector<16xf32>
          %mul3A_391 = arith.mulf %gather3A_266, %get3A_343 : vector<16xf32>
          %add3A_392 = arith.addf %add3A_390, %mul3A_391 : vector<16xf32>
          %mul3A_393 = arith.mulf %gather3A_270, %get3A_348 : vector<16xf32>
          %add3A_394 = arith.addf %add3A_392, %mul3A_393 : vector<16xf32>
          %mul3A_395 = arith.mulf %gather3A_274, %get3A_353 : vector<16xf32>
          %add3A_396 = arith.addf %add3A_394, %mul3A_395 : vector<16xf32>
          %mul3A_397 = arith.mulf %gather3A_278, %get3A_358 : vector<16xf32>
          %add3A_398 = arith.addf %add3A_396, %mul3A_397 : vector<16xf32>
          %add3A_399 = arith.constant 1 : i32
          %add3A_400 = arith.addi %mul3A_328, %add3A_399 : i32
          %get3A_401 = arith.constant 1 : i32
          %get3A_402 = arith.index_cast %get3A_401 : i32 to index
          %get3A_403 = arith.index_cast %add3A_400 : i32 to index
          %get3A_404 = arith.constant 0 : index
          %get3A_405 = tpu.vector_load %arg7[%get3A_402, %get3A_403, %get3A_404] {strides = array<i32>} : memref<2x64x128xf32, #tpu.memory_space<vmem>>, vector<1x1x16xf32>,
          %get3A_406 = vector.shape_cast %get3A_405 : vector<1x1x16xf32> to vector<16xf32>
          %mul3A_407 = arith.mulf %get3A_406, %add3A_398 : vector<16xf32>
          %add3A_408 = arith.constant 1 : i32
          %add3A_409 = arith.addi %mul3A_328, %add3A_408 : i32
          %swap3A_410 = arith.constant 1 : i32
          %swap3A_411 = arith.index_cast %swap3A_410 : i32 to index
          %swap3A_412 = arith.index_cast %add3A_409 : i32 to index
          %swap3A_413 = arith.constant 0 : index
          %swap3A_414 = tpu.vector_load %arg8[%swap3A_411, %swap3A_412, %swap3A_413] {strides = array<i32>} : memref<2x64x128xf32, #tpu.memory_space<vmem>>, vector<1x1x16xf32>,
          %swap3A_415 = vector.shape_cast %swap3A_414 : vector<1x1x16xf32> to vector<16xf32>
          %swap3A_416 = vector.shape_cast %mul3A_407 : vector<16xf32> to vector<1x1x16xf32>
          tpu.vector_store %arg8[%swap3A_411, %swap3A_412, %swap3A_413], %swap3A_416 {strides = array<i32>} : memref<2x64x128xf32, #tpu.memory_space<vmem>>, vector<1x1x16xf32>,
          %mul3A_417 = arith.mulf %gather3A_282, %get3A_333 : vector<16xf32>
          %mul3A_418 = arith.mulf %gather3A_286, %get3A_338 : vector<16xf32>
          %add3A_419 = arith.addf %mul3A_417, %mul3A_418 : vector<16xf32>
          %mul3A_420 = arith.mulf %gather3A_290, %get3A_343 : vector<16xf32>
          %add3A_421 = arith.addf %add3A_419, %mul3A_420 : vector<16xf32>
          %mul3A_422 = arith.mulf %gather3A_294, %get3A_348 : vector<16xf32>
          %add3A_423 = arith.addf %add3A_421, %mul3A_422 : vector<16xf32>
          %mul3A_424 = arith.mulf %gather3A_298, %get3A_353 : vector<16xf32>
          %add3A_425 = arith.addf %add3A_423, %mul3A_424 : vector<16xf32>
          %mul3A_426 = arith.mulf %gather3A_302, %get3A_358 : vector<16xf32>
          %add3A_427 = arith.addf %add3A_425, %mul3A_426 : vector<16xf32>
          %add3A_428 = arith.constant 2 : i32
          %add3A_429 = arith.addi %mul3A_328, %add3A_428 : i32
          %get3A_430 = arith.constant 1 : i32
          %get3A_431 = arith.index_cast %get3A_430 : i32 to index
          %get3A_432 = arith.index_cast %add3A_429 : i32 to index
          %get3A_433 = arith.constant 0 : index
          %get3A_434 = tpu.vector_load %arg7[%get3A_431, %get3A_432, %get3A_433] {strides = array<i32>} : memref<2x64x128xf32, #tpu.memory_space<vmem>>, vector<1x1x16xf32>,
          %get3A_435 = vector.shape_cast %get3A_434 : vector<1x1x16xf32> to vector<16xf32>
          %mul3A_436 = arith.mulf %get3A_435, %add3A_427 : vector<16xf32>
          %add3A_437 = arith.constant 2 : i32
          %add3A_438 = arith.addi %mul3A_328, %add3A_437 : i32
          %swap3A_439 = arith.constant 1 : i32
          %swap3A_440 = arith.index_cast %swap3A_439 : i32 to index
          %swap3A_441 = arith.index_cast %add3A_438 : i32 to index
          %swap3A_442 = arith.constant 0 : index
          %swap3A_443 = tpu.vector_load %arg8[%swap3A_440, %swap3A_441, %swap3A_442] {strides = array<i32>} : memref<2x64x128xf32, #tpu.memory_space<vmem>>, vector<1x1x16xf32>,
          %swap3A_444 = vector.shape_cast %swap3A_443 : vector<1x1x16xf32> to vector<16xf32>
          %swap3A_445 = vector.shape_cast %mul3A_436 : vector<16xf32> to vector<1x1x16xf32>
          tpu.vector_store %arg8[%swap3A_440, %swap3A_441, %swap3A_442], %swap3A_445 {strides = array<i32>} : memref<2x64x128xf32, #tpu.memory_space<vmem>>, vector<1x1x16xf32>,
          %mul3A_446 = arith.mulf %gather3A_306, %get3A_333 : vector<16xf32>
          %mul3A_447 = arith.mulf %gather3A_310, %get3A_338 : vector<16xf32>
          %add3A_448 = arith.addf %mul3A_446, %mul3A_447 : vector<16xf32>
          %mul3A_449 = arith.mulf %gather3A_314, %get3A_343 : vector<16xf32>
          %add3A_450 = arith.addf %add3A_448, %mul3A_449 : vector<16xf32>
          %mul3A_451 = arith.mulf %gather3A_318, %get3A_348 : vector<16xf32>
          %add3A_452 = arith.addf %add3A_450, %mul3A_451 : vector<16xf32>
          %mul3A_453 = arith.mulf %gather3A_322, %get3A_353 : vector<16xf32>
          %add3A_454 = arith.addf %add3A_452, %mul3A_453 : vector<16xf32>
          %mul3A_455 = arith.mulf %gather3A_326, %get3A_358 : vector<16xf32>
          %add3A_456 = arith.addf %add3A_454, %mul3A_455 : vector<16xf32>
          %add3A_457 = arith.constant 3 : i32
          %add3A_458 = arith.addi %mul3A_328, %add3A_457 : i32
          %get3A_459 = arith.constant 1 : i32
          %get3A_460 = arith.index_cast %get3A_459 : i32 to index
          %get3A_461 = arith.index_cast %add3A_458 : i32 to index
          %get3A_462 = arith.constant 0 : index
          %get3A_463 = tpu.vector_load %arg7[%get3A_460, %get3A_461, %get3A_462] {strides = array<i32>} : memref<2x64x128xf32, #tpu.memory_space<vmem>>, vector<1x1x16xf32>,
          %get3A_464 = vector.shape_cast %get3A_463 : vector<1x1x16xf32> to vector<16xf32>
          %mul3A_465 = arith.mulf %get3A_464, %add3A_456 : vector<16xf32>
          %add3A_466 = arith.constant 3 : i32
          %add3A_467 = arith.addi %mul3A_328, %add3A_466 : i32
          %swap3A_468 = arith.constant 1 : i32
          %swap3A_469 = arith.index_cast %swap3A_468 : i32 to index
          %swap3A_470 = arith.index_cast %add3A_467 : i32 to index
          %swap3A_471 = arith.constant 0 : index
          %swap3A_472 = tpu.vector_load %arg8[%swap3A_469, %swap3A_470, %swap3A_471] {strides = array<i32>} : memref<2x64x128xf32, #tpu.memory_space<vmem>>, vector<1x1x16xf32>,
          %swap3A_473 = vector.shape_cast %swap3A_472 : vector<1x1x16xf32> to vector<16xf32>
          %swap3A_474 = vector.shape_cast %mul3A_465 : vector<16xf32> to vector<1x1x16xf32>
          tpu.vector_store %arg8[%swap3A_469, %swap3A_470, %swap3A_471], %swap3A_474 {strides = array<i32>} : memref<2x64x128xf32, #tpu.memory_space<vmem>>, vector<1x1x16xf32>,
          %get3A_475 = arith.constant 0 : i32
          %get3A_476 = arith.index_cast %get3A_475 : i32 to index
          %get3A_477 = arith.constant 16 : index
          %get3A_478 = tpu.vector_load %arg12[%get3A_476, %get3A_477] {strides = array<i32>} : memref<8x128xf32, #tpu.memory_space<vmem>>, vector<1x16xf32>,
          %get3A_479 = vector.shape_cast %get3A_478 : vector<1x16xf32> to vector<16xf32>
          %get3A_480 = arith.constant 1 : i32
          %get3A_481 = arith.index_cast %get3A_480 : i32 to index
          %get3A_482 = arith.constant 16 : index
          %get3A_483 = tpu.vector_load %arg12[%get3A_481, %get3A_482] {strides = array<i32>} : memref<8x128xf32, #tpu.memory_space<vmem>>, vector<1x16xf32>,
          %get3A_484 = vector.shape_cast %get3A_483 : vector<1x16xf32> to vector<16xf32>
          %get3A_485 = arith.constant 2 : i32
          %get3A_486 = arith.index_cast %get3A_485 : i32 to index
          %get3A_487 = arith.constant 16 : index
          %get3A_488 = tpu.vector_load %arg12[%get3A_486, %get3A_487] {strides = array<i32>} : memref<8x128xf32, #tpu.memory_space<vmem>>, vector<1x16xf32>,
          %get3A_489 = vector.shape_cast %get3A_488 : vector<1x16xf32> to vector<16xf32>
          %get3A_490 = arith.constant 3 : i32
          %get3A_491 = arith.index_cast %get3A_490 : i32 to index
          %get3A_492 = arith.constant 16 : index
          %get3A_493 = tpu.vector_load %arg12[%get3A_491, %get3A_492] {strides = array<i32>} : memref<8x128xf32, #tpu.memory_space<vmem>>, vector<1x16xf32>,
          %get3A_494 = vector.shape_cast %get3A_493 : vector<1x16xf32> to vector<16xf32>
          %get3A_495 = arith.constant 4 : i32
          %get3A_496 = arith.index_cast %get3A_495 : i32 to index
          %get3A_497 = arith.constant 16 : index
          %get3A_498 = tpu.vector_load %arg12[%get3A_496, %get3A_497] {strides = array<i32>} : memref<8x128xf32, #tpu.memory_space<vmem>>, vector<1x16xf32>,
          %get3A_499 = vector.shape_cast %get3A_498 : vector<1x16xf32> to vector<16xf32>
          %get3A_500 = arith.constant 5 : i32
          %get3A_501 = arith.index_cast %get3A_500 : i32 to index
          %get3A_502 = arith.constant 16 : index
          %get3A_503 = tpu.vector_load %arg12[%get3A_501, %get3A_502] {strides = array<i32>} : memref<8x128xf32, #tpu.memory_space<vmem>>, vector<1x16xf32>,
          %get3A_504 = vector.shape_cast %get3A_503 : vector<1x16xf32> to vector<16xf32>
          %mul3A_505 = arith.mulf %gather3A_234, %get3A_479 : vector<16xf32>
          %mul3A_506 = arith.mulf %gather3A_238, %get3A_484 : vector<16xf32>
          %add3A_507 = arith.addf %mul3A_505, %mul3A_506 : vector<16xf32>
          %mul3A_508 = arith.mulf %gather3A_242, %get3A_489 : vector<16xf32>
          %add3A_509 = arith.addf %add3A_507, %mul3A_508 : vector<16xf32>
          %mul3A_510 = arith.mulf %gather3A_246, %get3A_494 : vector<16xf32>
          %add3A_511 = arith.addf %add3A_509, %mul3A_510 : vector<16xf32>
          %mul3A_512 = arith.mulf %gather3A_250, %get3A_499 : vector<16xf32>
          %add3A_513 = arith.addf %add3A_511, %mul3A_512 : vector<16xf32>
          %mul3A_514 = arith.mulf %gather3A_254, %get3A_504 : vector<16xf32>
          %add3A_515 = arith.addf %add3A_513, %mul3A_514 : vector<16xf32>
          %add3A_516 = arith.constant 0 : i32
          %add3A_517 = arith.addi %mul3A_328, %add3A_516 : i32
          %get3A_518 = arith.constant 1 : i32
          %get3A_519 = arith.index_cast %get3A_518 : i32 to index
          %get3A_520 = arith.index_cast %add3A_517 : i32 to index
          %get3A_521 = arith.constant 16 : index
          %get3A_522 = tpu.vector_load %arg7[%get3A_519, %get3A_520, %get3A_521] {strides = array<i32>} : memref<2x64x128xf32, #tpu.memory_space<vmem>>, vector<1x1x16xf32>,
          %get3A_523 = vector.shape_cast %get3A_522 : vector<1x1x16xf32> to vector<16xf32>
          %mul3A_524 = arith.mulf %get3A_523, %add3A_515 : vector<16xf32>
          %add3A_525 = arith.constant 0 : i32
          %add3A_526 = arith.addi %mul3A_328, %add3A_525 : i32
          %swap3A_527 = arith.constant 1 : i32
          %swap3A_528 = arith.index_cast %swap3A_527 : i32 to index
          %swap3A_529 = arith.index_cast %add3A_526 : i32 to index
          %swap3A_530 = arith.constant 16 : index
          %swap3A_531 = tpu.vector_load %arg8[%swap3A_528, %swap3A_529, %swap3A_530] {strides = array<i32>} : memref<2x64x128xf32, #tpu.memory_space<vmem>>, vector<1x1x16xf32>,
          %swap3A_532 = vector.shape_cast %swap3A_531 : vector<1x1x16xf32> to vector<16xf32>
          %swap3A_533 = vector.shape_cast %mul3A_524 : vector<16xf32> to vector<1x1x16xf32>
          tpu.vector_store %arg8[%swap3A_528, %swap3A_529, %swap3A_530], %swap3A_533 {strides = array<i32>} : memref<2x64x128xf32, #tpu.memory_space<vmem>>, vector<1x1x16xf32>,
          %mul3A_534 = arith.mulf %gather3A_258, %get3A_479 : vector<16xf32>
          %mul3A_535 = arith.mulf %gather3A_262, %get3A_484 : vector<16xf32>
          %add3A_536 = arith.addf %mul3A_534, %mul3A_535 : vector<16xf32>
          %mul3A_537 = arith.mulf %gather3A_266, %get3A_489 : vector<16xf32>
          %add3A_538 = arith.addf %add3A_536, %mul3A_537 : vector<16xf32>
          %mul3A_539 = arith.mulf %gather3A_270, %get3A_494 : vector<16xf32>
          %add3A_540 = arith.addf %add3A_538, %mul3A_539 : vector<16xf32>
          %mul3A_541 = arith.mulf %gather3A_274, %get3A_499 : vector<16xf32>
          %add3A_542 = arith.addf %add3A_540, %mul3A_541 : vector<16xf32>
          %mul3A_543 = arith.mulf %gather3A_278, %get3A_504 : vector<16xf32>
          %add3A_544 = arith.addf %add3A_542, %mul3A_543 : vector<16xf32>
          %add3A_545 = arith.constant 1 : i32
          %add3A_546 = arith.addi %mul3A_328, %add3A_545 : i32
          %get3A_547 = arith.constant 1 : i32
          %get3A_548 = arith.index_cast %get3A_547 : i32 to index
          %get3A_549 = arith.index_cast %add3A_546 : i32 to index
          %get3A_550 = arith.constant 16 : index
          %get3A_551 = tpu.vector_load %arg7[%get3A_548, %get3A_549, %get3A_550] {strides = array<i32>} : memref<2x64x128xf32, #tpu.memory_space<vmem>>, vector<1x1x16xf32>,
          %get3A_552 = vector.shape_cast %get3A_551 : vector<1x1x16xf32> to vector<16xf32>
          %mul3A_553 = arith.mulf %get3A_552, %add3A_544 : vector<16xf32>
          %add3A_554 = arith.constant 1 : i32
          %add3A_555 = arith.addi %mul3A_328, %add3A_554 : i32
          %swap3A_556 = arith.constant 1 : i32
          %swap3A_557 = arith.index_cast %swap3A_556 : i32 to index
          %swap3A_558 = arith.index_cast %add3A_555 : i32 to index
          %swap3A_559 = arith.constant 16 : index
          %swap3A_560 = tpu.vector_load %arg8[%swap3A_557, %swap3A_558, %swap3A_559] {strides = array<i32>} : memref<2x64x128xf32, #tpu.memory_space<vmem>>, vector<1x1x16xf32>,
          %swap3A_561 = vector.shape_cast %swap3A_560 : vector<1x1x16xf32> to vector<16xf32>
          %swap3A_562 = vector.shape_cast %mul3A_553 : vector<16xf32> to vector<1x1x16xf32>
          tpu.vector_store %arg8[%swap3A_557, %swap3A_558, %swap3A_559], %swap3A_562 {strides = array<i32>} : memref<2x64x128xf32, #tpu.memory_space<vmem>>, vector<1x1x16xf32>,
          %mul3A_563 = arith.mulf %gather3A_282, %get3A_479 : vector<16xf32>
          %mul3A_564 = arith.mulf %gather3A_286, %get3A_484 : vector<16xf32>
          %add3A_565 = arith.addf %mul3A_563, %mul3A_564 : vector<16xf32>
          %mul3A_566 = arith.mulf %gather3A_290, %get3A_489 : vector<16xf32>
          %add3A_567 = arith.addf %add3A_565, %mul3A_566 : vector<16xf32>
          %mul3A_568 = arith.mulf %gather3A_294, %get3A_494 : vector<16xf32>
          %add3A_569 = arith.addf %add3A_567, %mul3A_568 : vector<16xf32>
          %mul3A_570 = arith.mulf %gather3A_298, %get3A_499 : vector<16xf32>
          %add3A_571 = arith.addf %add3A_569, %mul3A_570 : vector<16xf32>
          %mul3A_572 = arith.mulf %gather3A_302, %get3A_504 : vector<16xf32>
          %add3A_573 = arith.addf %add3A_571, %mul3A_572 : vector<16xf32>
          %add3A_574 = arith.constant 2 : i32
          %add3A_575 = arith.addi %mul3A_328, %add3A_574 : i32
          %get3A_576 = arith.constant 1 : i32
          %get3A_577 = arith.index_cast %get3A_576 : i32 to index
          %get3A_578 = arith.index_cast %add3A_575 : i32 to index
          %get3A_579 = arith.constant 16 : index
          %get3A_580 = tpu.vector_load %arg7[%get3A_577, %get3A_578, %get3A_579] {strides = array<i32>} : memref<2x64x128xf32, #tpu.memory_space<vmem>>, vector<1x1x16xf32>,
          %get3A_581 = vector.shape_cast %get3A_580 : vector<1x1x16xf32> to vector<16xf32>
          %mul3A_582 = arith.mulf %get3A_581, %add3A_573 : vector<16xf32>
          %add3A_583 = arith.constant 2 : i32
          %add3A_584 = arith.addi %mul3A_328, %add3A_583 : i32
          %swap3A_585 = arith.constant 1 : i32
          %swap3A_586 = arith.index_cast %swap3A_585 : i32 to index
          %swap3A_587 = arith.index_cast %add3A_584 : i32 to index
          %swap3A_588 = arith.constant 16 : index
          %swap3A_589 = tpu.vector_load %arg8[%swap3A_586, %swap3A_587, %swap3A_588] {strides = array<i32>} : memref<2x64x128xf32, #tpu.memory_space<vmem>>, vector<1x1x16xf32>,
          %swap3A_590 = vector.shape_cast %swap3A_589 : vector<1x1x16xf32> to vector<16xf32>
          %swap3A_591 = vector.shape_cast %mul3A_582 : vector<16xf32> to vector<1x1x16xf32>
          tpu.vector_store %arg8[%swap3A_586, %swap3A_587, %swap3A_588], %swap3A_591 {strides = array<i32>} : memref<2x64x128xf32, #tpu.memory_space<vmem>>, vector<1x1x16xf32>,
          %mul3A_592 = arith.mulf %gather3A_306, %get3A_479 : vector<16xf32>
          %mul3A_593 = arith.mulf %gather3A_310, %get3A_484 : vector<16xf32>
          %add3A_594 = arith.addf %mul3A_592, %mul3A_593 : vector<16xf32>
          %mul3A_595 = arith.mulf %gather3A_314, %get3A_489 : vector<16xf32>
          %add3A_596 = arith.addf %add3A_594, %mul3A_595 : vector<16xf32>
          %mul3A_597 = arith.mulf %gather3A_318, %get3A_494 : vector<16xf32>
          %add3A_598 = arith.addf %add3A_596, %mul3A_597 : vector<16xf32>
          %mul3A_599 = arith.mulf %gather3A_322, %get3A_499 : vector<16xf32>
          %add3A_600 = arith.addf %add3A_598, %mul3A_599 : vector<16xf32>
          %mul3A_601 = arith.mulf %gather3A_326, %get3A_504 : vector<16xf32>
          %add3A_602 = arith.addf %add3A_600, %mul3A_601 : vector<16xf32>
          %add3A_603 = arith.constant 3 : i32
          %add3A_604 = arith.addi %mul3A_328, %add3A_603 : i32
          %get3A_605 = arith.constant 1 : i32
          %get3A_606 = arith.index_cast %get3A_605 : i32 to index
          %get3A_607 = arith.index_cast %add3A_604 : i32 to index
          %get3A_608 = arith.constant 16 : index
          %get3A_609 = tpu.vector_load %arg7[%get3A_606, %get3A_607, %get3A_608] {strides = array<i32>} : memref<2x64x128xf32, #tpu.memory_space<vmem>>, vector<1x1x16xf32>,
          %get3A_610 = vector.shape_cast %get3A_609 : vector<1x1x16xf32> to vector<16xf32>
          %mul3A_611 = arith.mulf %get3A_610, %add3A_602 : vector<16xf32>
          %add3A_612 = arith.constant 3 : i32
          %add3A_613 = arith.addi %mul3A_328, %add3A_612 : i32
          %swap3A_614 = arith.constant 1 : i32
          %swap3A_615 = arith.index_cast %swap3A_614 : i32 to index
          %swap3A_616 = arith.index_cast %add3A_613 : i32 to index
          %swap3A_617 = arith.constant 16 : index
          %swap3A_618 = tpu.vector_load %arg8[%swap3A_615, %swap3A_616, %swap3A_617] {strides = array<i32>} : memref<2x64x128xf32, #tpu.memory_space<vmem>>, vector<1x1x16xf32>,
          %swap3A_619 = vector.shape_cast %swap3A_618 : vector<1x1x16xf32> to vector<16xf32>
          %swap3A_620 = vector.shape_cast %mul3A_611 : vector<16xf32> to vector<1x1x16xf32>
          tpu.vector_store %arg8[%swap3A_615, %swap3A_616, %swap3A_617], %swap3A_620 {strides = array<i32>} : memref<2x64x128xf32, #tpu.memory_space<vmem>>, vector<1x1x16xf32>,
          %get3A_621 = arith.constant 0 : i32
          %get3A_622 = arith.index_cast %get3A_621 : i32 to index
          %get3A_623 = arith.constant 32 : index
          %get3A_624 = tpu.vector_load %arg12[%get3A_622, %get3A_623] {strides = array<i32>} : memref<8x128xf32, #tpu.memory_space<vmem>>, vector<1x16xf32>,
          %get3A_625 = vector.shape_cast %get3A_624 : vector<1x16xf32> to vector<16xf32>
          %get3A_626 = arith.constant 1 : i32
          %get3A_627 = arith.index_cast %get3A_626 : i32 to index
          %get3A_628 = arith.constant 32 : index
          %get3A_629 = tpu.vector_load %arg12[%get3A_627, %get3A_628] {strides = array<i32>} : memref<8x128xf32, #tpu.memory_space<vmem>>, vector<1x16xf32>,
          %get3A_630 = vector.shape_cast %get3A_629 : vector<1x16xf32> to vector<16xf32>
          %get3A_631 = arith.constant 2 : i32
          %get3A_632 = arith.index_cast %get3A_631 : i32 to index
          %get3A_633 = arith.constant 32 : index
          %get3A_634 = tpu.vector_load %arg12[%get3A_632, %get3A_633] {strides = array<i32>} : memref<8x128xf32, #tpu.memory_space<vmem>>, vector<1x16xf32>,
          %get3A_635 = vector.shape_cast %get3A_634 : vector<1x16xf32> to vector<16xf32>
          %get3A_636 = arith.constant 3 : i32
          %get3A_637 = arith.index_cast %get3A_636 : i32 to index
          %get3A_638 = arith.constant 32 : index
          %get3A_639 = tpu.vector_load %arg12[%get3A_637, %get3A_638] {strides = array<i32>} : memref<8x128xf32, #tpu.memory_space<vmem>>, vector<1x16xf32>,
          %get3A_640 = vector.shape_cast %get3A_639 : vector<1x16xf32> to vector<16xf32>
          %get3A_641 = arith.constant 4 : i32
          %get3A_642 = arith.index_cast %get3A_641 : i32 to index
          %get3A_643 = arith.constant 32 : index
          %get3A_644 = tpu.vector_load %arg12[%get3A_642, %get3A_643] {strides = array<i32>} : memref<8x128xf32, #tpu.memory_space<vmem>>, vector<1x16xf32>,
          %get3A_645 = vector.shape_cast %get3A_644 : vector<1x16xf32> to vector<16xf32>
          %get3A_646 = arith.constant 5 : i32
          %get3A_647 = arith.index_cast %get3A_646 : i32 to index
          %get3A_648 = arith.constant 32 : index
          %get3A_649 = tpu.vector_load %arg12[%get3A_647, %get3A_648] {strides = array<i32>} : memref<8x128xf32, #tpu.memory_space<vmem>>, vector<1x16xf32>,
          %get3A_650 = vector.shape_cast %get3A_649 : vector<1x16xf32> to vector<16xf32>
          %mul3A_651 = arith.mulf %gather3A_234, %get3A_625 : vector<16xf32>
          %mul3A_652 = arith.mulf %gather3A_238, %get3A_630 : vector<16xf32>
          %add3A_653 = arith.addf %mul3A_651, %mul3A_652 : vector<16xf32>
          %mul3A_654 = arith.mulf %gather3A_242, %get3A_635 : vector<16xf32>
          %add3A_655 = arith.addf %add3A_653, %mul3A_654 : vector<16xf32>
          %mul3A_656 = arith.mulf %gather3A_246, %get3A_640 : vector<16xf32>
          %add3A_657 = arith.addf %add3A_655, %mul3A_656 : vector<16xf32>
          %mul3A_658 = arith.mulf %gather3A_250, %get3A_645 : vector<16xf32>
          %add3A_659 = arith.addf %add3A_657, %mul3A_658 : vector<16xf32>
          %mul3A_660 = arith.mulf %gather3A_254, %get3A_650 : vector<16xf32>
          %add3A_661 = arith.addf %add3A_659, %mul3A_660 : vector<16xf32>
          %add3A_662 = arith.constant 0 : i32
          %add3A_663 = arith.addi %mul3A_328, %add3A_662 : i32
          %get3A_664 = arith.constant 1 : i32
          %get3A_665 = arith.index_cast %get3A_664 : i32 to index
          %get3A_666 = arith.index_cast %add3A_663 : i32 to index
          %get3A_667 = arith.constant 32 : index
          %get3A_668 = tpu.vector_load %arg7[%get3A_665, %get3A_666, %get3A_667] {strides = array<i32>} : memref<2x64x128xf32, #tpu.memory_space<vmem>>, vector<1x1x16xf32>,
          %get3A_669 = vector.shape_cast %get3A_668 : vector<1x1x16xf32> to vector<16xf32>
          %mul3A_670 = arith.mulf %get3A_669, %add3A_661 : vector<16xf32>
          %add3A_671 = arith.constant 0 : i32
          %add3A_672 = arith.addi %mul3A_328, %add3A_671 : i32
          %swap3A_673 = arith.constant 1 : i32
          %swap3A_674 = arith.index_cast %swap3A_673 : i32 to index
          %swap3A_675 = arith.index_cast %add3A_672 : i32 to index
          %swap3A_676 = arith.constant 32 : index
          %swap3A_677 = tpu.vector_load %arg8[%swap3A_674, %swap3A_675, %swap3A_676] {strides = array<i32>} : memref<2x64x128xf32, #tpu.memory_space<vmem>>, vector<1x1x16xf32>,
          %swap3A_678 = vector.shape_cast %swap3A_677 : vector<1x1x16xf32> to vector<16xf32>
          %swap3A_679 = vector.shape_cast %mul3A_670 : vector<16xf32> to vector<1x1x16xf32>
          tpu.vector_store %arg8[%swap3A_674, %swap3A_675, %swap3A_676], %swap3A_679 {strides = array<i32>} : memref<2x64x128xf32, #tpu.memory_space<vmem>>, vector<1x1x16xf32>,
          %mul3A_680 = arith.mulf %gather3A_258, %get3A_625 : vector<16xf32>
          %mul3A_681 = arith.mulf %gather3A_262, %get3A_630 : vector<16xf32>
          %add3A_682 = arith.addf %mul3A_680, %mul3A_681 : vector<16xf32>
          %mul3A_683 = arith.mulf %gather3A_266, %get3A_635 : vector<16xf32>
          %add3A_684 = arith.addf %add3A_682, %mul3A_683 : vector<16xf32>
          %mul3A_685 = arith.mulf %gather3A_270, %get3A_640 : vector<16xf32>
          %add3A_686 = arith.addf %add3A_684, %mul3A_685 : vector<16xf32>
          %mul3A_687 = arith.mulf %gather3A_274, %get3A_645 : vector<16xf32>
          %add3A_688 = arith.addf %add3A_686, %mul3A_687 : vector<16xf32>
          %mul3A_689 = arith.mulf %gather3A_278, %get3A_650 : vector<16xf32>
          %add3A_690 = arith.addf %add3A_688, %mul3A_689 : vector<16xf32>
          %add3A_691 = arith.constant 1 : i32
          %add3A_692 = arith.addi %mul3A_328, %add3A_691 : i32
          %get3A_693 = arith.constant 1 : i32
          %get3A_694 = arith.index_cast %get3A_693 : i32 to index
          %get3A_695 = arith.index_cast %add3A_692 : i32 to index
          %get3A_696 = arith.constant 32 : index
          %get3A_697 = tpu.vector_load %arg7[%get3A_694, %get3A_695, %get3A_696] {strides = array<i32>} : memref<2x64x128xf32, #tpu.memory_space<vmem>>, vector<1x1x16xf32>,
          %get3A_698 = vector.shape_cast %get3A_697 : vector<1x1x16xf32> to vector<16xf32>
          %mul3A_699 = arith.mulf %get3A_698, %add3A_690 : vector<16xf32>
          %add3A_700 = arith.constant 1 : i32
          %add3A_701 = arith.addi %mul3A_328, %add3A_700 : i32
          %swap3A_702 = arith.constant 1 : i32
          %swap3A_703 = arith.index_cast %swap3A_702 : i32 to index
          %swap3A_704 = arith.index_cast %add3A_701 : i32 to index
          %swap3A_705 = arith.constant 32 : index
          %swap3A_706 = tpu.vector_load %arg8[%swap3A_703, %swap3A_704, %swap3A_705] {strides = array<i32>} : memref<2x64x128xf32, #tpu.memory_space<vmem>>, vector<1x1x16xf32>,
          %swap3A_707 = vector.shape_cast %swap3A_706 : vector<1x1x16xf32> to vector<16xf32>
          %swap3A_708 = vector.shape_cast %mul3A_699 : vector<16xf32> to vector<1x1x16xf32>
          tpu.vector_store %arg8[%swap3A_703, %swap3A_704, %swap3A_705], %swap3A_708 {strides = array<i32>} : memref<2x64x128xf32, #tpu.memory_space<vmem>>, vector<1x1x16xf32>,
          %mul3A_709 = arith.mulf %gather3A_282, %get3A_625 : vector<16xf32>
          %mul3A_710 = arith.mulf %gather3A_286, %get3A_630 : vector<16xf32>
          %add3A_711 = arith.addf %mul3A_709, %mul3A_710 : vector<16xf32>
          %mul3A_712 = arith.mulf %gather3A_290, %get3A_635 : vector<16xf32>
          %add3A_713 = arith.addf %add3A_711, %mul3A_712 : vector<16xf32>
          %mul3A_714 = arith.mulf %gather3A_294, %get3A_640 : vector<16xf32>
          %add3A_715 = arith.addf %add3A_713, %mul3A_714 : vector<16xf32>
          %mul3A_716 = arith.mulf %gather3A_298, %get3A_645 : vector<16xf32>
          %add3A_717 = arith.addf %add3A_715, %mul3A_716 : vector<16xf32>
          %mul3A_718 = arith.mulf %gather3A_302, %get3A_650 : vector<16xf32>
          %add3A_719 = arith.addf %add3A_717, %mul3A_718 : vector<16xf32>
          %add3A_720 = arith.constant 2 : i32
          %add3A_721 = arith.addi %mul3A_328, %add3A_720 : i32
          %get3A_722 = arith.constant 1 : i32
          %get3A_723 = arith.index_cast %get3A_722 : i32 to index
          %get3A_724 = arith.index_cast %add3A_721 : i32 to index
          %get3A_725 = arith.constant 32 : index
          %get3A_726 = tpu.vector_load %arg7[%get3A_723, %get3A_724, %get3A_725] {strides = array<i32>} : memref<2x64x128xf32, #tpu.memory_space<vmem>>, vector<1x1x16xf32>,
          %get3A_727 = vector.shape_cast %get3A_726 : vector<1x1x16xf32> to vector<16xf32>
          %mul3A_728 = arith.mulf %get3A_727, %add3A_719 : vector<16xf32>
          %add3A_729 = arith.constant 2 : i32
          %add3A_730 = arith.addi %mul3A_328, %add3A_729 : i32
          %swap3A_731 = arith.constant 1 : i32
          %swap3A_732 = arith.index_cast %swap3A_731 : i32 to index
          %swap3A_733 = arith.index_cast %add3A_730 : i32 to index
          %swap3A_734 = arith.constant 32 : index
          %swap3A_735 = tpu.vector_load %arg8[%swap3A_732, %swap3A_733, %swap3A_734] {strides = array<i32>} : memref<2x64x128xf32, #tpu.memory_space<vmem>>, vector<1x1x16xf32>,
          %swap3A_736 = vector.shape_cast %swap3A_735 : vector<1x1x16xf32> to vector<16xf32>
          %swap3A_737 = vector.shape_cast %mul3A_728 : vector<16xf32> to vector<1x1x16xf32>
          tpu.vector_store %arg8[%swap3A_732, %swap3A_733, %swap3A_734], %swap3A_737 {strides = array<i32>} : memref<2x64x128xf32, #tpu.memory_space<vmem>>, vector<1x1x16xf32>,
          %mul3A_738 = arith.mulf %gather3A_306, %get3A_625 : vector<16xf32>
          %mul3A_739 = arith.mulf %gather3A_310, %get3A_630 : vector<16xf32>
          %add3A_740 = arith.addf %mul3A_738, %mul3A_739 : vector<16xf32>
          %mul3A_741 = arith.mulf %gather3A_314, %get3A_635 : vector<16xf32>
          %add3A_742 = arith.addf %add3A_740, %mul3A_741 : vector<16xf32>
          %mul3A_743 = arith.mulf %gather3A_318, %get3A_640 : vector<16xf32>
          %add3A_744 = arith.addf %add3A_742, %mul3A_743 : vector<16xf32>
          %mul3A_745 = arith.mulf %gather3A_322, %get3A_645 : vector<16xf32>
          %add3A_746 = arith.addf %add3A_744, %mul3A_745 : vector<16xf32>
          %mul3A_747 = arith.mulf %gather3A_326, %get3A_650 : vector<16xf32>
          %add3A_748 = arith.addf %add3A_746, %mul3A_747 : vector<16xf32>
          %add3A_749 = arith.constant 3 : i32
          %add3A_750 = arith.addi %mul3A_328, %add3A_749 : i32
          %get3A_751 = arith.constant 1 : i32
          %get3A_752 = arith.index_cast %get3A_751 : i32 to index
          %get3A_753 = arith.index_cast %add3A_750 : i32 to index
          %get3A_754 = arith.constant 32 : index
          %get3A_755 = tpu.vector_load %arg7[%get3A_752, %get3A_753, %get3A_754] {strides = array<i32>} : memref<2x64x128xf32, #tpu.memory_space<vmem>>, vector<1x1x16xf32>,
          %get3A_756 = vector.shape_cast %get3A_755 : vector<1x1x16xf32> to vector<16xf32>
          %mul3A_757 = arith.mulf %get3A_756, %add3A_748 : vector<16xf32>
          %add3A_758 = arith.constant 3 : i32
          %add3A_759 = arith.addi %mul3A_328, %add3A_758 : i32
          %swap3A_760 = arith.constant 1 : i32
          %swap3A_761 = arith.index_cast %swap3A_760 : i32 to index
          %swap3A_762 = arith.index_cast %add3A_759 : i32 to index
          %swap3A_763 = arith.constant 32 : index
          %swap3A_764 = tpu.vector_load %arg8[%swap3A_761, %swap3A_762, %swap3A_763] {strides = array<i32>} : memref<2x64x128xf32, #tpu.memory_space<vmem>>, vector<1x1x16xf32>,
          %swap3A_765 = vector.shape_cast %swap3A_764 : vector<1x1x16xf32> to vector<16xf32>
          %swap3A_766 = vector.shape_cast %mul3A_757 : vector<16xf32> to vector<1x1x16xf32>
          tpu.vector_store %arg8[%swap3A_761, %swap3A_762, %swap3A_763], %swap3A_766 {strides = array<i32>} : memref<2x64x128xf32, #tpu.memory_space<vmem>>, vector<1x1x16xf32>,
          %get3A_767 = arith.constant 0 : i32
          %get3A_768 = arith.index_cast %get3A_767 : i32 to index
          %get3A_769 = arith.constant 48 : index
          %get3A_770 = tpu.vector_load %arg12[%get3A_768, %get3A_769] {strides = array<i32>} : memref<8x128xf32, #tpu.memory_space<vmem>>, vector<1x16xf32>,
          %get3A_771 = vector.shape_cast %get3A_770 : vector<1x16xf32> to vector<16xf32>
          %get3A_772 = arith.constant 1 : i32
          %get3A_773 = arith.index_cast %get3A_772 : i32 to index
          %get3A_774 = arith.constant 48 : index
          %get3A_775 = tpu.vector_load %arg12[%get3A_773, %get3A_774] {strides = array<i32>} : memref<8x128xf32, #tpu.memory_space<vmem>>, vector<1x16xf32>,
          %get3A_776 = vector.shape_cast %get3A_775 : vector<1x16xf32> to vector<16xf32>
          %get3A_777 = arith.constant 2 : i32
          %get3A_778 = arith.index_cast %get3A_777 : i32 to index
          %get3A_779 = arith.constant 48 : index
          %get3A_780 = tpu.vector_load %arg12[%get3A_778, %get3A_779] {strides = array<i32>} : memref<8x128xf32, #tpu.memory_space<vmem>>, vector<1x16xf32>,
          %get3A_781 = vector.shape_cast %get3A_780 : vector<1x16xf32> to vector<16xf32>
          %get3A_782 = arith.constant 3 : i32
          %get3A_783 = arith.index_cast %get3A_782 : i32 to index
          %get3A_784 = arith.constant 48 : index
          %get3A_785 = tpu.vector_load %arg12[%get3A_783, %get3A_784] {strides = array<i32>} : memref<8x128xf32, #tpu.memory_space<vmem>>, vector<1x16xf32>,
          %get3A_786 = vector.shape_cast %get3A_785 : vector<1x16xf32> to vector<16xf32>
          %get3A_787 = arith.constant 4 : i32
          %get3A_788 = arith.index_cast %get3A_787 : i32 to index
          %get3A_789 = arith.constant 48 : index
          %get3A_790 = tpu.vector_load %arg12[%get3A_788, %get3A_789] {strides = array<i32>} : memref<8x128xf32, #tpu.memory_space<vmem>>, vector<1x16xf32>,
          %get3A_791 = vector.shape_cast %get3A_790 : vector<1x16xf32> to vector<16xf32>
          %get3A_792 = arith.constant 5 : i32
          %get3A_793 = arith.index_cast %get3A_792 : i32 to index
          %get3A_794 = arith.constant 48 : index
          %get3A_795 = tpu.vector_load %arg12[%get3A_793, %get3A_794] {strides = array<i32>} : memref<8x128xf32, #tpu.memory_space<vmem>>, vector<1x16xf32>,
          %get3A_796 = vector.shape_cast %get3A_795 : vector<1x16xf32> to vector<16xf32>
          %mul3A_797 = arith.mulf %gather3A_234, %get3A_771 : vector<16xf32>
          %mul3A_798 = arith.mulf %gather3A_238, %get3A_776 : vector<16xf32>
          %add3A_799 = arith.addf %mul3A_797, %mul3A_798 : vector<16xf32>
          %mul3A_800 = arith.mulf %gather3A_242, %get3A_781 : vector<16xf32>
          %add3A_801 = arith.addf %add3A_799, %mul3A_800 : vector<16xf32>
          %mul3A_802 = arith.mulf %gather3A_246, %get3A_786 : vector<16xf32>
          %add3A_803 = arith.addf %add3A_801, %mul3A_802 : vector<16xf32>
          %mul3A_804 = arith.mulf %gather3A_250, %get3A_791 : vector<16xf32>
          %add3A_805 = arith.addf %add3A_803, %mul3A_804 : vector<16xf32>
          %mul3A_806 = arith.mulf %gather3A_254, %get3A_796 : vector<16xf32>
          %add3A_807 = arith.addf %add3A_805, %mul3A_806 : vector<16xf32>
          %add3A_808 = arith.constant 0 : i32
          %add3A_809 = arith.addi %mul3A_328, %add3A_808 : i32
          %get3A_810 = arith.constant 1 : i32
          %get3A_811 = arith.index_cast %get3A_810 : i32 to index
          %get3A_812 = arith.index_cast %add3A_809 : i32 to index
          %get3A_813 = arith.constant 48 : index
          %get3A_814 = tpu.vector_load %arg7[%get3A_811, %get3A_812, %get3A_813] {strides = array<i32>} : memref<2x64x128xf32, #tpu.memory_space<vmem>>, vector<1x1x16xf32>,
          %get3A_815 = vector.shape_cast %get3A_814 : vector<1x1x16xf32> to vector<16xf32>
          %mul3A_816 = arith.mulf %get3A_815, %add3A_807 : vector<16xf32>
          %add3A_817 = arith.constant 0 : i32
          %add3A_818 = arith.addi %mul3A_328, %add3A_817 : i32
          %swap3A_819 = arith.constant 1 : i32
          %swap3A_820 = arith.index_cast %swap3A_819 : i32 to index
          %swap3A_821 = arith.index_cast %add3A_818 : i32 to index
          %swap3A_822 = arith.constant 48 : index
          %swap3A_823 = tpu.vector_load %arg8[%swap3A_820, %swap3A_821, %swap3A_822] {strides = array<i32>} : memref<2x64x128xf32, #tpu.memory_space<vmem>>, vector<1x1x16xf32>,
          %swap3A_824 = vector.shape_cast %swap3A_823 : vector<1x1x16xf32> to vector<16xf32>
          %swap3A_825 = vector.shape_cast %mul3A_816 : vector<16xf32> to vector<1x1x16xf32>
          tpu.vector_store %arg8[%swap3A_820, %swap3A_821, %swap3A_822], %swap3A_825 {strides = array<i32>} : memref<2x64x128xf32, #tpu.memory_space<vmem>>, vector<1x1x16xf32>,
          %mul3A_826 = arith.mulf %gather3A_258, %get3A_771 : vector<16xf32>
          %mul3A_827 = arith.mulf %gather3A_262, %get3A_776 : vector<16xf32>
          %add3A_828 = arith.addf %mul3A_826, %mul3A_827 : vector<16xf32>
          %mul3A_829 = arith.mulf %gather3A_266, %get3A_781 : vector<16xf32>
          %add3A_830 = arith.addf %add3A_828, %mul3A_829 : vector<16xf32>
          %mul3A_831 = arith.mulf %gather3A_270, %get3A_786 : vector<16xf32>
          %add3A_832 = arith.addf %add3A_830, %mul3A_831 : vector<16xf32>
          %mul3A_833 = arith.mulf %gather3A_274, %get3A_791 : vector<16xf32>
          %add3A_834 = arith.addf %add3A_832, %mul3A_833 : vector<16xf32>
          %mul3A_835 = arith.mulf %gather3A_278, %get3A_796 : vector<16xf32>
          %add3A_836 = arith.addf %add3A_834, %mul3A_835 : vector<16xf32>
          %add3A_837 = arith.constant 1 : i32
          %add3A_838 = arith.addi %mul3A_328, %add3A_837 : i32
          %get3A_839 = arith.constant 1 : i32
          %get3A_840 = arith.index_cast %get3A_839 : i32 to index
          %get3A_841 = arith.index_cast %add3A_838 : i32 to index
          %get3A_842 = arith.constant 48 : index
          %get3A_843 = tpu.vector_load %arg7[%get3A_840, %get3A_841, %get3A_842] {strides = array<i32>} : memref<2x64x128xf32, #tpu.memory_space<vmem>>, vector<1x1x16xf32>,
          %get3A_844 = vector.shape_cast %get3A_843 : vector<1x1x16xf32> to vector<16xf32>
          %mul3A_845 = arith.mulf %get3A_844, %add3A_836 : vector<16xf32>
          %add3A_846 = arith.constant 1 : i32
          %add3A_847 = arith.addi %mul3A_328, %add3A_846 : i32
          %swap3A_848 = arith.constant 1 : i32
          %swap3A_849 = arith.index_cast %swap3A_848 : i32 to index
          %swap3A_850 = arith.index_cast %add3A_847 : i32 to index
          %swap3A_851 = arith.constant 48 : index
          %swap3A_852 = tpu.vector_load %arg8[%swap3A_849, %swap3A_850, %swap3A_851] {strides = array<i32>} : memref<2x64x128xf32, #tpu.memory_space<vmem>>, vector<1x1x16xf32>,
          %swap3A_853 = vector.shape_cast %swap3A_852 : vector<1x1x16xf32> to vector<16xf32>
          %swap3A_854 = vector.shape_cast %mul3A_845 : vector<16xf32> to vector<1x1x16xf32>
          tpu.vector_store %arg8[%swap3A_849, %swap3A_850, %swap3A_851], %swap3A_854 {strides = array<i32>} : memref<2x64x128xf32, #tpu.memory_space<vmem>>, vector<1x1x16xf32>,
          %mul3A_855 = arith.mulf %gather3A_282, %get3A_771 : vector<16xf32>
          %mul3A_856 = arith.mulf %gather3A_286, %get3A_776 : vector<16xf32>
          %add3A_857 = arith.addf %mul3A_855, %mul3A_856 : vector<16xf32>
          %mul3A_858 = arith.mulf %gather3A_290, %get3A_781 : vector<16xf32>
          %add3A_859 = arith.addf %add3A_857, %mul3A_858 : vector<16xf32>
          %mul3A_860 = arith.mulf %gather3A_294, %get3A_786 : vector<16xf32>
          %add3A_861 = arith.addf %add3A_859, %mul3A_860 : vector<16xf32>
          %mul3A_862 = arith.mulf %gather3A_298, %get3A_791 : vector<16xf32>
          %add3A_863 = arith.addf %add3A_861, %mul3A_862 : vector<16xf32>
          %mul3A_864 = arith.mulf %gather3A_302, %get3A_796 : vector<16xf32>
          %add3A_865 = arith.addf %add3A_863, %mul3A_864 : vector<16xf32>
          %add3A_866 = arith.constant 2 : i32
          %add3A_867 = arith.addi %mul3A_328, %add3A_866 : i32
          %get3A_868 = arith.constant 1 : i32
          %get3A_869 = arith.index_cast %get3A_868 : i32 to index
          %get3A_870 = arith.index_cast %add3A_867 : i32 to index
          %get3A_871 = arith.constant 48 : index
          %get3A_872 = tpu.vector_load %arg7[%get3A_869, %get3A_870, %get3A_871] {strides = array<i32>} : memref<2x64x128xf32, #tpu.memory_space<vmem>>, vector<1x1x16xf32>,
          %get3A_873 = vector.shape_cast %get3A_872 : vector<1x1x16xf32> to vector<16xf32>
          %mul3A_874 = arith.mulf %get3A_873, %add3A_865 : vector<16xf32>
          %add3A_875 = arith.constant 2 : i32
          %add3A_876 = arith.addi %mul3A_328, %add3A_875 : i32
          %swap3A_877 = arith.constant 1 : i32
          %swap3A_878 = arith.index_cast %swap3A_877 : i32 to index
          %swap3A_879 = arith.index_cast %add3A_876 : i32 to index
          %swap3A_880 = arith.constant 48 : index
          %swap3A_881 = tpu.vector_load %arg8[%swap3A_878, %swap3A_879, %swap3A_880] {strides = array<i32>} : memref<2x64x128xf32, #tpu.memory_space<vmem>>, vector<1x1x16xf32>,
          %swap3A_882 = vector.shape_cast %swap3A_881 : vector<1x1x16xf32> to vector<16xf32>
          %swap3A_883 = vector.shape_cast %mul3A_874 : vector<16xf32> to vector<1x1x16xf32>
          tpu.vector_store %arg8[%swap3A_878, %swap3A_879, %swap3A_880], %swap3A_883 {strides = array<i32>} : memref<2x64x128xf32, #tpu.memory_space<vmem>>, vector<1x1x16xf32>,
          %mul3A_884 = arith.mulf %gather3A_306, %get3A_771 : vector<16xf32>
          %mul3A_885 = arith.mulf %gather3A_310, %get3A_776 : vector<16xf32>
          %add3A_886 = arith.addf %mul3A_884, %mul3A_885 : vector<16xf32>
          %mul3A_887 = arith.mulf %gather3A_314, %get3A_781 : vector<16xf32>
          %add3A_888 = arith.addf %add3A_886, %mul3A_887 : vector<16xf32>
          %mul3A_889 = arith.mulf %gather3A_318, %get3A_786 : vector<16xf32>
          %add3A_890 = arith.addf %add3A_888, %mul3A_889 : vector<16xf32>
          %mul3A_891 = arith.mulf %gather3A_322, %get3A_791 : vector<16xf32>
          %add3A_892 = arith.addf %add3A_890, %mul3A_891 : vector<16xf32>
          %mul3A_893 = arith.mulf %gather3A_326, %get3A_796 : vector<16xf32>
          %add3A_894 = arith.addf %add3A_892, %mul3A_893 : vector<16xf32>
          %add3A_895 = arith.constant 3 : i32
          %add3A_896 = arith.addi %mul3A_328, %add3A_895 : i32
          %get3A_897 = arith.constant 1 : i32
          %get3A_898 = arith.index_cast %get3A_897 : i32 to index
          %get3A_899 = arith.index_cast %add3A_896 : i32 to index
          %get3A_900 = arith.constant 48 : index
          %get3A_901 = tpu.vector_load %arg7[%get3A_898, %get3A_899, %get3A_900] {strides = array<i32>} : memref<2x64x128xf32, #tpu.memory_space<vmem>>, vector<1x1x16xf32>,
          %get3A_902 = vector.shape_cast %get3A_901 : vector<1x1x16xf32> to vector<16xf32>
          %mul3A_903 = arith.mulf %get3A_902, %add3A_894 : vector<16xf32>
          %add3A_904 = arith.constant 3 : i32
          %add3A_905 = arith.addi %mul3A_328, %add3A_904 : i32
          %swap3A_906 = arith.constant 1 : i32
          %swap3A_907 = arith.index_cast %swap3A_906 : i32 to index
          %swap3A_908 = arith.index_cast %add3A_905 : i32 to index
          %swap3A_909 = arith.constant 48 : index
          %swap3A_910 = tpu.vector_load %arg8[%swap3A_907, %swap3A_908, %swap3A_909] {strides = array<i32>} : memref<2x64x128xf32, #tpu.memory_space<vmem>>, vector<1x1x16xf32>,
          %swap3A_911 = vector.shape_cast %swap3A_910 : vector<1x1x16xf32> to vector<16xf32>
          %swap3A_912 = vector.shape_cast %mul3A_903 : vector<16xf32> to vector<1x1x16xf32>
          tpu.vector_store %arg8[%swap3A_907, %swap3A_908, %swap3A_909], %swap3A_912 {strides = array<i32>} : memref<2x64x128xf32, #tpu.memory_space<vmem>>, vector<1x1x16xf32>,
          %get3A_913 = arith.constant 0 : i32
          %get3A_914 = arith.index_cast %get3A_913 : i32 to index
          %get3A_915 = arith.constant 64 : index
          %get3A_916 = tpu.vector_load %arg12[%get3A_914, %get3A_915] {strides = array<i32>} : memref<8x128xf32, #tpu.memory_space<vmem>>, vector<1x16xf32>,
          %get3A_917 = vector.shape_cast %get3A_916 : vector<1x16xf32> to vector<16xf32>
          %get3A_918 = arith.constant 1 : i32
          %get3A_919 = arith.index_cast %get3A_918 : i32 to index
          %get3A_920 = arith.constant 64 : index
          %get3A_921 = tpu.vector_load %arg12[%get3A_919, %get3A_920] {strides = array<i32>} : memref<8x128xf32, #tpu.memory_space<vmem>>, vector<1x16xf32>,
          %get3A_922 = vector.shape_cast %get3A_921 : vector<1x16xf32> to vector<16xf32>
          %get3A_923 = arith.constant 2 : i32
          %get3A_924 = arith.index_cast %get3A_923 : i32 to index
          %get3A_925 = arith.constant 64 : index
          %get3A_926 = tpu.vector_load %arg12[%get3A_924, %get3A_925] {strides = array<i32>} : memref<8x128xf32, #tpu.memory_space<vmem>>, vector<1x16xf32>,
          %get3A_927 = vector.shape_cast %get3A_926 : vector<1x16xf32> to vector<16xf32>
          %get3A_928 = arith.constant 3 : i32
          %get3A_929 = arith.index_cast %get3A_928 : i32 to index
          %get3A_930 = arith.constant 64 : index
          %get3A_931 = tpu.vector_load %arg12[%get3A_929, %get3A_930] {strides = array<i32>} : memref<8x128xf32, #tpu.memory_space<vmem>>, vector<1x16xf32>,
          %get3A_932 = vector.shape_cast %get3A_931 : vector<1x16xf32> to vector<16xf32>
          %get3A_933 = arith.constant 4 : i32
          %get3A_934 = arith.index_cast %get3A_933 : i32 to index
          %get3A_935 = arith.constant 64 : index
          %get3A_936 = tpu.vector_load %arg12[%get3A_934, %get3A_935] {strides = array<i32>} : memref<8x128xf32, #tpu.memory_space<vmem>>, vector<1x16xf32>,
          %get3A_937 = vector.shape_cast %get3A_936 : vector<1x16xf32> to vector<16xf32>
          %get3A_938 = arith.constant 5 : i32
          %get3A_939 = arith.index_cast %get3A_938 : i32 to index
          %get3A_940 = arith.constant 64 : index
          %get3A_941 = tpu.vector_load %arg12[%get3A_939, %get3A_940] {strides = array<i32>} : memref<8x128xf32, #tpu.memory_space<vmem>>, vector<1x16xf32>,
          %get3A_942 = vector.shape_cast %get3A_941 : vector<1x16xf32> to vector<16xf32>
          %mul3A_943 = arith.mulf %gather3A_234, %get3A_917 : vector<16xf32>
          %mul3A_944 = arith.mulf %gather3A_238, %get3A_922 : vector<16xf32>
          %add3A_945 = arith.addf %mul3A_943, %mul3A_944 : vector<16xf32>
          %mul3A_946 = arith.mulf %gather3A_242, %get3A_927 : vector<16xf32>
          %add3A_947 = arith.addf %add3A_945, %mul3A_946 : vector<16xf32>
          %mul3A_948 = arith.mulf %gather3A_246, %get3A_932 : vector<16xf32>
          %add3A_949 = arith.addf %add3A_947, %mul3A_948 : vector<16xf32>
          %mul3A_950 = arith.mulf %gather3A_250, %get3A_937 : vector<16xf32>
          %add3A_951 = arith.addf %add3A_949, %mul3A_950 : vector<16xf32>
          %mul3A_952 = arith.mulf %gather3A_254, %get3A_942 : vector<16xf32>
          %add3A_953 = arith.addf %add3A_951, %mul3A_952 : vector<16xf32>
          %add3A_954 = arith.constant 0 : i32
          %add3A_955 = arith.addi %mul3A_328, %add3A_954 : i32
          %get3A_956 = arith.constant 1 : i32
          %get3A_957 = arith.index_cast %get3A_956 : i32 to index
          %get3A_958 = arith.index_cast %add3A_955 : i32 to index
          %get3A_959 = arith.constant 64 : index
          %get3A_960 = tpu.vector_load %arg7[%get3A_957, %get3A_958, %get3A_959] {strides = array<i32>} : memref<2x64x128xf32, #tpu.memory_space<vmem>>, vector<1x1x16xf32>,
          %get3A_961 = vector.shape_cast %get3A_960 : vector<1x1x16xf32> to vector<16xf32>
          %mul3A_962 = arith.mulf %get3A_961, %add3A_953 : vector<16xf32>
          %add3A_963 = arith.constant 0 : i32
          %add3A_964 = arith.addi %mul3A_328, %add3A_963 : i32
          %swap3A_965 = arith.constant 1 : i32
          %swap3A_966 = arith.index_cast %swap3A_965 : i32 to index
          %swap3A_967 = arith.index_cast %add3A_964 : i32 to index
          %swap3A_968 = arith.constant 64 : index
          %swap3A_969 = tpu.vector_load %arg8[%swap3A_966, %swap3A_967, %swap3A_968] {strides = array<i32>} : memref<2x64x128xf32, #tpu.memory_space<vmem>>, vector<1x1x16xf32>,
          %swap3A_970 = vector.shape_cast %swap3A_969 : vector<1x1x16xf32> to vector<16xf32>
          %swap3A_971 = vector.shape_cast %mul3A_962 : vector<16xf32> to vector<1x1x16xf32>
          tpu.vector_store %arg8[%swap3A_966, %swap3A_967, %swap3A_968], %swap3A_971 {strides = array<i32>} : memref<2x64x128xf32, #tpu.memory_space<vmem>>, vector<1x1x16xf32>,
          %mul3A_972 = arith.mulf %gather3A_258, %get3A_917 : vector<16xf32>
          %mul3A_973 = arith.mulf %gather3A_262, %get3A_922 : vector<16xf32>
          %add3A_974 = arith.addf %mul3A_972, %mul3A_973 : vector<16xf32>
          %mul3A_975 = arith.mulf %gather3A_266, %get3A_927 : vector<16xf32>
          %add3A_976 = arith.addf %add3A_974, %mul3A_975 : vector<16xf32>
          %mul3A_977 = arith.mulf %gather3A_270, %get3A_932 : vector<16xf32>
          %add3A_978 = arith.addf %add3A_976, %mul3A_977 : vector<16xf32>
          %mul3A_979 = arith.mulf %gather3A_274, %get3A_937 : vector<16xf32>
          %add3A_980 = arith.addf %add3A_978, %mul3A_979 : vector<16xf32>
          %mul3A_981 = arith.mulf %gather3A_278, %get3A_942 : vector<16xf32>
          %add3A_982 = arith.addf %add3A_980, %mul3A_981 : vector<16xf32>
          %add3A_983 = arith.constant 1 : i32
          %add3A_984 = arith.addi %mul3A_328, %add3A_983 : i32
          %get3A_985 = arith.constant 1 : i32
          %get3A_986 = arith.index_cast %get3A_985 : i32 to index
          %get3A_987 = arith.index_cast %add3A_984 : i32 to index
          %get3A_988 = arith.constant 64 : index
          %get3A_989 = tpu.vector_load %arg7[%get3A_986, %get3A_987, %get3A_988] {strides = array<i32>} : memref<2x64x128xf32, #tpu.memory_space<vmem>>, vector<1x1x16xf32>,
          %get3A_990 = vector.shape_cast %get3A_989 : vector<1x1x16xf32> to vector<16xf32>
          %mul3A_991 = arith.mulf %get3A_990, %add3A_982 : vector<16xf32>
          %add3A_992 = arith.constant 1 : i32
          %add3A_993 = arith.addi %mul3A_328, %add3A_992 : i32
          %swap3A_994 = arith.constant 1 : i32
          %swap3A_995 = arith.index_cast %swap3A_994 : i32 to index
          %swap3A_996 = arith.index_cast %add3A_993 : i32 to index
          %swap3A_997 = arith.constant 64 : index
          %swap3A_998 = tpu.vector_load %arg8[%swap3A_995, %swap3A_996, %swap3A_997] {strides = array<i32>} : memref<2x64x128xf32, #tpu.memory_space<vmem>>, vector<1x1x16xf32>,
          %swap3A_999 = vector.shape_cast %swap3A_998 : vector<1x1x16xf32> to vector<16xf32>
          %swap3A_1000 = vector.shape_cast %mul3A_991 : vector<16xf32> to vector<1x1x16xf32>
          tpu.vector_store %arg8[%swap3A_995, %swap3A_996, %swap3A_997], %swap3A_1000 {strides = array<i32>} : memref<2x64x128xf32, #tpu.memory_space<vmem>>, vector<1x1x16xf32>,
          %mul3A_1001 = arith.mulf %gather3A_282, %get3A_917 : vector<16xf32>
          %mul3A_1002 = arith.mulf %gather3A_286, %get3A_922 : vector<16xf32>
          %add3A_1003 = arith.addf %mul3A_1001, %mul3A_1002 : vector<16xf32>
          %mul3A_1004 = arith.mulf %gather3A_290, %get3A_927 : vector<16xf32>
          %add3A_1005 = arith.addf %add3A_1003, %mul3A_1004 : vector<16xf32>
          %mul3A_1006 = arith.mulf %gather3A_294, %get3A_932 : vector<16xf32>
          %add3A_1007 = arith.addf %add3A_1005, %mul3A_1006 : vector<16xf32>
          %mul3A_1008 = arith.mulf %gather3A_298, %get3A_937 : vector<16xf32>
          %add3A_1009 = arith.addf %add3A_1007, %mul3A_1008 : vector<16xf32>
          %mul3A_1010 = arith.mulf %gather3A_302, %get3A_942 : vector<16xf32>
          %add3A_1011 = arith.addf %add3A_1009, %mul3A_1010 : vector<16xf32>
          %add3A_1012 = arith.constant 2 : i32
          %add3A_1013 = arith.addi %mul3A_328, %add3A_1012 : i32
          %get3A_1014 = arith.constant 1 : i32
          %get3A_1015 = arith.index_cast %get3A_1014 : i32 to index
          %get3A_1016 = arith.index_cast %add3A_1013 : i32 to index
          %get3A_1017 = arith.constant 64 : index
          %get3A_1018 = tpu.vector_load %arg7[%get3A_1015, %get3A_1016, %get3A_1017] {strides = array<i32>} : memref<2x64x128xf32, #tpu.memory_space<vmem>>, vector<1x1x16xf32>,
          %get3A_1019 = vector.shape_cast %get3A_1018 : vector<1x1x16xf32> to vector<16xf32>
          %mul3A_1020 = arith.mulf %get3A_1019, %add3A_1011 : vector<16xf32>
          %add3A_1021 = arith.constant 2 : i32
          %add3A_1022 = arith.addi %mul3A_328, %add3A_1021 : i32
          %swap3A_1023 = arith.constant 1 : i32
          %swap3A_1024 = arith.index_cast %swap3A_1023 : i32 to index
          %swap3A_1025 = arith.index_cast %add3A_1022 : i32 to index
          %swap3A_1026 = arith.constant 64 : index
          %swap3A_1027 = tpu.vector_load %arg8[%swap3A_1024, %swap3A_1025, %swap3A_1026] {strides = array<i32>} : memref<2x64x128xf32, #tpu.memory_space<vmem>>, vector<1x1x16xf32>,
          %swap3A_1028 = vector.shape_cast %swap3A_1027 : vector<1x1x16xf32> to vector<16xf32>
          %swap3A_1029 = vector.shape_cast %mul3A_1020 : vector<16xf32> to vector<1x1x16xf32>
          tpu.vector_store %arg8[%swap3A_1024, %swap3A_1025, %swap3A_1026], %swap3A_1029 {strides = array<i32>} : memref<2x64x128xf32, #tpu.memory_space<vmem>>, vector<1x1x16xf32>,
          %mul3A_1030 = arith.mulf %gather3A_306, %get3A_917 : vector<16xf32>
          %mul3A_1031 = arith.mulf %gather3A_310, %get3A_922 : vector<16xf32>
          %add3A_1032 = arith.addf %mul3A_1030, %mul3A_1031 : vector<16xf32>
          %mul3A_1033 = arith.mulf %gather3A_314, %get3A_927 : vector<16xf32>
          %add3A_1034 = arith.addf %add3A_1032, %mul3A_1033 : vector<16xf32>
          %mul3A_1035 = arith.mulf %gather3A_318, %get3A_932 : vector<16xf32>
          %add3A_1036 = arith.addf %add3A_1034, %mul3A_1035 : vector<16xf32>
          %mul3A_1037 = arith.mulf %gather3A_322, %get3A_937 : vector<16xf32>
          %add3A_1038 = arith.addf %add3A_1036, %mul3A_1037 : vector<16xf32>
          %mul3A_1039 = arith.mulf %gather3A_326, %get3A_942 : vector<16xf32>
          %add3A_1040 = arith.addf %add3A_1038, %mul3A_1039 : vector<16xf32>
          %add3A_1041 = arith.constant 3 : i32
          %add3A_1042 = arith.addi %mul3A_328, %add3A_1041 : i32
          %get3A_1043 = arith.constant 1 : i32
          %get3A_1044 = arith.index_cast %get3A_1043 : i32 to index
          %get3A_1045 = arith.index_cast %add3A_1042 : i32 to index
          %get3A_1046 = arith.constant 64 : index
          %get3A_1047 = tpu.vector_load %arg7[%get3A_1044, %get3A_1045, %get3A_1046] {strides = array<i32>} : memref<2x64x128xf32, #tpu.memory_space<vmem>>, vector<1x1x16xf32>,
          %get3A_1048 = vector.shape_cast %get3A_1047 : vector<1x1x16xf32> to vector<16xf32>
          %mul3A_1049 = arith.mulf %get3A_1048, %add3A_1040 : vector<16xf32>
          %add3A_1050 = arith.constant 3 : i32
          %add3A_1051 = arith.addi %mul3A_328, %add3A_1050 : i32
          %swap3A_1052 = arith.constant 1 : i32
          %swap3A_1053 = arith.index_cast %swap3A_1052 : i32 to index
          %swap3A_1054 = arith.index_cast %add3A_1051 : i32 to index
          %swap3A_1055 = arith.constant 64 : index
          %swap3A_1056 = tpu.vector_load %arg8[%swap3A_1053, %swap3A_1054, %swap3A_1055] {strides = array<i32>} : memref<2x64x128xf32, #tpu.memory_space<vmem>>, vector<1x1x16xf32>,
          %swap3A_1057 = vector.shape_cast %swap3A_1056 : vector<1x1x16xf32> to vector<16xf32>
          %swap3A_1058 = vector.shape_cast %mul3A_1049 : vector<16xf32> to vector<1x1x16xf32>
          tpu.vector_store %arg8[%swap3A_1053, %swap3A_1054, %swap3A_1055], %swap3A_1058 {strides = array<i32>} : memref<2x64x128xf32, #tpu.memory_space<vmem>>, vector<1x1x16xf32>,
          %get3A_1059 = arith.constant 0 : i32
          %get3A_1060 = arith.index_cast %get3A_1059 : i32 to index
          %get3A_1061 = arith.constant 80 : index
          %get3A_1062 = tpu.vector_load %arg12[%get3A_1060, %get3A_1061] {strides = array<i32>} : memref<8x128xf32, #tpu.memory_space<vmem>>, vector<1x16xf32>,
          %get3A_1063 = vector.shape_cast %get3A_1062 : vector<1x16xf32> to vector<16xf32>
          %get3A_1064 = arith.constant 1 : i32
          %get3A_1065 = arith.index_cast %get3A_1064 : i32 to index
          %get3A_1066 = arith.constant 80 : index
          %get3A_1067 = tpu.vector_load %arg12[%get3A_1065, %get3A_1066] {strides = array<i32>} : memref<8x128xf32, #tpu.memory_space<vmem>>, vector<1x16xf32>,
          %get3A_1068 = vector.shape_cast %get3A_1067 : vector<1x16xf32> to vector<16xf32>
          %get3A_1069 = arith.constant 2 : i32
          %get3A_1070 = arith.index_cast %get3A_1069 : i32 to index
          %get3A_1071 = arith.constant 80 : index
          %get3A_1072 = tpu.vector_load %arg12[%get3A_1070, %get3A_1071] {strides = array<i32>} : memref<8x128xf32, #tpu.memory_space<vmem>>, vector<1x16xf32>,
          %get3A_1073 = vector.shape_cast %get3A_1072 : vector<1x16xf32> to vector<16xf32>
          %get3A_1074 = arith.constant 3 : i32
          %get3A_1075 = arith.index_cast %get3A_1074 : i32 to index
          %get3A_1076 = arith.constant 80 : index
          %get3A_1077 = tpu.vector_load %arg12[%get3A_1075, %get3A_1076] {strides = array<i32>} : memref<8x128xf32, #tpu.memory_space<vmem>>, vector<1x16xf32>,
          %get3A_1078 = vector.shape_cast %get3A_1077 : vector<1x16xf32> to vector<16xf32>
          %get3A_1079 = arith.constant 4 : i32
          %get3A_1080 = arith.index_cast %get3A_1079 : i32 to index
          %get3A_1081 = arith.constant 80 : index
          %get3A_1082 = tpu.vector_load %arg12[%get3A_1080, %get3A_1081] {strides = array<i32>} : memref<8x128xf32, #tpu.memory_space<vmem>>, vector<1x16xf32>,
          %get3A_1083 = vector.shape_cast %get3A_1082 : vector<1x16xf32> to vector<16xf32>
          %get3A_1084 = arith.constant 5 : i32
          %get3A_1085 = arith.index_cast %get3A_1084 : i32 to index
          %get3A_1086 = arith.constant 80 : index
          %get3A_1087 = tpu.vector_load %arg12[%get3A_1085, %get3A_1086] {strides = array<i32>} : memref<8x128xf32, #tpu.memory_space<vmem>>, vector<1x16xf32>,
          %get3A_1088 = vector.shape_cast %get3A_1087 : vector<1x16xf32> to vector<16xf32>
          %mul3A_1089 = arith.mulf %gather3A_234, %get3A_1063 : vector<16xf32>
          %mul3A_1090 = arith.mulf %gather3A_238, %get3A_1068 : vector<16xf32>
          %add3A_1091 = arith.addf %mul3A_1089, %mul3A_1090 : vector<16xf32>
          %mul3A_1092 = arith.mulf %gather3A_242, %get3A_1073 : vector<16xf32>
          %add3A_1093 = arith.addf %add3A_1091, %mul3A_1092 : vector<16xf32>
          %mul3A_1094 = arith.mulf %gather3A_246, %get3A_1078 : vector<16xf32>
          %add3A_1095 = arith.addf %add3A_1093, %mul3A_1094 : vector<16xf32>
          %mul3A_1096 = arith.mulf %gather3A_250, %get3A_1083 : vector<16xf32>
          %add3A_1097 = arith.addf %add3A_1095, %mul3A_1096 : vector<16xf32>
          %mul3A_1098 = arith.mulf %gather3A_254, %get3A_1088 : vector<16xf32>
          %add3A_1099 = arith.addf %add3A_1097, %mul3A_1098 : vector<16xf32>
          %add3A_1100 = arith.constant 0 : i32
          %add3A_1101 = arith.addi %mul3A_328, %add3A_1100 : i32
          %get3A_1102 = arith.constant 1 : i32
          %get3A_1103 = arith.index_cast %get3A_1102 : i32 to index
          %get3A_1104 = arith.index_cast %add3A_1101 : i32 to index
          %get3A_1105 = arith.constant 80 : index
          %get3A_1106 = tpu.vector_load %arg7[%get3A_1103, %get3A_1104, %get3A_1105] {strides = array<i32>} : memref<2x64x128xf32, #tpu.memory_space<vmem>>, vector<1x1x16xf32>,
          %get3A_1107 = vector.shape_cast %get3A_1106 : vector<1x1x16xf32> to vector<16xf32>
          %mul3A_1108 = arith.mulf %get3A_1107, %add3A_1099 : vector<16xf32>
          %add3A_1109 = arith.constant 0 : i32
          %add3A_1110 = arith.addi %mul3A_328, %add3A_1109 : i32
          %swap3A_1111 = arith.constant 1 : i32
          %swap3A_1112 = arith.index_cast %swap3A_1111 : i32 to index
          %swap3A_1113 = arith.index_cast %add3A_1110 : i32 to index
          %swap3A_1114 = arith.constant 80 : index
          %swap3A_1115 = tpu.vector_load %arg8[%swap3A_1112, %swap3A_1113, %swap3A_1114] {strides = array<i32>} : memref<2x64x128xf32, #tpu.memory_space<vmem>>, vector<1x1x16xf32>,
          %swap3A_1116 = vector.shape_cast %swap3A_1115 : vector<1x1x16xf32> to vector<16xf32>
          %swap3A_1117 = vector.shape_cast %mul3A_1108 : vector<16xf32> to vector<1x1x16xf32>
          tpu.vector_store %arg8[%swap3A_1112, %swap3A_1113, %swap3A_1114], %swap3A_1117 {strides = array<i32>} : memref<2x64x128xf32, #tpu.memory_space<vmem>>, vector<1x1x16xf32>,
          %mul3A_1118 = arith.mulf %gather3A_258, %get3A_1063 : vector<16xf32>
          %mul3A_1119 = arith.mulf %gather3A_262, %get3A_1068 : vector<16xf32>
          %add3A_1120 = arith.addf %mul3A_1118, %mul3A_1119 : vector<16xf32>
          %mul3A_1121 = arith.mulf %gather3A_266, %get3A_1073 : vector<16xf32>
          %add3A_1122 = arith.addf %add3A_1120, %mul3A_1121 : vector<16xf32>
          %mul3A_1123 = arith.mulf %gather3A_270, %get3A_1078 : vector<16xf32>
          %add3A_1124 = arith.addf %add3A_1122, %mul3A_1123 : vector<16xf32>
          %mul3A_1125 = arith.mulf %gather3A_274, %get3A_1083 : vector<16xf32>
          %add3A_1126 = arith.addf %add3A_1124, %mul3A_1125 : vector<16xf32>
          %mul3A_1127 = arith.mulf %gather3A_278, %get3A_1088 : vector<16xf32>
          %add3A_1128 = arith.addf %add3A_1126, %mul3A_1127 : vector<16xf32>
          %add3A_1129 = arith.constant 1 : i32
          %add3A_1130 = arith.addi %mul3A_328, %add3A_1129 : i32
          %get3A_1131 = arith.constant 1 : i32
          %get3A_1132 = arith.index_cast %get3A_1131 : i32 to index
          %get3A_1133 = arith.index_cast %add3A_1130 : i32 to index
          %get3A_1134 = arith.constant 80 : index
          %get3A_1135 = tpu.vector_load %arg7[%get3A_1132, %get3A_1133, %get3A_1134] {strides = array<i32>} : memref<2x64x128xf32, #tpu.memory_space<vmem>>, vector<1x1x16xf32>,
          %get3A_1136 = vector.shape_cast %get3A_1135 : vector<1x1x16xf32> to vector<16xf32>
          %mul3A_1137 = arith.mulf %get3A_1136, %add3A_1128 : vector<16xf32>
          %add3A_1138 = arith.constant 1 : i32
          %add3A_1139 = arith.addi %mul3A_328, %add3A_1138 : i32
          %swap3A_1140 = arith.constant 1 : i32
          %swap3A_1141 = arith.index_cast %swap3A_1140 : i32 to index
          %swap3A_1142 = arith.index_cast %add3A_1139 : i32 to index
          %swap3A_1143 = arith.constant 80 : index
          %swap3A_1144 = tpu.vector_load %arg8[%swap3A_1141, %swap3A_1142, %swap3A_1143] {strides = array<i32>} : memref<2x64x128xf32, #tpu.memory_space<vmem>>, vector<1x1x16xf32>,
          %swap3A_1145 = vector.shape_cast %swap3A_1144 : vector<1x1x16xf32> to vector<16xf32>
          %swap3A_1146 = vector.shape_cast %mul3A_1137 : vector<16xf32> to vector<1x1x16xf32>
          tpu.vector_store %arg8[%swap3A_1141, %swap3A_1142, %swap3A_1143], %swap3A_1146 {strides = array<i32>} : memref<2x64x128xf32, #tpu.memory_space<vmem>>, vector<1x1x16xf32>,
          %mul3A_1147 = arith.mulf %gather3A_282, %get3A_1063 : vector<16xf32>
          %mul3A_1148 = arith.mulf %gather3A_286, %get3A_1068 : vector<16xf32>
          %add3A_1149 = arith.addf %mul3A_1147, %mul3A_1148 : vector<16xf32>
          %mul3A_1150 = arith.mulf %gather3A_290, %get3A_1073 : vector<16xf32>
          %add3A_1151 = arith.addf %add3A_1149, %mul3A_1150 : vector<16xf32>
          %mul3A_1152 = arith.mulf %gather3A_294, %get3A_1078 : vector<16xf32>
          %add3A_1153 = arith.addf %add3A_1151, %mul3A_1152 : vector<16xf32>
          %mul3A_1154 = arith.mulf %gather3A_298, %get3A_1083 : vector<16xf32>
          %add3A_1155 = arith.addf %add3A_1153, %mul3A_1154 : vector<16xf32>
          %mul3A_1156 = arith.mulf %gather3A_302, %get3A_1088 : vector<16xf32>
          %add3A_1157 = arith.addf %add3A_1155, %mul3A_1156 : vector<16xf32>
          %add3A_1158 = arith.constant 2 : i32
          %add3A_1159 = arith.addi %mul3A_328, %add3A_1158 : i32
          %get3A_1160 = arith.constant 1 : i32
          %get3A_1161 = arith.index_cast %get3A_1160 : i32 to index
          %get3A_1162 = arith.index_cast %add3A_1159 : i32 to index
          %get3A_1163 = arith.constant 80 : index
          %get3A_1164 = tpu.vector_load %arg7[%get3A_1161, %get3A_1162, %get3A_1163] {strides = array<i32>} : memref<2x64x128xf32, #tpu.memory_space<vmem>>, vector<1x1x16xf32>,
          %get3A_1165 = vector.shape_cast %get3A_1164 : vector<1x1x16xf32> to vector<16xf32>
          %mul3A_1166 = arith.mulf %get3A_1165, %add3A_1157 : vector<16xf32>
          %add3A_1167 = arith.constant 2 : i32
          %add3A_1168 = arith.addi %mul3A_328, %add3A_1167 : i32
          %swap3A_1169 = arith.constant 1 : i32
          %swap3A_1170 = arith.index_cast %swap3A_1169 : i32 to index
          %swap3A_1171 = arith.index_cast %add3A_1168 : i32 to index
          %swap3A_1172 = arith.constant 80 : index
          %swap3A_1173 = tpu.vector_load %arg8[%swap3A_1170, %swap3A_1171, %swap3A_1172] {strides = array<i32>} : memref<2x64x128xf32, #tpu.memory_space<vmem>>, vector<1x1x16xf32>,
          %swap3A_1174 = vector.shape_cast %swap3A_1173 : vector<1x1x16xf32> to vector<16xf32>
          %swap3A_1175 = vector.shape_cast %mul3A_1166 : vector<16xf32> to vector<1x1x16xf32>
          tpu.vector_store %arg8[%swap3A_1170, %swap3A_1171, %swap3A_1172], %swap3A_1175 {strides = array<i32>} : memref<2x64x128xf32, #tpu.memory_space<vmem>>, vector<1x1x16xf32>,
          %mul3A_1176 = arith.mulf %gather3A_306, %get3A_1063 : vector<16xf32>
          %mul3A_1177 = arith.mulf %gather3A_310, %get3A_1068 : vector<16xf32>
          %add3A_1178 = arith.addf %mul3A_1176, %mul3A_1177 : vector<16xf32>
          %mul3A_1179 = arith.mulf %gather3A_314, %get3A_1073 : vector<16xf32>
          %add3A_1180 = arith.addf %add3A_1178, %mul3A_1179 : vector<16xf32>
          %mul3A_1181 = arith.mulf %gather3A_318, %get3A_1078 : vector<16xf32>
          %add3A_1182 = arith.addf %add3A_1180, %mul3A_1181 : vector<16xf32>
          %mul3A_1183 = arith.mulf %gather3A_322, %get3A_1083 : vector<16xf32>
          %add3A_1184 = arith.addf %add3A_1182, %mul3A_1183 : vector<16xf32>
          %mul3A_1185 = arith.mulf %gather3A_326, %get3A_1088 : vector<16xf32>
          %add3A_1186 = arith.addf %add3A_1184, %mul3A_1185 : vector<16xf32>
          %add3A_1187 = arith.constant 3 : i32
          %add3A_1188 = arith.addi %mul3A_328, %add3A_1187 : i32
          %get3A_1189 = arith.constant 1 : i32
          %get3A_1190 = arith.index_cast %get3A_1189 : i32 to index
          %get3A_1191 = arith.index_cast %add3A_1188 : i32 to index
          %get3A_1192 = arith.constant 80 : index
          %get3A_1193 = tpu.vector_load %arg7[%get3A_1190, %get3A_1191, %get3A_1192] {strides = array<i32>} : memref<2x64x128xf32, #tpu.memory_space<vmem>>, vector<1x1x16xf32>,
          %get3A_1194 = vector.shape_cast %get3A_1193 : vector<1x1x16xf32> to vector<16xf32>
          %mul3A_1195 = arith.mulf %get3A_1194, %add3A_1186 : vector<16xf32>
          %add3A_1196 = arith.constant 3 : i32
          %add3A_1197 = arith.addi %mul3A_328, %add3A_1196 : i32
          %swap3A_1198 = arith.constant 1 : i32
          %swap3A_1199 = arith.index_cast %swap3A_1198 : i32 to index
          %swap3A_1200 = arith.index_cast %add3A_1197 : i32 to index
          %swap3A_1201 = arith.constant 80 : index
          %swap3A_1202 = tpu.vector_load %arg8[%swap3A_1199, %swap3A_1200, %swap3A_1201] {strides = array<i32>} : memref<2x64x128xf32, #tpu.memory_space<vmem>>, vector<1x1x16xf32>,
          %swap3A_1203 = vector.shape_cast %swap3A_1202 : vector<1x1x16xf32> to vector<16xf32>
          %swap3A_1204 = vector.shape_cast %mul3A_1195 : vector<16xf32> to vector<1x1x16xf32>
          tpu.vector_store %arg8[%swap3A_1199, %swap3A_1200, %swap3A_1201], %swap3A_1204 {strides = array<i32>} : memref<2x64x128xf32, #tpu.memory_space<vmem>>, vector<1x1x16xf32>,
          %get3A_1205 = arith.constant 0 : i32
          %get3A_1206 = arith.index_cast %get3A_1205 : i32 to index
          %get3A_1207 = arith.constant 96 : index
          %get3A_1208 = tpu.vector_load %arg12[%get3A_1206, %get3A_1207] {strides = array<i32>} : memref<8x128xf32, #tpu.memory_space<vmem>>, vector<1x16xf32>,
          %get3A_1209 = vector.shape_cast %get3A_1208 : vector<1x16xf32> to vector<16xf32>
          %get3A_1210 = arith.constant 1 : i32
          %get3A_1211 = arith.index_cast %get3A_1210 : i32 to index
          %get3A_1212 = arith.constant 96 : index
          %get3A_1213 = tpu.vector_load %arg12[%get3A_1211, %get3A_1212] {strides = array<i32>} : memref<8x128xf32, #tpu.memory_space<vmem>>, vector<1x16xf32>,
          %get3A_1214 = vector.shape_cast %get3A_1213 : vector<1x16xf32> to vector<16xf32>
          %get3A_1215 = arith.constant 2 : i32
          %get3A_1216 = arith.index_cast %get3A_1215 : i32 to index
          %get3A_1217 = arith.constant 96 : index
          %get3A_1218 = tpu.vector_load %arg12[%get3A_1216, %get3A_1217] {strides = array<i32>} : memref<8x128xf32, #tpu.memory_space<vmem>>, vector<1x16xf32>,
          %get3A_1219 = vector.shape_cast %get3A_1218 : vector<1x16xf32> to vector<16xf32>
          %get3A_1220 = arith.constant 3 : i32
          %get3A_1221 = arith.index_cast %get3A_1220 : i32 to index
          %get3A_1222 = arith.constant 96 : index
          %get3A_1223 = tpu.vector_load %arg12[%get3A_1221, %get3A_1222] {strides = array<i32>} : memref<8x128xf32, #tpu.memory_space<vmem>>, vector<1x16xf32>,
          %get3A_1224 = vector.shape_cast %get3A_1223 : vector<1x16xf32> to vector<16xf32>
          %get3A_1225 = arith.constant 4 : i32
          %get3A_1226 = arith.index_cast %get3A_1225 : i32 to index
          %get3A_1227 = arith.constant 96 : index
          %get3A_1228 = tpu.vector_load %arg12[%get3A_1226, %get3A_1227] {strides = array<i32>} : memref<8x128xf32, #tpu.memory_space<vmem>>, vector<1x16xf32>,
          %get3A_1229 = vector.shape_cast %get3A_1228 : vector<1x16xf32> to vector<16xf32>
          %get3A_1230 = arith.constant 5 : i32
          %get3A_1231 = arith.index_cast %get3A_1230 : i32 to index
          %get3A_1232 = arith.constant 96 : index
          %get3A_1233 = tpu.vector_load %arg12[%get3A_1231, %get3A_1232] {strides = array<i32>} : memref<8x128xf32, #tpu.memory_space<vmem>>, vector<1x16xf32>,
          %get3A_1234 = vector.shape_cast %get3A_1233 : vector<1x16xf32> to vector<16xf32>
          %mul3A_1235 = arith.mulf %gather3A_234, %get3A_1209 : vector<16xf32>
          %mul3A_1236 = arith.mulf %gather3A_238, %get3A_1214 : vector<16xf32>
          %add3A_1237 = arith.addf %mul3A_1235, %mul3A_1236 : vector<16xf32>
          %mul3A_1238 = arith.mulf %gather3A_242, %get3A_1219 : vector<16xf32>
          %add3A_1239 = arith.addf %add3A_1237, %mul3A_1238 : vector<16xf32>
          %mul3A_1240 = arith.mulf %gather3A_246, %get3A_1224 : vector<16xf32>
          %add3A_1241 = arith.addf %add3A_1239, %mul3A_1240 : vector<16xf32>
          %mul3A_1242 = arith.mulf %gather3A_250, %get3A_1229 : vector<16xf32>
          %add3A_1243 = arith.addf %add3A_1241, %mul3A_1242 : vector<16xf32>
          %mul3A_1244 = arith.mulf %gather3A_254, %get3A_1234 : vector<16xf32>
          %add3A_1245 = arith.addf %add3A_1243, %mul3A_1244 : vector<16xf32>
          %add3A_1246 = arith.constant 0 : i32
          %add3A_1247 = arith.addi %mul3A_328, %add3A_1246 : i32
          %get3A_1248 = arith.constant 1 : i32
          %get3A_1249 = arith.index_cast %get3A_1248 : i32 to index
          %get3A_1250 = arith.index_cast %add3A_1247 : i32 to index
          %get3A_1251 = arith.constant 96 : index
          %get3A_1252 = tpu.vector_load %arg7[%get3A_1249, %get3A_1250, %get3A_1251] {strides = array<i32>} : memref<2x64x128xf32, #tpu.memory_space<vmem>>, vector<1x1x16xf32>,
          %get3A_1253 = vector.shape_cast %get3A_1252 : vector<1x1x16xf32> to vector<16xf32>
          %mul3A_1254 = arith.mulf %get3A_1253, %add3A_1245 : vector<16xf32>
          %add3A_1255 = arith.constant 0 : i32
          %add3A_1256 = arith.addi %mul3A_328, %add3A_1255 : i32
          %swap3A_1257 = arith.constant 1 : i32
          %swap3A_1258 = arith.index_cast %swap3A_1257 : i32 to index
          %swap3A_1259 = arith.index_cast %add3A_1256 : i32 to index
          %swap3A_1260 = arith.constant 96 : index
          %swap3A_1261 = tpu.vector_load %arg8[%swap3A_1258, %swap3A_1259, %swap3A_1260] {strides = array<i32>} : memref<2x64x128xf32, #tpu.memory_space<vmem>>, vector<1x1x16xf32>,
          %swap3A_1262 = vector.shape_cast %swap3A_1261 : vector<1x1x16xf32> to vector<16xf32>
          %swap3A_1263 = vector.shape_cast %mul3A_1254 : vector<16xf32> to vector<1x1x16xf32>
          tpu.vector_store %arg8[%swap3A_1258, %swap3A_1259, %swap3A_1260], %swap3A_1263 {strides = array<i32>} : memref<2x64x128xf32, #tpu.memory_space<vmem>>, vector<1x1x16xf32>,
          %mul3A_1264 = arith.mulf %gather3A_258, %get3A_1209 : vector<16xf32>
          %mul3A_1265 = arith.mulf %gather3A_262, %get3A_1214 : vector<16xf32>
          %add3A_1266 = arith.addf %mul3A_1264, %mul3A_1265 : vector<16xf32>
          %mul3A_1267 = arith.mulf %gather3A_266, %get3A_1219 : vector<16xf32>
          %add3A_1268 = arith.addf %add3A_1266, %mul3A_1267 : vector<16xf32>
          %mul3A_1269 = arith.mulf %gather3A_270, %get3A_1224 : vector<16xf32>
          %add3A_1270 = arith.addf %add3A_1268, %mul3A_1269 : vector<16xf32>
          %mul3A_1271 = arith.mulf %gather3A_274, %get3A_1229 : vector<16xf32>
          %add3A_1272 = arith.addf %add3A_1270, %mul3A_1271 : vector<16xf32>
          %mul3A_1273 = arith.mulf %gather3A_278, %get3A_1234 : vector<16xf32>
          %add3A_1274 = arith.addf %add3A_1272, %mul3A_1273 : vector<16xf32>
          %add3A_1275 = arith.constant 1 : i32
          %add3A_1276 = arith.addi %mul3A_328, %add3A_1275 : i32
          %get3A_1277 = arith.constant 1 : i32
          %get3A_1278 = arith.index_cast %get3A_1277 : i32 to index
          %get3A_1279 = arith.index_cast %add3A_1276 : i32 to index
          %get3A_1280 = arith.constant 96 : index
          %get3A_1281 = tpu.vector_load %arg7[%get3A_1278, %get3A_1279, %get3A_1280] {strides = array<i32>} : memref<2x64x128xf32, #tpu.memory_space<vmem>>, vector<1x1x16xf32>,
          %get3A_1282 = vector.shape_cast %get3A_1281 : vector<1x1x16xf32> to vector<16xf32>
          %mul3A_1283 = arith.mulf %get3A_1282, %add3A_1274 : vector<16xf32>
          %add3A_1284 = arith.constant 1 : i32
          %add3A_1285 = arith.addi %mul3A_328, %add3A_1284 : i32
          %swap3A_1286 = arith.constant 1 : i32
          %swap3A_1287 = arith.index_cast %swap3A_1286 : i32 to index
          %swap3A_1288 = arith.index_cast %add3A_1285 : i32 to index
          %swap3A_1289 = arith.constant 96 : index
          %swap3A_1290 = tpu.vector_load %arg8[%swap3A_1287, %swap3A_1288, %swap3A_1289] {strides = array<i32>} : memref<2x64x128xf32, #tpu.memory_space<vmem>>, vector<1x1x16xf32>,
          %swap3A_1291 = vector.shape_cast %swap3A_1290 : vector<1x1x16xf32> to vector<16xf32>
          %swap3A_1292 = vector.shape_cast %mul3A_1283 : vector<16xf32> to vector<1x1x16xf32>
          tpu.vector_store %arg8[%swap3A_1287, %swap3A_1288, %swap3A_1289], %swap3A_1292 {strides = array<i32>} : memref<2x64x128xf32, #tpu.memory_space<vmem>>, vector<1x1x16xf32>,
          %mul3A_1293 = arith.mulf %gather3A_282, %get3A_1209 : vector<16xf32>
          %mul3A_1294 = arith.mulf %gather3A_286, %get3A_1214 : vector<16xf32>
          %add3A_1295 = arith.addf %mul3A_1293, %mul3A_1294 : vector<16xf32>
          %mul3A_1296 = arith.mulf %gather3A_290, %get3A_1219 : vector<16xf32>
          %add3A_1297 = arith.addf %add3A_1295, %mul3A_1296 : vector<16xf32>
          %mul3A_1298 = arith.mulf %gather3A_294, %get3A_1224 : vector<16xf32>
          %add3A_1299 = arith.addf %add3A_1297, %mul3A_1298 : vector<16xf32>
          %mul3A_1300 = arith.mulf %gather3A_298, %get3A_1229 : vector<16xf32>
          %add3A_1301 = arith.addf %add3A_1299, %mul3A_1300 : vector<16xf32>
          %mul3A_1302 = arith.mulf %gather3A_302, %get3A_1234 : vector<16xf32>
          %add3A_1303 = arith.addf %add3A_1301, %mul3A_1302 : vector<16xf32>
          %add3A_1304 = arith.constant 2 : i32
          %add3A_1305 = arith.addi %mul3A_328, %add3A_1304 : i32
          %get3A_1306 = arith.constant 1 : i32
          %get3A_1307 = arith.index_cast %get3A_1306 : i32 to index
          %get3A_1308 = arith.index_cast %add3A_1305 : i32 to index
          %get3A_1309 = arith.constant 96 : index
          %get3A_1310 = tpu.vector_load %arg7[%get3A_1307, %get3A_1308, %get3A_1309] {strides = array<i32>} : memref<2x64x128xf32, #tpu.memory_space<vmem>>, vector<1x1x16xf32>,
          %get3A_1311 = vector.shape_cast %get3A_1310 : vector<1x1x16xf32> to vector<16xf32>
          %mul3A_1312 = arith.mulf %get3A_1311, %add3A_1303 : vector<16xf32>
          %add3A_1313 = arith.constant 2 : i32
          %add3A_1314 = arith.addi %mul3A_328, %add3A_1313 : i32
          %swap3A_1315 = arith.constant 1 : i32
          %swap3A_1316 = arith.index_cast %swap3A_1315 : i32 to index
          %swap3A_1317 = arith.index_cast %add3A_1314 : i32 to index
          %swap3A_1318 = arith.constant 96 : index
          %swap3A_1319 = tpu.vector_load %arg8[%swap3A_1316, %swap3A_1317, %swap3A_1318] {strides = array<i32>} : memref<2x64x128xf32, #tpu.memory_space<vmem>>, vector<1x1x16xf32>,
          %swap3A_1320 = vector.shape_cast %swap3A_1319 : vector<1x1x16xf32> to vector<16xf32>
          %swap3A_1321 = vector.shape_cast %mul3A_1312 : vector<16xf32> to vector<1x1x16xf32>
          tpu.vector_store %arg8[%swap3A_1316, %swap3A_1317, %swap3A_1318], %swap3A_1321 {strides = array<i32>} : memref<2x64x128xf32, #tpu.memory_space<vmem>>, vector<1x1x16xf32>,
          %mul3A_1322 = arith.mulf %gather3A_306, %get3A_1209 : vector<16xf32>
          %mul3A_1323 = arith.mulf %gather3A_310, %get3A_1214 : vector<16xf32>
          %add3A_1324 = arith.addf %mul3A_1322, %mul3A_1323 : vector<16xf32>
          %mul3A_1325 = arith.mulf %gather3A_314, %get3A_1219 : vector<16xf32>
          %add3A_1326 = arith.addf %add3A_1324, %mul3A_1325 : vector<16xf32>
          %mul3A_1327 = arith.mulf %gather3A_318, %get3A_1224 : vector<16xf32>
          %add3A_1328 = arith.addf %add3A_1326, %mul3A_1327 : vector<16xf32>
          %mul3A_1329 = arith.mulf %gather3A_322, %get3A_1229 : vector<16xf32>
          %add3A_1330 = arith.addf %add3A_1328, %mul3A_1329 : vector<16xf32>
          %mul3A_1331 = arith.mulf %gather3A_326, %get3A_1234 : vector<16xf32>
          %add3A_1332 = arith.addf %add3A_1330, %mul3A_1331 : vector<16xf32>
          %add3A_1333 = arith.constant 3 : i32
          %add3A_1334 = arith.addi %mul3A_328, %add3A_1333 : i32
          %get3A_1335 = arith.constant 1 : i32
          %get3A_1336 = arith.index_cast %get3A_1335 : i32 to index
          %get3A_1337 = arith.index_cast %add3A_1334 : i32 to index
          %get3A_1338 = arith.constant 96 : index
          %get3A_1339 = tpu.vector_load %arg7[%get3A_1336, %get3A_1337, %get3A_1338] {strides = array<i32>} : memref<2x64x128xf32, #tpu.memory_space<vmem>>, vector<1x1x16xf32>,
          %get3A_1340 = vector.shape_cast %get3A_1339 : vector<1x1x16xf32> to vector<16xf32>
          %mul3A_1341 = arith.mulf %get3A_1340, %add3A_1332 : vector<16xf32>
          %add3A_1342 = arith.constant 3 : i32
          %add3A_1343 = arith.addi %mul3A_328, %add3A_1342 : i32
          %swap3A_1344 = arith.constant 1 : i32
          %swap3A_1345 = arith.index_cast %swap3A_1344 : i32 to index
          %swap3A_1346 = arith.index_cast %add3A_1343 : i32 to index
          %swap3A_1347 = arith.constant 96 : index
          %swap3A_1348 = tpu.vector_load %arg8[%swap3A_1345, %swap3A_1346, %swap3A_1347] {strides = array<i32>} : memref<2x64x128xf32, #tpu.memory_space<vmem>>, vector<1x1x16xf32>,
          %swap3A_1349 = vector.shape_cast %swap3A_1348 : vector<1x1x16xf32> to vector<16xf32>
          %swap3A_1350 = vector.shape_cast %mul3A_1341 : vector<16xf32> to vector<1x1x16xf32>
          tpu.vector_store %arg8[%swap3A_1345, %swap3A_1346, %swap3A_1347], %swap3A_1350 {strides = array<i32>} : memref<2x64x128xf32, #tpu.memory_space<vmem>>, vector<1x1x16xf32>,
          %get3A_1351 = arith.constant 0 : i32
          %get3A_1352 = arith.index_cast %get3A_1351 : i32 to index
          %get3A_1353 = arith.constant 112 : index
          %get3A_1354 = tpu.vector_load %arg12[%get3A_1352, %get3A_1353] {strides = array<i32>} : memref<8x128xf32, #tpu.memory_space<vmem>>, vector<1x16xf32>,
          %get3A_1355 = vector.shape_cast %get3A_1354 : vector<1x16xf32> to vector<16xf32>
          %get3A_1356 = arith.constant 1 : i32
          %get3A_1357 = arith.index_cast %get3A_1356 : i32 to index
          %get3A_1358 = arith.constant 112 : index
          %get3A_1359 = tpu.vector_load %arg12[%get3A_1357, %get3A_1358] {strides = array<i32>} : memref<8x128xf32, #tpu.memory_space<vmem>>, vector<1x16xf32>,
          %get3A_1360 = vector.shape_cast %get3A_1359 : vector<1x16xf32> to vector<16xf32>
          %get3A_1361 = arith.constant 2 : i32
          %get3A_1362 = arith.index_cast %get3A_1361 : i32 to index
          %get3A_1363 = arith.constant 112 : index
          %get3A_1364 = tpu.vector_load %arg12[%get3A_1362, %get3A_1363] {strides = array<i32>} : memref<8x128xf32, #tpu.memory_space<vmem>>, vector<1x16xf32>,
          %get3A_1365 = vector.shape_cast %get3A_1364 : vector<1x16xf32> to vector<16xf32>
          %get3A_1366 = arith.constant 3 : i32
          %get3A_1367 = arith.index_cast %get3A_1366 : i32 to index
          %get3A_1368 = arith.constant 112 : index
          %get3A_1369 = tpu.vector_load %arg12[%get3A_1367, %get3A_1368] {strides = array<i32>} : memref<8x128xf32, #tpu.memory_space<vmem>>, vector<1x16xf32>,
          %get3A_1370 = vector.shape_cast %get3A_1369 : vector<1x16xf32> to vector<16xf32>
          %get3A_1371 = arith.constant 4 : i32
          %get3A_1372 = arith.index_cast %get3A_1371 : i32 to index
          %get3A_1373 = arith.constant 112 : index
          %get3A_1374 = tpu.vector_load %arg12[%get3A_1372, %get3A_1373] {strides = array<i32>} : memref<8x128xf32, #tpu.memory_space<vmem>>, vector<1x16xf32>,
          %get3A_1375 = vector.shape_cast %get3A_1374 : vector<1x16xf32> to vector<16xf32>
          %get3A_1376 = arith.constant 5 : i32
          %get3A_1377 = arith.index_cast %get3A_1376 : i32 to index
          %get3A_1378 = arith.constant 112 : index
          %get3A_1379 = tpu.vector_load %arg12[%get3A_1377, %get3A_1378] {strides = array<i32>} : memref<8x128xf32, #tpu.memory_space<vmem>>, vector<1x16xf32>,
          %get3A_1380 = vector.shape_cast %get3A_1379 : vector<1x16xf32> to vector<16xf32>
          %mul3A_1381 = arith.mulf %gather3A_234, %get3A_1355 : vector<16xf32>
          %mul3A_1382 = arith.mulf %gather3A_238, %get3A_1360 : vector<16xf32>
          %add3A_1383 = arith.addf %mul3A_1381, %mul3A_1382 : vector<16xf32>
          %mul3A_1384 = arith.mulf %gather3A_242, %get3A_1365 : vector<16xf32>
          %add3A_1385 = arith.addf %add3A_1383, %mul3A_1384 : vector<16xf32>
          %mul3A_1386 = arith.mulf %gather3A_246, %get3A_1370 : vector<16xf32>
          %add3A_1387 = arith.addf %add3A_1385, %mul3A_1386 : vector<16xf32>
          %mul3A_1388 = arith.mulf %gather3A_250, %get3A_1375 : vector<16xf32>
          %add3A_1389 = arith.addf %add3A_1387, %mul3A_1388 : vector<16xf32>
          %mul3A_1390 = arith.mulf %gather3A_254, %get3A_1380 : vector<16xf32>
          %add3A_1391 = arith.addf %add3A_1389, %mul3A_1390 : vector<16xf32>
          %add3A_1392 = arith.constant 0 : i32
          %add3A_1393 = arith.addi %mul3A_328, %add3A_1392 : i32
          %get3A_1394 = arith.constant 1 : i32
          %get3A_1395 = arith.index_cast %get3A_1394 : i32 to index
          %get3A_1396 = arith.index_cast %add3A_1393 : i32 to index
          %get3A_1397 = arith.constant 112 : index
          %get3A_1398 = tpu.vector_load %arg7[%get3A_1395, %get3A_1396, %get3A_1397] {strides = array<i32>} : memref<2x64x128xf32, #tpu.memory_space<vmem>>, vector<1x1x16xf32>,
          %get3A_1399 = vector.shape_cast %get3A_1398 : vector<1x1x16xf32> to vector<16xf32>
          %mul3A_1400 = arith.mulf %get3A_1399, %add3A_1391 : vector<16xf32>
          %add3A_1401 = arith.constant 0 : i32
          %add3A_1402 = arith.addi %mul3A_328, %add3A_1401 : i32
          %swap3A_1403 = arith.constant 1 : i32
          %swap3A_1404 = arith.index_cast %swap3A_1403 : i32 to index
          %swap3A_1405 = arith.index_cast %add3A_1402 : i32 to index
          %swap3A_1406 = arith.constant 112 : index
          %swap3A_1407 = tpu.vector_load %arg8[%swap3A_1404, %swap3A_1405, %swap3A_1406] {strides = array<i32>} : memref<2x64x128xf32, #tpu.memory_space<vmem>>, vector<1x1x16xf32>,
          %swap3A_1408 = vector.shape_cast %swap3A_1407 : vector<1x1x16xf32> to vector<16xf32>
          %swap3A_1409 = vector.shape_cast %mul3A_1400 : vector<16xf32> to vector<1x1x16xf32>
          tpu.vector_store %arg8[%swap3A_1404, %swap3A_1405, %swap3A_1406], %swap3A_1409 {strides = array<i32>} : memref<2x64x128xf32, #tpu.memory_space<vmem>>, vector<1x1x16xf32>,
          %mul3A_1410 = arith.mulf %gather3A_258, %get3A_1355 : vector<16xf32>
          %mul3A_1411 = arith.mulf %gather3A_262, %get3A_1360 : vector<16xf32>
          %add3A_1412 = arith.addf %mul3A_1410, %mul3A_1411 : vector<16xf32>
          %mul3A_1413 = arith.mulf %gather3A_266, %get3A_1365 : vector<16xf32>
          %add3A_1414 = arith.addf %add3A_1412, %mul3A_1413 : vector<16xf32>
          %mul3A_1415 = arith.mulf %gather3A_270, %get3A_1370 : vector<16xf32>
          %add3A_1416 = arith.addf %add3A_1414, %mul3A_1415 : vector<16xf32>
          %mul3A_1417 = arith.mulf %gather3A_274, %get3A_1375 : vector<16xf32>
          %add3A_1418 = arith.addf %add3A_1416, %mul3A_1417 : vector<16xf32>
          %mul3A_1419 = arith.mulf %gather3A_278, %get3A_1380 : vector<16xf32>
          %add3A_1420 = arith.addf %add3A_1418, %mul3A_1419 : vector<16xf32>
          %add3A_1421 = arith.constant 1 : i32
          %add3A_1422 = arith.addi %mul3A_328, %add3A_1421 : i32
          %get3A_1423 = arith.constant 1 : i32
          %get3A_1424 = arith.index_cast %get3A_1423 : i32 to index
          %get3A_1425 = arith.index_cast %add3A_1422 : i32 to index
          %get3A_1426 = arith.constant 112 : index
          %get3A_1427 = tpu.vector_load %arg7[%get3A_1424, %get3A_1425, %get3A_1426] {strides = array<i32>} : memref<2x64x128xf32, #tpu.memory_space<vmem>>, vector<1x1x16xf32>,
          %get3A_1428 = vector.shape_cast %get3A_1427 : vector<1x1x16xf32> to vector<16xf32>
          %mul3A_1429 = arith.mulf %get3A_1428, %add3A_1420 : vector<16xf32>
          %add3A_1430 = arith.constant 1 : i32
          %add3A_1431 = arith.addi %mul3A_328, %add3A_1430 : i32
          %swap3A_1432 = arith.constant 1 : i32
          %swap3A_1433 = arith.index_cast %swap3A_1432 : i32 to index
          %swap3A_1434 = arith.index_cast %add3A_1431 : i32 to index
          %swap3A_1435 = arith.constant 112 : index
          %swap3A_1436 = tpu.vector_load %arg8[%swap3A_1433, %swap3A_1434, %swap3A_1435] {strides = array<i32>} : memref<2x64x128xf32, #tpu.memory_space<vmem>>, vector<1x1x16xf32>,
          %swap3A_1437 = vector.shape_cast %swap3A_1436 : vector<1x1x16xf32> to vector<16xf32>
          %swap3A_1438 = vector.shape_cast %mul3A_1429 : vector<16xf32> to vector<1x1x16xf32>
          tpu.vector_store %arg8[%swap3A_1433, %swap3A_1434, %swap3A_1435], %swap3A_1438 {strides = array<i32>} : memref<2x64x128xf32, #tpu.memory_space<vmem>>, vector<1x1x16xf32>,
          %mul3A_1439 = arith.mulf %gather3A_282, %get3A_1355 : vector<16xf32>
          %mul3A_1440 = arith.mulf %gather3A_286, %get3A_1360 : vector<16xf32>
          %add3A_1441 = arith.addf %mul3A_1439, %mul3A_1440 : vector<16xf32>
          %mul3A_1442 = arith.mulf %gather3A_290, %get3A_1365 : vector<16xf32>
          %add3A_1443 = arith.addf %add3A_1441, %mul3A_1442 : vector<16xf32>
          %mul3A_1444 = arith.mulf %gather3A_294, %get3A_1370 : vector<16xf32>
          %add3A_1445 = arith.addf %add3A_1443, %mul3A_1444 : vector<16xf32>
          %mul3A_1446 = arith.mulf %gather3A_298, %get3A_1375 : vector<16xf32>
          %add3A_1447 = arith.addf %add3A_1445, %mul3A_1446 : vector<16xf32>
          %mul3A_1448 = arith.mulf %gather3A_302, %get3A_1380 : vector<16xf32>
          %add3A_1449 = arith.addf %add3A_1447, %mul3A_1448 : vector<16xf32>
          %add3A_1450 = arith.constant 2 : i32
          %add3A_1451 = arith.addi %mul3A_328, %add3A_1450 : i32
          %get3A_1452 = arith.constant 1 : i32
          %get3A_1453 = arith.index_cast %get3A_1452 : i32 to index
          %get3A_1454 = arith.index_cast %add3A_1451 : i32 to index
          %get3A_1455 = arith.constant 112 : index
          %get3A_1456 = tpu.vector_load %arg7[%get3A_1453, %get3A_1454, %get3A_1455] {strides = array<i32>} : memref<2x64x128xf32, #tpu.memory_space<vmem>>, vector<1x1x16xf32>,
          %get3A_1457 = vector.shape_cast %get3A_1456 : vector<1x1x16xf32> to vector<16xf32>
          %mul3A_1458 = arith.mulf %get3A_1457, %add3A_1449 : vector<16xf32>
          %add3A_1459 = arith.constant 2 : i32
          %add3A_1460 = arith.addi %mul3A_328, %add3A_1459 : i32
          %swap3A_1461 = arith.constant 1 : i32
          %swap3A_1462 = arith.index_cast %swap3A_1461 : i32 to index
          %swap3A_1463 = arith.index_cast %add3A_1460 : i32 to index
          %swap3A_1464 = arith.constant 112 : index
          %swap3A_1465 = tpu.vector_load %arg8[%swap3A_1462, %swap3A_1463, %swap3A_1464] {strides = array<i32>} : memref<2x64x128xf32, #tpu.memory_space<vmem>>, vector<1x1x16xf32>,
          %swap3A_1466 = vector.shape_cast %swap3A_1465 : vector<1x1x16xf32> to vector<16xf32>
          %swap3A_1467 = vector.shape_cast %mul3A_1458 : vector<16xf32> to vector<1x1x16xf32>
          tpu.vector_store %arg8[%swap3A_1462, %swap3A_1463, %swap3A_1464], %swap3A_1467 {strides = array<i32>} : memref<2x64x128xf32, #tpu.memory_space<vmem>>, vector<1x1x16xf32>,
          %mul3A_1468 = arith.mulf %gather3A_306, %get3A_1355 : vector<16xf32>
          %mul3A_1469 = arith.mulf %gather3A_310, %get3A_1360 : vector<16xf32>
          %add3A_1470 = arith.addf %mul3A_1468, %mul3A_1469 : vector<16xf32>
          %mul3A_1471 = arith.mulf %gather3A_314, %get3A_1365 : vector<16xf32>
          %add3A_1472 = arith.addf %add3A_1470, %mul3A_1471 : vector<16xf32>
          %mul3A_1473 = arith.mulf %gather3A_318, %get3A_1370 : vector<16xf32>
          %add3A_1474 = arith.addf %add3A_1472, %mul3A_1473 : vector<16xf32>
          %mul3A_1475 = arith.mulf %gather3A_322, %get3A_1375 : vector<16xf32>
          %add3A_1476 = arith.addf %add3A_1474, %mul3A_1475 : vector<16xf32>
          %mul3A_1477 = arith.mulf %gather3A_326, %get3A_1380 : vector<16xf32>
          %add3A_1478 = arith.addf %add3A_1476, %mul3A_1477 : vector<16xf32>
          %add3A_1479 = arith.constant 3 : i32
          %add3A_1480 = arith.addi %mul3A_328, %add3A_1479 : i32
          %get3A_1481 = arith.constant 1 : i32
          %get3A_1482 = arith.index_cast %get3A_1481 : i32 to index
          %get3A_1483 = arith.index_cast %add3A_1480 : i32 to index
          %get3A_1484 = arith.constant 112 : index
          %get3A_1485 = tpu.vector_load %arg7[%get3A_1482, %get3A_1483, %get3A_1484] {strides = array<i32>} : memref<2x64x128xf32, #tpu.memory_space<vmem>>, vector<1x1x16xf32>,
          %get3A_1486 = vector.shape_cast %get3A_1485 : vector<1x1x16xf32> to vector<16xf32>
          %mul3A_1487 = arith.mulf %get3A_1486, %add3A_1478 : vector<16xf32>
          %add3A_1488 = arith.constant 3 : i32
          %add3A_1489 = arith.addi %mul3A_328, %add3A_1488 : i32
          %swap3A_1490 = arith.constant 1 : i32
          %swap3A_1491 = arith.index_cast %swap3A_1490 : i32 to index
          %swap3A_1492 = arith.index_cast %add3A_1489 : i32 to index
          %swap3A_1493 = arith.constant 112 : index
          %swap3A_1494 = tpu.vector_load %arg8[%swap3A_1491, %swap3A_1492, %swap3A_1493] {strides = array<i32>} : memref<2x64x128xf32, #tpu.memory_space<vmem>>, vector<1x1x16xf32>,
          %swap3A_1495 = vector.shape_cast %swap3A_1494 : vector<1x1x16xf32> to vector<16xf32>
          %swap3A_1496 = vector.shape_cast %mul3A_1487 : vector<16xf32> to vector<1x1x16xf32>
          tpu.vector_store %arg8[%swap3A_1491, %swap3A_1492, %swap3A_1493], %swap3A_1496 {strides = array<i32>} : memref<2x64x128xf32, #tpu.memory_space<vmem>>, vector<1x1x16xf32>,
          %scan3A_1497 = arith.constant 0 : i32
          scf.yield %scan3A_1497 : i32
        }
        %scan3A_149 = arith.constant 16 : i32
        %get3A = arith.constant 1 : i32
        %get3A_150 = arith.index_cast %get3A : i32 to index
        %get3A_151 = arith.constant 0 : index
        %get3A_152 = tpu.vector_load %arg10[%get3A_150, %get3A_151] {strides = array<i32>} : memref<2x64xi32, #tpu.memory_space<vmem>>, vector<1x16xi32>,
        %get3A_153 = vector.shape_cast %get3A_152 : vector<1x16xi32> to vector<16xi32>
        %swap3A = arith.constant 1 : i32
        %swap3A_154 = arith.index_cast %swap3A : i32 to index
        %swap3A_155 = arith.constant 0 : index
        %swap3A_156 = tpu.vector_load %arg11[%swap3A_154, %swap3A_155] {strides = array<i32>} : memref<2x64xi32, #tpu.memory_space<vmem>>, vector<1x16xi32>,
        %swap3A_157 = vector.shape_cast %swap3A_156 : vector<1x16xi32> to vector<16xi32>
        %swap3A_158 = vector.shape_cast %get3A_153 : vector<16xi32> to vector<1x16xi32>
        tpu.vector_store %arg11[%swap3A_154, %swap3A_155], %swap3A_158 {strides = array<i32>} : memref<2x64xi32, #tpu.memory_space<vmem>>, vector<1x16xi32>,
        %get3A_159 = arith.constant 1 : i32
        %get3A_160 = arith.index_cast %get3A_159 : i32 to index
        %get3A_161 = arith.constant 16 : index
        %get3A_162 = tpu.vector_load %arg10[%get3A_160, %get3A_161] {strides = array<i32>} : memref<2x64xi32, #tpu.memory_space<vmem>>, vector<1x16xi32>,
        %get3A_163 = vector.shape_cast %get3A_162 : vector<1x16xi32> to vector<16xi32>
        %swap3A_164 = arith.constant 1 : i32
        %swap3A_165 = arith.index_cast %swap3A_164 : i32 to index
        %swap3A_166 = arith.constant 16 : index
        %swap3A_167 = tpu.vector_load %arg11[%swap3A_165, %swap3A_166] {strides = array<i32>} : memref<2x64xi32, #tpu.memory_space<vmem>>, vector<1x16xi32>,
        %swap3A_168 = vector.shape_cast %swap3A_167 : vector<1x16xi32> to vector<16xi32>
        %swap3A_169 = vector.shape_cast %get3A_163 : vector<16xi32> to vector<1x16xi32>
        tpu.vector_store %arg11[%swap3A_165, %swap3A_166], %swap3A_169 {strides = array<i32>} : memref<2x64xi32, #tpu.memory_space<vmem>>, vector<1x16xi32>,
        %get3A_170 = arith.constant 1 : i32
        %get3A_171 = arith.index_cast %get3A_170 : i32 to index
        %get3A_172 = arith.constant 32 : index
        %get3A_173 = tpu.vector_load %arg10[%get3A_171, %get3A_172] {strides = array<i32>} : memref<2x64xi32, #tpu.memory_space<vmem>>, vector<1x16xi32>,
        %get3A_174 = vector.shape_cast %get3A_173 : vector<1x16xi32> to vector<16xi32>
        %swap3A_175 = arith.constant 1 : i32
        %swap3A_176 = arith.index_cast %swap3A_175 : i32 to index
        %swap3A_177 = arith.constant 32 : index
        %swap3A_178 = tpu.vector_load %arg11[%swap3A_176, %swap3A_177] {strides = array<i32>} : memref<2x64xi32, #tpu.memory_space<vmem>>, vector<1x16xi32>,
        %swap3A_179 = vector.shape_cast %swap3A_178 : vector<1x16xi32> to vector<16xi32>
        %swap3A_180 = vector.shape_cast %get3A_174 : vector<16xi32> to vector<1x16xi32>
        tpu.vector_store %arg11[%swap3A_176, %swap3A_177], %swap3A_180 {strides = array<i32>} : memref<2x64xi32, #tpu.memory_space<vmem>>, vector<1x16xi32>,
        %get3A_181 = arith.constant 1 : i32
        %get3A_182 = arith.index_cast %get3A_181 : i32 to index
        %get3A_183 = arith.constant 48 : index
        %get3A_184 = tpu.vector_load %arg10[%get3A_182, %get3A_183] {strides = array<i32>} : memref<2x64xi32, #tpu.memory_space<vmem>>, vector<1x16xi32>,
        %get3A_185 = vector.shape_cast %get3A_184 : vector<1x16xi32> to vector<16xi32>
        %swap3A_186 = arith.constant 1 : i32
        %swap3A_187 = arith.index_cast %swap3A_186 : i32 to index
        %swap3A_188 = arith.constant 48 : index
        %swap3A_189 = tpu.vector_load %arg11[%swap3A_187, %swap3A_188] {strides = array<i32>} : memref<2x64xi32, #tpu.memory_space<vmem>>, vector<1x16xi32>,
        %swap3A_190 = vector.shape_cast %swap3A_189 : vector<1x16xi32> to vector<16xi32>
        %swap3A_191 = vector.shape_cast %get3A_185 : vector<16xi32> to vector<1x16xi32>
        tpu.vector_store %arg11[%swap3A_187, %swap3A_188], %swap3A_191 {strides = array<i32>} : memref<2x64xi32, #tpu.memory_space<vmem>>, vector<1x16xi32>,
        %dma_start3A = arith.constant 1 : i32
        %dma_start3A_192 = arith.constant 1 : i32
        %dma_start3A_193 = arith.constant 0 : i32
        %dma_start3A_194 = arith.constant 0 : i32
        %dma_start3A_195 = tpu.memref_slice %arg8[%dma_start3A, %dma_start3A_193, %dma_start3A_194] : memref<2x64x128xf32, #tpu.memory_space<vmem>> -> memref<1x64x128xf32, #tpu.memory_space<vmem>>
        %dma_start3A_196 = tpu.memref_squeeze %dma_start3A_195 : memref<1x64x128xf32, #tpu.memory_space<vmem>> -> memref<64x128xf32, #tpu.memory_space<vmem>>
        %dma_start3A_197 = arith.constant 0 : i32
        %dma_start3A_198 = tpu.memref_slice %arg11[%dma_start3A_192, %dma_start3A_197] : memref<2x64xi32, #tpu.memory_space<vmem>> -> memref<1x64xi32, #tpu.memory_space<vmem>>
        %dma_start3A_199 = tpu.memref_squeeze %dma_start3A_198 : memref<1x64xi32, #tpu.memory_space<vmem>> -> memref<64xi32, #tpu.memory_space<vmem>>
        %dma_start3A_200 = arith.constant 0 : i32
        %dma_start3A_201 = arith.constant 0 : i32
        %dma_start3A_202 = tpu.memref_slice %arg13[%dma_start3A_200, %dma_start3A_201] : memref<10000x128xf32, #tpu.memory_space<vmem_shared>> -> memref<10000x128xf32, #tpu.memory_space<vmem_shared>>
        tpu.enqueue_indirect_dma source(%dma_start3A_196 : memref<64x128xf32, #tpu.memory_space<vmem>>) target(%dma_start3A_202 : memref<10000x128xf32, #tpu.memory_space<vmem_shared>>) offsets(%dma_start3A_199 : memref<64xi32, #tpu.memory_space<vmem>>) semaphore(%arg17 : memref<!tpu.dma_semaphore, #tpu.memory_space<semaphore_mem>>) {add = true}
        %add3A_203 = arith.constant 2 : i32
        %add3A_204 = arith.addi %add3A_85, %add3A_203 : i32
        %mul3A_205 = arith.constant 32 : i32
        %mul3A_206 = arith.muli %add3A_204, %mul3A_205 : i32
        %add3A_207 = arith.addi %add3A, %mul3A_206 : i32
        %lt3A_208 = arith.constant 5000 : i32
        %lt3A_209 = arith.cmpi slt, %add3A_207, %lt3A_208 : i32
        %convert_element_type3A_210 = arith.extui %lt3A_209 : i1 to i32
        %cond3A_211 = arith.constant 0 : i32
        %cond3A_212 = arith.cmpi ne, %convert_element_type3A_210, %cond3A_211 : i32
        scf.if %cond3A_212 {
          %mul3A_213 = arith.constant 32 : i32
          %mul3A_214 = arith.muli %add3A_204, %mul3A_213 : i32
          %add3A_215 = arith.addi %add3A, %mul3A_214 : i32
          %mul3A_216 = arith.constant 64 : i32
          %mul3A_217 = arith.muli %add3A_215, %mul3A_216 : i32
          %mul3A_218 = arith.constant 32 : i32
          %mul3A_219 = arith.muli %add3A_215, %mul3A_218 : i32
          %mul3A_220 = arith.constant 64 : i32
          %mul3A_221 = arith.muli %add3A_215, %mul3A_220 : i32
          %dma_start3A_222 = arith.constant 1 : i32
          %dma_start3A_223 = arith.constant 0 : i32
          %dma_start3A_224 = arith.constant 0 : i32
          %dma_start3A_225 = tpu.memref_slice %arg7[%dma_start3A_222, %dma_start3A_223, %dma_start3A_224] : memref<2x64x128xf32, #tpu.memory_space<vmem>> -> memref<1x64x128xf32, #tpu.memory_space<vmem>>
          %dma_start3A_226 = tpu.memref_squeeze %dma_start3A_225 : memref<1x64x128xf32, #tpu.memory_space<vmem>> -> memref<64x128xf32, #tpu.memory_space<vmem>>
          %dma_start3A_227 = arith.constant 0 : i32
          %dma_start3A_228 = tpu.memref_slice %arg2[%mul3A_217, %dma_start3A_227] : memref<320000x128xf32, #tpu.memory_space<hbm>> -> memref<64x128xf32, #tpu.memory_space<hbm>>
          %dma_start3A_229 = arith.constant 0 : i32
          %dma_start3A_230 = arith.constant 0 : i32
          %dma_start3A_231 = tpu.memref_slice %arg7[%dma_start3A_222, %dma_start3A_229, %dma_start3A_230] : memref<2x64x128xf32, #tpu.memory_space<vmem>> -> memref<1x64x128xf32, #tpu.memory_space<vmem>>
          %dma_start3A_232 = tpu.memref_squeeze %dma_start3A_231 : memref<1x64x128xf32, #tpu.memory_space<vmem>> -> memref<64x128xf32, #tpu.memory_space<vmem>>
          %dma_start3A_233 = arith.constant 0 : i32
          %dma_start3A_234 = tpu.memref_slice %arg2[%mul3A_217, %dma_start3A_233] : memref<320000x128xf32, #tpu.memory_space<hbm>> -> memref<64x128xf32, #tpu.memory_space<hbm>>
          tpu.enqueue_dma source(%dma_start3A_234 : memref<64x128xf32, #tpu.memory_space<hbm>>) target(%dma_start3A_232 : memref<64x128xf32, #tpu.memory_space<vmem>>) target_semaphore(%arg15 : memref<!tpu.dma_semaphore, #tpu.memory_space<semaphore_mem>>)
          %dma_start3A_235 = arith.constant 1 : i32
          %dma_start3A_236 = arith.constant 0 : i32
          %dma_start3A_237 = arith.constant 0 : i32
          %dma_start3A_238 = tpu.memref_slice %arg9[%dma_start3A_235, %dma_start3A_236, %dma_start3A_237] : memref<2x32x16xf32, #tpu.memory_space<vmem>> -> memref<1x32x16xf32, #tpu.memory_space<vmem>>
          %dma_start3A_239 = tpu.memref_squeeze %dma_start3A_238 : memref<1x32x16xf32, #tpu.memory_space<vmem>> -> memref<32x16xf32, #tpu.memory_space<vmem>>
          %dma_start3A_240 = arith.constant 0 : i32
          %dma_start3A_241 = tpu.memref_slice %arg3[%mul3A_219, %dma_start3A_240] : memref<160000x16xf32, #tpu.memory_space<hbm>> -> memref<32x16xf32, #tpu.memory_space<hbm>>
          %dma_start3A_242 = arith.constant 0 : i32
          %dma_start3A_243 = arith.constant 0 : i32
          %dma_start3A_244 = tpu.memref_slice %arg9[%dma_start3A_235, %dma_start3A_242, %dma_start3A_243] : memref<2x32x16xf32, #tpu.memory_space<vmem>> -> memref<1x32x16xf32, #tpu.memory_space<vmem>>
          %dma_start3A_245 = tpu.memref_squeeze %dma_start3A_244 : memref<1x32x16xf32, #tpu.memory_space<vmem>> -> memref<32x16xf32, #tpu.memory_space<vmem>>
          %dma_start3A_246 = arith.constant 0 : i32
          %dma_start3A_247 = tpu.memref_slice %arg3[%mul3A_219, %dma_start3A_246] : memref<160000x16xf32, #tpu.memory_space<hbm>> -> memref<32x16xf32, #tpu.memory_space<hbm>>
          tpu.enqueue_dma source(%dma_start3A_247 : memref<32x16xf32, #tpu.memory_space<hbm>>) target(%dma_start3A_245 : memref<32x16xf32, #tpu.memory_space<vmem>>) target_semaphore(%arg15 : memref<!tpu.dma_semaphore, #tpu.memory_space<semaphore_mem>>)
          %dma_start3A_248 = arith.constant 1 : i32
          %dma_start3A_249 = arith.constant 0 : i32
          %dma_start3A_250 = tpu.memref_slice %arg10[%dma_start3A_248, %dma_start3A_249] : memref<2x64xi32, #tpu.memory_space<vmem>> -> memref<1x64xi32, #tpu.memory_space<vmem>>
          %dma_start3A_251 = tpu.memref_squeeze %dma_start3A_250 : memref<1x64xi32, #tpu.memory_space<vmem>> -> memref<64xi32, #tpu.memory_space<vmem>>
          %dma_start3A_252 = tpu.memref_slice %arg4[%mul3A_221] : memref<320000xi32, #tpu.memory_space<hbm>> -> memref<64xi32, #tpu.memory_space<hbm>>
          %dma_start3A_253 = arith.constant 0 : i32
          %dma_start3A_254 = tpu.memref_slice %arg10[%dma_start3A_248, %dma_start3A_253] : memref<2x64xi32, #tpu.memory_space<vmem>> -> memref<1x64xi32, #tpu.memory_space<vmem>>
          %dma_start3A_255 = tpu.memref_squeeze %dma_start3A_254 : memref<1x64xi32, #tpu.memory_space<vmem>> -> memref<64xi32, #tpu.memory_space<vmem>>
          %dma_start3A_256 = tpu.memref_slice %arg4[%mul3A_221] : memref<320000xi32, #tpu.memory_space<hbm>> -> memref<64xi32, #tpu.memory_space<hbm>>
          tpu.enqueue_dma source(%dma_start3A_256 : memref<64xi32, #tpu.memory_space<hbm>>) target(%dma_start3A_255 : memref<64xi32, #tpu.memory_space<vmem>>) target_semaphore(%arg15 : memref<!tpu.dma_semaphore, #tpu.memory_space<semaphore_mem>>)
        } else {
        }
      } else {
      }
      %scan3A_94 = arith.constant 0 : i32
      scf.yield %scan3A_94 : i32
    }
    %scan3A_33 = arith.constant 79 : i32
    %dma_wait3A = arith.constant 0 : i32
    %dma_wait3A_34 = arith.constant 0 : i32
    %dma_wait3A_35 = arith.constant 0 : i32
    %dma_wait3A_36 = arith.constant 0 : i32
    %dma_wait3A_37 = tpu.memref_slice %arg8[%dma_wait3A, %dma_wait3A_35, %dma_wait3A_36] : memref<2x64x128xf32, #tpu.memory_space<vmem>> -> memref<1x64x128xf32, #tpu.memory_space<vmem>>
    %dma_wait3A_38 = tpu.memref_squeeze %dma_wait3A_37 : memref<1x64x128xf32, #tpu.memory_space<vmem>> -> memref<64x128xf32, #tpu.memory_space<vmem>>
    %dma_wait3A_39 = arith.constant 0 : i32
    %dma_wait3A_40 = tpu.memref_slice %arg11[%dma_wait3A_34, %dma_wait3A_39] : memref<2x64xi32, #tpu.memory_space<vmem>> -> memref<1x64xi32, #tpu.memory_space<vmem>>
    %dma_wait3A_41 = tpu.memref_squeeze %dma_wait3A_40 : memref<1x64xi32, #tpu.memory_space<vmem>> -> memref<64xi32, #tpu.memory_space<vmem>>
    %dma_wait3A_42 = arith.constant 0 : i32
    %dma_wait3A_43 = arith.constant 0 : i32
    %dma_wait3A_44 = tpu.memref_slice %arg13[%dma_wait3A_42, %dma_wait3A_43] : memref<10000x128xf32, #tpu.memory_space<vmem_shared>> -> memref<10000x128xf32, #tpu.memory_space<vmem_shared>>
    tpu.wait_indirect_dma semaphore(%arg16 : memref<!tpu.dma_semaphore, #tpu.memory_space<semaphore_mem>>) src(%dma_wait3A_38 : memref<64x128xf32, #tpu.memory_space<vmem>>) dst(%dma_wait3A_44 : memref<10000x128xf32, #tpu.memory_space<vmem_shared>>)
    %dma_wait3A_45 = arith.constant 1 : i32
    %dma_wait3A_46 = arith.constant 1 : i32
    %dma_wait3A_47 = arith.constant 0 : i32
    %dma_wait3A_48 = arith.constant 0 : i32
    %dma_wait3A_49 = tpu.memref_slice %arg8[%dma_wait3A_45, %dma_wait3A_47, %dma_wait3A_48] : memref<2x64x128xf32, #tpu.memory_space<vmem>> -> memref<1x64x128xf32, #tpu.memory_space<vmem>>
    %dma_wait3A_50 = tpu.memref_squeeze %dma_wait3A_49 : memref<1x64x128xf32, #tpu.memory_space<vmem>> -> memref<64x128xf32, #tpu.memory_space<vmem>>
    %dma_wait3A_51 = arith.constant 0 : i32
    %dma_wait3A_52 = tpu.memref_slice %arg11[%dma_wait3A_46, %dma_wait3A_51] : memref<2x64xi32, #tpu.memory_space<vmem>> -> memref<1x64xi32, #tpu.memory_space<vmem>>
    %dma_wait3A_53 = tpu.memref_squeeze %dma_wait3A_52 : memref<1x64xi32, #tpu.memory_space<vmem>> -> memref<64xi32, #tpu.memory_space<vmem>>
    %dma_wait3A_54 = arith.constant 0 : i32
    %dma_wait3A_55 = arith.constant 0 : i32
    %dma_wait3A_56 = tpu.memref_slice %arg13[%dma_wait3A_54, %dma_wait3A_55] : memref<10000x128xf32, #tpu.memory_space<vmem_shared>> -> memref<10000x128xf32, #tpu.memory_space<vmem_shared>>
    tpu.wait_indirect_dma semaphore(%arg17 : memref<!tpu.dma_semaphore, #tpu.memory_space<semaphore_mem>>) src(%dma_wait3A_50 : memref<64x128xf32, #tpu.memory_space<vmem>>) dst(%dma_wait3A_56 : memref<10000x128xf32, #tpu.memory_space<vmem_shared>>)
    %barrier3A_57 = arith.constant 0 : index
    tpu.barrier barrier_id(%barrier3A_57)
    %lt3A_58 = arith.constant 15 : i32
    %lt3A_59 = arith.cmpi slt, %arg1, %lt3A_58 : i32
    %convert_element_type3A_60 = arith.extui %lt3A_59 : i1 to i32
    %cond3A_61 = arith.constant 0 : i32
    %cond3A_62 = arith.cmpi ne, %convert_element_type3A_60, %cond3A_61 : i32
    scf.if %cond3A_62 {
      %mul3A_68 = arith.constant 624 : i32
      %mul3A_69 = arith.muli %arg1, %mul3A_68 : i32
      %mul3A_70 = arith.constant 624 : i32
      %mul3A_71 = arith.muli %arg1, %mul3A_70 : i32
      "tpu.region"() ({
        %run_scoped3A = tpu.sem_alloc : memref<!tpu.dma_semaphore, #tpu.memory_space<semaphore_mem>>
        %dma_start3A = arith.constant 0 : i32
        %dma_start3A_72 = tpu.memref_slice %arg6[%arg0, %mul3A_71, %dma_start3A] : memref<2x10000x128xf32, #tpu.memory_space<hbm>> -> memref<1x624x128xf32, #tpu.memory_space<hbm>>
        %dma_start3A_73 = tpu.memref_squeeze %dma_start3A_72 : memref<1x624x128xf32, #tpu.memory_space<hbm>> -> memref<624x128xf32, #tpu.memory_space<hbm>>
        %dma_start3A_74 = arith.constant 0 : i32
        %dma_start3A_75 = tpu.memref_slice %arg13[%mul3A_69, %dma_start3A_74] : memref<10000x128xf32, #tpu.memory_space<vmem_shared>> -> memref<624x128xf32, #tpu.memory_space<vmem_shared>>
        tpu.enqueue_dma source(%dma_start3A_75 : memref<624x128xf32, #tpu.memory_space<vmem_shared>>) target(%dma_start3A_73 : memref<624x128xf32, #tpu.memory_space<hbm>>) target_semaphore(%run_scoped3A : memref<!tpu.dma_semaphore, #tpu.memory_space<semaphore_mem>>)
        %dma_wait3A_76 = arith.constant 0 : i32
        %dma_wait3A_77 = tpu.memref_slice %arg6[%arg0, %mul3A_71, %dma_wait3A_76] : memref<2x10000x128xf32, #tpu.memory_space<hbm>> -> memref<1x624x128xf32, #tpu.memory_space<hbm>>
        %dma_wait3A_78 = tpu.memref_squeeze %dma_wait3A_77 : memref<1x624x128xf32, #tpu.memory_space<hbm>> -> memref<624x128xf32, #tpu.memory_space<hbm>>
        %dma_wait3A_79 = arith.constant 0 : i32
        %dma_wait3A_80 = tpu.memref_slice %arg13[%mul3A_69, %dma_wait3A_79] : memref<10000x128xf32, #tpu.memory_space<vmem_shared>> -> memref<624x128xf32, #tpu.memory_space<vmem_shared>>
        tpu.wait_dma2 semaphore(%run_scoped3A : memref<!tpu.dma_semaphore, #tpu.memory_space<semaphore_mem>>) src(%dma_wait3A_80 : memref<624x128xf32, #tpu.memory_space<vmem_shared>>) dst(%dma_wait3A_78 : memref<624x128xf32, #tpu.memory_space<hbm>>)
        tpu.yield
      }) : () -> ()
    } else {
    }
    %eq3A_63 = arith.constant 15 : i32
    %eq3A_64 = arith.cmpi eq, %arg1, %eq3A_63 : i32
    %convert_element_type3A_65 = arith.extui %eq3A_64 : i1 to i32
    %cond3A_66 = arith.constant 0 : i32
    %cond3A_67 = arith.cmpi ne, %convert_element_type3A_65, %cond3A_66 : i32
    scf.if %cond3A_67 {
      "tpu.region"() ({
        %run_scoped3A = tpu.sem_alloc : memref<!tpu.dma_semaphore, #tpu.memory_space<semaphore_mem>>
        %dma_start3A = arith.constant 9360 : i32
        %dma_start3A_68 = arith.constant 0 : i32
        %dma_start3A_69 = tpu.memref_slice %arg6[%arg0, %dma_start3A, %dma_start3A_68] : memref<2x10000x128xf32, #tpu.memory_space<hbm>> -> memref<1x640x128xf32, #tpu.memory_space<hbm>>
        %dma_start3A_70 = tpu.memref_squeeze %dma_start3A_69 : memref<1x640x128xf32, #tpu.memory_space<hbm>> -> memref<640x128xf32, #tpu.memory_space<hbm>>
        %dma_start3A_71 = arith.constant 9360 : i32
        %dma_start3A_72 = arith.constant 0 : i32
        %dma_start3A_73 = tpu.memref_slice %arg13[%dma_start3A_71, %dma_start3A_72] : memref<10000x128xf32, #tpu.memory_space<vmem_shared>> -> memref<640x128xf32, #tpu.memory_space<vmem_shared>>
        tpu.enqueue_dma source(%dma_start3A_73 : memref<640x128xf32, #tpu.memory_space<vmem_shared>>) target(%dma_start3A_70 : memref<640x128xf32, #tpu.memory_space<hbm>>) target_semaphore(%run_scoped3A : memref<!tpu.dma_semaphore, #tpu.memory_space<semaphore_mem>>)
        %dma_wait3A_74 = arith.constant 9360 : i32
        %dma_wait3A_75 = arith.constant 0 : i32
        %dma_wait3A_76 = tpu.memref_slice %arg6[%arg0, %dma_wait3A_74, %dma_wait3A_75] : memref<2x10000x128xf32, #tpu.memory_space<hbm>> -> memref<1x640x128xf32, #tpu.memory_space<hbm>>
        %dma_wait3A_77 = tpu.memref_squeeze %dma_wait3A_76 : memref<1x640x128xf32, #tpu.memory_space<hbm>> -> memref<640x128xf32, #tpu.memory_space<hbm>>
        %dma_wait3A_78 = arith.constant 9360 : i32
        %dma_wait3A_79 = arith.constant 0 : i32
        %dma_wait3A_80 = tpu.memref_slice %arg13[%dma_wait3A_78, %dma_wait3A_79] : memref<10000x128xf32, #tpu.memory_space<vmem_shared>> -> memref<640x128xf32, #tpu.memory_space<vmem_shared>>
        tpu.wait_dma2 semaphore(%run_scoped3A : memref<!tpu.dma_semaphore, #tpu.memory_space<semaphore_mem>>) src(%dma_wait3A_80 : memref<640x128xf32, #tpu.memory_space<vmem_shared>>) dst(%dma_wait3A_77 : memref<640x128xf32, #tpu.memory_space<hbm>>)
        tpu.yield
      }) : () -> ()
    } else {
    }
    return
  }
}

module attributes {stable_mosaic.version = 14 : i64} {
  func.func @body(%arg0: i32, %arg1: memref<2x2000x128xf32, #tpu.memory_space<vmem>>, %arg2: memref<128x128xf32, #tpu.memory_space<vmem>>, %arg3: memref<1x128xf32, #tpu.memory_space<vmem>>, %arg4: memref<128x128xf32, #tpu.memory_space<vmem>>, %arg5: memref<1x128xf32, #tpu.memory_space<vmem>>, %arg6: memref<128x128xf32, #tpu.memory_space<vmem>>, %arg7: memref<1x128xf32, #tpu.memory_space<vmem>>, %arg8: memref<128x128xf32, #tpu.memory_space<vmem>>, %arg9: memref<2000x128xf32, #tpu.memory_space<vmem>>) attributes {dimension_semantics = [#tpu.dimension_semantics<arbitrary>], iteration_bounds = array<i64: 5>, scalar_prefetch = 0 : i64, scratch_operands = 0 : i64, tpu.core_type = #tpu.core_type<tc>, window_params = [{transform_indices = @transform_0, window_bounds = array<i64: 2, 2000, 128>}, {pipeline_mode = #tpu.pipeline_mode<synchronous>, transform_indices = @transform_1, window_bounds = array<i64: 128, 128>}, {pipeline_mode = #tpu.pipeline_mode<synchronous>, transform_indices = @transform_2, window_bounds = array<i64: 1, 128>}, {pipeline_mode = #tpu.pipeline_mode<synchronous>, transform_indices = @transform_3, window_bounds = array<i64: 128, 128>}, {pipeline_mode = #tpu.pipeline_mode<synchronous>, transform_indices = @transform_4, window_bounds = array<i64: 1, 128>}, {pipeline_mode = #tpu.pipeline_mode<synchronous>, transform_indices = @transform_5, window_bounds = array<i64: 128, 128>}, {pipeline_mode = #tpu.pipeline_mode<synchronous>, transform_indices = @transform_6, window_bounds = array<i64: 1, 128>}, {pipeline_mode = #tpu.pipeline_mode<synchronous>, transform_indices = @transform_7, window_bounds = array<i64: 128, 128>}, {transform_indices = @transform_8, window_bounds = array<i64: 2000, 128>}]} {
    %get3A = arith.constant 0 : index
    %get3A_0 = arith.constant 0 : index
    %get3A_1 = arith.constant 0 : index
    %get3A_2 = vector.load %arg1[%get3A, %get3A_0, %get3A_1] : memref<2x2000x128xf32, #tpu.memory_space<vmem>>, vector<1x2000x128xf32>
    %get3A_3 = vector.shape_cast %get3A_2 : vector<1x2000x128xf32> to vector<2000x128xf32>
    %get3A_4 = arith.constant 1 : index
    %get3A_5 = arith.constant 0 : index
    %get3A_6 = arith.constant 0 : index
    %get3A_7 = vector.load %arg1[%get3A_4, %get3A_5, %get3A_6] : memref<2x2000x128xf32, #tpu.memory_space<vmem>>, vector<1x2000x128xf32>
    %get3A_8 = vector.shape_cast %get3A_7 : vector<1x2000x128xf32> to vector<2000x128xf32>
    %add3A = arith.addf %get3A_3, %get3A_8 : vector<2000x128xf32>
    %get3A_9 = arith.constant 0 : index
    %get3A_10 = arith.constant 0 : index
    %get3A_11 = vector.load %arg2[%get3A_9, %get3A_10] : memref<128x128xf32, #tpu.memory_space<vmem>>, vector<128x128xf32>
    %dot_general3A = arith.constant dense<0.000000e+00> : vector<2000x128xf32>
    %dot_general3A_12 = tpu.matmul %add3A, %get3A_11, %dot_general3A {dimension_numbers = #tpu.dot_dimension_numbers<[1], [1], [0], [0], [0, 0, 1, 0], [], []>, transpose_lhs_hint = false} : vector<2000x128xf32>, vector<128x128xf32>, vector<2000x128xf32> -> vector<2000x128xf32>
    %get3A_13 = arith.constant 0 : index
    %get3A_14 = arith.constant 0 : index
    %get3A_15 = vector.load %arg3[%get3A_13, %get3A_14] : memref<1x128xf32, #tpu.memory_space<vmem>>, vector<1x128xf32>
    %add3A_16 = vector.broadcast %get3A_15 : vector<1x128xf32> to vector<2000x128xf32>
    %add3A_17 = arith.addf %dot_general3A_12, %add3A_16 : vector<2000x128xf32>
    %max3A = arith.constant 0.000000e+00 : f32
    %max3A_18 = vector.broadcast %max3A : f32 to vector<2000x128xf32>
    %max3A_19 = arith.maximumf %add3A_17, %max3A_18 : vector<2000x128xf32>
    %get3A_20 = arith.constant 0 : index
    %get3A_21 = arith.constant 0 : index
    %get3A_22 = vector.load %arg4[%get3A_20, %get3A_21] : memref<128x128xf32, #tpu.memory_space<vmem>>, vector<128x128xf32>
    %dot_general3A_23 = arith.constant dense<0.000000e+00> : vector<2000x128xf32>
    %dot_general3A_24 = tpu.matmul %max3A_19, %get3A_22, %dot_general3A_23 {dimension_numbers = #tpu.dot_dimension_numbers<[1], [1], [0], [0], [0, 0, 1, 0], [], []>, transpose_lhs_hint = false} : vector<2000x128xf32>, vector<128x128xf32>, vector<2000x128xf32> -> vector<2000x128xf32>
    %get3A_25 = arith.constant 0 : index
    %get3A_26 = arith.constant 0 : index
    %get3A_27 = vector.load %arg5[%get3A_25, %get3A_26] : memref<1x128xf32, #tpu.memory_space<vmem>>, vector<1x128xf32>
    %add3A_28 = vector.broadcast %get3A_27 : vector<1x128xf32> to vector<2000x128xf32>
    %add3A_29 = arith.addf %dot_general3A_24, %add3A_28 : vector<2000x128xf32>
    %max3A_30 = arith.constant 0.000000e+00 : f32
    %max3A_31 = vector.broadcast %max3A_30 : f32 to vector<2000x128xf32>
    %max3A_32 = arith.maximumf %add3A_29, %max3A_31 : vector<2000x128xf32>
    %get3A_33 = arith.constant 0 : index
    %get3A_34 = arith.constant 0 : index
    %get3A_35 = vector.load %arg6[%get3A_33, %get3A_34] : memref<128x128xf32, #tpu.memory_space<vmem>>, vector<128x128xf32>
    %dot_general3A_36 = arith.constant dense<0.000000e+00> : vector<2000x128xf32>
    %dot_general3A_37 = tpu.matmul %max3A_32, %get3A_35, %dot_general3A_36 {dimension_numbers = #tpu.dot_dimension_numbers<[1], [1], [0], [0], [0, 0, 1, 0], [], []>, transpose_lhs_hint = false} : vector<2000x128xf32>, vector<128x128xf32>, vector<2000x128xf32> -> vector<2000x128xf32>
    %get3A_38 = arith.constant 0 : index
    %get3A_39 = arith.constant 0 : index
    %get3A_40 = vector.load %arg7[%get3A_38, %get3A_39] : memref<1x128xf32, #tpu.memory_space<vmem>>, vector<1x128xf32>
    %add3A_41 = vector.broadcast %get3A_40 : vector<1x128xf32> to vector<2000x128xf32>
    %add3A_42 = arith.addf %dot_general3A_37, %add3A_41 : vector<2000x128xf32>
    %max3A_43 = arith.constant 0.000000e+00 : f32
    %max3A_44 = vector.broadcast %max3A_43 : f32 to vector<2000x128xf32>
    %max3A_45 = arith.maximumf %add3A_42, %max3A_44 : vector<2000x128xf32>
    %get3A_46 = arith.constant 0 : index
    %get3A_47 = arith.constant 0 : index
    %get3A_48 = vector.load %arg8[%get3A_46, %get3A_47] : memref<128x128xf32, #tpu.memory_space<vmem>>, vector<128x128xf32>
    %dot_general3A_49 = arith.constant dense<0.000000e+00> : vector<2000x128xf32>
    %dot_general3A_50 = tpu.matmul %max3A_45, %get3A_48, %dot_general3A_49 {dimension_numbers = #tpu.dot_dimension_numbers<[1], [1], [0], [0], [0, 0, 1, 0], [], []>, transpose_lhs_hint = false} : vector<2000x128xf32>, vector<128x128xf32>, vector<2000x128xf32> -> vector<2000x128xf32>
    %swap3A = arith.constant 0 : index
    %swap3A_51 = arith.constant 0 : index
    %swap3A_52 = vector.load %arg9[%swap3A, %swap3A_51] : memref<2000x128xf32, #tpu.memory_space<vmem>>, vector<2000x128xf32>
    tpu.vector_store %arg9[%swap3A, %swap3A_51], %dot_general3A_50 {strides = array<i32>} : memref<2000x128xf32, #tpu.memory_space<vmem>>, vector<2000x128xf32>,
    return
  }
  func.func @transform_0(%arg0: i32) -> (i32, i32, i32) {
    %c0_i32 = arith.constant 0 : i32
    %c0_i32_0 = arith.constant 0 : i32
    %c0_i32_1 = arith.constant 0 : i32
    return %c0_i32, %arg0, %c0_i32_0 : i32, i32, i32
  }
  func.func @transform_1(%arg0: i32) -> (i32, i32) {
    %c0_i32 = arith.constant 0 : i32
    %c0_i32_0 = arith.constant 0 : i32
    %c0_i32_1 = arith.constant 0 : i32
    return %c0_i32, %c0_i32_0 : i32, i32
  }
  func.func @transform_2(%arg0: i32) -> (i32, i32) {
    %c0_i32 = arith.constant 0 : i32
    %c0_i32_0 = arith.constant 0 : i32
    %c0_i32_1 = arith.constant 0 : i32
    return %c0_i32, %c0_i32_0 : i32, i32
  }
  func.func @transform_3(%arg0: i32) -> (i32, i32) {
    %c0_i32 = arith.constant 0 : i32
    %c0_i32_0 = arith.constant 0 : i32
    %c0_i32_1 = arith.constant 0 : i32
    return %c0_i32, %c0_i32_0 : i32, i32
  }
  func.func @transform_4(%arg0: i32) -> (i32, i32) {
    %c0_i32 = arith.constant 0 : i32
    %c0_i32_0 = arith.constant 0 : i32
    %c0_i32_1 = arith.constant 0 : i32
    return %c0_i32, %c0_i32_0 : i32, i32
  }
  func.func @transform_5(%arg0: i32) -> (i32, i32) {
    %c0_i32 = arith.constant 0 : i32
    %c0_i32_0 = arith.constant 0 : i32
    %c0_i32_1 = arith.constant 0 : i32
    return %c0_i32, %c0_i32_0 : i32, i32
  }
  func.func @transform_6(%arg0: i32) -> (i32, i32) {
    %c0_i32 = arith.constant 0 : i32
    %c0_i32_0 = arith.constant 0 : i32
    %c0_i32_1 = arith.constant 0 : i32
    return %c0_i32, %c0_i32_0 : i32, i32
  }
  func.func @transform_7(%arg0: i32) -> (i32, i32) {
    %c0_i32 = arith.constant 0 : i32
    %c0_i32_0 = arith.constant 0 : i32
    %c0_i32_1 = arith.constant 0 : i32
    return %c0_i32, %c0_i32_0 : i32, i32
  }
  func.func @transform_8(%arg0: i32) -> (i32, i32) {
    %c0_i32 = arith.constant 0 : i32
    %c0_i32_0 = arith.constant 0 : i32
    return %arg0, %c0_i32 : i32, i32
  }
}

</mosaic_0001>

<sc_bundles>
// kernel: kernel.4.cloned.1.call-start
scs
__scs_entry_jumppad:
0x0: {  	(pc) =	sbr.rel $0x88, $3  }
0x1: {  	(tag) =	ssettag $0x0;
	lr =	simm.s32 $0x1  }
0x2: {  	[smem:$0x3F96] =	sst lr;
	_ =	strace $0xD0000000  }
0x3: {  	_ = 	snop  }
0x4: {  	_ = 	snop  }
0x5: {  	_ = 	snop  }
0x6: {  	_ = 	snop  }
0x7: {  	_ = 	snop  }
__scs_overlays_trampoline_lowered:
0x8: {  	[smem:$0x3FA5] =	sst s0  }
0x9: {  	[smem:$0x3FA6] =	sst s1  }
0xa: {  	[smem:$0x3FA7] =	sst s2  }
0xb: {  	[smem:$0x3FA8] =	sst s3  }
0xc: {  	[smem:$0x3FA9] =	sst s4  }
0xd: {  	[smem:$0x3FAA] =	sst s5  }
0xe: {  	[smem:$0x3FAB] =	sst s6  }
0xf: {  	[smem:$0x3FAC] =	sst s7  }
0x10: {  	[smem:$0x3FAD] =	sst s8  }
0x11: {  	[smem:$0x3FAE] =	sst s9;
	s0 =	simm.s32 @!p0 $0x0  }
0x12: {  	s1 =	sld [smem:$0x3F94];
	s0 =	simm.s32 @p0 $0x1  }
0x13: {  	[smem:$0x3FAF] =	sst s0;
	s0 =	simm.s32 @!p1 $0x0  }
0x14: {  	s2 =	sld [smem:$0x3F93];
	s0 =	simm.s32 @p1 $0x1  }
0x15: {  	[smem:$0x3FB0] =	sst s0;
	s0 =	simm.s32 @!p2 $0x0  }
0x16: {  	s3 =	sld [smem:$0x3FDB];
	s0 =	simm.s32 @p2 $0x1  }
0x17: {  	s4 =	simm.s32 $0x1BF5;
	[smem:$0x3FB2] =	sst s0  }
0x18: {  	s0 =	sld [smem:$0x3F95];
	_ =	swait.ge [sflag:s4], $0x0  }
0x19: {  	s7 =	sld [smem:$0x3F96]  }
0x1a: {  	s8 =	sadd.s32 $0xFFFFE003, lr  }
0x1b: {  	s9 =	sadd.s32 $0xFFFFFEF7, lr;
	s5 =	simm.s32 $0xFFFFFFFF;
	p2 =	slt.u32 s8, $0xFFFFF086  }
0x1c: {  	p1 =	slt.u32 s9, $0xF7A;
	s5 =	simm.s32 @!p2 $0x0  }
0x1d: {  	s5 =	simm.s32 @p1 $0x1;
	p0 =	seq.s32 s7, s2  }
0x1e: {  	s7 =	smul.u32 @!p0 $0xF7A, s2;
	p2 =	seq.s32 @!p0 s5, $0x0  }
0x1f: {  	s9 =	smul.u32 $0xF7A, s1;
	s8 =	simm.s32 @!p0 $0x1BF5;
	p2 =	por !p2, p0  }
0x20: {  	[sflag:s8] =	ssyncset.s32 @!p0 $0xFFFFF086;
	s6 =	sadd.s32 @!p0 s3, s7;
	s7 =	simm.s32 @!p0 $0x108  }
0x21: {  	s3 =	sadd.s32 s3, s9;
	s6 =	sadd.s32 @!p0 $0x88, s6;
	s7 =	simm.s32 @p2 $0x1082  }
0x22: {  	[simem:s7], [sflag:s8] =	dma.local @!p0 [hbm:s6], $0xF7A  }
0x23: {  	s9 =	sor.u32 $0xD0000000, s2;
	s6 =	simm.s32 $0x108;
	_ =	swait.ge @!p0 [sflag:s8], $0x0  }
0x24: {  	s3 =	sadd.s32 $0x88, s3;
	s6 =	simm.s32 @!p1 $0x1082;
	[sflag:s4] =	ssyncset.s32 $0xFFFFF086  }
0x25: {  	[simem:s6], [sflag:s4] =	dma.local [hbm:s3], $0xF7A  }
0x26: {  	[smem:$0x3F96] =	sst s1;
	(tag) =	ssettag s2;
	_ =	strace s9  }
0x27: {  	s1 =	sld [smem:$0x3FA6]  }
0x28: {  	s2 =	sld [smem:$0x3FA7]  }
0x29: {  	s4 =	sld [smem:$0x3FA9]  }
0x2a: {  	p0 =	seq.s32 s5, $0x0;
	s5 =	sld [smem:$0x3FAA]  }
0x2b: {  	s6 =	sld [smem:$0x3FAB]  }
0x2c: {  	s7 =	sld [smem:$0x3FAC]  }
0x2d: {  	s3 =	simm.s32 $0x108;
	s8 =	sld [smem:$0x3FAD]  }
0x2e: {  	s3 =	simm.s32 @!p0 $0x1082;
	s9 =	sld [smem:$0x3FAE]  }
0x2f: {  	lr =	sadd.s32 s0, s3;
	s0 =	sld [smem:$0x3FA5]  }
0x30: {  	s3 =	sld [smem:$0x3FA8]  }
0x31: {  	[smem:$0x3FB1] =	sst s10  }
0x32: {  	s10 =	sld [smem:$0x3FAF];
	_ =	sdelay $0x3  }
0x33: {  	p0 =	seq.s32 s10, $0x1;
	s10 =	sld [smem:$0x3FB1];
	_ =	sdelay $0x3  }
0x34: {  	[smem:$0x3FB1] =	sst s10  }
0x35: {  	s10 =	sld [smem:$0x3FB0];
	_ =	sdelay $0x3  }
0x36: {  	p1 =	seq.s32 s10, $0x1;
	s10 =	sld [smem:$0x3FB1];
	_ =	sdelay $0x3  }
0x37: {  	[smem:$0x3FB1] =	sst s10  }
0x38: {  	s10 =	sld [smem:$0x3FB2]  }
0x39: {  	_ = 	snop;
	(pc) =	sbr.ind lr, $3  }
0x3a: {  	_ = 	snop  }
0x3b: {  	_ = 	snop  }
0x3c: {  	p2 =	seq.s32 s10, $0x1;
	s10 =	sld [smem:$0x3FB1]  }
0x3d: {  	_ =	shalt  }
0x3e: {  	_ =	shalt  }
0x3f: {  	_ =	shalt  }
0x40: {  	_ =	shalt  }
0x41: {  	_ =	shalt  }
0x42: {  	_ =	shalt  }
0x43: {  	_ =	shalt  }
0x44: {  	_ =	shalt  }
0x45: {  	_ =	shalt  }
0x46: {  	_ =	shalt  }
0x47: {  	_ =	shalt  }
0x48: {  	_ =	shalt  }
0x49: {  	_ =	shalt  }
0x4a: {  	_ =	shalt  }
0x4b: {  	_ =	shalt  }
0x4c: {  	_ =	shalt  }
0x4d: {  	_ =	shalt  }
0x4e: {  	_ =	shalt  }
0x4f: {  	_ =	shalt  }
0x50: {  	_ =	shalt  }
0x51: {  	_ =	shalt  }
0x52: {  	_ =	shalt  }
0x53: {  	_ =	shalt  }
0x54: {  	_ =	shalt  }
0x55: {  	_ =	shalt  }
0x56: {  	_ =	shalt  }
0x57: {  	_ =	shalt  }
0x58: {  	_ =	shalt  }
0x59: {  	_ =	shalt  }
0x5a: {  	_ =	shalt  }
0x5b: {  	_ =	shalt  }
0x5c: {  	_ =	shalt  }
0x5d: {  	_ =	shalt  }
0x5e: {  	_ =	shalt  }
0x5f: {  	_ =	shalt  }
0x60: {  	_ =	shalt  }
0x61: {  	_ =	shalt  }
0x62: {  	_ =	shalt  }
0x63: {  	_ =	shalt  }
0x64: {  	_ =	shalt  }
0x65: {  	_ =	shalt  }
0x66: {  	_ =	shalt  }
0x67: {  	_ =	shalt  }
0x68: {  	_ =	shalt  }
0x69: {  	_ =	shalt  }
0x6a: {  	_ =	shalt  }
0x6b: {  	_ =	shalt  }
0x6c: {  	_ =	shalt  }
0x6d: {  	_ =	shalt  }
0x6e: {  	_ =	shalt  }
0x6f: {  	_ =	shalt  }
0x70: {  	_ =	shalt  }
0x71: {  	_ =	shalt  }
0x72: {  	_ =	shalt  }
0x73: {  	_ =	shalt  }
0x74: {  	_ =	shalt  }
0x75: {  	_ =	shalt  }
0x76: {  	_ =	shalt  }
0x77: {  	_ =	shalt  }
0x78: {  	_ =	shalt  }
0x79: {  	_ =	shalt  }
0x7a: {  	_ =	shalt  }
0x7b: {  	_ =	shalt  }
0x7c: {  	_ =	shalt  }
0x7d: {  	_ =	shalt  }
0x7e: {  	_ =	shalt  }
0x7f: {  	_ =	shalt  }
0x80: {  	_ =	shalt  }
0x81: {  	_ =	shalt  }
0x82: {  	_ =	shalt  }
0x83: {  	_ =	shalt  }
0x84: {  	_ =	shalt  }
0x85: {  	_ =	shalt  }
0x86: {  	_ =	shalt  }
0x87: {  	_ =	shalt  }
.Lfunc_end0:
.L_simem_size_0:
called_computation_lowered:
.L_overlay_start_0:
0x88: {  	s2 =	sld [smem:$0x3FD9]  }
0x89: {  	s3 =	sld [smem:$0x3FFE];
	_ =	sdelay $0x1  }
0x8a: {  	s1 =	srdreg.scid  }
0x8b: {  	s0 =	sand.u32 $0x1, s1  }
0x8c: {  	s17 =	sshll.u32 s0, $0xA;
	s2 =	sadd.s32 s3, s2  }
0x8d: {  	s2 =	sadd.s32 s2, s17  }
0x8e: {  	[smem:$0x3FBD] =	sst s2  }
0x8f: {  	_ = 	snop  }
0x90: {  	s2 =	sld [smem:$0x3FC9]  }
0x91: {  	s18 =	sld [smem:$0x3FD0];
	(tm) =	ssettm $0x1  }
0x92: {  	s4 =	sld [smem:$0x3FFB];
	_ =	sdelay $0x3  }
0x93: {  	_ =	strace s4  }
0x94: {  	s4 =	sld [smem:$0x3FFC];
	_ =	sdelay $0x3  }
0x95: {  	_ =	strace s4  }
0x96: {  	s4 =	sld [smem:$0x3FFD];
	_ =	sdelay $0x3  }
0x97: {  	_ =	strace s4  }
0x98: {  	_ =	strace $0x8FFFFFFF  }
0x99: {  	s19 =	sld [smem:$0x3FDB];
	_ =	sdelay $0x1  }
0x9a: {  	s5 =	simm.s32 $_scs_section_size  }
0x9b: {  	s6 =	simm.s32 $_size__tile_overlayer_lowered;
	s7 =	simm.s32 $_tile_overlayer_lowered  }
0x9c: {  	s22 =	simm.s32 $0x1BFF;
	s21 =	sshll.u32 s7, $0x1;
	s4 =	sadd.s32 s5, s19  }
0x9d: {  	s8 =	simm.s32 $0x0;
	s20 =	sshll.u32 s6, $0x1;
	s6 =	sadd.s32 s21, s4  }
0x9e: {  	[timem:s8], [sflag:s22] =	dma.local [hbm:s6], s20  }
0x9f: {  	_ =	swait.ge [sflag:s22], s20  }
0xa0: {  	s5 =	ssub.s32 $0x0, s20;
	[sflag:s22] =	ssyncset.done $0x0  }
0xa1: {  	[sflag:s22] =	ssyncadd.s32 s5;
	_ =	sdelay $0x1  }
0xa2: {  	s23 =	simm.s32 $0x1B8B  }
0xa3: {  	_ =	swait.ge [sflag:s23], $0x1  }
0xa4: {  	[sflag:s23] =	ssyncset.done $0x0  }
0xa5: {  	s25 =	simm.s32 $0x1B8E;
	s24 =	sld [smem:$0x3FFE];
	[sflag:s23] =	ssyncadd.s32 $0xFFFFFFFF  }
0xa6: {  	s26 =	simm.s32 $execute0_lowered;
	[smem:$0x3FD2] =	sst s25  }
0xa7: {  	s6 =	sshll.u32 s26, $0x1;
	_ =	strace $0x80000046;
	[dreg:$0x1] =	wrdreg $0xFFFFFFFF  }
0xa8: {  	s28 =	simm.s32 $_size_execute0_lowered;
	s4 =	sadd.s32 s4, s6;
	[dreg:$0x0] =	wrdreg $0x0  }
0xa9: {  	s6 =	sshll.u32 s28, $0x1;
	[dreg:$0x2] =	wrdreg s4  }
0xaa: {  	[dreg:$0x3] =	wrdreg s6  }
0xab: {  	[dreg:$0x4] =	wrdreg $0xC0  }
0xac: {  	_ =	task [dreg:s8], $0x5FFFF  }
0xad: {  	[dreg:$0x1] =	wrdreg $0xFFFFFFFF  }
0xae: {  	[dreg:$0x0] =	wrdreg $0x60  }
0xaf: {  	[dreg:$0x2] =	wrdreg s2  }
0xb0: {  	[dreg:$0x3] =	wrdreg s24  }
0xb1: {  	[dreg:$0x4] =	wrdreg s18  }
0xb2: {  	[dreg:$0x5] =	wrdreg $0xA6000  }
0xb3: {  	[dreg:$0x6] =	wrdreg $0x9  }
0xb4: {  	_ =	task.clear_ibuf [dreg:s8], $0x7FFFF;
	_ =	strace $0x90000046  }
0xb5: {  	s29 =	simm.s32 $0x9;
	_ =	strace $0x80000048  }
0xb6: {  	_ =	swait.ge [sflag:s29], $0x1  }
0xb7: {  	[sflag:s29] =	ssyncadd.s32 $0xFFFFFFFF  }
0xb8: {  	_ =	strace $0x90000048  }
0xb9: {  	_ =	sfence  }
0xba: {  	s30 =	sld [smem:$0x0];
	_ =	sdelay $0x2  }
0xbb: {  	s31 =	sshll.u32 s1, $0xD;
	s1 =	sshrl.u32 s1, $0x2  }
0xbc: {  	s3 =	sand.u32 $0x4000, s31;
	s1 =	sadd.s32 s1, s30  }
0xbd: {  	s0 =	sor.u32 s3, s0;
	s1 =	sshll.u32 s1, $0x11  }
0xbe: {  	s0 =	sor.u32 s1, s0  }
0xbf: {  	s0 =	sadd.s32 $0x8F2B, s0  }
0xc0: {  	[sflag:s0] =	ssyncadd.remote.s32 $0x1  }
0xc1: {  	_ =	sfence.sel $0xFFFF  }
0xc2: {  	[dreg:$0x0] =	wrdreg $0xFFFFFFFF;
	(pc) =	sbr.abs _section_cstart, $3  }
0xc3: {  	[dreg:$0x1] =	wrdreg $0xFFFFFFFF  }
0xc4: {  	_ =	task.clear_ibuf [dreg:s8], $0x2FFFF;
	_ =	strace $0x9FFFFFFF  }
0xc5: {  	(tm) =	ssettm $0x7FFFFFFF  }
tec
execute0_lowered:
.L_overlay_start_1:
0x0: {  	(tag) =	ssettag $0x1  }
0x1: {  	s1 =	rddreg [dreg:$0x0]  }
0x2: {  	s0 =	rddreg [dreg:$0x1]  }
0x3: {  	s2 =	rddreg [dreg:$0x2]  }
0x4: {  	s3 =	rddreg [dreg:$0x3]  }
0x5: {  	s4 =	simm.s32 $0x0;
	s13 =	srdreg.scid;
	s14 =	stileid.u32  }
0x6: {  	s28 =	simm.s32 $0x6000;
	s29 =	simm.s32 $0x3;
	[smem:$0x7FF] =	sst s4  }
0x7: {  	s6 =	sadd.s32 $0x1800, s0;
	s4 =	sand.u32 $0x1, s13;
	s5 =	smul.u32 $0x4E000, s14  }
0x8: {  	s7 =	sadd.s32 $0x272800, s0;
	s0 =	sadd.s32 $0x272A00, s0;
	s9 =	sshll.u32 s14, $0x1  }
0x9: {  	s13 =	smul.u32 $0x13800, s14;
	p0 =	seq.s32 s14, $0xF;
	s30 =	sadd.s32 $0x124800, s3  }
0xa: {  	_ =	strace $0x80000047;
	[dreg:$0x5] =	wrdreg s7;
	s15 =	ssub.s32 $0x2, s4  }
0xb: {  	s10 =	sor.u32 s4, s9;
	s4 =	smul.u32 $0x138800, s4;
	s8 =	sshrl.u32 s15, $0x1  }
0xc: {  	s5 =	sshrl.u32 s5, $0x2;
	s20 =	sshll.u32 s10, $0xA;
	s11 =	sshll.u32 s10, $0x3  }
0xd: {  	s7 =	ssub.s32 s15, s8;
	s8 =	sadd.s32 s5, s3;
	s22 =	sadd.s32 s2, s11  }
0xe: {  	s21 =	sshll.u32 s10, $0x9;
	s5 =	sadd.s32 $0x1800, s8;
	[dreg:$0xd] =	wrdreg s22  }
0xf: {  	s12 =	sor.u32 $0x20, s10;
	s16 =	sadd.s32 $0x3000, s8;
	[dreg:$0x6] =	wrdreg s5  }
0x10: {  	s31 =	sor.u32 $0x40, s10;
	s17 =	sadd.s32 $0x6000, s8;
	[dreg:$0x7] =	wrdreg s16  }
0x11: {  	s23 =	sshll.u32 s12, $0xA;
	s18 =	sadd.s32 $0x7800, s8;
	[dreg:$0x8] =	wrdreg s17  }
0x12: {  	s24 =	sshll.u32 s12, $0x9;
	s19 =	sadd.s32 $0x9000, s8;
	[dreg:$0x9] =	wrdreg s18  }
0x13: {  	s26 =	sshll.u32 s12, $0x3;
	s12 =	sadd.s32 $0xC000, s8;
	[dreg:$0xa] =	wrdreg s19  }
0x14: {  	s25 =	sadd.s32 s13, s4;
	s13 =	sadd.s32 $0xD800, s8;
	[dreg:$0x13] =	wrdreg s12  }
0x15: {  	s4 =	sshrl.u32 s4, $0x3;
	s14 =	sadd.s32 $0xF000, s8;
	[dreg:$0x14] =	wrdreg s13  }
0x16: {  	s11 =	sshrl.u32 s25, $0x3;
	s15 =	sadd.s32 $0x10800, s8;
	[dreg:$0x15] =	wrdreg s14  }
0x17: {  	s22 =	ssub.s32 $0x1368, s9;
	s25 =	sadd.s32 $0x12E800, s3;
	[dreg:$0x16] =	wrdreg s15  }
0x18: {  	s5 =	sadd.s32 s1, s20;
	s11 =	sadd.s32 s0, s11;
	[dreg:$0x1e] =	wrdreg s25  }
0x19: {  	s0 =	sadd.s32 s0, s4;
	s16 =	sadd.s32 $0x12000, s8;
	[dreg:$0xb] =	wrdreg s5  }
0x1a: {  	s17 =	sadd.s32 $0x126800, s3;
	s18 =	sadd.s32 $0x128800, s3;
	[dreg:$0x11] =	wrdreg s11  }
0x1b: {  	s19 =	sadd.s32 $0xA800, s8;
	s20 =	sadd.s32 $0x12A800, s3;
	[dreg:$0x17] =	wrdreg s16  }
0x1c: {  	s14 =	sadd.s32 $0x4800, s8;
	s15 =	sadd.s32 $0x132800, s3;
	[dreg:$0x18] =	wrdreg s17  }
0x1d: {  	s25 =	simm.s32 $0x2;
	s4 =	simm.s32 $0x0;
	[dreg:$0x19] =	wrdreg s18  }
0x1e: {  	s5 =	sadd.s32 s6, s21;
	s21 =	ssub.s32 $0x1388, s9;
	[dreg:$0x1a] =	wrdreg s19  }
0x1f: {  	s0 =	sadd.s32 $0x24900, s0;
	[dreg:$0x1b] =	wrdreg s20;
	s16 =	sadd.s32 $0x134800, s3  }
0x20: {  	s17 =	sadd.s32 $0x136800, s3;
	s18 =	simm.s32 $0x5;
	[dreg:$0xc] =	wrdreg s5  }
0x21: {  	s19 =	simm.s32 $0x1;
	s5 =	sadd.s32 s1, s23;
	[dreg:$0x12] =	wrdreg s0  }
0x22: {  	s20 =	simm.s32 $0x40;
	s23 =	sadd.s32 $0x12C800, s3;
	[dreg:$0xe] =	wrdreg s5  }
.Ltmp0:
0x23: {  	v0 =	vimm.f32 $0.0e+00;
	s5 =	sadd.s32 s6, s24;
	[dreg:$0x1c] =	wrdreg s23;
	(pc) =	sbr.rel .LBB2_1-.Ltmp0, $4  }
0x24: {  	v1 =	vimm.s32 $0x0;
	v2 =	vimm.s32 $0x1;
	v3 =	vimm.s32 $0x2;
	s0 =	sor.u32 $0x60, s10;
	s24 =	smax.u32 s7, $0x1;
	[dreg:$0xf] =	wrdreg s5  }
0x25: {  	v4 =	vimm.s32 $0x3;
	v5 =	vimm.s32 $0x4;
	v6 =	vimm.s32 $0x5;
	s23 =	simm.s32 $0xA100;
	s5 =	sadd.s32 s2, s26;
	[dreg:$0x1d] =	wrdreg s24  }
0x26: {  	v7 =	vimm.s32 $0x8;
	v8 =	vimm.s32 $0x9;
	v9 =	vimm.s32 $0xA;
	s26 =	sadd.s32 $0x130800, s3;
	s24 =	simm.s32 $0x4000;
	[dreg:$0x10] =	wrdreg s5  }
0x27: {  	v10 =	vimm.s32 $0xB;
	v11 =	vimm.s32 $0xC;
	v12 =	vimm.s32 $0xD;
	[dreg:$0x1f] =	wrdreg s26;
	s26 =	simm.s32 $0xA180;
	s5 =	simm.s32 $0x4  }
.LBB2_13:
0x28: {  	_ =	swait.ge [sflag:s29], $0x2000  }
0x29: {  	[sflag:s29] =	ssyncset.done $0x0  }
0x2a: {  	[sflag:s29] =	ssyncadd.s32 $0xFFFFE000  }
0x2b: {  	_ =	swait.ge [sflag:s5], $0x2000  }
0x2c: {  	[sflag:s5] =	ssyncset.done $0x0  }
0x2d: {  	[sflag:s5] =	ssyncadd.s32 $0xFFFFE000  }
0x2e: {  	[bflag:$0x0] =	sbarrier.arrive $0xFFFF  }
0x2f: {  	s7 =	sshrl.u32 @p0 s30, $0x3;
	s9 =	simm.s32 @p0 $0x1FC5;
	s10 =	rddreg [dreg:$0x12]  }
0x30: {  	[hbm:s10], [sflag:s9] =	dma.local @p0 [spmem:s7], $0x2800  }
0x31: {  	s7 =	simm.s32 @p0 $0x5  }
0x32: {  	s9 =	stileid.u32;
	_ =	swait.ge @p0 [sflag:s7], $0x2800  }
0x33: {  	s9 =	sshll.u32 @!p0 s9, $0x6;
	[sflag:s7] =	ssyncset.done @p0 $0x0;
	s10 =	rddreg [dreg:$0x11]  }
0x34: {  	[sflag:s7] =	ssyncadd.s32 @p0 $0xFFFFD800;
	s7 =	sor.u32 @!p0 $0x1C05, s9;
	s9 =	sshrl.u32 @!p0 s8, $0x3  }
0x35: {  	[hbm:s10], [sflag:s7] =	dma.local @!p0 [spmem:s9], $0x2700  }
0x36: {  	s7 =	simm.s32 @!p0 $0x5  }
0x37: {  	_ =	swait.ge @!p0 [sflag:s7], $0x2700  }
0x38: {  	s4 =	sadd.s32 $0x1, s4;
	s13 =	rddreg [dreg:$0x1d]  }
0x39: {  	p1 =	sne.s32 s4, s13  }
.Ltmp1:
0x3a: {  	_ = 	snop;
	(pc) =	sbr.rel @!p1 .LBB2_14-.Ltmp1, $3  }
0x3b: {  	_ =	sdelay $0x1  }
0x3c: {  	[sflag:s7] =	ssyncset.done @!p0 $0x0  }
0x3d: {  	[sflag:s7] =	ssyncadd.s32 @!p0 $0xFFFFD900  }
.LBB2_1:
0x3e: {  	s7 =	simm.s32 $0x0;
	s9 =	rddreg [dreg:$0x5];
	s10 =	simm.s32 $0xA200  }
0x3f: {  	[tilespmem:s10], [sflag:$0x5] =	stream.linear.gather [hbm4b:s9+s7], $0x400, $0x38;
	[tilespmem:$0x1DE80] =	vst v63  }
0x40: {  	_ =	swait.ge [sflag:s18], $0x400  }
0x41: {  	[sflag:s18] =	ssyncset.done $0x0  }
0x42: {  	s7 =	simm.s32 $0x0;
	s9 =	simm.s32 $0x200;
	[sflag:s18] =	ssyncadd.s32 $0xFFFFFC00  }
.LBB2_2:
0x43: {  	p1 =	sne.s32 s9, $0x7E00;
	[tilespmem:s7+$0x4070] =	vst v0  }
0x44: {  	[tilespmem:s7+$0x4000] =	vst v0  }
0x45: {  	[tilespmem:s7+$0x4010] =	vst v0  }
.Ltmp2:
0x46: {  	[tilespmem:s7+$0x4020] =	vst v0;
	(pc) =	sbr.rel @p1 .LBB2_2-.Ltmp2, $4  }
0x47: {  	[tilespmem:s7+$0x4030] =	vst v0  }
0x48: {  	[tilespmem:s7+$0x4040] =	vst v0  }
0x49: {  	[tilespmem:s7+$0x4050] =	vst v0  }
0x4a: {  	[tilespmem:s7+$0x4060] =	vst v0;
	s7 =	sshra.s32 s9, $0x2;
	s9 =	sadd.s32 $0x200, s9  }
0x4b: {  	[tilespmem:s7+$0x4070] =	vst v0  }
0x4c: {  	[tilespmem:s7+$0x4000] =	vst v0  }
0x4d: {  	[tilespmem:s7+$0x4010] =	vst v0  }
0x4e: {  	[tilespmem:s7+$0x4020] =	vst v0  }
0x4f: {  	[tilespmem:s7+$0x4030] =	vst v0  }
0x50: {  	[tilespmem:s7+$0x4040] =	vst v0  }
0x51: {  	[tilespmem:s7+$0x4050] =	vst v0  }
0x52: {  	[tilespmem:s7+$0x4060] =	vst v0;
	s7 =	simm.s32 @p0 $0x4000;
	s9 =	simm.s32 @p0 $0x5  }
0x53: {  	[spmem:s30] =	stream.linear.scatter @p0 [tilespmem:s7], [sflag:$0x5], $0x2000, $0x38;
	[tilespmem:$0x1DE80] =	vst v63  }
0x54: {  	_ =	swait.ge @p0 [sflag:s9], $0x2000  }
0x55: {  	[sflag:s9] =	ssyncset.done @p0 $0x0  }
0x56: {  	s10 =	rddreg [dreg:$0x18];
	[sflag:s9] =	ssyncadd.s32 @p0 $0xFFFFE000  }
0x57: {  	[spmem:s10] =	stream.linear.scatter @p0 [tilespmem:s7], [sflag:$0x5], $0x2000, $0x38;
	[tilespmem:$0x1DE80] =	vst v63  }
0x58: {  	_ =	swait.ge @p0 [sflag:s9], $0x2000  }
0x59: {  	[sflag:s9] =	ssyncset.done @p0 $0x0  }
0x5a: {  	s10 =	rddreg [dreg:$0x19];
	[sflag:s9] =	ssyncadd.s32 @p0 $0xFFFFE000  }
0x5b: {  	[spmem:s10] =	stream.linear.scatter @p0 [tilespmem:s7], [sflag:$0x5], $0x2000, $0x38;
	[tilespmem:$0x1DE80] =	vst v63  }
0x5c: {  	_ =	swait.ge @p0 [sflag:s9], $0x2000  }
0x5d: {  	[sflag:s9] =	ssyncset.done @p0 $0x0  }
0x5e: {  	s10 =	rddreg [dreg:$0x1b];
	[sflag:s9] =	ssyncadd.s32 @p0 $0xFFFFE000  }
0x5f: {  	[spmem:s10] =	stream.linear.scatter @p0 [tilespmem:s7], [sflag:$0x5], $0x2000, $0x38;
	[tilespmem:$0x1DE80] =	vst v63  }
0x60: {  	_ =	swait.ge @p0 [sflag:s9], $0x2000  }
0x61: {  	[sflag:s9] =	ssyncset.done @p0 $0x0  }
0x62: {  	s10 =	rddreg [dreg:$0x1c];
	[sflag:s9] =	ssyncadd.s32 @p0 $0xFFFFE000  }
0x63: {  	[spmem:s10] =	stream.linear.scatter @p0 [tilespmem:s7], [sflag:$0x5], $0x2000, $0x38;
	[tilespmem:$0x1DE80] =	vst v63  }
0x64: {  	_ =	swait.ge @p0 [sflag:s9], $0x2000  }
0x65: {  	[sflag:s9] =	ssyncset.done @p0 $0x0  }
0x66: {  	s10 =	rddreg [dreg:$0x1e];
	[sflag:s9] =	ssyncadd.s32 @p0 $0xFFFFE000  }
0x67: {  	[spmem:s10] =	stream.linear.scatter @p0 [tilespmem:s7], [sflag:$0x5], $0x2000, $0x38;
	[tilespmem:$0x1DE80] =	vst v63  }
0x68: {  	_ =	swait.ge @p0 [sflag:s9], $0x2000  }
0x69: {  	[sflag:s9] =	ssyncset.done @p0 $0x0  }
0x6a: {  	s10 =	rddreg [dreg:$0x1f];
	[sflag:s9] =	ssyncadd.s32 @p0 $0xFFFFE000  }
0x6b: {  	[spmem:s10] =	stream.linear.scatter @p0 [tilespmem:s7], [sflag:$0x5], $0x2000, $0x38;
	[tilespmem:$0x1DE80] =	vst v63  }
0x6c: {  	_ =	swait.ge @p0 [sflag:s9], $0x2000  }
0x6d: {  	[sflag:s9] =	ssyncset.done @p0 $0x0  }
0x6e: {  	[sflag:s9] =	ssyncadd.s32 @p0 $0xFFFFE000  }
0x6f: {  	[spmem:s15] =	stream.linear.scatter @p0 [tilespmem:s7], [sflag:$0x5], $0x2000, $0x38;
	[tilespmem:$0x1DE80] =	vst v63  }
0x70: {  	_ =	swait.ge @p0 [sflag:s9], $0x2000  }
0x71: {  	[sflag:s9] =	ssyncset.done @p0 $0x0  }
0x72: {  	[sflag:s9] =	ssyncadd.s32 @p0 $0xFFFFE000  }
0x73: {  	[spmem:s16] =	stream.linear.scatter @p0 [tilespmem:s7], [sflag:$0x5], $0x2000, $0x38;
	[tilespmem:$0x1DE80] =	vst v63  }
0x74: {  	_ =	swait.ge @p0 [sflag:s9], $0x2000  }
0x75: {  	[sflag:s9] =	ssyncset.done @p0 $0x0  }
0x76: {  	[sflag:s9] =	ssyncadd.s32 @p0 $0xFFFFE000  }
0x77: {  	[spmem:s17] =	stream.linear.scatter @p0 [tilespmem:s7], [sflag:$0x5], $0x2000, $0x38;
	[tilespmem:$0x1DE80] =	vst v63  }
0x78: {  	_ =	swait.ge @p0 [sflag:s9], $0x2000  }
0x79: {  	[sflag:s9] =	ssyncset.done @p0 $0x0  }
0x7a: {  	s7 =	simm.s32 @!p0 $0x4000;
	[sflag:s9] =	ssyncadd.s32 @p0 $0xFFFFE000;
	s9 =	simm.s32 @!p0 $0x5  }
0x7b: {  	[spmem:s8] =	stream.linear.scatter @!p0 [tilespmem:s7], [sflag:$0x5], $0x1800, $0x38;
	[tilespmem:$0x1DE80] =	vst v63  }
0x7c: {  	_ =	swait.ge @!p0 [sflag:s9], $0x1800  }
0x7d: {  	[sflag:s9] =	ssyncset.done @!p0 $0x0  }
0x7e: {  	s10 =	rddreg [dreg:$0x6];
	[sflag:s9] =	ssyncadd.s32 @!p0 $0xFFFFE800  }
0x7f: {  	[spmem:s10] =	stream.linear.scatter @!p0 [tilespmem:s7], [sflag:$0x5], $0x1800, $0x38;
	[tilespmem:$0x1DE80] =	vst v63  }
0x80: {  	_ =	swait.ge @!p0 [sflag:s9], $0x1800  }
0x81: {  	[sflag:s9] =	ssyncset.done @!p0 $0x0  }
0x82: {  	s10 =	rddreg [dreg:$0x7];
	[sflag:s9] =	ssyncadd.s32 @!p0 $0xFFFFE800  }
0x83: {  	[spmem:s10] =	stream.linear.scatter @!p0 [tilespmem:s7], [sflag:$0x5], $0x1800, $0x38;
	[tilespmem:$0x1DE80] =	vst v63  }
0x84: {  	_ =	swait.ge @!p0 [sflag:s9], $0x1800  }
0x85: {  	[sflag:s9] =	ssyncset.done @!p0 $0x0  }
0x86: {  	[sflag:s9] =	ssyncadd.s32 @!p0 $0xFFFFE800  }
0x87: {  	[spmem:s14] =	stream.linear.scatter @!p0 [tilespmem:s7], [sflag:$0x5], $0x1800, $0x38;
	[tilespmem:$0x1DE80] =	vst v63  }
0x88: {  	_ =	swait.ge @!p0 [sflag:s9], $0x1800  }
0x89: {  	[sflag:s9] =	ssyncset.done @!p0 $0x0  }
0x8a: {  	s10 =	rddreg [dreg:$0x8];
	[sflag:s9] =	ssyncadd.s32 @!p0 $0xFFFFE800  }
0x8b: {  	[spmem:s10] =	stream.linear.scatter @!p0 [tilespmem:s7], [sflag:$0x5], $0x1800, $0x38;
	[tilespmem:$0x1DE80] =	vst v63  }
0x8c: {  	_ =	swait.ge @!p0 [sflag:s9], $0x1800  }
0x8d: {  	[sflag:s9] =	ssyncset.done @!p0 $0x0  }
0x8e: {  	s10 =	rddreg [dreg:$0x9];
	[sflag:s9] =	ssyncadd.s32 @!p0 $0xFFFFE800  }
0x8f: {  	[spmem:s10] =	stream.linear.scatter @!p0 [tilespmem:s7], [sflag:$0x5], $0x1800, $0x38;
	[tilespmem:$0x1DE80] =	vst v63  }
0x90: {  	_ =	swait.ge @!p0 [sflag:s9], $0x1800  }
0x91: {  	[sflag:s9] =	ssyncset.done @!p0 $0x0  }
0x92: {  	s10 =	rddreg [dreg:$0xa];
	[sflag:s9] =	ssyncadd.s32 @!p0 $0xFFFFE800  }
0x93: {  	[spmem:s10] =	stream.linear.scatter @!p0 [tilespmem:s7], [sflag:$0x5], $0x1800, $0x38;
	[tilespmem:$0x1DE80] =	vst v63  }
0x94: {  	_ =	swait.ge @!p0 [sflag:s9], $0x1800  }
0x95: {  	[sflag:s9] =	ssyncset.done @!p0 $0x0  }
0x96: {  	s10 =	rddreg [dreg:$0x1a];
	[sflag:s9] =	ssyncadd.s32 @!p0 $0xFFFFE800  }
0x97: {  	[spmem:s10] =	stream.linear.scatter @!p0 [tilespmem:s7], [sflag:$0x5], $0x1800, $0x38;
	[tilespmem:$0x1DE80] =	vst v63  }
0x98: {  	_ =	swait.ge @!p0 [sflag:s9], $0x1800  }
0x99: {  	[sflag:s9] =	ssyncset.done @!p0 $0x0  }
0x9a: {  	s10 =	rddreg [dreg:$0x13];
	[sflag:s9] =	ssyncadd.s32 @!p0 $0xFFFFE800  }
0x9b: {  	[spmem:s10] =	stream.linear.scatter @!p0 [tilespmem:s7], [sflag:$0x5], $0x1800, $0x38;
	[tilespmem:$0x1DE80] =	vst v63  }
0x9c: {  	_ =	swait.ge @!p0 [sflag:s9], $0x1800  }
0x9d: {  	[sflag:s9] =	ssyncset.done @!p0 $0x0  }
0x9e: {  	s10 =	rddreg [dreg:$0x14];
	[sflag:s9] =	ssyncadd.s32 @!p0 $0xFFFFE800  }
0x9f: {  	[spmem:s10] =	stream.linear.scatter @!p0 [tilespmem:s7], [sflag:$0x5], $0x1800, $0x38;
	[tilespmem:$0x1DE80] =	vst v63  }
0xa0: {  	_ =	swait.ge @!p0 [sflag:s9], $0x1800  }
0xa1: {  	[sflag:s9] =	ssyncset.done @!p0 $0x0  }
0xa2: {  	s10 =	rddreg [dreg:$0x15];
	[sflag:s9] =	ssyncadd.s32 @!p0 $0xFFFFE800  }
0xa3: {  	[spmem:s10] =	stream.linear.scatter @!p0 [tilespmem:s7], [sflag:$0x5], $0x1800, $0x38;
	[tilespmem:$0x1DE80] =	vst v63  }
0xa4: {  	_ =	swait.ge @!p0 [sflag:s9], $0x1800  }
0xa5: {  	[sflag:s9] =	ssyncset.done @!p0 $0x0  }
0xa6: {  	s10 =	rddreg [dreg:$0x16];
	[sflag:s9] =	ssyncadd.s32 @!p0 $0xFFFFE800  }
0xa7: {  	[spmem:s10] =	stream.linear.scatter @!p0 [tilespmem:s7], [sflag:$0x5], $0x1800, $0x38;
	[tilespmem:$0x1DE80] =	vst v63  }
0xa8: {  	_ =	swait.ge @!p0 [sflag:s9], $0x1800  }
0xa9: {  	[sflag:s9] =	ssyncset.done @!p0 $0x0  }
0xaa: {  	s10 =	rddreg [dreg:$0x17];
	[sflag:s9] =	ssyncadd.s32 @!p0 $0xFFFFE800  }
0xab: {  	[spmem:s10] =	stream.linear.scatter @!p0 [tilespmem:s7], [sflag:$0x5], $0x1800, $0x38;
	[tilespmem:$0x1DE80] =	vst v63  }
0xac: {  	_ =	swait.ge @!p0 [sflag:s9], $0x1800  }
0xad: {  	[sflag:s9] =	ssyncset.done @!p0 $0x0  }
0xae: {  	[sflag:s9] =	ssyncadd.s32 @!p0 $0xFFFFE800  }
0xaf: {  	[bflag:$0x0] =	sbarrier.arrive $0xFFFF  }
0xb0: {  	s7 =	simm.s32 $0x0;
	s11 =	rddreg [dreg:$0xb]  }
0xb1: {  	[tilespmem:s7], [sflag:$0x1] =	stream.linear.gather [hbm4b:s11+s7], $0x2000, $0x38;
	[tilespmem:$0x1DE80] =	vst v63  }
0xb2: {  	s13 =	simm.s32 $0x8000;
	s12 =	rddreg [dreg:$0xc]  }
0xb3: {  	[tilespmem:s13], [sflag:$0x1] =	stream.linear.gather [hbm4b:s12+s7], $0x1000, $0x38;
	[tilespmem:$0x1DE80] =	vst v63  }
0xb4: {  	s10 =	rddreg [dreg:$0xd];
	s11 =	simm.s32 $0xA000  }
0xb5: {  	[tilespmem:s11], [sflag:$0x1] =	stream.linear.gather [hbm4b:s10+s7], $0x40, $0x38;
	[tilespmem:$0x1DE80] =	vst v63  }
0xb6: {  	s12 =	rddreg [dreg:$0xe];
	s13 =	simm.s32 $0x2000  }
0xb7: {  	[tilespmem:s13], [sflag:$0x2] =	stream.linear.gather [hbm4b:s12+s7], $0x2000, $0x38;
	[tilespmem:$0x1DE80] =	vst v63  }
.Ltmp3:
0xb8: {  	_ = 	snop;
	(pc) =	sbr.rel .LBB2_4-.Ltmp3, $4  }
0xb9: {  	s10 =	rddreg [dreg:$0xf];
	s11 =	simm.s32 $0x9000  }
0xba: {  	[tilespmem:s11], [sflag:$0x2] =	stream.linear.gather [hbm4b:s10+s7], $0x1000, $0x38;
	[tilespmem:$0x1DE80] =	vst v63  }
0xbb: {  	s12 =	rddreg [dreg:$0x10];
	s13 =	simm.s32 $0xA080  }
0xbc: {  	[tilespmem:s13], [sflag:$0x2] =	stream.linear.gather [hbm4b:s12+s7], $0x40, $0x38;
	[tilespmem:$0x1DE80] =	vst v63  }
.LBB2_12:
0xbd: {  	s7 =	sadd.s32 $0x1, s7  }
0xbe: {  	p1 =	sne.s32 s7, $0x4F  }
.Ltmp4:
0xbf: {  	_ = 	snop;
	(pc) =	sbr.rel @!p1 .LBB2_13-.Ltmp4, $1  }
0xc0: {  	_ =	sdelay $0x3  }
.LBB2_4:
0xc1: {  	s9 =	sshll.u32 s7, $0x6  }
0xc2: {  	p1 =	sge.u32 s9, s21  }
.Ltmp5:
0xc3: {  	_ = 	snop;
	(pc) =	sbr.rel @p1 .LBB2_8-.Ltmp5, $1  }
0xc4: {  	_ =	sdelay $0x3  }
0xc5: {  	_ =	swait.ge [sflag:s19], $0x2000  }
0xc6: {  	[sflag:s19] =	ssyncset.done $0x0  }
0xc7: {  	[sflag:s19] =	ssyncadd.s32 $0xFFFFE000  }
0xc8: {  	_ =	swait.ge [sflag:s19], $0x1000  }
0xc9: {  	[sflag:s19] =	ssyncset.done $0x0  }
0xca: {  	[sflag:s19] =	ssyncadd.s32 $0xFFFFF000  }
0xcb: {  	_ =	swait.ge [sflag:s19], $0x40  }
0xcc: {  	p1 =	seq.s32 s7, $0x0;
	[sflag:s19] =	ssyncset.done $0x0  }
0xcd: {  	s10 =	simm.s32 @!p1 $0x3;
	[sflag:s19] =	ssyncadd.s32 $0xFFFFFFC0  }
0xce: {  	_ =	swait.ge @!p1 [sflag:s10], $0x2000  }
0xcf: {  	[sflag:s10] =	ssyncset.done @!p1 $0x0  }
0xd0: {  	s11 =	simm.s32 $0x8080;
	[sflag:s10] =	ssyncadd.s32 @!p1 $0xFFFFE000;
	s10 =	simm.s32 $0x0  }
.LBB2_6:
0xd1: {  	v13 =	vld [tilespmem:s11+$0xFFFFFF80];
	_ =	sdelay $0x4  }
0xd2: {  	v27 =	vperm.xlane v13, v1;
	v30 =	vperm.xlane v13, v2  }
0xd3: {  	v17 =	vld [tilespmem:s11+$0x0];
	v28 =	vperm.xlane v13, v3;
	v22 =	vperm.xlane v13, v4  }
0xd4: {  	v23 =	vperm.xlane v13, v5;
	v14 =	vperm.xlane v13, v6  }
0xd5: {  	v33 =	vperm.xlane v13, v7;
	v34 =	vperm.xlane v13, v8  }
0xd6: {  	v25 =	vperm.xlane v13, v9;
	v26 =	vperm.xlane v13, v10  }
0xd7: {  	v18 =	vperm.xlane v13, v11;
	v13 =	vperm.xlane v13, v12  }
0xd8: {  	v37 =	vld [tilespmem:$0xA200];
	v29 =	vperm.xlane v17, v1;
	v31 =	vperm.xlane v17, v2  }
0xd9: {  	v38 =	vld [tilespmem:$0xA280];
	v21 =	vperm.xlane v17, v3;
	v19 =	vperm.xlane v17, v4  }
0xda: {  	v39 =	vld [tilespmem:$0xA300];
	v16 =	vperm.xlane v17, v5;
	v15 =	vperm.xlane v17, v6  }
0xdb: {  	v40 =	vld [tilespmem:$0xA380];
	v35 =	vperm.xlane v17, v7;
	v36 =	vperm.xlane v17, v8  }
0xdc: {  	v41 =	vld [tilespmem:$0xA400];
	v32 =	vperm.xlane v17, v9;
	v24 =	vperm.xlane v17, v10  }
0xdd: {  	v20 =	vperm.xlane v17, v11;
	v17 =	vperm.xlane v17, v12  }
0xde: {  	v42 =	vmul.f32 v37, v27;
	v43 =	vmul.f32 v38, v30  }
0xdf: {  	v60 =	vmul.f32 v39, v28;
	v44 =	vmul.f32 v37, v33  }
0xe0: {  	v45 =	vmul.f32 v38, v34;
	v61 =	vmul.f32 v40, v22  }
0xe1: {  	v46 =	vmul.f32 v41, v23;
	v62 =	vmul.f32 v39, v25  }
0xe2: {  	v48 =	vld [tilespmem:$0xA480];
	v47 =	vmul.f32 v40, v26;
	v63 =	vmul.f32 v37, v29  }
0xe3: {  	v49 =	vmul.f32 v38, v31;
	v37 =	vmul.f32 v37, v35  }
0xe4: {  	v38 =	vmul.f32 v38, v36;
	v50 =	vmul.f32 v39, v32;
	v42 =	vadd.f32 v43, v42  }
0xe5: {  	v51 =	vmul.f32 v41, v18;
	v52 =	vmul.f32 v40, v19;
	v44 =	vadd.f32 v45, v44  }
0xe6: {  	v43 =	vadd.f32 v49, v63;
	v49 =	vmul.f32 v39, v21;
	v42 =	vadd.f32 v60, v42  }
0xe7: {  	v53 =	vmul.f32 v48, v14;
	v37 =	vadd.f32 v38, v37;
	v44 =	vadd.f32 v62, v44  }
0xe8: {  	s12 =	sshra.s32 s10, $0x2;
	v55 =	vmul.f32 v40, v24;
	v43 =	vadd.f32 v49, v43;
	v42 =	vadd.f32 v61, v42  }
0xe9: {  	v54 =	vld [tilespmem:s12+$0x0];
	v57 =	vmul.f32 v41, v16;
	v37 =	vadd.f32 v50, v37;
	v44 =	vadd.f32 v47, v44  }
0xea: {  	v56 =	vld [tilespmem:s12+$0x80];
	v58 =	vmul.f32 v48, v13;
	v43 =	vadd.f32 v52, v43;
	v42 =	vadd.f32 v46, v42  }
0xeb: {  	v59 =	vld [tilespmem:s12+$0x100];
	v60 =	vmul.f32 v41, v20;
	v37 =	vadd.f32 v55, v37;
	v39 =	vadd.f32 v51, v44  }
0xec: {  	v63 =	vmul.f32 v48, v15;
	v50 =	vld [tilespmem:s12+$0x180];
	v62 =	vadd.f32 v57, v43;
	v61 =	vadd.f32 v53, v42  }
0xed: {  	v37 =	vadd.f32 v60, v37;
	v51 =	vmul.f32 v48, v17;
	v39 =	vadd.f32 v58, v39  }
0xee: {  	v42 =	vadd.f32 v63, v62;
	v41 =	vmul.f32 v61, v54  }
0xef: {  	v37 =	vadd.f32 v51, v37;
	v39 =	vmul.f32 v56, v39  }
0xf0: {  	v52 =	vmul.f32 v59, v42;
	[tilespmem:s12+$0x4000] =	vst v41  }
0xf1: {  	v37 =	vmul.f32 v50, v37;
	[tilespmem:s12+$0x4080] =	vst v39  }
0xf2: {  	[tilespmem:s12+$0x4100] =	vst v52  }
0xf3: {  	[tilespmem:s12+$0x4180] =	vst v37  }
0xf4: {  	v37 =	vld [tilespmem:$0xA210]  }
0xf5: {  	v38 =	vld [tilespmem:$0xA290]  }
0xf6: {  	v39 =	vld [tilespmem:$0xA310]  }
0xf7: {  	v40 =	vld [tilespmem:$0xA390]  }
0xf8: {  	v41 =	vld [tilespmem:$0xA410];
	_ =	sdelay $0x1  }
0xf9: {  	v53 =	vmul.f32 v37, v27;
	v54 =	vmul.f32 v38, v30  }
0xfa: {  	v55 =	vmul.f32 v39, v28;
	v56 =	vmul.f32 v37, v33  }
0xfb: {  	v57 =	vmul.f32 v38, v34;
	v58 =	vmul.f32 v40, v22  }
0xfc: {  	v59 =	vmul.f32 v41, v23;
	v60 =	vmul.f32 v39, v25  }
0xfd: {  	v48 =	vld [tilespmem:$0xA490];
	v61 =	vmul.f32 v40, v26;
	v62 =	vmul.f32 v37, v29  }
0xfe: {  	v63 =	vmul.f32 v38, v31;
	v37 =	vmul.f32 v37, v35  }
0xff: {  	v38 =	vmul.f32 v38, v36;
	v49 =	vmul.f32 v39, v21;
	v42 =	vadd.f32 v54, v53  }
0x100: {  	v50 =	vmul.f32 v39, v32;
	v51 =	vmul.f32 v41, v18;
	v44 =	vadd.f32 v57, v56  }
0x101: {  	v52 =	vmul.f32 v40, v19;
	v37 =	vadd.f32 v38, v37;
	v42 =	vadd.f32 v55, v42  }
0x102: {  	v43 =	vadd.f32 v63, v62;
	v53 =	vmul.f32 v48, v14;
	v44 =	vadd.f32 v60, v44  }
0x103: {  	v37 =	vadd.f32 v50, v37;
	v55 =	vmul.f32 v40, v24;
	v42 =	vadd.f32 v58, v42  }
0x104: {  	v54 =	vld [tilespmem:s12+$0x10];
	v57 =	vmul.f32 v41, v16;
	v43 =	vadd.f32 v49, v43;
	v44 =	vadd.f32 v61, v44  }
0x105: {  	v56 =	vld [tilespmem:s12+$0x90];
	v60 =	vmul.f32 v41, v20;
	v37 =	vadd.f32 v55, v37;
	v42 =	vadd.f32 v59, v42  }
0x106: {  	v50 =	vld [tilespmem:s12+$0x190];
	v43 =	vadd.f32 v52, v43;
	v58 =	vmul.f32 v48, v13;
	v39 =	vadd.f32 v51, v44  }
0x107: {  	v59 =	vld [tilespmem:s12+$0x110];
	v37 =	vadd.f32 v60, v37;
	v51 =	vmul.f32 v48, v17;
	v61 =	vadd.f32 v53, v42  }
0x108: {  	v63 =	vmul.f32 v48, v15;
	v62 =	vadd.f32 v57, v43;
	v39 =	vadd.f32 v58, v39  }
0x109: {  	v37 =	vadd.f32 v51, v37;
	v41 =	vmul.f32 v61, v54  }
0x10a: {  	v42 =	vadd.f32 v63, v62;
	v39 =	vmul.f32 v56, v39  }
0x10b: {  	v37 =	vmul.f32 v50, v37;
	[tilespmem:s12+$0x4010] =	vst v41  }
0x10c: {  	v52 =	vmul.f32 v59, v42;
	[tilespmem:s12+$0x4090] =	vst v39  }
0x10d: {  	[tilespmem:s12+$0x4190] =	vst v37  }
0x10e: {  	[tilespmem:s12+$0x4110] =	vst v52  }
0x10f: {  	v37 =	vld [tilespmem:$0xA220]  }
0x110: {  	v38 =	vld [tilespmem:$0xA2A0]  }
0x111: {  	v39 =	vld [tilespmem:$0xA320]  }
0x112: {  	v40 =	vld [tilespmem:$0xA3A0]  }
0x113: {  	v41 =	vld [tilespmem:$0xA420];
	_ =	sdelay $0x1  }
0x114: {  	v53 =	vmul.f32 v37, v27;
	v54 =	vmul.f32 v38, v30  }
0x115: {  	v55 =	vmul.f32 v39, v28;
	v56 =	vmul.f32 v37, v33  }
0x116: {  	v57 =	vmul.f32 v38, v34;
	v58 =	vmul.f32 v40, v22  }
0x117: {  	v59 =	vmul.f32 v41, v23;
	v60 =	vmul.f32 v39, v25  }
0x118: {  	v48 =	vld [tilespmem:$0xA4A0];
	v61 =	vmul.f32 v40, v26;
	v62 =	vmul.f32 v37, v29  }
0x119: {  	v63 =	vmul.f32 v38, v31;
	v37 =	vmul.f32 v37, v35  }
0x11a: {  	v38 =	vmul.f32 v38, v36;
	v49 =	vmul.f32 v39, v21;
	v42 =	vadd.f32 v54, v53  }
0x11b: {  	v50 =	vmul.f32 v39, v32;
	v51 =	vmul.f32 v41, v18;
	v44 =	vadd.f32 v57, v56  }
0x11c: {  	v52 =	vmul.f32 v40, v19;
	v37 =	vadd.f32 v38, v37;
	v42 =	vadd.f32 v55, v42  }
0x11d: {  	v43 =	vadd.f32 v63, v62;
	v53 =	vmul.f32 v48, v14;
	v44 =	vadd.f32 v60, v44  }
0x11e: {  	v37 =	vadd.f32 v50, v37;
	v55 =	vmul.f32 v40, v24;
	v42 =	vadd.f32 v58, v42  }
0x11f: {  	v54 =	vld [tilespmem:s12+$0x20];
	v57 =	vmul.f32 v41, v16;
	v43 =	vadd.f32 v49, v43;
	v44 =	vadd.f32 v61, v44  }
0x120: {  	v56 =	vld [tilespmem:s12+$0xA0];
	v60 =	vmul.f32 v41, v20;
	v37 =	vadd.f32 v55, v37;
	v42 =	vadd.f32 v59, v42  }
0x121: {  	v50 =	vld [tilespmem:s12+$0x1A0];
	v43 =	vadd.f32 v52, v43;
	v58 =	vmul.f32 v48, v13;
	v39 =	vadd.f32 v51, v44  }
0x122: {  	v59 =	vld [tilespmem:s12+$0x120];
	v37 =	vadd.f32 v60, v37;
	v51 =	vmul.f32 v48, v17;
	v61 =	vadd.f32 v53, v42  }
0x123: {  	v63 =	vmul.f32 v48, v15;
	v62 =	vadd.f32 v57, v43;
	v39 =	vadd.f32 v58, v39  }
0x124: {  	v37 =	vadd.f32 v51, v37;
	v41 =	vmul.f32 v61, v54  }
0x125: {  	v42 =	vadd.f32 v63, v62;
	v39 =	vmul.f32 v56, v39  }
0x126: {  	v37 =	vmul.f32 v50, v37;
	[tilespmem:s12+$0x4020] =	vst v41  }
0x127: {  	v52 =	vmul.f32 v59, v42;
	[tilespmem:s12+$0x40A0] =	vst v39  }
0x128: {  	[tilespmem:s12+$0x41A0] =	vst v37  }
0x129: {  	[tilespmem:s12+$0x4120] =	vst v52  }
0x12a: {  	v37 =	vld [tilespmem:$0xA230]  }
0x12b: {  	v38 =	vld [tilespmem:$0xA2B0]  }
0x12c: {  	v39 =	vld [tilespmem:$0xA330]  }
0x12d: {  	v40 =	vld [tilespmem:$0xA3B0]  }
0x12e: {  	v41 =	vld [tilespmem:$0xA430];
	_ =	sdelay $0x1  }
0x12f: {  	v53 =	vmul.f32 v37, v27;
	v54 =	vmul.f32 v38, v30  }
0x130: {  	v55 =	vmul.f32 v39, v28;
	v56 =	vmul.f32 v37, v33  }
0x131: {  	v57 =	vmul.f32 v38, v34;
	v58 =	vmul.f32 v40, v22  }
0x132: {  	v59 =	vmul.f32 v41, v23;
	v60 =	vmul.f32 v39, v25  }
0x133: {  	v48 =	vld [tilespmem:$0xA4B0];
	v61 =	vmul.f32 v40, v26;
	v62 =	vmul.f32 v37, v29  }
0x134: {  	v63 =	vmul.f32 v38, v31;
	v37 =	vmul.f32 v37, v35  }
0x135: {  	v38 =	vmul.f32 v38, v36;
	v49 =	vmul.f32 v39, v21;
	v42 =	vadd.f32 v54, v53  }
0x136: {  	v50 =	vmul.f32 v39, v32;
	v51 =	vmul.f32 v41, v18;
	v44 =	vadd.f32 v57, v56  }
0x137: {  	v52 =	vmul.f32 v40, v19;
	v37 =	vadd.f32 v38, v37;
	v42 =	vadd.f32 v55, v42  }
0x138: {  	v43 =	vadd.f32 v63, v62;
	v53 =	vmul.f32 v48, v14;
	v44 =	vadd.f32 v60, v44  }
0x139: {  	v37 =	vadd.f32 v50, v37;
	v55 =	vmul.f32 v40, v24;
	v42 =	vadd.f32 v58, v42  }
0x13a: {  	v54 =	vld [tilespmem:s12+$0x30];
	v57 =	vmul.f32 v41, v16;
	v43 =	vadd.f32 v49, v43;
	v44 =	vadd.f32 v61, v44  }
0x13b: {  	v56 =	vld [tilespmem:s12+$0xB0];
	v60 =	vmul.f32 v41, v20;
	v37 =	vadd.f32 v55, v37;
	v42 =	vadd.f32 v59, v42  }
0x13c: {  	v50 =	vld [tilespmem:s12+$0x1B0];
	v43 =	vadd.f32 v52, v43;
	v58 =	vmul.f32 v48, v13;
	v39 =	vadd.f32 v51, v44  }
0x13d: {  	v59 =	vld [tilespmem:s12+$0x130];
	v37 =	vadd.f32 v60, v37;
	v51 =	vmul.f32 v48, v17;
	v61 =	vadd.f32 v53, v42  }
0x13e: {  	v63 =	vmul.f32 v48, v15;
	v62 =	vadd.f32 v57, v43;
	v39 =	vadd.f32 v58, v39  }
0x13f: {  	v37 =	vadd.f32 v51, v37;
	v41 =	vmul.f32 v61, v54  }
0x140: {  	v42 =	vadd.f32 v63, v62;
	v39 =	vmul.f32 v56, v39  }
0x141: {  	v37 =	vmul.f32 v50, v37;
	[tilespmem:s12+$0x4030] =	vst v41  }
0x142: {  	v52 =	vmul.f32 v59, v42;
	[tilespmem:s12+$0x40B0] =	vst v39  }
0x143: {  	[tilespmem:s12+$0x41B0] =	vst v37  }
0x144: {  	[tilespmem:s12+$0x4130] =	vst v52  }
0x145: {  	v37 =	vld [tilespmem:$0xA240]  }
0x146: {  	v38 =	vld [tilespmem:$0xA2C0]  }
0x147: {  	v39 =	vld [tilespmem:$0xA340]  }
0x148: {  	v40 =	vld [tilespmem:$0xA3C0]  }
0x149: {  	v41 =	vld [tilespmem:$0xA440];
	_ =	sdelay $0x1  }
0x14a: {  	v53 =	vmul.f32 v37, v27;
	v54 =	vmul.f32 v38, v30  }
0x14b: {  	v55 =	vmul.f32 v39, v28;
	v56 =	vmul.f32 v37, v33  }
0x14c: {  	v57 =	vmul.f32 v38, v34;
	v58 =	vmul.f32 v40, v22  }
0x14d: {  	v59 =	vmul.f32 v41, v23;
	v60 =	vmul.f32 v39, v25  }
0x14e: {  	v48 =	vld [tilespmem:$0xA4C0];
	v61 =	vmul.f32 v40, v26;
	v62 =	vmul.f32 v37, v29  }
0x14f: {  	v63 =	vmul.f32 v38, v31;
	v37 =	vmul.f32 v37, v35  }
0x150: {  	v38 =	vmul.f32 v38, v36;
	v49 =	vmul.f32 v39, v21;
	v42 =	vadd.f32 v54, v53  }
0x151: {  	v50 =	vmul.f32 v39, v32;
	v51 =	vmul.f32 v41, v18;
	v44 =	vadd.f32 v57, v56  }
0x152: {  	v52 =	vmul.f32 v40, v19;
	v37 =	vadd.f32 v38, v37;
	v42 =	vadd.f32 v55, v42  }
0x153: {  	v43 =	vadd.f32 v63, v62;
	v53 =	vmul.f32 v48, v14;
	v44 =	vadd.f32 v60, v44  }
0x154: {  	v37 =	vadd.f32 v50, v37;
	v55 =	vmul.f32 v40, v24;
	v42 =	vadd.f32 v58, v42  }
0x155: {  	v54 =	vld [tilespmem:s12+$0x40];
	v57 =	vmul.f32 v41, v16;
	v43 =	vadd.f32 v49, v43;
	v44 =	vadd.f32 v61, v44  }
0x156: {  	v56 =	vld [tilespmem:s12+$0xC0];
	v60 =	vmul.f32 v41, v20;
	v37 =	vadd.f32 v55, v37;
	v42 =	vadd.f32 v59, v42  }
0x157: {  	v50 =	vld [tilespmem:s12+$0x1C0];
	v43 =	vadd.f32 v52, v43;
	v58 =	vmul.f32 v48, v13;
	v39 =	vadd.f32 v51, v44  }
0x158: {  	v59 =	vld [tilespmem:s12+$0x140];
	v37 =	vadd.f32 v60, v37;
	v51 =	vmul.f32 v48, v17;
	v61 =	vadd.f32 v53, v42  }
0x159: {  	v63 =	vmul.f32 v48, v15;
	v62 =	vadd.f32 v57, v43;
	v39 =	vadd.f32 v58, v39  }
0x15a: {  	v37 =	vadd.f32 v51, v37;
	v41 =	vmul.f32 v61, v54  }
0x15b: {  	v42 =	vadd.f32 v63, v62;
	v39 =	vmul.f32 v56, v39  }
0x15c: {  	v37 =	vmul.f32 v50, v37;
	[tilespmem:s12+$0x4040] =	vst v41  }
0x15d: {  	v52 =	vmul.f32 v59, v42;
	[tilespmem:s12+$0x40C0] =	vst v39  }
0x15e: {  	[tilespmem:s12+$0x41C0] =	vst v37  }
0x15f: {  	[tilespmem:s12+$0x4140] =	vst v52  }
0x160: {  	v37 =	vld [tilespmem:$0xA250]  }
0x161: {  	v38 =	vld [tilespmem:$0xA2D0]  }
0x162: {  	v39 =	vld [tilespmem:$0xA350]  }
0x163: {  	v40 =	vld [tilespmem:$0xA3D0]  }
0x164: {  	v41 =	vld [tilespmem:$0xA450];
	_ =	sdelay $0x1  }
0x165: {  	v53 =	vmul.f32 v37, v27;
	v54 =	vmul.f32 v38, v30  }
0x166: {  	v55 =	vmul.f32 v39, v28;
	v56 =	vmul.f32 v37, v33  }
0x167: {  	v57 =	vmul.f32 v38, v34;
	v58 =	vmul.f32 v40, v22  }
0x168: {  	v59 =	vmul.f32 v41, v23;
	v60 =	vmul.f32 v39, v25  }
0x169: {  	v48 =	vld [tilespmem:$0xA4D0];
	v61 =	vmul.f32 v40, v26;
	v62 =	vmul.f32 v37, v29  }
0x16a: {  	v63 =	vmul.f32 v38, v31;
	v37 =	vmul.f32 v37, v35  }
0x16b: {  	v38 =	vmul.f32 v38, v36;
	v49 =	vmul.f32 v39, v21;
	v42 =	vadd.f32 v54, v53  }
0x16c: {  	v50 =	vmul.f32 v39, v32;
	v51 =	vmul.f32 v41, v18;
	v44 =	vadd.f32 v57, v56  }
0x16d: {  	v52 =	vmul.f32 v40, v19;
	v37 =	vadd.f32 v38, v37;
	v42 =	vadd.f32 v55, v42  }
0x16e: {  	v43 =	vadd.f32 v63, v62;
	v53 =	vmul.f32 v48, v14;
	v44 =	vadd.f32 v60, v44  }
0x16f: {  	v37 =	vadd.f32 v50, v37;
	v55 =	vmul.f32 v40, v24;
	v42 =	vadd.f32 v58, v42  }
0x170: {  	v54 =	vld [tilespmem:s12+$0x50];
	v57 =	vmul.f32 v41, v16;
	v43 =	vadd.f32 v49, v43;
	v44 =	vadd.f32 v61, v44  }
0x171: {  	v56 =	vld [tilespmem:s12+$0xD0];
	v60 =	vmul.f32 v41, v20;
	v37 =	vadd.f32 v55, v37;
	v42 =	vadd.f32 v59, v42  }
0x172: {  	v50 =	vld [tilespmem:s12+$0x1D0];
	v43 =	vadd.f32 v52, v43;
	v58 =	vmul.f32 v48, v13;
	v39 =	vadd.f32 v51, v44  }
0x173: {  	v59 =	vld [tilespmem:s12+$0x150];
	v37 =	vadd.f32 v60, v37;
	v51 =	vmul.f32 v48, v17;
	v61 =	vadd.f32 v53, v42  }
0x174: {  	v63 =	vmul.f32 v48, v15;
	v62 =	vadd.f32 v57, v43;
	v39 =	vadd.f32 v58, v39  }
0x175: {  	v37 =	vadd.f32 v51, v37;
	v41 =	vmul.f32 v61, v54  }
0x176: {  	v42 =	vadd.f32 v63, v62;
	v39 =	vmul.f32 v56, v39  }
0x177: {  	v37 =	vmul.f32 v50, v37;
	[tilespmem:s12+$0x4050] =	vst v41  }
0x178: {  	v52 =	vmul.f32 v59, v42;
	[tilespmem:s12+$0x40D0] =	vst v39  }
0x179: {  	[tilespmem:s12+$0x41D0] =	vst v37  }
0x17a: {  	[tilespmem:s12+$0x4150] =	vst v52  }
0x17b: {  	v37 =	vld [tilespmem:$0xA260]  }
0x17c: {  	v38 =	vld [tilespmem:$0xA2E0]  }
0x17d: {  	v39 =	vld [tilespmem:$0xA360]  }
0x17e: {  	v40 =	vld [tilespmem:$0xA3E0]  }
0x17f: {  	v41 =	vld [tilespmem:$0xA460];
	_ =	sdelay $0x1  }
0x180: {  	v53 =	vmul.f32 v37, v27;
	v54 =	vmul.f32 v38, v30  }
0x181: {  	v55 =	vmul.f32 v39, v28;
	v56 =	vmul.f32 v37, v33  }
0x182: {  	v57 =	vmul.f32 v38, v34;
	v58 =	vmul.f32 v40, v22  }
0x183: {  	v59 =	vmul.f32 v41, v23;
	v60 =	vmul.f32 v39, v25  }
0x184: {  	v61 =	vmul.f32 v40, v26;
	v62 =	vmul.f32 v37, v29  }
0x185: {  	v63 =	vmul.f32 v38, v31;
	v37 =	vmul.f32 v37, v35  }
0x186: {  	v48 =	vld [tilespmem:$0xA4E0];
	v38 =	vmul.f32 v38, v36;
	v50 =	vmul.f32 v39, v21;
	v42 =	vadd.f32 v54, v53  }
0x187: {  	v51 =	vmul.f32 v39, v32;
	v44 =	vadd.f32 v57, v56;
	v43 =	vadd.f32 v63, v62  }
0x188: {  	v52 =	vmul.f32 v41, v18;
	v37 =	vadd.f32 v38, v37;
	v42 =	vadd.f32 v55, v42  }
0x189: {  	v53 =	vmul.f32 v40, v19;
	v44 =	vadd.f32 v60, v44;
	v43 =	vadd.f32 v50, v43  }
0x18a: {  	v56 =	vmul.f32 v40, v24;
	v37 =	vadd.f32 v51, v37;
	v42 =	vadd.f32 v58, v42  }
0x18b: {  	v54 =	vmul.f32 v48, v14;
	v55 =	vld [tilespmem:s12+$0x60];
	v44 =	vadd.f32 v61, v44;
	v43 =	vadd.f32 v53, v43  }
0x18c: {  	v57 =	vld [tilespmem:s12+$0xE0];
	v58 =	vmul.f32 v41, v16;
	v37 =	vadd.f32 v56, v37;
	v42 =	vadd.f32 v59, v42  }
0x18d: {  	v60 =	vld [tilespmem:s12+$0x160];
	v41 =	vmul.f32 v41, v20;
	v39 =	vadd.f32 v52, v44;
	v59 =	vmul.f32 v48, v13  }
0x18e: {  	v62 =	vld [tilespmem:s12+$0x1E0];
	v61 =	vmul.f32 v48, v15;
	v43 =	vadd.f32 v58, v43;
	v42 =	vadd.f32 v54, v42  }
0x18f: {  	v63 =	vmul.f32 v48, v17;
	v37 =	vadd.f32 v41, v37;
	v39 =	vadd.f32 v59, v39  }
0x190: {  	v43 =	vadd.f32 v61, v43;
	v42 =	vmul.f32 v42, v55  }
0x191: {  	v37 =	vadd.f32 v63, v37;
	v39 =	vmul.f32 v57, v39  }
0x192: {  	v38 =	vmul.f32 v60, v43;
	[tilespmem:s12+$0x4060] =	vst v42  }
0x193: {  	v37 =	vmul.f32 v62, v37;
	[tilespmem:s12+$0x40E0] =	vst v39  }
0x194: {  	[tilespmem:s12+$0x4160] =	vst v38  }
0x195: {  	[tilespmem:s12+$0x41E0] =	vst v37  }
0x196: {  	v37 =	vld [tilespmem:$0xA270]  }
0x197: {  	v38 =	vld [tilespmem:$0xA2F0]  }
0x198: {  	v39 =	vld [tilespmem:$0xA370]  }
0x199: {  	v45 =	vld [tilespmem:$0xA3F0]  }
0x19a: {  	v46 =	vld [tilespmem:$0xA470];
	_ =	sdelay $0x1  }
0x19b: {  	v27 =	vmul.f32 v37, v27;
	v30 =	vmul.f32 v38, v30  }
0x19c: {  	v28 =	vmul.f32 v39, v28;
	v47 =	vmul.f32 v37, v33  }
0x19d: {  	v48 =	vmul.f32 v38, v34;
	v22 =	vmul.f32 v45, v22  }
0x19e: {  	v23 =	vmul.f32 v46, v23;
	v25 =	vmul.f32 v39, v25  }
0x19f: {  	v50 =	vld [tilespmem:$0xA4F0];
	v26 =	vmul.f32 v45, v26;
	v51 =	vmul.f32 v37, v29  }
0x1a0: {  	v52 =	vmul.f32 v38, v31;
	v53 =	vmul.f32 v37, v35  }
0x1a1: {  	v54 =	vmul.f32 v38, v36;
	v21 =	vmul.f32 v39, v21;
	v27 =	vadd.f32 v30, v27  }
0x1a2: {  	v57 =	vmul.f32 v39, v32;
	v18 =	vmul.f32 v46, v18;
	v49 =	vadd.f32 v48, v47  }
0x1a3: {  	v19 =	vmul.f32 v45, v19;
	v55 =	vadd.f32 v52, v51;
	v27 =	vadd.f32 v28, v27  }
0x1a4: {  	v14 =	vmul.f32 v50, v14;
	v56 =	vadd.f32 v54, v53;
	v25 =	vadd.f32 v25, v49  }
0x1a5: {  	v24 =	vmul.f32 v45, v24;
	v21 =	vadd.f32 v21, v55;
	v22 =	vadd.f32 v22, v27  }
0x1a6: {  	v58 =	vld [tilespmem:s12+$0x70];
	v16 =	vmul.f32 v46, v16;
	v25 =	vadd.f32 v26, v25;
	v26 =	vadd.f32 v57, v56  }
0x1a7: {  	v59 =	vld [tilespmem:s12+$0xF0];
	v13 =	vmul.f32 v50, v13;
	v19 =	vadd.f32 v19, v21;
	v22 =	vadd.f32 v23, v22  }
0x1a8: {  	v60 =	vld [tilespmem:s12+$0x170];
	v20 =	vmul.f32 v46, v20;
	v18 =	vadd.f32 v18, v25;
	v24 =	vadd.f32 v24, v26  }
0x1a9: {  	v61 =	vld [tilespmem:s12+$0x1F0];
	v15 =	vmul.f32 v50, v15;
	v16 =	vadd.f32 v16, v19;
	v14 =	vadd.f32 v14, v22  }
0x1aa: {  	v17 =	vmul.f32 v50, v17;
	v13 =	vadd.f32 v13, v18;
	v62 =	vadd.f32 v20, v24  }
0x1ab: {  	p1 =	sne.s32 s10, $0x7800;
	v15 =	vadd.f32 v15, v16;
	v14 =	vmul.f32 v14, v58  }
.Ltmp6:
0x1ac: {  	v13 =	vmul.f32 v59, v13;
	v63 =	vadd.f32 v17, v62;
	(pc) =	sbr.rel @p1 .LBB2_6-.Ltmp6, $4  }
0x1ad: {  	[tilespmem:s12+$0x4070] =	vst v14;
	v14 =	vmul.f32 v60, v15  }
0x1ae: {  	[tilespmem:s12+$0x40F0] =	vst v13;
	v13 =	vmul.f32 v61, v63  }
0x1af: {  	[tilespmem:s12+$0x4170] =	vst v14  }
0x1b0: {  	s11 =	sadd.s32 $0x100, s11;
	s10 =	sadd.s32 $0x800, s10;
	[tilespmem:s12+$0x41F0] =	vst v13  }
0x1b1: {  	v13 =	vld [tilespmem:$0xA000]  }
0x1b2: {  	v14 =	vld [tilespmem:$0xA010]  }
0x1b3: {  	v15 =	vld [tilespmem:$0xA020]  }
0x1b4: {  	v16 =	vld [tilespmem:$0xA030];
	_ =	sdelay $0x1  }
0x1b5: {  	[tilespmem:$0xA100] =	vst v13  }
0x1b6: {  	s10 =	sadd.s32 s31, s9;
	[tilespmem:$0xA110] =	vst v14  }
0x1b7: {  	p1 =	sgt.u32 s10, $0x1387;
	[tilespmem:$0xA120] =	vst v15  }
0x1b8: {  	s11 =	sshll.u32 @!p1 s10, $0xA;
	[tilespmem:$0xA130] =	vst v16  }
0x1b9: {  	[spmem:s3] =	stream.indirect.scatter.add.f32 [tilespmem:s24], [sflag:$0x3], $0x80, s23, s20, $0xb8;
	[tilespmem:$0x1DE80] =	vst v63  }
0x1ba: {  	s12 =	simm.s32 @!p1 $0x0;
	s11 =	sadd.s32 @!p1 s1, s11  }
0x1bb: {  	[tilespmem:s12], [sflag:$0x1] =	stream.linear.gather @!p1 [hbm4b:s11+s12], $0x2000, $0x38;
	[tilespmem:$0x1DE80] =	vst v63  }
0x1bc: {  	s11 =	sshll.u32 @!p1 s10, $0x9  }
0x1bd: {  	s13 =	simm.s32 @!p1 $0x8000;
	s10 =	sshll.u32 @!p1 s10, $0x3;
	s11 =	sadd.s32 @!p1 s6, s11  }
0x1be: {  	[tilespmem:s13], [sflag:$0x1] =	stream.linear.gather @!p1 [hbm4b:s11+s12], $0x1000, $0x38;
	[tilespmem:$0x1DE80] =	vst v63  }
0x1bf: {  	s10 =	sadd.s32 @!p1 s2, s10;
	s11 =	simm.s32 @!p1 $0xA000  }
0x1c0: {  	[tilespmem:s11], [sflag:$0x1] =	stream.linear.gather @!p1 [hbm4b:s10+s12], $0x40, $0x38;
	[tilespmem:$0x1DE80] =	vst v63  }
.LBB2_8:
0x1c1: {  	p1 =	sge.u32 s9, s22  }
.Ltmp7:
0x1c2: {  	_ = 	snop;
	(pc) =	sbr.rel @p1 .LBB2_12-.Ltmp7, $1  }
0x1c3: {  	_ =	sdelay $0x3  }
0x1c4: {  	_ =	swait.ge [sflag:s25], $0x2000  }
0x1c5: {  	[sflag:s25] =	ssyncset.done $0x0  }
0x1c6: {  	[sflag:s25] =	ssyncadd.s32 $0xFFFFE000  }
0x1c7: {  	_ =	swait.ge [sflag:s25], $0x1000  }
0x1c8: {  	[sflag:s25] =	ssyncset.done $0x0  }
0x1c9: {  	[sflag:s25] =	ssyncadd.s32 $0xFFFFF000  }
0x1ca: {  	_ =	swait.ge [sflag:s25], $0x40  }
0x1cb: {  	p1 =	seq.s32 s7, $0x0;
	[sflag:s25] =	ssyncset.done $0x0  }
0x1cc: {  	s10 =	simm.s32 @!p1 $0x4;
	[sflag:s25] =	ssyncadd.s32 $0xFFFFFFC0  }
0x1cd: {  	_ =	swait.ge @!p1 [sflag:s10], $0x2000  }
0x1ce: {  	[sflag:s10] =	ssyncset.done @!p1 $0x0  }
0x1cf: {  	s11 =	simm.s32 $0x9080;
	[sflag:s10] =	ssyncadd.s32 @!p1 $0xFFFFE000;
	s10 =	simm.s32 $0x0  }
.LBB2_10:
0x1d0: {  	v13 =	vld [tilespmem:s11+$0xFFFFFF80];
	_ =	sdelay $0x4  }
0x1d1: {  	v27 =	vperm.xlane v13, v1;
	v30 =	vperm.xlane v13, v2  }
0x1d2: {  	v17 =	vld [tilespmem:s11+$0x0];
	v28 =	vperm.xlane v13, v3;
	v22 =	vperm.xlane v13, v4  }
0x1d3: {  	v23 =	vperm.xlane v13, v5;
	v14 =	vperm.xlane v13, v6  }
0x1d4: {  	v33 =	vperm.xlane v13, v7;
	v34 =	vperm.xlane v13, v8  }
0x1d5: {  	v25 =	vperm.xlane v13, v9;
	v26 =	vperm.xlane v13, v10  }
0x1d6: {  	v18 =	vperm.xlane v13, v11;
	v13 =	vperm.xlane v13, v12  }
0x1d7: {  	v37 =	vld [tilespmem:$0xA200];
	v29 =	vperm.xlane v17, v1;
	v31 =	vperm.xlane v17, v2  }
0x1d8: {  	v38 =	vld [tilespmem:$0xA280];
	v21 =	vperm.xlane v17, v3;
	v19 =	vperm.xlane v17, v4  }
0x1d9: {  	v39 =	vld [tilespmem:$0xA300];
	v16 =	vperm.xlane v17, v5;
	v15 =	vperm.xlane v17, v6  }
0x1da: {  	v40 =	vld [tilespmem:$0xA380];
	v35 =	vperm.xlane v17, v7;
	v36 =	vperm.xlane v17, v8  }
0x1db: {  	v41 =	vld [tilespmem:$0xA400];
	v32 =	vperm.xlane v17, v9;
	v24 =	vperm.xlane v17, v10  }
0x1dc: {  	v20 =	vperm.xlane v17, v11;
	v17 =	vperm.xlane v17, v12  }
0x1dd: {  	v42 =	vmul.f32 v37, v27;
	v43 =	vmul.f32 v38, v30  }
0x1de: {  	v60 =	vmul.f32 v39, v28;
	v44 =	vmul.f32 v37, v33  }
0x1df: {  	v45 =	vmul.f32 v38, v34;
	v61 =	vmul.f32 v40, v22  }
0x1e0: {  	v46 =	vmul.f32 v41, v23;
	v62 =	vmul.f32 v39, v25  }
0x1e1: {  	v48 =	vld [tilespmem:$0xA480];
	v47 =	vmul.f32 v40, v26;
	v63 =	vmul.f32 v37, v29  }
0x1e2: {  	v49 =	vmul.f32 v38, v31;
	v37 =	vmul.f32 v37, v35  }
0x1e3: {  	v38 =	vmul.f32 v38, v36;
	v50 =	vmul.f32 v39, v32;
	v42 =	vadd.f32 v43, v42  }
0x1e4: {  	v51 =	vmul.f32 v41, v18;
	v52 =	vmul.f32 v40, v19;
	v44 =	vadd.f32 v45, v44  }
0x1e5: {  	v43 =	vadd.f32 v49, v63;
	v49 =	vmul.f32 v39, v21;
	v42 =	vadd.f32 v60, v42  }
0x1e6: {  	v53 =	vmul.f32 v48, v14;
	v37 =	vadd.f32 v38, v37;
	v44 =	vadd.f32 v62, v44  }
0x1e7: {  	s12 =	sshra.s32 s10, $0x2;
	v55 =	vmul.f32 v40, v24;
	v43 =	vadd.f32 v49, v43;
	v42 =	vadd.f32 v61, v42  }
0x1e8: {  	v54 =	vld [tilespmem:s12+$0x2000];
	v57 =	vmul.f32 v41, v16;
	v37 =	vadd.f32 v50, v37;
	v44 =	vadd.f32 v47, v44  }
0x1e9: {  	v56 =	vld [tilespmem:s12+$0x2080];
	v58 =	vmul.f32 v48, v13;
	v43 =	vadd.f32 v52, v43;
	v42 =	vadd.f32 v46, v42  }
0x1ea: {  	v59 =	vld [tilespmem:s12+$0x2100];
	v60 =	vmul.f32 v41, v20;
	v37 =	vadd.f32 v55, v37;
	v39 =	vadd.f32 v51, v44  }
0x1eb: {  	v63 =	vmul.f32 v48, v15;
	v50 =	vld [tilespmem:s12+$0x2180];
	v62 =	vadd.f32 v57, v43;
	v61 =	vadd.f32 v53, v42  }
0x1ec: {  	v37 =	vadd.f32 v60, v37;
	v51 =	vmul.f32 v48, v17;
	v39 =	vadd.f32 v58, v39  }
0x1ed: {  	v42 =	vadd.f32 v63, v62;
	v41 =	vmul.f32 v61, v54  }
0x1ee: {  	v37 =	vadd.f32 v51, v37;
	v39 =	vmul.f32 v56, v39  }
0x1ef: {  	v52 =	vmul.f32 v59, v42;
	[tilespmem:s12+$0x6000] =	vst v41  }
0x1f0: {  	v37 =	vmul.f32 v50, v37;
	[tilespmem:s12+$0x6080] =	vst v39  }
0x1f1: {  	[tilespmem:s12+$0x6100] =	vst v52  }
0x1f2: {  	[tilespmem:s12+$0x6180] =	vst v37  }
0x1f3: {  	v37 =	vld [tilespmem:$0xA210]  }
0x1f4: {  	v38 =	vld [tilespmem:$0xA290]  }
0x1f5: {  	v39 =	vld [tilespmem:$0xA310]  }
0x1f6: {  	v40 =	vld [tilespmem:$0xA390]  }
0x1f7: {  	v41 =	vld [tilespmem:$0xA410];
	_ =	sdelay $0x1  }
0x1f8: {  	v53 =	vmul.f32 v37, v27;
	v54 =	vmul.f32 v38, v30  }
0x1f9: {  	v55 =	vmul.f32 v39, v28;
	v56 =	vmul.f32 v37, v33  }
0x1fa: {  	v57 =	vmul.f32 v38, v34;
	v58 =	vmul.f32 v40, v22  }
0x1fb: {  	v59 =	vmul.f32 v41, v23;
	v60 =	vmul.f32 v39, v25  }
0x1fc: {  	v48 =	vld [tilespmem:$0xA490];
	v61 =	vmul.f32 v40, v26;
	v62 =	vmul.f32 v37, v29  }
0x1fd: {  	v63 =	vmul.f32 v38, v31;
	v37 =	vmul.f32 v37, v35  }
0x1fe: {  	v38 =	vmul.f32 v38, v36;
	v49 =	vmul.f32 v39, v21;
	v42 =	vadd.f32 v54, v53  }
0x1ff: {  	v50 =	vmul.f32 v39, v32;
	v51 =	vmul.f32 v41, v18;
	v44 =	vadd.f32 v57, v56  }
0x200: {  	v52 =	vmul.f32 v40, v19;
	v37 =	vadd.f32 v38, v37;
	v42 =	vadd.f32 v55, v42  }
0x201: {  	v43 =	vadd.f32 v63, v62;
	v53 =	vmul.f32 v48, v14;
	v44 =	vadd.f32 v60, v44  }
0x202: {  	v37 =	vadd.f32 v50, v37;
	v55 =	vmul.f32 v40, v24;
	v42 =	vadd.f32 v58, v42  }
0x203: {  	v54 =	vld [tilespmem:s12+$0x2010];
	v57 =	vmul.f32 v41, v16;
	v43 =	vadd.f32 v49, v43;
	v44 =	vadd.f32 v61, v44  }
0x204: {  	v56 =	vld [tilespmem:s12+$0x2090];
	v60 =	vmul.f32 v41, v20;
	v37 =	vadd.f32 v55, v37;
	v42 =	vadd.f32 v59, v42  }
0x205: {  	v50 =	vld [tilespmem:s12+$0x2190];
	v43 =	vadd.f32 v52, v43;
	v58 =	vmul.f32 v48, v13;
	v39 =	vadd.f32 v51, v44  }
0x206: {  	v59 =	vld [tilespmem:s12+$0x2110];
	v37 =	vadd.f32 v60, v37;
	v51 =	vmul.f32 v48, v17;
	v61 =	vadd.f32 v53, v42  }
0x207: {  	v63 =	vmul.f32 v48, v15;
	v62 =	vadd.f32 v57, v43;
	v39 =	vadd.f32 v58, v39  }
0x208: {  	v37 =	vadd.f32 v51, v37;
	v41 =	vmul.f32 v61, v54  }
0x209: {  	v42 =	vadd.f32 v63, v62;
	v39 =	vmul.f32 v56, v39  }
0x20a: {  	v37 =	vmul.f32 v50, v37;
	[tilespmem:s12+$0x6010] =	vst v41  }
0x20b: {  	v52 =	vmul.f32 v59, v42;
	[tilespmem:s12+$0x6090] =	vst v39  }
0x20c: {  	[tilespmem:s12+$0x6190] =	vst v37  }
0x20d: {  	[tilespmem:s12+$0x6110] =	vst v52  }
0x20e: {  	v37 =	vld [tilespmem:$0xA220]  }
0x20f: {  	v38 =	vld [tilespmem:$0xA2A0]  }
0x210: {  	v39 =	vld [tilespmem:$0xA320]  }
0x211: {  	v40 =	vld [tilespmem:$0xA3A0]  }
0x212: {  	v41 =	vld [tilespmem:$0xA420];
	_ =	sdelay $0x1  }
0x213: {  	v53 =	vmul.f32 v37, v27;
	v54 =	vmul.f32 v38, v30  }
0x214: {  	v55 =	vmul.f32 v39, v28;
	v56 =	vmul.f32 v37, v33  }
0x215: {  	v57 =	vmul.f32 v38, v34;
	v58 =	vmul.f32 v40, v22  }
0x216: {  	v59 =	vmul.f32 v41, v23;
	v60 =	vmul.f32 v39, v25  }
0x217: {  	v48 =	vld [tilespmem:$0xA4A0];
	v61 =	vmul.f32 v40, v26;
	v62 =	vmul.f32 v37, v29  }
0x218: {  	v63 =	vmul.f32 v38, v31;
	v37 =	vmul.f32 v37, v35  }
0x219: {  	v38 =	vmul.f32 v38, v36;
	v49 =	vmul.f32 v39, v21;
	v42 =	vadd.f32 v54, v53  }
0x21a: {  	v50 =	vmul.f32 v39, v32;
	v51 =	vmul.f32 v41, v18;
	v44 =	vadd.f32 v57, v56  }
0x21b: {  	v52 =	vmul.f32 v40, v19;
	v37 =	vadd.f32 v38, v37;
	v42 =	vadd.f32 v55, v42  }
0x21c: {  	v43 =	vadd.f32 v63, v62;
	v53 =	vmul.f32 v48, v14;
	v44 =	vadd.f32 v60, v44  }
0x21d: {  	v37 =	vadd.f32 v50, v37;
	v55 =	vmul.f32 v40, v24;
	v42 =	vadd.f32 v58, v42  }
0x21e: {  	v54 =	vld [tilespmem:s12+$0x2020];
	v57 =	vmul.f32 v41, v16;
	v43 =	vadd.f32 v49, v43;
	v44 =	vadd.f32 v61, v44  }
0x21f: {  	v56 =	vld [tilespmem:s12+$0x20A0];
	v60 =	vmul.f32 v41, v20;
	v37 =	vadd.f32 v55, v37;
	v42 =	vadd.f32 v59, v42  }
0x220: {  	v50 =	vld [tilespmem:s12+$0x21A0];
	v43 =	vadd.f32 v52, v43;
	v58 =	vmul.f32 v48, v13;
	v39 =	vadd.f32 v51, v44  }
0x221: {  	v59 =	vld [tilespmem:s12+$0x2120];
	v37 =	vadd.f32 v60, v37;
	v51 =	vmul.f32 v48, v17;
	v61 =	vadd.f32 v53, v42  }
0x222: {  	v63 =	vmul.f32 v48, v15;
	v62 =	vadd.f32 v57, v43;
	v39 =	vadd.f32 v58, v39  }
0x223: {  	v37 =	vadd.f32 v51, v37;
	v41 =	vmul.f32 v61, v54  }
0x224: {  	v42 =	vadd.f32 v63, v62;
	v39 =	vmul.f32 v56, v39  }
0x225: {  	v37 =	vmul.f32 v50, v37;
	[tilespmem:s12+$0x6020] =	vst v41  }
0x226: {  	v52 =	vmul.f32 v59, v42;
	[tilespmem:s12+$0x60A0] =	vst v39  }
0x227: {  	[tilespmem:s12+$0x61A0] =	vst v37  }
0x228: {  	[tilespmem:s12+$0x6120] =	vst v52  }
0x229: {  	v37 =	vld [tilespmem:$0xA230]  }
0x22a: {  	v38 =	vld [tilespmem:$0xA2B0]  }
0x22b: {  	v39 =	vld [tilespmem:$0xA330]  }
0x22c: {  	v40 =	vld [tilespmem:$0xA3B0]  }
0x22d: {  	v41 =	vld [tilespmem:$0xA430];
	_ =	sdelay $0x1  }
0x22e: {  	v53 =	vmul.f32 v37, v27;
	v54 =	vmul.f32 v38, v30  }
0x22f: {  	v55 =	vmul.f32 v39, v28;
	v56 =	vmul.f32 v37, v33  }
0x230: {  	v57 =	vmul.f32 v38, v34;
	v58 =	vmul.f32 v40, v22  }
0x231: {  	v59 =	vmul.f32 v41, v23;
	v60 =	vmul.f32 v39, v25  }
0x232: {  	v48 =	vld [tilespmem:$0xA4B0];
	v61 =	vmul.f32 v40, v26;
	v62 =	vmul.f32 v37, v29  }
0x233: {  	v63 =	vmul.f32 v38, v31;
	v37 =	vmul.f32 v37, v35  }
0x234: {  	v38 =	vmul.f32 v38, v36;
	v49 =	vmul.f32 v39, v21;
	v42 =	vadd.f32 v54, v53  }
0x235: {  	v50 =	vmul.f32 v39, v32;
	v51 =	vmul.f32 v41, v18;
	v44 =	vadd.f32 v57, v56  }
0x236: {  	v52 =	vmul.f32 v40, v19;
	v37 =	vadd.f32 v38, v37;
	v42 =	vadd.f32 v55, v42  }
0x237: {  	v43 =	vadd.f32 v63, v62;
	v53 =	vmul.f32 v48, v14;
	v44 =	vadd.f32 v60, v44  }
0x238: {  	v37 =	vadd.f32 v50, v37;
	v55 =	vmul.f32 v40, v24;
	v42 =	vadd.f32 v58, v42  }
0x239: {  	v54 =	vld [tilespmem:s12+$0x2030];
	v57 =	vmul.f32 v41, v16;
	v43 =	vadd.f32 v49, v43;
	v44 =	vadd.f32 v61, v44  }
0x23a: {  	v56 =	vld [tilespmem:s12+$0x20B0];
	v60 =	vmul.f32 v41, v20;
	v37 =	vadd.f32 v55, v37;
	v42 =	vadd.f32 v59, v42  }
0x23b: {  	v50 =	vld [tilespmem:s12+$0x21B0];
	v43 =	vadd.f32 v52, v43;
	v58 =	vmul.f32 v48, v13;
	v39 =	vadd.f32 v51, v44  }
0x23c: {  	v59 =	vld [tilespmem:s12+$0x2130];
	v37 =	vadd.f32 v60, v37;
	v51 =	vmul.f32 v48, v17;
	v61 =	vadd.f32 v53, v42  }
0x23d: {  	v63 =	vmul.f32 v48, v15;
	v62 =	vadd.f32 v57, v43;
	v39 =	vadd.f32 v58, v39  }
0x23e: {  	v37 =	vadd.f32 v51, v37;
	v41 =	vmul.f32 v61, v54  }
0x23f: {  	v42 =	vadd.f32 v63, v62;
	v39 =	vmul.f32 v56, v39  }
0x240: {  	v37 =	vmul.f32 v50, v37;
	[tilespmem:s12+$0x6030] =	vst v41  }
0x241: {  	v52 =	vmul.f32 v59, v42;
	[tilespmem:s12+$0x60B0] =	vst v39  }
0x242: {  	[tilespmem:s12+$0x61B0] =	vst v37  }
0x243: {  	[tilespmem:s12+$0x6130] =	vst v52  }
0x244: {  	v37 =	vld [tilespmem:$0xA240]  }
0x245: {  	v38 =	vld [tilespmem:$0xA2C0]  }
0x246: {  	v39 =	vld [tilespmem:$0xA340]  }
0x247: {  	v40 =	vld [tilespmem:$0xA3C0]  }
0x248: {  	v41 =	vld [tilespmem:$0xA440];
	_ =	sdelay $0x1  }
0x249: {  	v53 =	vmul.f32 v37, v27;
	v54 =	vmul.f32 v38, v30  }
0x24a: {  	v55 =	vmul.f32 v39, v28;
	v56 =	vmul.f32 v37, v33  }
0x24b: {  	v57 =	vmul.f32 v38, v34;
	v58 =	vmul.f32 v40, v22  }
0x24c: {  	v59 =	vmul.f32 v41, v23;
	v60 =	vmul.f32 v39, v25  }
0x24d: {  	v48 =	vld [tilespmem:$0xA4C0];
	v61 =	vmul.f32 v40, v26;
	v62 =	vmul.f32 v37, v29  }
0x24e: {  	v63 =	vmul.f32 v38, v31;
	v37 =	vmul.f32 v37, v35  }
0x24f: {  	v38 =	vmul.f32 v38, v36;
	v49 =	vmul.f32 v39, v21;
	v42 =	vadd.f32 v54, v53  }
0x250: {  	v50 =	vmul.f32 v39, v32;
	v51 =	vmul.f32 v41, v18;
	v44 =	vadd.f32 v57, v56  }
0x251: {  	v52 =	vmul.f32 v40, v19;
	v37 =	vadd.f32 v38, v37;
	v42 =	vadd.f32 v55, v42  }
0x252: {  	v43 =	vadd.f32 v63, v62;
	v53 =	vmul.f32 v48, v14;
	v44 =	vadd.f32 v60, v44  }
0x253: {  	v37 =	vadd.f32 v50, v37;
	v55 =	vmul.f32 v40, v24;
	v42 =	vadd.f32 v58, v42  }
0x254: {  	v54 =	vld [tilespmem:s12+$0x2040];
	v57 =	vmul.f32 v41, v16;
	v43 =	vadd.f32 v49, v43;
	v44 =	vadd.f32 v61, v44  }
0x255: {  	v56 =	vld [tilespmem:s12+$0x20C0];
	v60 =	vmul.f32 v41, v20;
	v37 =	vadd.f32 v55, v37;
	v42 =	vadd.f32 v59, v42  }
0x256: {  	v50 =	vld [tilespmem:s12+$0x21C0];
	v43 =	vadd.f32 v52, v43;
	v58 =	vmul.f32 v48, v13;
	v39 =	vadd.f32 v51, v44  }
0x257: {  	v59 =	vld [tilespmem:s12+$0x2140];
	v37 =	vadd.f32 v60, v37;
	v51 =	vmul.f32 v48, v17;
	v61 =	vadd.f32 v53, v42  }
0x258: {  	v63 =	vmul.f32 v48, v15;
	v62 =	vadd.f32 v57, v43;
	v39 =	vadd.f32 v58, v39  }
0x259: {  	v37 =	vadd.f32 v51, v37;
	v41 =	vmul.f32 v61, v54  }
0x25a: {  	v42 =	vadd.f32 v63, v62;
	v39 =	vmul.f32 v56, v39  }
0x25b: {  	v37 =	vmul.f32 v50, v37;
	[tilespmem:s12+$0x6040] =	vst v41  }
0x25c: {  	v52 =	vmul.f32 v59, v42;
	[tilespmem:s12+$0x60C0] =	vst v39  }
0x25d: {  	[tilespmem:s12+$0x61C0] =	vst v37  }
0x25e: {  	[tilespmem:s12+$0x6140] =	vst v52  }
0x25f: {  	v37 =	vld [tilespmem:$0xA250]  }
0x260: {  	v38 =	vld [tilespmem:$0xA2D0]  }
0x261: {  	v39 =	vld [tilespmem:$0xA350]  }
0x262: {  	v40 =	vld [tilespmem:$0xA3D0]  }
0x263: {  	v41 =	vld [tilespmem:$0xA450];
	_ =	sdelay $0x1  }
0x264: {  	v53 =	vmul.f32 v37, v27;
	v54 =	vmul.f32 v38, v30  }
0x265: {  	v55 =	vmul.f32 v39, v28;
	v56 =	vmul.f32 v37, v33  }
0x266: {  	v57 =	vmul.f32 v38, v34;
	v58 =	vmul.f32 v40, v22  }
0x267: {  	v59 =	vmul.f32 v41, v23;
	v60 =	vmul.f32 v39, v25  }
0x268: {  	v48 =	vld [tilespmem:$0xA4D0];
	v61 =	vmul.f32 v40, v26;
	v62 =	vmul.f32 v37, v29  }
0x269: {  	v63 =	vmul.f32 v38, v31;
	v37 =	vmul.f32 v37, v35  }
0x26a: {  	v38 =	vmul.f32 v38, v36;
	v49 =	vmul.f32 v39, v21;
	v42 =	vadd.f32 v54, v53  }
0x26b: {  	v50 =	vmul.f32 v39, v32;
	v51 =	vmul.f32 v41, v18;
	v44 =	vadd.f32 v57, v56  }
0x26c: {  	v52 =	vmul.f32 v40, v19;
	v37 =	vadd.f32 v38, v37;
	v42 =	vadd.f32 v55, v42  }
0x26d: {  	v43 =	vadd.f32 v63, v62;
	v53 =	vmul.f32 v48, v14;
	v44 =	vadd.f32 v60, v44  }
0x26e: {  	v37 =	vadd.f32 v50, v37;
	v55 =	vmul.f32 v40, v24;
	v42 =	vadd.f32 v58, v42  }
0x26f: {  	v54 =	vld [tilespmem:s12+$0x2050];
	v57 =	vmul.f32 v41, v16;
	v43 =	vadd.f32 v49, v43;
	v44 =	vadd.f32 v61, v44  }
0x270: {  	v56 =	vld [tilespmem:s12+$0x20D0];
	v60 =	vmul.f32 v41, v20;
	v37 =	vadd.f32 v55, v37;
	v42 =	vadd.f32 v59, v42  }
0x271: {  	v50 =	vld [tilespmem:s12+$0x21D0];
	v43 =	vadd.f32 v52, v43;
	v58 =	vmul.f32 v48, v13;
	v39 =	vadd.f32 v51, v44  }
0x272: {  	v59 =	vld [tilespmem:s12+$0x2150];
	v37 =	vadd.f32 v60, v37;
	v51 =	vmul.f32 v48, v17;
	v61 =	vadd.f32 v53, v42  }
0x273: {  	v63 =	vmul.f32 v48, v15;
	v62 =	vadd.f32 v57, v43;
	v39 =	vadd.f32 v58, v39  }
0x274: {  	v37 =	vadd.f32 v51, v37;
	v41 =	vmul.f32 v61, v54  }
0x275: {  	v42 =	vadd.f32 v63, v62;
	v39 =	vmul.f32 v56, v39  }
0x276: {  	v37 =	vmul.f32 v50, v37;
	[tilespmem:s12+$0x6050] =	vst v41  }
0x277: {  	v52 =	vmul.f32 v59, v42;
	[tilespmem:s12+$0x60D0] =	vst v39  }
0x278: {  	[tilespmem:s12+$0x61D0] =	vst v37  }
0x279: {  	[tilespmem:s12+$0x6150] =	vst v52  }
0x27a: {  	v37 =	vld [tilespmem:$0xA260]  }
0x27b: {  	v38 =	vld [tilespmem:$0xA2E0]  }
0x27c: {  	v39 =	vld [tilespmem:$0xA360]  }
0x27d: {  	v40 =	vld [tilespmem:$0xA3E0]  }
0x27e: {  	v41 =	vld [tilespmem:$0xA460];
	_ =	sdelay $0x1  }
0x27f: {  	v53 =	vmul.f32 v37, v27;
	v54 =	vmul.f32 v38, v30  }
0x280: {  	v55 =	vmul.f32 v39, v28;
	v56 =	vmul.f32 v37, v33  }
0x281: {  	v57 =	vmul.f32 v38, v34;
	v58 =	vmul.f32 v40, v22  }
0x282: {  	v59 =	vmul.f32 v41, v23;
	v60 =	vmul.f32 v39, v25  }
0x283: {  	v61 =	vmul.f32 v40, v26;
	v62 =	vmul.f32 v37, v29  }
0x284: {  	v63 =	vmul.f32 v38, v31;
	v37 =	vmul.f32 v37, v35  }
0x285: {  	v48 =	vld [tilespmem:$0xA4E0];
	v38 =	vmul.f32 v38, v36;
	v50 =	vmul.f32 v39, v21;
	v42 =	vadd.f32 v54, v53  }
0x286: {  	v51 =	vmul.f32 v39, v32;
	v44 =	vadd.f32 v57, v56;
	v43 =	vadd.f32 v63, v62  }
0x287: {  	v52 =	vmul.f32 v41, v18;
	v37 =	vadd.f32 v38, v37;
	v42 =	vadd.f32 v55, v42  }
0x288: {  	v53 =	vmul.f32 v40, v19;
	v44 =	vadd.f32 v60, v44;
	v43 =	vadd.f32 v50, v43  }
0x289: {  	v56 =	vmul.f32 v40, v24;
	v37 =	vadd.f32 v51, v37;
	v42 =	vadd.f32 v58, v42  }
0x28a: {  	v54 =	vmul.f32 v48, v14;
	v55 =	vld [tilespmem:s12+$0x2060];
	v44 =	vadd.f32 v61, v44;
	v43 =	vadd.f32 v53, v43  }
0x28b: {  	v57 =	vld [tilespmem:s12+$0x20E0];
	v58 =	vmul.f32 v41, v16;
	v37 =	vadd.f32 v56, v37;
	v42 =	vadd.f32 v59, v42  }
0x28c: {  	v60 =	vld [tilespmem:s12+$0x2160];
	v41 =	vmul.f32 v41, v20;
	v39 =	vadd.f32 v52, v44;
	v59 =	vmul.f32 v48, v13  }
0x28d: {  	v62 =	vld [tilespmem:s12+$0x21E0];
	v61 =	vmul.f32 v48, v15;
	v43 =	vadd.f32 v58, v43;
	v42 =	vadd.f32 v54, v42  }
0x28e: {  	v63 =	vmul.f32 v48, v17;
	v37 =	vadd.f32 v41, v37;
	v39 =	vadd.f32 v59, v39  }
0x28f: {  	v43 =	vadd.f32 v61, v43;
	v42 =	vmul.f32 v42, v55  }
0x290: {  	v37 =	vadd.f32 v63, v37;
	v39 =	vmul.f32 v57, v39  }
0x291: {  	v38 =	vmul.f32 v60, v43;
	[tilespmem:s12+$0x6060] =	vst v42  }
0x292: {  	v37 =	vmul.f32 v62, v37;
	[tilespmem:s12+$0x60E0] =	vst v39  }
0x293: {  	[tilespmem:s12+$0x6160] =	vst v38  }
0x294: {  	[tilespmem:s12+$0x61E0] =	vst v37  }
0x295: {  	v37 =	vld [tilespmem:$0xA270]  }
0x296: {  	v38 =	vld [tilespmem:$0xA2F0]  }
0x297: {  	v39 =	vld [tilespmem:$0xA370]  }
0x298: {  	v45 =	vld [tilespmem:$0xA3F0]  }
0x299: {  	v46 =	vld [tilespmem:$0xA470];
	_ =	sdelay $0x1  }
0x29a: {  	v27 =	vmul.f32 v37, v27;
	v30 =	vmul.f32 v38, v30  }
0x29b: {  	v28 =	vmul.f32 v39, v28;
	v47 =	vmul.f32 v37, v33  }
0x29c: {  	v48 =	vmul.f32 v38, v34;
	v22 =	vmul.f32 v45, v22  }
0x29d: {  	v23 =	vmul.f32 v46, v23;
	v25 =	vmul.f32 v39, v25  }
0x29e: {  	v50 =	vld [tilespmem:$0xA4F0];
	v26 =	vmul.f32 v45, v26;
	v51 =	vmul.f32 v37, v29  }
0x29f: {  	v52 =	vmul.f32 v38, v31;
	v53 =	vmul.f32 v37, v35  }
0x2a0: {  	v54 =	vmul.f32 v38, v36;
	v21 =	vmul.f32 v39, v21;
	v27 =	vadd.f32 v30, v27  }
0x2a1: {  	v57 =	vmul.f32 v39, v32;
	v18 =	vmul.f32 v46, v18;
	v49 =	vadd.f32 v48, v47  }
0x2a2: {  	v19 =	vmul.f32 v45, v19;
	v55 =	vadd.f32 v52, v51;
	v27 =	vadd.f32 v28, v27  }
0x2a3: {  	v14 =	vmul.f32 v50, v14;
	v56 =	vadd.f32 v54, v53;
	v25 =	vadd.f32 v25, v49  }
0x2a4: {  	v24 =	vmul.f32 v45, v24;
	v21 =	vadd.f32 v21, v55;
	v22 =	vadd.f32 v22, v27  }
0x2a5: {  	v58 =	vld [tilespmem:s12+$0x2070];
	v16 =	vmul.f32 v46, v16;
	v25 =	vadd.f32 v26, v25;
	v26 =	vadd.f32 v57, v56  }
0x2a6: {  	v59 =	vld [tilespmem:s12+$0x20F0];
	v13 =	vmul.f32 v50, v13;
	v19 =	vadd.f32 v19, v21;
	v22 =	vadd.f32 v23, v22  }
0x2a7: {  	v60 =	vld [tilespmem:s12+$0x2170];
	v20 =	vmul.f32 v46, v20;
	v18 =	vadd.f32 v18, v25;
	v24 =	vadd.f32 v24, v26  }
0x2a8: {  	v61 =	vld [tilespmem:s12+$0x21F0];
	v15 =	vmul.f32 v50, v15;
	v16 =	vadd.f32 v16, v19;
	v14 =	vadd.f32 v14, v22  }
0x2a9: {  	v17 =	vmul.f32 v50, v17;
	v13 =	vadd.f32 v13, v18;
	v62 =	vadd.f32 v20, v24  }
0x2aa: {  	p1 =	sne.s32 s10, $0x7800;
	v15 =	vadd.f32 v15, v16;
	v14 =	vmul.f32 v14, v58  }
.Ltmp8:
0x2ab: {  	v13 =	vmul.f32 v59, v13;
	v63 =	vadd.f32 v17, v62;
	(pc) =	sbr.rel @p1 .LBB2_10-.Ltmp8, $4  }
0x2ac: {  	[tilespmem:s12+$0x6070] =	vst v14;
	v14 =	vmul.f32 v60, v15  }
0x2ad: {  	[tilespmem:s12+$0x60F0] =	vst v13;
	v13 =	vmul.f32 v61, v63  }
0x2ae: {  	[tilespmem:s12+$0x6170] =	vst v14  }
0x2af: {  	s11 =	sadd.s32 $0x100, s11;
	s10 =	sadd.s32 $0x800, s10;
	[tilespmem:s12+$0x61F0] =	vst v13  }
0x2b0: {  	v13 =	vld [tilespmem:$0xA080]  }
0x2b1: {  	v14 =	vld [tilespmem:$0xA090]  }
0x2b2: {  	v15 =	vld [tilespmem:$0xA0A0]  }
0x2b3: {  	v16 =	vld [tilespmem:$0xA0B0];
	_ =	sdelay $0x1  }
0x2b4: {  	[tilespmem:$0xA180] =	vst v13  }
0x2b5: {  	s9 =	sadd.s32 s0, s9;
	[tilespmem:$0xA190] =	vst v14  }
0x2b6: {  	p1 =	sgt.u32 s9, $0x1387;
	[tilespmem:$0xA1A0] =	vst v15  }
0x2b7: {  	s10 =	sshll.u32 @!p1 s9, $0xA;
	[tilespmem:$0xA1B0] =	vst v16  }
0x2b8: {  	[spmem:s3] =	stream.indirect.scatter.add.f32 [tilespmem:s28], [sflag:$0x4], $0x80, s26, s20, $0xb8;
	[tilespmem:$0x1DE80] =	vst v63  }
0x2b9: {  	s11 =	simm.s32 @!p1 $0x0;
	s12 =	simm.s32 @!p1 $0x2000;
	s10 =	sadd.s32 @!p1 s1, s10  }
0x2ba: {  	[tilespmem:s12], [sflag:$0x2] =	stream.linear.gather @!p1 [hbm4b:s10+s11], $0x2000, $0x38;
	[tilespmem:$0x1DE80] =	vst v63  }
.Ltmp9:
0x2bb: {  	s10 =	sshll.u32 @!p1 s9, $0x9;
	(pc) =	sbr.rel .LBB2_12-.Ltmp9, $4  }
0x2bc: {  	s12 =	simm.s32 @!p1 $0x9000;
	s9 =	sshll.u32 @!p1 s9, $0x3;
	s10 =	sadd.s32 @!p1 s6, s10  }
0x2bd: {  	[tilespmem:s12], [sflag:$0x2] =	stream.linear.gather @!p1 [hbm4b:s10+s11], $0x1000, $0x38;
	[tilespmem:$0x1DE80] =	vst v63  }
0x2be: {  	s9 =	sadd.s32 @!p1 s2, s9;
	s10 =	simm.s32 @!p1 $0xA080  }
0x2bf: {  	[tilespmem:s10], [sflag:$0x2] =	stream.linear.gather @!p1 [hbm4b:s9+s11], $0x40, $0x38;
	[tilespmem:$0x1DE80] =	vst v63  }
.LBB2_14:
0x2c0: {  	_ =	sfence.sel $0x180000  }
0x2c1: {  	[bflag:$0x0] =	sbarrier.arrive $0xFFFF  }
0x2c2: {  	_ =	strace $0x90000047  }
0x2c3: {  	s0 =	stileid.u32;
	[bflag:$0x2] =	sbarrier.arrive $0xFFFF  }
0x2c4: {  	p0 =	sne.s32 s0, $0x0;
	s0 =	rddreg [dreg:$0x4]  }
0x2c5: {  	s0 =	sadd.s32 @!p0 $0x100000, s0  }
0x2c6: {  	[sflag:s0] =	ssyncadd.tile.s32 @!p0 $0x1;
	_ =	shalt  }
.Lfunc_end2:
_tile_overlayer_lowered:
.L_overlay_start_2:
0x2c7: {  	(tag) =	ssettag $0x2  }
0x2c8: {  	s0 =	rddreg [dreg:$0x0];
	s2 =	stileid.u32  }
0x2c9: {  	s1 =	rddreg [dreg:$0x1];
	p0 =	sne.s32 s2, $0x0  }
0x2ca: {  	s3 =	rddreg [dreg:$0x2];
	[bflag:$0x3] =	sbarrier.arrive $0xFFFF;
	s2 =	simm.s32 @!p0 $0x1C05  }
0x2cb: {  	[timem:s3], [sflag:s2] =	dma.local @!p0 [hbm:s0], s1  }
0x2cc: {  	s0 =	simm.s32 @!p0 $0x5  }
0x2cd: {  	_ =	swait.ge @!p0 [sflag:s0], s1  }
0x2ce: {  	s1 =	ssub.s32 @!p0 $0x0, s1;
	[sflag:s0] =	ssyncset.done @!p0 $0x0  }
0x2cf: {  	[sflag:s0] =	ssyncadd.s32 @!p0 s1  }
0x2d0: {  	[bflag:$0x3] =	sbarrier.arrive $0xFFFF  }
0x2d1: {  	_ =	shalt  }

</sc_bundles>
